<compile_context>
chip_gen: v7x
topology: tpu7x:2x2x1
jax: 0.10.2.dev20260603
libtpu: 0.0.44.dev20260713+nightly
codegen_flags: <defaults>
</compile_context>

<pallas_src>
import functools

import jax
import jax.numpy as jnp
import numpy as np
from jax import lax
from jax.experimental import pallas as pl
from jax.experimental.pallas import tpu as pltpu
from jax.experimental.pallas import tpu_sc as plsc

B, L, D, H, V = 1024, 50, 100, 4, 1000000
HD = D // H
MAX_LEN = 10000

NC, NS = 2, 16
NW = NC * NS
ROWS = B * L
LANES = 16
TILE = 128
BLKT = 256
NBT = (V + BLKT - 1) // BLKT
TPB = (NBT + NW - 1) // NW
MAPW = TPB * BLKT
XCH = 2048
NXCH = ROWS // XCH

SEQ_PER_BLK = 8
RBLK = SEQ_PER_BLK * L
NBLK = ROWS // RBLK


def _make_pe_rows():
    position = np.arange(L, dtype=np.float32)[:, None]
    div_term = np.exp(np.arange(0, D, 2).astype(np.float32) * (-np.log(10000.0) / D))
    pe = np.zeros((L, D), dtype=np.float32)
    pe[:, 0::2] = np.sin(position * div_term)
    pe[:, 1::2] = np.cos(position * div_term)
    pe = pe / np.linalg.norm(pe, axis=-1, keepdims=True)
    return np.tile(pe, (SEQ_PER_BLK, 1))


_PE_REP = _make_pe_rows()



def _sc_body(tableT_hbm, x_hbm, out_hbm, map_v, xbuf_v, xbuf2_v, block_v,
             block2_v, block3_v, hl_lane, hl_slot, stage_v,
             sem_b, sem_o, sem_f, sem_x):
    wid = lax.axis_index("s") * NC + lax.axis_index("c")
    r0 = wid * MAPW
    r1 = r0 + MAPW
    nblk = jnp.minimum(TPB, NBT - wid * TPB)
    iota = lax.broadcasted_iota(jnp.int32, (LANES,), 0)
    neg1 = jnp.full((LANES,), -1, jnp.int32)

    def clr(i, c):
        for u in range(8):
            map_v[pl.ds((i * 8 + u) * LANES, LANES)] = neg1
        return c
    lax.fori_loop(0, MAPW // LANES // 8, clr, 0)

    xbufs = (xbuf_v, xbuf2_v)

    def xissue(cc, buf):
        pltpu.async_copy(x_hbm.at[pl.ds(cc * XCH, XCH)], buf, sem_x)

    def xwait(buf):
        pltpu.make_async_copy(x_hbm.at[pl.ds(0, XCH)], buf, sem_x).wait()

    xissue(0, xbuf_v)

    def build_pair(pp, c):
        for i in range(2):
            cc = pp * 2 + i

            @pl.when(cc < NXCH)
            def _(cc=cc, i=i):
                xwait(xbufs[i])

                @pl.when(cc + 1 < NXCH)
                def _():
                    xissue(cc + 1, xbufs[(i + 1) % 2])

                def build_vec(k4, c2):
                    for u in range(4):
                        k = k4 * 4 + u
                        vec = xbufs[i][pl.ds(k * LANES, LANES)]
                        msk = (vec >= r0) & (vec < r1)
                        ids = cc * XCH + k * LANES + iota
                        plsc.store_scatter(map_v, [vec - r0], ids, mask=msk)
                    return c2
                lax.fori_loop(0, XCH // LANES // 4, build_vec, 0)
        return c
    lax.fori_loop(0, (NXCH + 1) // 2, build_pair, 0)

    def issue(kb, buf):
        boff = (wid * TPB + kb) * BLKT
        pltpu.async_copy(
            tableT_hbm.at[:, pl.ds(pl.multiple_of(boff, BLKT), BLKT)],
            buf, sem_b)

    def process(kb, buf):
        cnt = jnp.int32(0)
        for g in range(BLKT // LANES):
            mvec = map_v[pl.ds(kb * BLKT + g * LANES, LANES)]
            msk = mvec >= 0
            lanes_g = g * LANES + iota
            plsc.store_compressed(hl_lane.at[pl.ds(cnt, LANES)], lanes_g, mask=msk)
            plsc.store_compressed(hl_slot.at[pl.ds(cnt, LANES)], mvec, mask=msk)
            cnt = cnt + plsc.all_reduce_population_count(msk)[0]

        def hit(h, c2):
            lane = hl_lane[pl.ds(h, LANES)][0]
            slot = hl_slot[pl.ds(h, LANES)][0]
            @pl.when(h >= 8)
            def _():
                pltpu.make_async_copy(stage_v.at[pl.ds(0, 1)],
                                      out_hbm.at[pl.ds(0, 1)], sem_o).wait()
            hm = h % 8
            cvec = jnp.full((LANES,), lane, jnp.int32)
            for g2 in range((D + LANES - 1) // LANES):
                rvec = g2 * LANES + iota
                col = plsc.load_gather(buf, [rvec, cvec], mask=rvec < D)
                stage_v[hm, pl.ds(g2 * LANES, LANES)] = col
            pltpu.async_copy(stage_v.at[pl.ds(hm, 1)],
                             out_hbm.at[pl.ds(slot, 1)], sem_o)
            return c2
        lax.fori_loop(0, cnt, hit, 0)

        def drain(h, c2):
            pltpu.make_async_copy(stage_v.at[pl.ds(0, 1)],
                                  out_hbm.at[pl.ds(0, 1)], sem_o).wait()
            return c2
        lax.fori_loop(0, jnp.minimum(cnt, 8), drain, 0)

    def bwait(buf):
        pltpu.make_async_copy(tableT_hbm.at[:, pl.ds(0, BLKT)], buf,
                              sem_b).wait()

    bufs = (block_v, block2_v, block3_v)
    for i in range(2):
        @pl.when(nblk > i)
        def _(i=i):
            issue(i, bufs[i])

    def trio(p, c):
        k0 = p * 3
        for i in range(3):
            k = k0 + i

            @pl.when(k < nblk)
            def _(k=k, i=i):
                bwait(bufs[i])

                @pl.when(k + 2 < nblk)
                def _():
                    issue(k + 2, bufs[(i + 2) % 3])
                process(k, bufs[i])
        return c
    lax.fori_loop(0, (TPB + 2) // 3, trio, 0)

    xissue(0, xbuf_v)

    def fix_pair(pp, nfix):
        for i in range(2):
            cc2 = pp * 2 + i
            nfix = _fix_one(cc2, i, nfix)
        return nfix

    def _fix_one(cc, i, nfix):
        def go(nf):
            xwait(xbufs[i])

            @pl.when(cc + 1 < NXCH)
            def _():
                xissue(cc + 1, xbufs[(i + 1) % 2])
            return _fix_body(cc, xbufs[i], nf)
        return lax.cond(cc < NXCH, go, lambda nf: nf, nfix)

    def _fix_body(cc, xb, nfix):
        def fix_vec(k, nf):
            vec = xb[pl.ds(k * LANES, LANES)]
            msk = (vec >= r0) & (vec < r1)
            idxc = jnp.where(msk, vec - r0, 0)
            winners = plsc.load_gather(map_v, [idxc], mask=msk)
            ids = cc * XCH + k * LANES + iota
            bad = msk & (winners != ids)
            nb = plsc.all_reduce_population_count(bad)[0]

            badi = bad.astype(jnp.int32)

            @pl.when(nb > 0)
            def _():
                for t in range(LANES):
                    @pl.when(badi[t] > 0)
                    def _():
                        pltpu.async_copy(out_hbm.at[pl.ds(winners[t], 1)],
                                         out_hbm.at[pl.ds(ids[t], 1)], sem_f)
            return nf + nb
        return lax.fori_loop(0, XCH // LANES, fix_vec, nfix)
    nfix = lax.fori_loop(0, (NXCH + 1) // 2, fix_pair, jnp.int32(0))

    def fdrain(h, c):
        pltpu.make_async_copy(out_hbm.at[pl.ds(0, 1)],
                              out_hbm.at[pl.ds(0, 1)], sem_f).wait()
        return c
    lax.fori_loop(0, nfix, fdrain, 0)


@functools.cache
def _sc_scan():
    return pl.kernel(
        _sc_body,
        out_type=jax.ShapeDtypeStruct((ROWS, TILE), jnp.float32),
        mesh=plsc.VectorSubcoreMesh(core_axis_name="c", subcore_axis_name="s",
                                    num_cores=NC, num_subcores=NS),
        scratch_types=[
            pltpu.VMEM((MAPW,), jnp.int32),
            pltpu.VMEM((XCH,), jnp.int32),
            pltpu.VMEM((XCH,), jnp.int32),
            pltpu.VMEM((D, BLKT), jnp.float32),
            pltpu.VMEM((D, BLKT), jnp.float32),
            pltpu.VMEM((D, BLKT), jnp.float32),
            pltpu.VMEM((BLKT + LANES,), jnp.int32),
            pltpu.VMEM((BLKT + LANES,), jnp.int32),
            pltpu.VMEM((8, TILE), jnp.float32),
            pltpu.SemaphoreType.DMA,
            pltpu.SemaphoreType.DMA,
            pltpu.SemaphoreType.DMA,
            pltpu.SemaphoreType.DMA,
        ],
        compiler_params=pltpu.CompilerParams(needs_layout_passes=False),
    )



def _tc_body(emb_ref, pe_ref, wq_ref, wk_ref, wv_ref, wo_ref,
             bq_ref, bk_ref, bv_ref, bo_ref, gb_ref, out_ref):
    h = emb_ref[:, :D] + pe_ref[...]

    ri = lax.broadcasted_iota(jnp.int32, (RBLK, RBLK), 0) // L
    ci = lax.broadcasted_iota(jnp.int32, (RBLK, RBLK), 1) // L
    mask = jnp.where(ri == ci, 0.0, -1e30).astype(jnp.float32)

    acc = jnp.zeros((RBLK, D), jnp.float32)
    for hh in range(H):
        qh = jnp.dot(h, wq_ref[hh], preferred_element_type=jnp.float32)
        qh = qh + bq_ref[hh:hh + 1, :]
        kh = jnp.dot(h, wk_ref[hh], preferred_element_type=jnp.float32)
        kh = kh + bk_ref[hh:hh + 1, :]
        vh = jnp.dot(h, wv_ref[hh], preferred_element_type=jnp.float32)
        vh = vh + bv_ref[hh:hh + 1, :]
        s = lax.dot_general(qh, kh, (((1,), (1,)), ((), ())),
                            preferred_element_type=jnp.float32)
        e = jnp.exp(s + mask)
        oh = jnp.dot(e, vh, preferred_element_type=jnp.float32)
        oh = oh * (1.0 / jnp.sum(e, axis=-1, keepdims=True))
        acc = acc + lax.dot_general(oh, wo_ref[hh], (((1,), (1,)), ((), ())),
                                    preferred_element_type=jnp.float32)

    y = h + acc + bo_ref[0:1, :]
    mu = jnp.mean(y, axis=-1, keepdims=True)
    yc = y - mu
    var = jnp.mean(yc * yc, axis=-1, keepdims=True)
    yn = yc * lax.rsqrt(var + 1e-5)
    out_ref[...] = yn * gb_ref[0:1, :] + gb_ref[1:2, :]


def _tc_attention(emb, wq_h, wk_h, wv_h, wo_h, bq_h, bk_h, bv_h, bo2, gb2):
    full = lambda *s: pl.BlockSpec(s, lambda i, _s=s: tuple(0 for _ in _s))
    return pl.pallas_call(
        _tc_body,
        grid=(NBLK,),
        in_specs=[
            pl.BlockSpec((RBLK, TILE), lambda i: (i, 0)),
            full(RBLK, D),
            full(H, D, HD), full(H, D, HD), full(H, D, HD), full(H, D, HD),
            full(H, HD), full(H, HD), full(H, HD),
            full(1, D), full(2, D),
        ],
        out_specs=pl.BlockSpec((RBLK, D), lambda i: (i, 0)),
        out_shape=jax.ShapeDtypeStruct((ROWS, D), jnp.float32),
        compiler_params=pltpu.CompilerParams(
            dimension_semantics=("arbitrary",)),
    )(emb, _PE_REP, wq_h, wk_h, wv_h, wo_h, bq_h, bk_h, bv_h, bo2, gb2)


def kernel(x, table, Wq, bq, Wk, bk, Wv, bv, Wo, bo, gamma, beta):
    xflat = x.reshape(ROWS)
    emb128 = _sc_scan()(table.T, xflat)

    scale = 1.0 / np.sqrt(HD)
    wq_h = Wq.reshape(H, HD, D).transpose(0, 2, 1) * scale
    wk_h = Wk.reshape(H, HD, D).transpose(0, 2, 1)
    wv_h = Wv.reshape(H, HD, D).transpose(0, 2, 1)
    wo_h = Wo.reshape(D, H, HD).transpose(1, 0, 2)
    bq_h = bq.reshape(H, HD) * scale
    bk_h = bk.reshape(H, HD)
    bv_h = bv.reshape(H, HD)
    bo2 = bo.reshape(1, D)
    gb2 = jnp.stack([gamma, beta], axis=0)

    out = _tc_attention(emb128, wq_h, wk_h, wv_h, wo_h, bq_h, bk_h, bv_h,
                        bo2, gb2)
    return out.reshape(B, L, D)

# --- scband reference (transcript-rebuilt; emitter-appended) ---
"""Pipeline reference for scband-embedding-layer-69647189672519 (READ-ONLY COPY).

The authoritative reference and input builder live on the scoring server;
editing this copy changes nothing except your own understanding.
"""

import jax, jax.numpy as jnp
import numpy as np

B, L, D, H, V = 1024, 50, 100, 4, 1000000
HD = D // H
MAX_LEN = 10000

def _make_pe(max_len, d):
    position = np.arange(max_len, dtype=np.float32)[:, None]
    div_term = np.exp(np.arange(0, d, 2).astype(np.float32) * (-np.log(10000.0) / d))
    pe = np.zeros((max_len, d), dtype=np.float32)
    pe[:, 0::2] = np.sin(position * div_term)
    pe[:, 1::2] = np.cos(position * div_term)
    pe = pe[None]
    pe = pe / np.linalg.norm(pe, axis=-1, keepdims=True)
    return jnp.asarray(pe)

PE = _make_pe(MAX_LEN, D)

def setup_inputs(seed: int = 0):
    key = jax.random.key(seed)
    ks = jax.random.split(key, 12)
    s = 1.0 / np.sqrt(D)
    return {
        "x": jax.random.randint(ks[0], (B, L), 0, V, dtype=jnp.int32),
        "table": jax.random.normal(ks[1], (V, D), dtype=jnp.float32) * 0.02,
        "Wq": jax.random.normal(ks[2], (D, D), dtype=jnp.float32) * s,
        "bq": jnp.zeros((D,), dtype=jnp.float32),
        "Wk": jax.random.normal(ks[3], (D, D), dtype=jnp.float32) * s,
        "bk": jnp.zeros((D,), dtype=jnp.float32),
        "Wv": jax.random.normal(ks[4], (D, D), dtype=jnp.float32) * s,
        "bv": jnp.zeros((D,), dtype=jnp.float32),
        "Wo": jax.random.normal(ks[5], (D, D), dtype=jnp.float32) * s,
        "bo": jnp.zeros((D,), dtype=jnp.float32),
        "gamma": jnp.ones((D,), dtype=jnp.float32),
        "beta": jnp.zeros((D,), dtype=jnp.float32),
    }

def reference(x, table, Wq, bq, Wk, bk, Wv, bv, Wo, bo, gamma, beta):
    # Word2Vec token lookup modeled as an embedding-table gather
    emb = jnp.take(table, x, axis=0)  # [B, L, D]
    # PositionalEncoding (normalized sin/cos, as in the torch module)
    h = emb + PE[:, :L, :]
    # MultiHeadAttention (self-attention, dropout disabled / eval mode)
    def proj(t, W, b):
        return (t @ W.T + b).reshape(B, L, H, HD).transpose(0, 2, 1, 3)
    q = proj(h, Wq, bq)
    k = proj(h, Wk, bk)
    v = proj(h, Wv, bv)
    scores = jnp.einsum('bhqd,bhkd->bhqk', q, k) / np.sqrt(HD)
    attn = jax.nn.softmax(scores, axis=-1)
    out = jnp.einsum('bhqk,bhkd->bhqd', attn, v)
    out = out.transpose(0, 2, 1, 3).reshape(B, L, D)
    out = out @ Wo.T + bo
    # residual + LayerNorm
    y = h + out
    mu = jnp.mean(y, axis=-1, keepdims=True)
    var = jnp.var(y, axis=-1, keepdims=True)
    yn = (y - mu) / jnp.sqrt(var + 1e-5)
    return yn * gamma + beta

if __name__ == "__main__":
    import jax
    _d = setup_inputs()
    print(jax.jit(kernel)(*tuple(_d.values())))

</pallas_src>

<mosaic_0001>
#map = affine_map<(d0, d1) -> (0, 0)>
#map1 = affine_map<(d0, d1) -> (0)>
module attributes {stable_mosaic.version = 14 : i64} {
  func.func @_sc_body(%arg0: i32, %arg1: i32, %arg2: memref<100x1000000xf32, #tpu.memory_space<hbm>>, %arg3: memref<51200xi32, #tpu.memory_space<hbm>>, %arg4: memref<51200x128xf32, #tpu.memory_space<hbm>>, %arg5: memref<31488xi32, #tpu.memory_space<vmem>>, %arg6: memref<2048xi32, #tpu.memory_space<vmem>>, %arg7: memref<2048xi32, #tpu.memory_space<vmem>>, %arg8: memref<100x256xf32, #tpu.memory_space<vmem>>, %arg9: memref<100x256xf32, #tpu.memory_space<vmem>>, %arg10: memref<100x256xf32, #tpu.memory_space<vmem>>, %arg11: memref<272xi32, #tpu.memory_space<vmem>>, %arg12: memref<272xi32, #tpu.memory_space<vmem>>, %arg13: memref<8x128xf32, #tpu.memory_space<vmem>>, %arg14: memref<!tpu.dma_semaphore, #tpu.memory_space<semaphore_mem>>, %arg15: memref<!tpu.dma_semaphore, #tpu.memory_space<semaphore_mem>>, %arg16: memref<!tpu.dma_semaphore, #tpu.memory_space<semaphore_mem>>, %arg17: memref<!tpu.dma_semaphore, #tpu.memory_space<semaphore_mem>>) attributes {dimension_semantics = [#tpu.dimension_semantics<core_parallel>, #tpu.dimension_semantics<subcore_parallel>], iteration_bounds = array<i64: 2, 16>, scalar_prefetch = 0 : i64, scratch_operands = 13 : i64, tpu.core_type = #tpu.core_type<sc_vector_subcore>, window_params = [{transform_indices = #map}, {transform_indices = #map1}, {transform_indices = #map}]} {
    %mul3A = arith.constant 2 : i32
    %mul3A_0 = arith.muli %arg1, %mul3A : i32
    %add3A = arith.addi %mul3A_0, %arg0 : i32
    %mul3A_1 = arith.constant 31488 : i32
    %mul3A_2 = arith.muli %add3A, %mul3A_1 : i32
    %add3A_3 = arith.constant 31488 : i32
    %add3A_4 = arith.addi %mul3A_2, %add3A_3 : i32
    %mul3A_5 = arith.constant 123 : i32
    %mul3A_6 = arith.muli %add3A, %mul3A_5 : i32
    %sub3A = arith.constant 3907 : i32
    %sub3A_7 = arith.subi %sub3A, %mul3A_6 : i32
    %min3A = arith.constant 123 : i32
    %min3A_8 = arith.minsi %min3A, %sub3A_7 : i32
    %iota3A = tpu.iota {dimensions = array<i32: 0>} : vector<16xi32>
    %broadcast_in_dim3A = arith.constant -1 : i32
    %broadcast_in_dim3A_9 = vector.broadcast %broadcast_in_dim3A : i32 to vector<16xi32>
    %scan3A = arith.constant 0 : i32
    %scan3A_10 = arith.constant 0 : i32
    %scan3A_11 = arith.constant 246 : i32
    %scan3A_12 = arith.addi %scan3A_10, %scan3A_11 : i32
    %scan3A_13 = arith.constant 1 : i32
    scf.for %scan3A_57 = %scan3A_10 to %scan3A_12 step %scan3A_13  : i32 {
      %mul3A_58 = arith.constant 8 : i32
      %mul3A_59 = arith.muli %scan3A_57, %mul3A_58 : i32
      %add3A_60 = arith.constant 0 : i32
      %add3A_61 = arith.addi %mul3A_59, %add3A_60 : i32
      %mul3A_62 = arith.constant 16 : i32
      %mul3A_63 = arith.muli %add3A_61, %mul3A_62 : i32
      %swap3A = arith.index_cast %mul3A_63 : i32 to index
      %swap3A_64 = tpu.vector_load %arg5[%swap3A] {strides = array<i32>} : memref<31488xi32, #tpu.memory_space<vmem>>, vector<16xi32>,
      tpu.vector_store %arg5[%swap3A], %broadcast_in_dim3A_9 {strides = array<i32>} : memref<31488xi32, #tpu.memory_space<vmem>>, vector<16xi32>,
      %mul3A_65 = arith.constant 8 : i32
      %mul3A_66 = arith.muli %scan3A_57, %mul3A_65 : i32
      %add3A_67 = arith.constant 1 : i32
      %add3A_68 = arith.addi %mul3A_66, %add3A_67 : i32
      %mul3A_69 = arith.constant 16 : i32
      %mul3A_70 = arith.muli %add3A_68, %mul3A_69 : i32
      %swap3A_71 = arith.index_cast %mul3A_70 : i32 to index
      %swap3A_72 = tpu.vector_load %arg5[%swap3A_71] {strides = array<i32>} : memref<31488xi32, #tpu.memory_space<vmem>>, vector<16xi32>,
      tpu.vector_store %arg5[%swap3A_71], %broadcast_in_dim3A_9 {strides = array<i32>} : memref<31488xi32, #tpu.memory_space<vmem>>, vector<16xi32>,
      %mul3A_73 = arith.constant 8 : i32
      %mul3A_74 = arith.muli %scan3A_57, %mul3A_73 : i32
      %add3A_75 = arith.constant 2 : i32
      %add3A_76 = arith.addi %mul3A_74, %add3A_75 : i32
      %mul3A_77 = arith.constant 16 : i32
      %mul3A_78 = arith.muli %add3A_76, %mul3A_77 : i32
      %swap3A_79 = arith.index_cast %mul3A_78 : i32 to index
      %swap3A_80 = tpu.vector_load %arg5[%swap3A_79] {strides = array<i32>} : memref<31488xi32, #tpu.memory_space<vmem>>, vector<16xi32>,
      tpu.vector_store %arg5[%swap3A_79], %broadcast_in_dim3A_9 {strides = array<i32>} : memref<31488xi32, #tpu.memory_space<vmem>>, vector<16xi32>,
      %mul3A_81 = arith.constant 8 : i32
      %mul3A_82 = arith.muli %scan3A_57, %mul3A_81 : i32
      %add3A_83 = arith.constant 3 : i32
      %add3A_84 = arith.addi %mul3A_82, %add3A_83 : i32
      %mul3A_85 = arith.constant 16 : i32
      %mul3A_86 = arith.muli %add3A_84, %mul3A_85 : i32
      %swap3A_87 = arith.index_cast %mul3A_86 : i32 to index
      %swap3A_88 = tpu.vector_load %arg5[%swap3A_87] {strides = array<i32>} : memref<31488xi32, #tpu.memory_space<vmem>>, vector<16xi32>,
      tpu.vector_store %arg5[%swap3A_87], %broadcast_in_dim3A_9 {strides = array<i32>} : memref<31488xi32, #tpu.memory_space<vmem>>, vector<16xi32>,
      %mul3A_89 = arith.constant 8 : i32
      %mul3A_90 = arith.muli %scan3A_57, %mul3A_89 : i32
      %add3A_91 = arith.constant 4 : i32
      %add3A_92 = arith.addi %mul3A_90, %add3A_91 : i32
      %mul3A_93 = arith.constant 16 : i32
      %mul3A_94 = arith.muli %add3A_92, %mul3A_93 : i32
      %swap3A_95 = arith.index_cast %mul3A_94 : i32 to index
      %swap3A_96 = tpu.vector_load %arg5[%swap3A_95] {strides = array<i32>} : memref<31488xi32, #tpu.memory_space<vmem>>, vector<16xi32>,
      tpu.vector_store %arg5[%swap3A_95], %broadcast_in_dim3A_9 {strides = array<i32>} : memref<31488xi32, #tpu.memory_space<vmem>>, vector<16xi32>,
      %mul3A_97 = arith.constant 8 : i32
      %mul3A_98 = arith.muli %scan3A_57, %mul3A_97 : i32
      %add3A_99 = arith.constant 5 : i32
      %add3A_100 = arith.addi %mul3A_98, %add3A_99 : i32
      %mul3A_101 = arith.constant 16 : i32
      %mul3A_102 = arith.muli %add3A_100, %mul3A_101 : i32
      %swap3A_103 = arith.index_cast %mul3A_102 : i32 to index
      %swap3A_104 = tpu.vector_load %arg5[%swap3A_103] {strides = array<i32>} : memref<31488xi32, #tpu.memory_space<vmem>>, vector<16xi32>,
      tpu.vector_store %arg5[%swap3A_103], %broadcast_in_dim3A_9 {strides = array<i32>} : memref<31488xi32, #tpu.memory_space<vmem>>, vector<16xi32>,
      %mul3A_105 = arith.constant 8 : i32
      %mul3A_106 = arith.muli %scan3A_57, %mul3A_105 : i32
      %add3A_107 = arith.constant 6 : i32
      %add3A_108 = arith.addi %mul3A_106, %add3A_107 : i32
      %mul3A_109 = arith.constant 16 : i32
      %mul3A_110 = arith.muli %add3A_108, %mul3A_109 : i32
      %swap3A_111 = arith.index_cast %mul3A_110 : i32 to index
      %swap3A_112 = tpu.vector_load %arg5[%swap3A_111] {strides = array<i32>} : memref<31488xi32, #tpu.memory_space<vmem>>, vector<16xi32>,
      tpu.vector_store %arg5[%swap3A_111], %broadcast_in_dim3A_9 {strides = array<i32>} : memref<31488xi32, #tpu.memory_space<vmem>>, vector<16xi32>,
      %mul3A_113 = arith.constant 8 : i32
      %mul3A_114 = arith.muli %scan3A_57, %mul3A_113 : i32
      %add3A_115 = arith.constant 7 : i32
      %add3A_116 = arith.addi %mul3A_114, %add3A_115 : i32
      %mul3A_117 = arith.constant 16 : i32
      %mul3A_118 = arith.muli %add3A_116, %mul3A_117 : i32
      %swap3A_119 = arith.index_cast %mul3A_118 : i32 to index
      %swap3A_120 = tpu.vector_load %arg5[%swap3A_119] {strides = array<i32>} : memref<31488xi32, #tpu.memory_space<vmem>>, vector<16xi32>,
      tpu.vector_store %arg5[%swap3A_119], %broadcast_in_dim3A_9 {strides = array<i32>} : memref<31488xi32, #tpu.memory_space<vmem>>, vector<16xi32>,
    }
    %scan3A_14 = arith.constant 246 : i32
    %dma_start3A = arith.constant 0 : i32
    %dma_start3A_15 = tpu.memref_slice %arg3[%dma_start3A] : memref<51200xi32, #tpu.memory_space<hbm>> -> memref<2048xi32, #tpu.memory_space<hbm>>
    %dma_start3A_16 = arith.constant 0 : i32
    %dma_start3A_17 = tpu.memref_slice %arg3[%dma_start3A_16] : memref<51200xi32, #tpu.memory_space<hbm>> -> memref<2048xi32, #tpu.memory_space<hbm>>
    tpu.enqueue_dma source(%dma_start3A_17 : memref<2048xi32, #tpu.memory_space<hbm>>) target(%arg6 : memref<2048xi32, #tpu.memory_space<vmem>>) target_semaphore(%arg17 : memref<!tpu.dma_semaphore, #tpu.memory_space<semaphore_mem>>)
    %scan3A_18 = arith.constant 0 : i32
    %scan3A_19 = arith.constant 0 : i32
    %scan3A_20 = arith.constant 13 : i32
    %scan3A_21 = arith.addi %scan3A_19, %scan3A_20 : i32
    %scan3A_22 = arith.constant 1 : i32
    scf.for %scan3A_57 = %scan3A_19 to %scan3A_21 step %scan3A_22  : i32 {
      %mul3A_58 = arith.constant 2 : i32
      %mul3A_59 = arith.muli %scan3A_57, %mul3A_58 : i32
      %add3A_60 = arith.constant 0 : i32
      %add3A_61 = arith.addi %mul3A_59, %add3A_60 : i32
      %lt3A = arith.constant 25 : i32
      %lt3A_62 = arith.cmpi slt, %add3A_61, %lt3A : i32
      %convert_element_type3A_63 = arith.extui %lt3A_62 : i1 to i32
      %cond3A_64 = arith.constant 0 : i32
      %cond3A_65 = arith.cmpi ne, %convert_element_type3A_63, %cond3A_64 : i32
      scf.if %cond3A_65 {
        %dma_wait3A = arith.constant 0 : i32
        %dma_wait3A_75 = tpu.memref_slice %arg3[%dma_wait3A] : memref<51200xi32, #tpu.memory_space<hbm>> -> memref<2048xi32, #tpu.memory_space<hbm>>
        %dma_wait3A_76 = arith.constant 0 : i32
        %dma_wait3A_77 = tpu.memref_slice %arg3[%dma_wait3A_76] : memref<51200xi32, #tpu.memory_space<hbm>> -> memref<2048xi32, #tpu.memory_space<hbm>>
        tpu.wait_dma2 semaphore(%arg17 : memref<!tpu.dma_semaphore, #tpu.memory_space<semaphore_mem>>) src(%dma_wait3A_77 : memref<2048xi32, #tpu.memory_space<hbm>>) dst(%arg6 : memref<2048xi32, #tpu.memory_space<vmem>>)
        %add3A_78 = arith.constant 1 : i32
        %add3A_79 = arith.addi %add3A_61, %add3A_78 : i32
        %lt3A_80 = arith.constant 25 : i32
        %lt3A_81 = arith.cmpi slt, %add3A_79, %lt3A_80 : i32
        %convert_element_type3A_82 = arith.extui %lt3A_81 : i1 to i32
        %cond3A_83 = arith.constant 0 : i32
        %cond3A_84 = arith.cmpi ne, %convert_element_type3A_82, %cond3A_83 : i32
        scf.if %cond3A_84 {
          %add3A_91 = arith.constant 1 : i32
          %add3A_92 = arith.addi %add3A_61, %add3A_91 : i32
          %mul3A_93 = arith.constant 2048 : i32
          %mul3A_94 = arith.muli %add3A_92, %mul3A_93 : i32
          %dma_start3A_95 = tpu.memref_slice %arg3[%mul3A_94] : memref<51200xi32, #tpu.memory_space<hbm>> -> memref<2048xi32, #tpu.memory_space<hbm>>
          %dma_start3A_96 = tpu.memref_slice %arg3[%mul3A_94] : memref<51200xi32, #tpu.memory_space<hbm>> -> memref<2048xi32, #tpu.memory_space<hbm>>
          tpu.enqueue_dma source(%dma_start3A_96 : memref<2048xi32, #tpu.memory_space<hbm>>) target(%arg7 : memref<2048xi32, #tpu.memory_space<vmem>>) target_semaphore(%arg17 : memref<!tpu.dma_semaphore, #tpu.memory_space<semaphore_mem>>)
        } else {
        }
        %scan3A_85 = arith.constant 0 : i32
        %scan3A_86 = arith.constant 0 : i32
        %scan3A_87 = arith.constant 32 : i32
        %scan3A_88 = arith.addi %scan3A_86, %scan3A_87 : i32
        %scan3A_89 = arith.constant 1 : i32
        scf.for %scan3A_91 = %scan3A_86 to %scan3A_88 step %scan3A_89  : i32 {
          %mul3A_92 = arith.constant 4 : i32
          %mul3A_93 = arith.muli %scan3A_91, %mul3A_92 : i32
          %add3A_94 = arith.constant 0 : i32
          %add3A_95 = arith.addi %mul3A_93, %add3A_94 : i32
          %mul3A_96 = arith.constant 16 : i32
          %mul3A_97 = arith.muli %add3A_95, %mul3A_96 : i32
          %get3A = arith.index_cast %mul3A_97 : i32 to index
          %get3A_98 = tpu.vector_load %arg6[%get3A] {strides = array<i32>} : memref<2048xi32, #tpu.memory_space<vmem>>, vector<16xi32>,
          %ge3A = vector.broadcast %mul3A_2 : i32 to vector<16xi32>
          %ge3A_99 = arith.cmpi sge, %get3A_98, %ge3A : vector<16xi32>
          %lt3A_100 = vector.broadcast %add3A_4 : i32 to vector<16xi32>
          %lt3A_101 = arith.cmpi slt, %get3A_98, %lt3A_100 : vector<16xi32>
          %and3A = arith.andi %ge3A_99, %lt3A_101 : vector<16xi1>
          %mul3A_102 = arith.constant 2048 : i32
          %mul3A_103 = arith.muli %add3A_61, %mul3A_102 : i32
          %mul3A_104 = arith.constant 16 : i32
          %mul3A_105 = arith.muli %add3A_95, %mul3A_104 : i32
          %add3A_106 = arith.addi %mul3A_103, %mul3A_105 : i32
          %add3A_107 = vector.broadcast %add3A_106 : i32 to vector<16xi32>
          %add3A_108 = arith.addi %add3A_107, %iota3A : vector<16xi32>
          %sub3A_109 = vector.broadcast %mul3A_2 : i32 to vector<16xi32>
          %sub3A_110 = arith.subi %get3A_98, %sub3A_109 : vector<16xi32>
          tpu.vector_store_idx %arg5[%sub3A_110], %add3A_108 masked %and3A : memref<31488xi32, #tpu.memory_space<vmem>>[vector<16xi32>], vector<16xi32>, vector<16xi1>
          %mul3A_111 = arith.constant 4 : i32
          %mul3A_112 = arith.muli %scan3A_91, %mul3A_111 : i32
          %add3A_113 = arith.constant 1 : i32
          %add3A_114 = arith.addi %mul3A_112, %add3A_113 : i32
          %mul3A_115 = arith.constant 16 : i32
          %mul3A_116 = arith.muli %add3A_114, %mul3A_115 : i32
          %get3A_117 = arith.index_cast %mul3A_116 : i32 to index
          %get3A_118 = tpu.vector_load %arg6[%get3A_117] {strides = array<i32>} : memref<2048xi32, #tpu.memory_space<vmem>>, vector<16xi32>,
          %ge3A_119 = vector.broadcast %mul3A_2 : i32 to vector<16xi32>
          %ge3A_120 = arith.cmpi sge, %get3A_118, %ge3A_119 : vector<16xi32>
          %lt3A_121 = vector.broadcast %add3A_4 : i32 to vector<16xi32>
          %lt3A_122 = arith.cmpi slt, %get3A_118, %lt3A_121 : vector<16xi32>
          %and3A_123 = arith.andi %ge3A_120, %lt3A_122 : vector<16xi1>
          %mul3A_124 = arith.constant 2048 : i32
          %mul3A_125 = arith.muli %add3A_61, %mul3A_124 : i32
          %mul3A_126 = arith.constant 16 : i32
          %mul3A_127 = arith.muli %add3A_114, %mul3A_126 : i32
          %add3A_128 = arith.addi %mul3A_125, %mul3A_127 : i32
          %add3A_129 = vector.broadcast %add3A_128 : i32 to vector<16xi32>
          %add3A_130 = arith.addi %add3A_129, %iota3A : vector<16xi32>
          %sub3A_131 = vector.broadcast %mul3A_2 : i32 to vector<16xi32>
          %sub3A_132 = arith.subi %get3A_118, %sub3A_131 : vector<16xi32>
          tpu.vector_store_idx %arg5[%sub3A_132], %add3A_130 masked %and3A_123 : memref<31488xi32, #tpu.memory_space<vmem>>[vector<16xi32>], vector<16xi32>, vector<16xi1>
          %mul3A_133 = arith.constant 4 : i32
          %mul3A_134 = arith.muli %scan3A_91, %mul3A_133 : i32
          %add3A_135 = arith.constant 2 : i32
          %add3A_136 = arith.addi %mul3A_134, %add3A_135 : i32
          %mul3A_137 = arith.constant 16 : i32
          %mul3A_138 = arith.muli %add3A_136, %mul3A_137 : i32
          %get3A_139 = arith.index_cast %mul3A_138 : i32 to index
          %get3A_140 = tpu.vector_load %arg6[%get3A_139] {strides = array<i32>} : memref<2048xi32, #tpu.memory_space<vmem>>, vector<16xi32>,
          %ge3A_141 = vector.broadcast %mul3A_2 : i32 to vector<16xi32>
          %ge3A_142 = arith.cmpi sge, %get3A_140, %ge3A_141 : vector<16xi32>
          %lt3A_143 = vector.broadcast %add3A_4 : i32 to vector<16xi32>
          %lt3A_144 = arith.cmpi slt, %get3A_140, %lt3A_143 : vector<16xi32>
          %and3A_145 = arith.andi %ge3A_142, %lt3A_144 : vector<16xi1>
          %mul3A_146 = arith.constant 2048 : i32
          %mul3A_147 = arith.muli %add3A_61, %mul3A_146 : i32
          %mul3A_148 = arith.constant 16 : i32
          %mul3A_149 = arith.muli %add3A_136, %mul3A_148 : i32
          %add3A_150 = arith.addi %mul3A_147, %mul3A_149 : i32
          %add3A_151 = vector.broadcast %add3A_150 : i32 to vector<16xi32>
          %add3A_152 = arith.addi %add3A_151, %iota3A : vector<16xi32>
          %sub3A_153 = vector.broadcast %mul3A_2 : i32 to vector<16xi32>
          %sub3A_154 = arith.subi %get3A_140, %sub3A_153 : vector<16xi32>
          tpu.vector_store_idx %arg5[%sub3A_154], %add3A_152 masked %and3A_145 : memref<31488xi32, #tpu.memory_space<vmem>>[vector<16xi32>], vector<16xi32>, vector<16xi1>
          %mul3A_155 = arith.constant 4 : i32
          %mul3A_156 = arith.muli %scan3A_91, %mul3A_155 : i32
          %add3A_157 = arith.constant 3 : i32
          %add3A_158 = arith.addi %mul3A_156, %add3A_157 : i32
          %mul3A_159 = arith.constant 16 : i32
          %mul3A_160 = arith.muli %add3A_158, %mul3A_159 : i32
          %get3A_161 = arith.index_cast %mul3A_160 : i32 to index
          %get3A_162 = tpu.vector_load %arg6[%get3A_161] {strides = array<i32>} : memref<2048xi32, #tpu.memory_space<vmem>>, vector<16xi32>,
          %ge3A_163 = vector.broadcast %mul3A_2 : i32 to vector<16xi32>
          %ge3A_164 = arith.cmpi sge, %get3A_162, %ge3A_163 : vector<16xi32>
          %lt3A_165 = vector.broadcast %add3A_4 : i32 to vector<16xi32>
          %lt3A_166 = arith.cmpi slt, %get3A_162, %lt3A_165 : vector<16xi32>
          %and3A_167 = arith.andi %ge3A_164, %lt3A_166 : vector<16xi1>
          %mul3A_168 = arith.constant 2048 : i32
          %mul3A_169 = arith.muli %add3A_61, %mul3A_168 : i32
          %mul3A_170 = arith.constant 16 : i32
          %mul3A_171 = arith.muli %add3A_158, %mul3A_170 : i32
          %add3A_172 = arith.addi %mul3A_169, %mul3A_171 : i32
          %add3A_173 = vector.broadcast %add3A_172 : i32 to vector<16xi32>
          %add3A_174 = arith.addi %add3A_173, %iota3A : vector<16xi32>
          %sub3A_175 = vector.broadcast %mul3A_2 : i32 to vector<16xi32>
          %sub3A_176 = arith.subi %get3A_162, %sub3A_175 : vector<16xi32>
          tpu.vector_store_idx %arg5[%sub3A_176], %add3A_174 masked %and3A_167 : memref<31488xi32, #tpu.memory_space<vmem>>[vector<16xi32>], vector<16xi32>, vector<16xi1>
        }
        %scan3A_90 = arith.constant 32 : i32
      } else {
      }
      %mul3A_66 = arith.constant 2 : i32
      %mul3A_67 = arith.muli %scan3A_57, %mul3A_66 : i32
      %add3A_68 = arith.constant 1 : i32
      %add3A_69 = arith.addi %mul3A_67, %add3A_68 : i32
      %lt3A_70 = arith.constant 25 : i32
      %lt3A_71 = arith.cmpi slt, %add3A_69, %lt3A_70 : i32
      %convert_element_type3A_72 = arith.extui %lt3A_71 : i1 to i32
      %cond3A_73 = arith.constant 0 : i32
      %cond3A_74 = arith.cmpi ne, %convert_element_type3A_72, %cond3A_73 : i32
      scf.if %cond3A_74 {
        %dma_wait3A = arith.constant 0 : i32
        %dma_wait3A_75 = tpu.memref_slice %arg3[%dma_wait3A] : memref<51200xi32, #tpu.memory_space<hbm>> -> memref<2048xi32, #tpu.memory_space<hbm>>
        %dma_wait3A_76 = arith.constant 0 : i32
        %dma_wait3A_77 = tpu.memref_slice %arg3[%dma_wait3A_76] : memref<51200xi32, #tpu.memory_space<hbm>> -> memref<2048xi32, #tpu.memory_space<hbm>>
        tpu.wait_dma2 semaphore(%arg17 : memref<!tpu.dma_semaphore, #tpu.memory_space<semaphore_mem>>) src(%dma_wait3A_77 : memref<2048xi32, #tpu.memory_space<hbm>>) dst(%arg7 : memref<2048xi32, #tpu.memory_space<vmem>>)
        %add3A_78 = arith.constant 1 : i32
        %add3A_79 = arith.addi %add3A_69, %add3A_78 : i32
        %lt3A_80 = arith.constant 25 : i32
        %lt3A_81 = arith.cmpi slt, %add3A_79, %lt3A_80 : i32
        %convert_element_type3A_82 = arith.extui %lt3A_81 : i1 to i32
        %cond3A_83 = arith.constant 0 : i32
        %cond3A_84 = arith.cmpi ne, %convert_element_type3A_82, %cond3A_83 : i32
        scf.if %cond3A_84 {
          %add3A_91 = arith.constant 1 : i32
          %add3A_92 = arith.addi %add3A_69, %add3A_91 : i32
          %mul3A_93 = arith.constant 2048 : i32
          %mul3A_94 = arith.muli %add3A_92, %mul3A_93 : i32
          %dma_start3A_95 = tpu.memref_slice %arg3[%mul3A_94] : memref<51200xi32, #tpu.memory_space<hbm>> -> memref<2048xi32, #tpu.memory_space<hbm>>
          %dma_start3A_96 = tpu.memref_slice %arg3[%mul3A_94] : memref<51200xi32, #tpu.memory_space<hbm>> -> memref<2048xi32, #tpu.memory_space<hbm>>
          tpu.enqueue_dma source(%dma_start3A_96 : memref<2048xi32, #tpu.memory_space<hbm>>) target(%arg6 : memref<2048xi32, #tpu.memory_space<vmem>>) target_semaphore(%arg17 : memref<!tpu.dma_semaphore, #tpu.memory_space<semaphore_mem>>)
        } else {
        }
        %scan3A_85 = arith.constant 0 : i32
        %scan3A_86 = arith.constant 0 : i32
        %scan3A_87 = arith.constant 32 : i32
        %scan3A_88 = arith.addi %scan3A_86, %scan3A_87 : i32
        %scan3A_89 = arith.constant 1 : i32
        scf.for %scan3A_91 = %scan3A_86 to %scan3A_88 step %scan3A_89  : i32 {
          %mul3A_92 = arith.constant 4 : i32
          %mul3A_93 = arith.muli %scan3A_91, %mul3A_92 : i32
          %add3A_94 = arith.constant 0 : i32
          %add3A_95 = arith.addi %mul3A_93, %add3A_94 : i32
          %mul3A_96 = arith.constant 16 : i32
          %mul3A_97 = arith.muli %add3A_95, %mul3A_96 : i32
          %get3A = arith.index_cast %mul3A_97 : i32 to index
          %get3A_98 = tpu.vector_load %arg7[%get3A] {strides = array<i32>} : memref<2048xi32, #tpu.memory_space<vmem>>, vector<16xi32>,
          %ge3A = vector.broadcast %mul3A_2 : i32 to vector<16xi32>
          %ge3A_99 = arith.cmpi sge, %get3A_98, %ge3A : vector<16xi32>
          %lt3A_100 = vector.broadcast %add3A_4 : i32 to vector<16xi32>
          %lt3A_101 = arith.cmpi slt, %get3A_98, %lt3A_100 : vector<16xi32>
          %and3A = arith.andi %ge3A_99, %lt3A_101 : vector<16xi1>
          %mul3A_102 = arith.constant 2048 : i32
          %mul3A_103 = arith.muli %add3A_69, %mul3A_102 : i32
          %mul3A_104 = arith.constant 16 : i32
          %mul3A_105 = arith.muli %add3A_95, %mul3A_104 : i32
          %add3A_106 = arith.addi %mul3A_103, %mul3A_105 : i32
          %add3A_107 = vector.broadcast %add3A_106 : i32 to vector<16xi32>
          %add3A_108 = arith.addi %add3A_107, %iota3A : vector<16xi32>
          %sub3A_109 = vector.broadcast %mul3A_2 : i32 to vector<16xi32>
          %sub3A_110 = arith.subi %get3A_98, %sub3A_109 : vector<16xi32>
          tpu.vector_store_idx %arg5[%sub3A_110], %add3A_108 masked %and3A : memref<31488xi32, #tpu.memory_space<vmem>>[vector<16xi32>], vector<16xi32>, vector<16xi1>
          %mul3A_111 = arith.constant 4 : i32
          %mul3A_112 = arith.muli %scan3A_91, %mul3A_111 : i32
          %add3A_113 = arith.constant 1 : i32
          %add3A_114 = arith.addi %mul3A_112, %add3A_113 : i32
          %mul3A_115 = arith.constant 16 : i32
          %mul3A_116 = arith.muli %add3A_114, %mul3A_115 : i32
          %get3A_117 = arith.index_cast %mul3A_116 : i32 to index
          %get3A_118 = tpu.vector_load %arg7[%get3A_117] {strides = array<i32>} : memref<2048xi32, #tpu.memory_space<vmem>>, vector<16xi32>,
          %ge3A_119 = vector.broadcast %mul3A_2 : i32 to vector<16xi32>
          %ge3A_120 = arith.cmpi sge, %get3A_118, %ge3A_119 : vector<16xi32>
          %lt3A_121 = vector.broadcast %add3A_4 : i32 to vector<16xi32>
          %lt3A_122 = arith.cmpi slt, %get3A_118, %lt3A_121 : vector<16xi32>
          %and3A_123 = arith.andi %ge3A_120, %lt3A_122 : vector<16xi1>
          %mul3A_124 = arith.constant 2048 : i32
          %mul3A_125 = arith.muli %add3A_69, %mul3A_124 : i32
          %mul3A_126 = arith.constant 16 : i32
          %mul3A_127 = arith.muli %add3A_114, %mul3A_126 : i32
          %add3A_128 = arith.addi %mul3A_125, %mul3A_127 : i32
          %add3A_129 = vector.broadcast %add3A_128 : i32 to vector<16xi32>
          %add3A_130 = arith.addi %add3A_129, %iota3A : vector<16xi32>
          %sub3A_131 = vector.broadcast %mul3A_2 : i32 to vector<16xi32>
          %sub3A_132 = arith.subi %get3A_118, %sub3A_131 : vector<16xi32>
          tpu.vector_store_idx %arg5[%sub3A_132], %add3A_130 masked %and3A_123 : memref<31488xi32, #tpu.memory_space<vmem>>[vector<16xi32>], vector<16xi32>, vector<16xi1>
          %mul3A_133 = arith.constant 4 : i32
          %mul3A_134 = arith.muli %scan3A_91, %mul3A_133 : i32
          %add3A_135 = arith.constant 2 : i32
          %add3A_136 = arith.addi %mul3A_134, %add3A_135 : i32
          %mul3A_137 = arith.constant 16 : i32
          %mul3A_138 = arith.muli %add3A_136, %mul3A_137 : i32
          %get3A_139 = arith.index_cast %mul3A_138 : i32 to index
          %get3A_140 = tpu.vector_load %arg7[%get3A_139] {strides = array<i32>} : memref<2048xi32, #tpu.memory_space<vmem>>, vector<16xi32>,
          %ge3A_141 = vector.broadcast %mul3A_2 : i32 to vector<16xi32>
          %ge3A_142 = arith.cmpi sge, %get3A_140, %ge3A_141 : vector<16xi32>
          %lt3A_143 = vector.broadcast %add3A_4 : i32 to vector<16xi32>
          %lt3A_144 = arith.cmpi slt, %get3A_140, %lt3A_143 : vector<16xi32>
          %and3A_145 = arith.andi %ge3A_142, %lt3A_144 : vector<16xi1>
          %mul3A_146 = arith.constant 2048 : i32
          %mul3A_147 = arith.muli %add3A_69, %mul3A_146 : i32
          %mul3A_148 = arith.constant 16 : i32
          %mul3A_149 = arith.muli %add3A_136, %mul3A_148 : i32
          %add3A_150 = arith.addi %mul3A_147, %mul3A_149 : i32
          %add3A_151 = vector.broadcast %add3A_150 : i32 to vector<16xi32>
          %add3A_152 = arith.addi %add3A_151, %iota3A : vector<16xi32>
          %sub3A_153 = vector.broadcast %mul3A_2 : i32 to vector<16xi32>
          %sub3A_154 = arith.subi %get3A_140, %sub3A_153 : vector<16xi32>
          tpu.vector_store_idx %arg5[%sub3A_154], %add3A_152 masked %and3A_145 : memref<31488xi32, #tpu.memory_space<vmem>>[vector<16xi32>], vector<16xi32>, vector<16xi1>
          %mul3A_155 = arith.constant 4 : i32
          %mul3A_156 = arith.muli %scan3A_91, %mul3A_155 : i32
          %add3A_157 = arith.constant 3 : i32
          %add3A_158 = arith.addi %mul3A_156, %add3A_157 : i32
          %mul3A_159 = arith.constant 16 : i32
          %mul3A_160 = arith.muli %add3A_158, %mul3A_159 : i32
          %get3A_161 = arith.index_cast %mul3A_160 : i32 to index
          %get3A_162 = tpu.vector_load %arg7[%get3A_161] {strides = array<i32>} : memref<2048xi32, #tpu.memory_space<vmem>>, vector<16xi32>,
          %ge3A_163 = vector.broadcast %mul3A_2 : i32 to vector<16xi32>
          %ge3A_164 = arith.cmpi sge, %get3A_162, %ge3A_163 : vector<16xi32>
          %lt3A_165 = vector.broadcast %add3A_4 : i32 to vector<16xi32>
          %lt3A_166 = arith.cmpi slt, %get3A_162, %lt3A_165 : vector<16xi32>
          %and3A_167 = arith.andi %ge3A_164, %lt3A_166 : vector<16xi1>
          %mul3A_168 = arith.constant 2048 : i32
          %mul3A_169 = arith.muli %add3A_69, %mul3A_168 : i32
          %mul3A_170 = arith.constant 16 : i32
          %mul3A_171 = arith.muli %add3A_158, %mul3A_170 : i32
          %add3A_172 = arith.addi %mul3A_169, %mul3A_171 : i32
          %add3A_173 = vector.broadcast %add3A_172 : i32 to vector<16xi32>
          %add3A_174 = arith.addi %add3A_173, %iota3A : vector<16xi32>
          %sub3A_175 = vector.broadcast %mul3A_2 : i32 to vector<16xi32>
          %sub3A_176 = arith.subi %get3A_162, %sub3A_175 : vector<16xi32>
          tpu.vector_store_idx %arg5[%sub3A_176], %add3A_174 masked %and3A_167 : memref<31488xi32, #tpu.memory_space<vmem>>[vector<16xi32>], vector<16xi32>, vector<16xi1>
        }
        %scan3A_90 = arith.constant 32 : i32
      } else {
      }
    }
    %scan3A_23 = arith.constant 13 : i32
    %gt3A = arith.constant 0 : i32
    %gt3A_24 = arith.cmpi sgt, %min3A_8, %gt3A : i32
    %convert_element_type3A = arith.extui %gt3A_24 : i1 to i32
    %cond3A = arith.constant 0 : i32
    %cond3A_25 = arith.cmpi ne, %convert_element_type3A, %cond3A : i32
    scf.if %cond3A_25 {
      %mul3A_57 = arith.constant 123 : i32
      %mul3A_58 = arith.muli %add3A, %mul3A_57 : i32
      %add3A_59 = arith.constant 0 : i32
      %add3A_60 = arith.addi %mul3A_58, %add3A_59 : i32
      %mul3A_61 = arith.constant 256 : i32
      %mul3A_62 = arith.muli %add3A_60, %mul3A_61 : i32
      %multiple_of3A = tpu.assume_multiple %mul3A_62, 256 : i32
      %dma_start3A_63 = arith.constant 0 : i32
      %dma_start3A_64 = tpu.memref_slice %arg2[%dma_start3A_63, %multiple_of3A] : memref<100x1000000xf32, #tpu.memory_space<hbm>> -> memref<100x256xf32, #tpu.memory_space<hbm>>
      %dma_start3A_65 = arith.constant 0 : i32
      %dma_start3A_66 = tpu.memref_slice %arg2[%dma_start3A_65, %multiple_of3A] : memref<100x1000000xf32, #tpu.memory_space<hbm>> -> memref<100x256xf32, #tpu.memory_space<hbm>>
      tpu.enqueue_dma source(%dma_start3A_66 : memref<100x256xf32, #tpu.memory_space<hbm>>) target(%arg8 : memref<100x256xf32, #tpu.memory_space<vmem>>) target_semaphore(%arg14 : memref<!tpu.dma_semaphore, #tpu.memory_space<semaphore_mem>>)
    } else {
    }
    %gt3A_26 = arith.constant 1 : i32
    %gt3A_27 = arith.cmpi sgt, %min3A_8, %gt3A_26 : i32
    %convert_element_type3A_28 = arith.extui %gt3A_27 : i1 to i32
    %cond3A_29 = arith.constant 0 : i32
    %cond3A_30 = arith.cmpi ne, %convert_element_type3A_28, %cond3A_29 : i32
    scf.if %cond3A_30 {
      %mul3A_57 = arith.constant 123 : i32
      %mul3A_58 = arith.muli %add3A, %mul3A_57 : i32
      %add3A_59 = arith.constant 1 : i32
      %add3A_60 = arith.addi %mul3A_58, %add3A_59 : i32
      %mul3A_61 = arith.constant 256 : i32
      %mul3A_62 = arith.muli %add3A_60, %mul3A_61 : i32
      %multiple_of3A = tpu.assume_multiple %mul3A_62, 256 : i32
      %dma_start3A_63 = arith.constant 0 : i32
      %dma_start3A_64 = tpu.memref_slice %arg2[%dma_start3A_63, %multiple_of3A] : memref<100x1000000xf32, #tpu.memory_space<hbm>> -> memref<100x256xf32, #tpu.memory_space<hbm>>
      %dma_start3A_65 = arith.constant 0 : i32
      %dma_start3A_66 = tpu.memref_slice %arg2[%dma_start3A_65, %multiple_of3A] : memref<100x1000000xf32, #tpu.memory_space<hbm>> -> memref<100x256xf32, #tpu.memory_space<hbm>>
      tpu.enqueue_dma source(%dma_start3A_66 : memref<100x256xf32, #tpu.memory_space<hbm>>) target(%arg9 : memref<100x256xf32, #tpu.memory_space<vmem>>) target_semaphore(%arg14 : memref<!tpu.dma_semaphore, #tpu.memory_space<semaphore_mem>>)
    } else {
    }
    %scan3A_31 = arith.constant 0 : i32
    %scan3A_32 = arith.constant 0 : i32
    %scan3A_33 = arith.constant 41 : i32
    %scan3A_34 = arith.addi %scan3A_32, %scan3A_33 : i32
    %scan3A_35 = arith.constant 1 : i32
    scf.for %scan3A_57 = %scan3A_32 to %scan3A_34 step %scan3A_35  : i32 {
      %mul3A_58 = arith.constant 3 : i32
      %mul3A_59 = arith.muli %scan3A_57, %mul3A_58 : i32
      %add3A_60 = arith.constant 0 : i32
      %add3A_61 = arith.addi %mul3A_59, %add3A_60 : i32
      %lt3A = arith.cmpi slt, %add3A_61, %min3A_8 : i32
      %convert_element_type3A_62 = arith.extui %lt3A : i1 to i32
      %cond3A_63 = arith.constant 0 : i32
      %cond3A_64 = arith.cmpi ne, %convert_element_type3A_62, %cond3A_63 : i32
      scf.if %cond3A_64 {
        %dma_wait3A = arith.constant 0 : i32
        %dma_wait3A_77 = arith.constant 0 : i32
        %dma_wait3A_78 = tpu.memref_slice %arg2[%dma_wait3A, %dma_wait3A_77] : memref<100x1000000xf32, #tpu.memory_space<hbm>> -> memref<100x256xf32, #tpu.memory_space<hbm>>
        %dma_wait3A_79 = arith.constant 0 : i32
        %dma_wait3A_80 = arith.constant 0 : i32
        %dma_wait3A_81 = tpu.memref_slice %arg2[%dma_wait3A_79, %dma_wait3A_80] : memref<100x1000000xf32, #tpu.memory_space<hbm>> -> memref<100x256xf32, #tpu.memory_space<hbm>>
        tpu.wait_dma2 semaphore(%arg14 : memref<!tpu.dma_semaphore, #tpu.memory_space<semaphore_mem>>) src(%dma_wait3A_81 : memref<100x256xf32, #tpu.memory_space<hbm>>) dst(%arg8 : memref<100x256xf32, #tpu.memory_space<vmem>>)
        %add3A_82 = arith.constant 2 : i32
        %add3A_83 = arith.addi %add3A_61, %add3A_82 : i32
        %lt3A_84 = arith.cmpi slt, %add3A_83, %min3A_8 : i32
        %convert_element_type3A_85 = arith.extui %lt3A_84 : i1 to i32
        %cond3A_86 = arith.constant 0 : i32
        %cond3A_87 = arith.cmpi ne, %convert_element_type3A_85, %cond3A_86 : i32
        scf.if %cond3A_87 {
          %add3A_427 = arith.constant 2 : i32
          %add3A_428 = arith.addi %add3A_61, %add3A_427 : i32
          %mul3A_429 = arith.constant 123 : i32
          %mul3A_430 = arith.muli %add3A, %mul3A_429 : i32
          %add3A_431 = arith.addi %mul3A_430, %add3A_428 : i32
          %mul3A_432 = arith.constant 256 : i32
          %mul3A_433 = arith.muli %add3A_431, %mul3A_432 : i32
          %multiple_of3A = tpu.assume_multiple %mul3A_433, 256 : i32
          %dma_start3A_434 = arith.constant 0 : i32
          %dma_start3A_435 = tpu.memref_slice %arg2[%dma_start3A_434, %multiple_of3A] : memref<100x1000000xf32, #tpu.memory_space<hbm>> -> memref<100x256xf32, #tpu.memory_space<hbm>>
          %dma_start3A_436 = arith.constant 0 : i32
          %dma_start3A_437 = tpu.memref_slice %arg2[%dma_start3A_436, %multiple_of3A] : memref<100x1000000xf32, #tpu.memory_space<hbm>> -> memref<100x256xf32, #tpu.memory_space<hbm>>
          tpu.enqueue_dma source(%dma_start3A_437 : memref<100x256xf32, #tpu.memory_space<hbm>>) target(%arg10 : memref<100x256xf32, #tpu.memory_space<vmem>>) target_semaphore(%arg14 : memref<!tpu.dma_semaphore, #tpu.memory_space<semaphore_mem>>)
        } else {
        }
        %mul3A_88 = arith.constant 256 : i32
        %mul3A_89 = arith.muli %add3A_61, %mul3A_88 : i32
        %add3A_90 = arith.constant 0 : i32
        %add3A_91 = arith.addi %mul3A_89, %add3A_90 : i32
        %get3A = arith.index_cast %add3A_91 : i32 to index
        %get3A_92 = tpu.vector_load %arg5[%get3A] {strides = array<i32>} : memref<31488xi32, #tpu.memory_space<vmem>>, vector<16xi32>,
        %ge3A = arith.constant 0 : i32
        %ge3A_93 = vector.broadcast %ge3A : i32 to vector<16xi32>
        %ge3A_94 = arith.cmpi sge, %get3A_92, %ge3A_93 : vector<16xi32>
        %add3A_95 = arith.constant 0 : i32
        %add3A_96 = vector.broadcast %add3A_95 : i32 to vector<16xi32>
        %add3A_97 = arith.addi %add3A_96, %iota3A : vector<16xi32>
        %swap3A = arith.constant 0 : i32
        %swap3A_98 = arith.index_cast %swap3A : i32 to index
        %swap3A_99 = tpu.vector_load %arg11[%swap3A_98] masked %ge3A_94 {strides = array<i32>} : memref<272xi32, #tpu.memory_space<vmem>>, vector<16xi32>, vector<16xi1>
        tpu.vector_store %arg11[%swap3A_98], %add3A_97 masked %ge3A_94 {strides = array<i32>} : memref<272xi32, #tpu.memory_space<vmem>>, vector<16xi32>, vector<16xi1>
        %swap3A_100 = arith.constant 0 : i32
        %swap3A_101 = arith.index_cast %swap3A_100 : i32 to index
        %swap3A_102 = tpu.vector_load %arg12[%swap3A_101] masked %ge3A_94 {strides = array<i32>} : memref<272xi32, #tpu.memory_space<vmem>>, vector<16xi32>, vector<16xi1>
        tpu.vector_store %arg12[%swap3A_101], %get3A_92 masked %ge3A_94 {strides = array<i32>} : memref<272xi32, #tpu.memory_space<vmem>>, vector<16xi32>, vector<16xi1>
        %all_reduce_population_count3A = tpu.all_reduce %ge3A_94 {dim = 0 : i64, kind = #tpu.reduction_kind<sum>} : vector<16xi1> -> vector<16xi32>
        %slice3A = vector.extract_strided_slice %all_reduce_population_count3A {offsets = [0], sizes = [1], strides = [1]} : vector<16xi32> to vector<1xi32>
        %squeeze3A = vector.extract %slice3A[0] : i32 from vector<1xi32>
        %add3A_103 = arith.constant 0 : i32
        %add3A_104 = arith.addi %add3A_103, %squeeze3A : i32
        %mul3A_105 = arith.constant 256 : i32
        %mul3A_106 = arith.muli %add3A_61, %mul3A_105 : i32
        %add3A_107 = arith.constant 16 : i32
        %add3A_108 = arith.addi %mul3A_106, %add3A_107 : i32
        %get3A_109 = arith.index_cast %add3A_108 : i32 to index
        %get3A_110 = tpu.vector_load %arg5[%get3A_109] {strides = array<i32>} : memref<31488xi32, #tpu.memory_space<vmem>>, vector<16xi32>,
        %ge3A_111 = arith.constant 0 : i32
        %ge3A_112 = vector.broadcast %ge3A_111 : i32 to vector<16xi32>
        %ge3A_113 = arith.cmpi sge, %get3A_110, %ge3A_112 : vector<16xi32>
        %add3A_114 = arith.constant 16 : i32
        %add3A_115 = vector.broadcast %add3A_114 : i32 to vector<16xi32>
        %add3A_116 = arith.addi %add3A_115, %iota3A : vector<16xi32>
        %swap3A_117 = arith.index_cast %add3A_104 : i32 to index
        %swap3A_118 = tpu.vector_load %arg11[%swap3A_117] masked %ge3A_113 {strides = array<i32>} : memref<272xi32, #tpu.memory_space<vmem>>, vector<16xi32>, vector<16xi1>
        tpu.vector_store %arg11[%swap3A_117], %add3A_116 masked %ge3A_113 {strides = array<i32>} : memref<272xi32, #tpu.memory_space<vmem>>, vector<16xi32>, vector<16xi1>
        %swap3A_119 = arith.index_cast %add3A_104 : i32 to index
        %swap3A_120 = tpu.vector_load %arg12[%swap3A_119] masked %ge3A_113 {strides = array<i32>} : memref<272xi32, #tpu.memory_space<vmem>>, vector<16xi32>, vector<16xi1>
        tpu.vector_store %arg12[%swap3A_119], %get3A_110 masked %ge3A_113 {strides = array<i32>} : memref<272xi32, #tpu.memory_space<vmem>>, vector<16xi32>, vector<16xi1>
        %all_reduce_population_count3A_121 = tpu.all_reduce %ge3A_113 {dim = 0 : i64, kind = #tpu.reduction_kind<sum>} : vector<16xi1> -> vector<16xi32>
        %slice3A_122 = vector.extract_strided_slice %all_reduce_population_count3A_121 {offsets = [0], sizes = [1], strides = [1]} : vector<16xi32> to vector<1xi32>
        %squeeze3A_123 = vector.extract %slice3A_122[0] : i32 from vector<1xi32>
        %add3A_124 = arith.addi %add3A_104, %squeeze3A_123 : i32
        %mul3A_125 = arith.constant 256 : i32
        %mul3A_126 = arith.muli %add3A_61, %mul3A_125 : i32
        %add3A_127 = arith.constant 32 : i32
        %add3A_128 = arith.addi %mul3A_126, %add3A_127 : i32
        %get3A_129 = arith.index_cast %add3A_128 : i32 to index
        %get3A_130 = tpu.vector_load %arg5[%get3A_129] {strides = array<i32>} : memref<31488xi32, #tpu.memory_space<vmem>>, vector<16xi32>,
        %ge3A_131 = arith.constant 0 : i32
        %ge3A_132 = vector.broadcast %ge3A_131 : i32 to vector<16xi32>
        %ge3A_133 = arith.cmpi sge, %get3A_130, %ge3A_132 : vector<16xi32>
        %add3A_134 = arith.constant 32 : i32
        %add3A_135 = vector.broadcast %add3A_134 : i32 to vector<16xi32>
        %add3A_136 = arith.addi %add3A_135, %iota3A : vector<16xi32>
        %swap3A_137 = arith.index_cast %add3A_124 : i32 to index
        %swap3A_138 = tpu.vector_load %arg11[%swap3A_137] masked %ge3A_133 {strides = array<i32>} : memref<272xi32, #tpu.memory_space<vmem>>, vector<16xi32>, vector<16xi1>
        tpu.vector_store %arg11[%swap3A_137], %add3A_136 masked %ge3A_133 {strides = array<i32>} : memref<272xi32, #tpu.memory_space<vmem>>, vector<16xi32>, vector<16xi1>
        %swap3A_139 = arith.index_cast %add3A_124 : i32 to index
        %swap3A_140 = tpu.vector_load %arg12[%swap3A_139] masked %ge3A_133 {strides = array<i32>} : memref<272xi32, #tpu.memory_space<vmem>>, vector<16xi32>, vector<16xi1>
        tpu.vector_store %arg12[%swap3A_139], %get3A_130 masked %ge3A_133 {strides = array<i32>} : memref<272xi32, #tpu.memory_space<vmem>>, vector<16xi32>, vector<16xi1>
        %all_reduce_population_count3A_141 = tpu.all_reduce %ge3A_133 {dim = 0 : i64, kind = #tpu.reduction_kind<sum>} : vector<16xi1> -> vector<16xi32>
        %slice3A_142 = vector.extract_strided_slice %all_reduce_population_count3A_141 {offsets = [0], sizes = [1], strides = [1]} : vector<16xi32> to vector<1xi32>
        %squeeze3A_143 = vector.extract %slice3A_142[0] : i32 from vector<1xi32>
        %add3A_144 = arith.addi %add3A_124, %squeeze3A_143 : i32
        %mul3A_145 = arith.constant 256 : i32
        %mul3A_146 = arith.muli %add3A_61, %mul3A_145 : i32
        %add3A_147 = arith.constant 48 : i32
        %add3A_148 = arith.addi %mul3A_146, %add3A_147 : i32
        %get3A_149 = arith.index_cast %add3A_148 : i32 to index
        %get3A_150 = tpu.vector_load %arg5[%get3A_149] {strides = array<i32>} : memref<31488xi32, #tpu.memory_space<vmem>>, vector<16xi32>,
        %ge3A_151 = arith.constant 0 : i32
        %ge3A_152 = vector.broadcast %ge3A_151 : i32 to vector<16xi32>
        %ge3A_153 = arith.cmpi sge, %get3A_150, %ge3A_152 : vector<16xi32>
        %add3A_154 = arith.constant 48 : i32
        %add3A_155 = vector.broadcast %add3A_154 : i32 to vector<16xi32>
        %add3A_156 = arith.addi %add3A_155, %iota3A : vector<16xi32>
        %swap3A_157 = arith.index_cast %add3A_144 : i32 to index
        %swap3A_158 = tpu.vector_load %arg11[%swap3A_157] masked %ge3A_153 {strides = array<i32>} : memref<272xi32, #tpu.memory_space<vmem>>, vector<16xi32>, vector<16xi1>
        tpu.vector_store %arg11[%swap3A_157], %add3A_156 masked %ge3A_153 {strides = array<i32>} : memref<272xi32, #tpu.memory_space<vmem>>, vector<16xi32>, vector<16xi1>
        %swap3A_159 = arith.index_cast %add3A_144 : i32 to index
        %swap3A_160 = tpu.vector_load %arg12[%swap3A_159] masked %ge3A_153 {strides = array<i32>} : memref<272xi32, #tpu.memory_space<vmem>>, vector<16xi32>, vector<16xi1>
        tpu.vector_store %arg12[%swap3A_159], %get3A_150 masked %ge3A_153 {strides = array<i32>} : memref<272xi32, #tpu.memory_space<vmem>>, vector<16xi32>, vector<16xi1>
        %all_reduce_population_count3A_161 = tpu.all_reduce %ge3A_153 {dim = 0 : i64, kind = #tpu.reduction_kind<sum>} : vector<16xi1> -> vector<16xi32>
        %slice3A_162 = vector.extract_strided_slice %all_reduce_population_count3A_161 {offsets = [0], sizes = [1], strides = [1]} : vector<16xi32> to vector<1xi32>
        %squeeze3A_163 = vector.extract %slice3A_162[0] : i32 from vector<1xi32>
        %add3A_164 = arith.addi %add3A_144, %squeeze3A_163 : i32
        %mul3A_165 = arith.constant 256 : i32
        %mul3A_166 = arith.muli %add3A_61, %mul3A_165 : i32
        %add3A_167 = arith.constant 64 : i32
        %add3A_168 = arith.addi %mul3A_166, %add3A_167 : i32
        %get3A_169 = arith.index_cast %add3A_168 : i32 to index
        %get3A_170 = tpu.vector_load %arg5[%get3A_169] {strides = array<i32>} : memref<31488xi32, #tpu.memory_space<vmem>>, vector<16xi32>,
        %ge3A_171 = arith.constant 0 : i32
        %ge3A_172 = vector.broadcast %ge3A_171 : i32 to vector<16xi32>
        %ge3A_173 = arith.cmpi sge, %get3A_170, %ge3A_172 : vector<16xi32>
        %add3A_174 = arith.constant 64 : i32
        %add3A_175 = vector.broadcast %add3A_174 : i32 to vector<16xi32>
        %add3A_176 = arith.addi %add3A_175, %iota3A : vector<16xi32>
        %swap3A_177 = arith.index_cast %add3A_164 : i32 to index
        %swap3A_178 = tpu.vector_load %arg11[%swap3A_177] masked %ge3A_173 {strides = array<i32>} : memref<272xi32, #tpu.memory_space<vmem>>, vector<16xi32>, vector<16xi1>
        tpu.vector_store %arg11[%swap3A_177], %add3A_176 masked %ge3A_173 {strides = array<i32>} : memref<272xi32, #tpu.memory_space<vmem>>, vector<16xi32>, vector<16xi1>
        %swap3A_179 = arith.index_cast %add3A_164 : i32 to index
        %swap3A_180 = tpu.vector_load %arg12[%swap3A_179] masked %ge3A_173 {strides = array<i32>} : memref<272xi32, #tpu.memory_space<vmem>>, vector<16xi32>, vector<16xi1>
        tpu.vector_store %arg12[%swap3A_179], %get3A_170 masked %ge3A_173 {strides = array<i32>} : memref<272xi32, #tpu.memory_space<vmem>>, vector<16xi32>, vector<16xi1>
        %all_reduce_population_count3A_181 = tpu.all_reduce %ge3A_173 {dim = 0 : i64, kind = #tpu.reduction_kind<sum>} : vector<16xi1> -> vector<16xi32>
        %slice3A_182 = vector.extract_strided_slice %all_reduce_population_count3A_181 {offsets = [0], sizes = [1], strides = [1]} : vector<16xi32> to vector<1xi32>
        %squeeze3A_183 = vector.extract %slice3A_182[0] : i32 from vector<1xi32>
        %add3A_184 = arith.addi %add3A_164, %squeeze3A_183 : i32
        %mul3A_185 = arith.constant 256 : i32
        %mul3A_186 = arith.muli %add3A_61, %mul3A_185 : i32
        %add3A_187 = arith.constant 80 : i32
        %add3A_188 = arith.addi %mul3A_186, %add3A_187 : i32
        %get3A_189 = arith.index_cast %add3A_188 : i32 to index
        %get3A_190 = tpu.vector_load %arg5[%get3A_189] {strides = array<i32>} : memref<31488xi32, #tpu.memory_space<vmem>>, vector<16xi32>,
        %ge3A_191 = arith.constant 0 : i32
        %ge3A_192 = vector.broadcast %ge3A_191 : i32 to vector<16xi32>
        %ge3A_193 = arith.cmpi sge, %get3A_190, %ge3A_192 : vector<16xi32>
        %add3A_194 = arith.constant 80 : i32
        %add3A_195 = vector.broadcast %add3A_194 : i32 to vector<16xi32>
        %add3A_196 = arith.addi %add3A_195, %iota3A : vector<16xi32>
        %swap3A_197 = arith.index_cast %add3A_184 : i32 to index
        %swap3A_198 = tpu.vector_load %arg11[%swap3A_197] masked %ge3A_193 {strides = array<i32>} : memref<272xi32, #tpu.memory_space<vmem>>, vector<16xi32>, vector<16xi1>
        tpu.vector_store %arg11[%swap3A_197], %add3A_196 masked %ge3A_193 {strides = array<i32>} : memref<272xi32, #tpu.memory_space<vmem>>, vector<16xi32>, vector<16xi1>
        %swap3A_199 = arith.index_cast %add3A_184 : i32 to index
        %swap3A_200 = tpu.vector_load %arg12[%swap3A_199] masked %ge3A_193 {strides = array<i32>} : memref<272xi32, #tpu.memory_space<vmem>>, vector<16xi32>, vector<16xi1>
        tpu.vector_store %arg12[%swap3A_199], %get3A_190 masked %ge3A_193 {strides = array<i32>} : memref<272xi32, #tpu.memory_space<vmem>>, vector<16xi32>, vector<16xi1>
        %all_reduce_population_count3A_201 = tpu.all_reduce %ge3A_193 {dim = 0 : i64, kind = #tpu.reduction_kind<sum>} : vector<16xi1> -> vector<16xi32>
        %slice3A_202 = vector.extract_strided_slice %all_reduce_population_count3A_201 {offsets = [0], sizes = [1], strides = [1]} : vector<16xi32> to vector<1xi32>
        %squeeze3A_203 = vector.extract %slice3A_202[0] : i32 from vector<1xi32>
        %add3A_204 = arith.addi %add3A_184, %squeeze3A_203 : i32
        %mul3A_205 = arith.constant 256 : i32
        %mul3A_206 = arith.muli %add3A_61, %mul3A_205 : i32
        %add3A_207 = arith.constant 96 : i32
        %add3A_208 = arith.addi %mul3A_206, %add3A_207 : i32
        %get3A_209 = arith.index_cast %add3A_208 : i32 to index
        %get3A_210 = tpu.vector_load %arg5[%get3A_209] {strides = array<i32>} : memref<31488xi32, #tpu.memory_space<vmem>>, vector<16xi32>,
        %ge3A_211 = arith.constant 0 : i32
        %ge3A_212 = vector.broadcast %ge3A_211 : i32 to vector<16xi32>
        %ge3A_213 = arith.cmpi sge, %get3A_210, %ge3A_212 : vector<16xi32>
        %add3A_214 = arith.constant 96 : i32
        %add3A_215 = vector.broadcast %add3A_214 : i32 to vector<16xi32>
        %add3A_216 = arith.addi %add3A_215, %iota3A : vector<16xi32>
        %swap3A_217 = arith.index_cast %add3A_204 : i32 to index
        %swap3A_218 = tpu.vector_load %arg11[%swap3A_217] masked %ge3A_213 {strides = array<i32>} : memref<272xi32, #tpu.memory_space<vmem>>, vector<16xi32>, vector<16xi1>
        tpu.vector_store %arg11[%swap3A_217], %add3A_216 masked %ge3A_213 {strides = array<i32>} : memref<272xi32, #tpu.memory_space<vmem>>, vector<16xi32>, vector<16xi1>
        %swap3A_219 = arith.index_cast %add3A_204 : i32 to index
        %swap3A_220 = tpu.vector_load %arg12[%swap3A_219] masked %ge3A_213 {strides = array<i32>} : memref<272xi32, #tpu.memory_space<vmem>>, vector<16xi32>, vector<16xi1>
        tpu.vector_store %arg12[%swap3A_219], %get3A_210 masked %ge3A_213 {strides = array<i32>} : memref<272xi32, #tpu.memory_space<vmem>>, vector<16xi32>, vector<16xi1>
        %all_reduce_population_count3A_221 = tpu.all_reduce %ge3A_213 {dim = 0 : i64, kind = #tpu.reduction_kind<sum>} : vector<16xi1> -> vector<16xi32>
        %slice3A_222 = vector.extract_strided_slice %all_reduce_population_count3A_221 {offsets = [0], sizes = [1], strides = [1]} : vector<16xi32> to vector<1xi32>
        %squeeze3A_223 = vector.extract %slice3A_222[0] : i32 from vector<1xi32>
        %add3A_224 = arith.addi %add3A_204, %squeeze3A_223 : i32
        %mul3A_225 = arith.constant 256 : i32
        %mul3A_226 = arith.muli %add3A_61, %mul3A_225 : i32
        %add3A_227 = arith.constant 112 : i32
        %add3A_228 = arith.addi %mul3A_226, %add3A_227 : i32
        %get3A_229 = arith.index_cast %add3A_228 : i32 to index
        %get3A_230 = tpu.vector_load %arg5[%get3A_229] {strides = array<i32>} : memref<31488xi32, #tpu.memory_space<vmem>>, vector<16xi32>,
        %ge3A_231 = arith.constant 0 : i32
        %ge3A_232 = vector.broadcast %ge3A_231 : i32 to vector<16xi32>
        %ge3A_233 = arith.cmpi sge, %get3A_230, %ge3A_232 : vector<16xi32>
        %add3A_234 = arith.constant 112 : i32
        %add3A_235 = vector.broadcast %add3A_234 : i32 to vector<16xi32>
        %add3A_236 = arith.addi %add3A_235, %iota3A : vector<16xi32>
        %swap3A_237 = arith.index_cast %add3A_224 : i32 to index
        %swap3A_238 = tpu.vector_load %arg11[%swap3A_237] masked %ge3A_233 {strides = array<i32>} : memref<272xi32, #tpu.memory_space<vmem>>, vector<16xi32>, vector<16xi1>
        tpu.vector_store %arg11[%swap3A_237], %add3A_236 masked %ge3A_233 {strides = array<i32>} : memref<272xi32, #tpu.memory_space<vmem>>, vector<16xi32>, vector<16xi1>
        %swap3A_239 = arith.index_cast %add3A_224 : i32 to index
        %swap3A_240 = tpu.vector_load %arg12[%swap3A_239] masked %ge3A_233 {strides = array<i32>} : memref<272xi32, #tpu.memory_space<vmem>>, vector<16xi32>, vector<16xi1>
        tpu.vector_store %arg12[%swap3A_239], %get3A_230 masked %ge3A_233 {strides = array<i32>} : memref<272xi32, #tpu.memory_space<vmem>>, vector<16xi32>, vector<16xi1>
        %all_reduce_population_count3A_241 = tpu.all_reduce %ge3A_233 {dim = 0 : i64, kind = #tpu.reduction_kind<sum>} : vector<16xi1> -> vector<16xi32>
        %slice3A_242 = vector.extract_strided_slice %all_reduce_population_count3A_241 {offsets = [0], sizes = [1], strides = [1]} : vector<16xi32> to vector<1xi32>
        %squeeze3A_243 = vector.extract %slice3A_242[0] : i32 from vector<1xi32>
        %add3A_244 = arith.addi %add3A_224, %squeeze3A_243 : i32
        %mul3A_245 = arith.constant 256 : i32
        %mul3A_246 = arith.muli %add3A_61, %mul3A_245 : i32
        %add3A_247 = arith.constant 128 : i32
        %add3A_248 = arith.addi %mul3A_246, %add3A_247 : i32
        %get3A_249 = arith.index_cast %add3A_248 : i32 to index
        %get3A_250 = tpu.vector_load %arg5[%get3A_249] {strides = array<i32>} : memref<31488xi32, #tpu.memory_space<vmem>>, vector<16xi32>,
        %ge3A_251 = arith.constant 0 : i32
        %ge3A_252 = vector.broadcast %ge3A_251 : i32 to vector<16xi32>
        %ge3A_253 = arith.cmpi sge, %get3A_250, %ge3A_252 : vector<16xi32>
        %add3A_254 = arith.constant 128 : i32
        %add3A_255 = vector.broadcast %add3A_254 : i32 to vector<16xi32>
        %add3A_256 = arith.addi %add3A_255, %iota3A : vector<16xi32>
        %swap3A_257 = arith.index_cast %add3A_244 : i32 to index
        %swap3A_258 = tpu.vector_load %arg11[%swap3A_257] masked %ge3A_253 {strides = array<i32>} : memref<272xi32, #tpu.memory_space<vmem>>, vector<16xi32>, vector<16xi1>
        tpu.vector_store %arg11[%swap3A_257], %add3A_256 masked %ge3A_253 {strides = array<i32>} : memref<272xi32, #tpu.memory_space<vmem>>, vector<16xi32>, vector<16xi1>
        %swap3A_259 = arith.index_cast %add3A_244 : i32 to index
        %swap3A_260 = tpu.vector_load %arg12[%swap3A_259] masked %ge3A_253 {strides = array<i32>} : memref<272xi32, #tpu.memory_space<vmem>>, vector<16xi32>, vector<16xi1>
        tpu.vector_store %arg12[%swap3A_259], %get3A_250 masked %ge3A_253 {strides = array<i32>} : memref<272xi32, #tpu.memory_space<vmem>>, vector<16xi32>, vector<16xi1>
        %all_reduce_population_count3A_261 = tpu.all_reduce %ge3A_253 {dim = 0 : i64, kind = #tpu.reduction_kind<sum>} : vector<16xi1> -> vector<16xi32>
        %slice3A_262 = vector.extract_strided_slice %all_reduce_population_count3A_261 {offsets = [0], sizes = [1], strides = [1]} : vector<16xi32> to vector<1xi32>
        %squeeze3A_263 = vector.extract %slice3A_262[0] : i32 from vector<1xi32>
        %add3A_264 = arith.addi %add3A_244, %squeeze3A_263 : i32
        %mul3A_265 = arith.constant 256 : i32
        %mul3A_266 = arith.muli %add3A_61, %mul3A_265 : i32
        %add3A_267 = arith.constant 144 : i32
        %add3A_268 = arith.addi %mul3A_266, %add3A_267 : i32
        %get3A_269 = arith.index_cast %add3A_268 : i32 to index
        %get3A_270 = tpu.vector_load %arg5[%get3A_269] {strides = array<i32>} : memref<31488xi32, #tpu.memory_space<vmem>>, vector<16xi32>,
        %ge3A_271 = arith.constant 0 : i32
        %ge3A_272 = vector.broadcast %ge3A_271 : i32 to vector<16xi32>
        %ge3A_273 = arith.cmpi sge, %get3A_270, %ge3A_272 : vector<16xi32>
        %add3A_274 = arith.constant 144 : i32
        %add3A_275 = vector.broadcast %add3A_274 : i32 to vector<16xi32>
        %add3A_276 = arith.addi %add3A_275, %iota3A : vector<16xi32>
        %swap3A_277 = arith.index_cast %add3A_264 : i32 to index
        %swap3A_278 = tpu.vector_load %arg11[%swap3A_277] masked %ge3A_273 {strides = array<i32>} : memref<272xi32, #tpu.memory_space<vmem>>, vector<16xi32>, vector<16xi1>
        tpu.vector_store %arg11[%swap3A_277], %add3A_276 masked %ge3A_273 {strides = array<i32>} : memref<272xi32, #tpu.memory_space<vmem>>, vector<16xi32>, vector<16xi1>
        %swap3A_279 = arith.index_cast %add3A_264 : i32 to index
        %swap3A_280 = tpu.vector_load %arg12[%swap3A_279] masked %ge3A_273 {strides = array<i32>} : memref<272xi32, #tpu.memory_space<vmem>>, vector<16xi32>, vector<16xi1>
        tpu.vector_store %arg12[%swap3A_279], %get3A_270 masked %ge3A_273 {strides = array<i32>} : memref<272xi32, #tpu.memory_space<vmem>>, vector<16xi32>, vector<16xi1>
        %all_reduce_population_count3A_281 = tpu.all_reduce %ge3A_273 {dim = 0 : i64, kind = #tpu.reduction_kind<sum>} : vector<16xi1> -> vector<16xi32>
        %slice3A_282 = vector.extract_strided_slice %all_reduce_population_count3A_281 {offsets = [0], sizes = [1], strides = [1]} : vector<16xi32> to vector<1xi32>
        %squeeze3A_283 = vector.extract %slice3A_282[0] : i32 from vector<1xi32>
        %add3A_284 = arith.addi %add3A_264, %squeeze3A_283 : i32
        %mul3A_285 = arith.constant 256 : i32
        %mul3A_286 = arith.muli %add3A_61, %mul3A_285 : i32
        %add3A_287 = arith.constant 160 : i32
        %add3A_288 = arith.addi %mul3A_286, %add3A_287 : i32
        %get3A_289 = arith.index_cast %add3A_288 : i32 to index
        %get3A_290 = tpu.vector_load %arg5[%get3A_289] {strides = array<i32>} : memref<31488xi32, #tpu.memory_space<vmem>>, vector<16xi32>,
        %ge3A_291 = arith.constant 0 : i32
        %ge3A_292 = vector.broadcast %ge3A_291 : i32 to vector<16xi32>
        %ge3A_293 = arith.cmpi sge, %get3A_290, %ge3A_292 : vector<16xi32>
        %add3A_294 = arith.constant 160 : i32
        %add3A_295 = vector.broadcast %add3A_294 : i32 to vector<16xi32>
        %add3A_296 = arith.addi %add3A_295, %iota3A : vector<16xi32>
        %swap3A_297 = arith.index_cast %add3A_284 : i32 to index
        %swap3A_298 = tpu.vector_load %arg11[%swap3A_297] masked %ge3A_293 {strides = array<i32>} : memref<272xi32, #tpu.memory_space<vmem>>, vector<16xi32>, vector<16xi1>
        tpu.vector_store %arg11[%swap3A_297], %add3A_296 masked %ge3A_293 {strides = array<i32>} : memref<272xi32, #tpu.memory_space<vmem>>, vector<16xi32>, vector<16xi1>
        %swap3A_299 = arith.index_cast %add3A_284 : i32 to index
        %swap3A_300 = tpu.vector_load %arg12[%swap3A_299] masked %ge3A_293 {strides = array<i32>} : memref<272xi32, #tpu.memory_space<vmem>>, vector<16xi32>, vector<16xi1>
        tpu.vector_store %arg12[%swap3A_299], %get3A_290 masked %ge3A_293 {strides = array<i32>} : memref<272xi32, #tpu.memory_space<vmem>>, vector<16xi32>, vector<16xi1>
        %all_reduce_population_count3A_301 = tpu.all_reduce %ge3A_293 {dim = 0 : i64, kind = #tpu.reduction_kind<sum>} : vector<16xi1> -> vector<16xi32>
        %slice3A_302 = vector.extract_strided_slice %all_reduce_population_count3A_301 {offsets = [0], sizes = [1], strides = [1]} : vector<16xi32> to vector<1xi32>
        %squeeze3A_303 = vector.extract %slice3A_302[0] : i32 from vector<1xi32>
        %add3A_304 = arith.addi %add3A_284, %squeeze3A_303 : i32
        %mul3A_305 = arith.constant 256 : i32
        %mul3A_306 = arith.muli %add3A_61, %mul3A_305 : i32
        %add3A_307 = arith.constant 176 : i32
        %add3A_308 = arith.addi %mul3A_306, %add3A_307 : i32
        %get3A_309 = arith.index_cast %add3A_308 : i32 to index
        %get3A_310 = tpu.vector_load %arg5[%get3A_309] {strides = array<i32>} : memref<31488xi32, #tpu.memory_space<vmem>>, vector<16xi32>,
        %ge3A_311 = arith.constant 0 : i32
        %ge3A_312 = vector.broadcast %ge3A_311 : i32 to vector<16xi32>
        %ge3A_313 = arith.cmpi sge, %get3A_310, %ge3A_312 : vector<16xi32>
        %add3A_314 = arith.constant 176 : i32
        %add3A_315 = vector.broadcast %add3A_314 : i32 to vector<16xi32>
        %add3A_316 = arith.addi %add3A_315, %iota3A : vector<16xi32>
        %swap3A_317 = arith.index_cast %add3A_304 : i32 to index
        %swap3A_318 = tpu.vector_load %arg11[%swap3A_317] masked %ge3A_313 {strides = array<i32>} : memref<272xi32, #tpu.memory_space<vmem>>, vector<16xi32>, vector<16xi1>
        tpu.vector_store %arg11[%swap3A_317], %add3A_316 masked %ge3A_313 {strides = array<i32>} : memref<272xi32, #tpu.memory_space<vmem>>, vector<16xi32>, vector<16xi1>
        %swap3A_319 = arith.index_cast %add3A_304 : i32 to index
        %swap3A_320 = tpu.vector_load %arg12[%swap3A_319] masked %ge3A_313 {strides = array<i32>} : memref<272xi32, #tpu.memory_space<vmem>>, vector<16xi32>, vector<16xi1>
        tpu.vector_store %arg12[%swap3A_319], %get3A_310 masked %ge3A_313 {strides = array<i32>} : memref<272xi32, #tpu.memory_space<vmem>>, vector<16xi32>, vector<16xi1>
        %all_reduce_population_count3A_321 = tpu.all_reduce %ge3A_313 {dim = 0 : i64, kind = #tpu.reduction_kind<sum>} : vector<16xi1> -> vector<16xi32>
        %slice3A_322 = vector.extract_strided_slice %all_reduce_population_count3A_321 {offsets = [0], sizes = [1], strides = [1]} : vector<16xi32> to vector<1xi32>
        %squeeze3A_323 = vector.extract %slice3A_322[0] : i32 from vector<1xi32>
        %add3A_324 = arith.addi %add3A_304, %squeeze3A_323 : i32
        %mul3A_325 = arith.constant 256 : i32
        %mul3A_326 = arith.muli %add3A_61, %mul3A_325 : i32
        %add3A_327 = arith.constant 192 : i32
        %add3A_328 = arith.addi %mul3A_326, %add3A_327 : i32
        %get3A_329 = arith.index_cast %add3A_328 : i32 to index
        %get3A_330 = tpu.vector_load %arg5[%get3A_329] {strides = array<i32>} : memref<31488xi32, #tpu.memory_space<vmem>>, vector<16xi32>,
        %ge3A_331 = arith.constant 0 : i32
        %ge3A_332 = vector.broadcast %ge3A_331 : i32 to vector<16xi32>
        %ge3A_333 = arith.cmpi sge, %get3A_330, %ge3A_332 : vector<16xi32>
        %add3A_334 = arith.constant 192 : i32
        %add3A_335 = vector.broadcast %add3A_334 : i32 to vector<16xi32>
        %add3A_336 = arith.addi %add3A_335, %iota3A : vector<16xi32>
        %swap3A_337 = arith.index_cast %add3A_324 : i32 to index
        %swap3A_338 = tpu.vector_load %arg11[%swap3A_337] masked %ge3A_333 {strides = array<i32>} : memref<272xi32, #tpu.memory_space<vmem>>, vector<16xi32>, vector<16xi1>
        tpu.vector_store %arg11[%swap3A_337], %add3A_336 masked %ge3A_333 {strides = array<i32>} : memref<272xi32, #tpu.memory_space<vmem>>, vector<16xi32>, vector<16xi1>
        %swap3A_339 = arith.index_cast %add3A_324 : i32 to index
        %swap3A_340 = tpu.vector_load %arg12[%swap3A_339] masked %ge3A_333 {strides = array<i32>} : memref<272xi32, #tpu.memory_space<vmem>>, vector<16xi32>, vector<16xi1>
        tpu.vector_store %arg12[%swap3A_339], %get3A_330 masked %ge3A_333 {strides = array<i32>} : memref<272xi32, #tpu.memory_space<vmem>>, vector<16xi32>, vector<16xi1>
        %all_reduce_population_count3A_341 = tpu.all_reduce %ge3A_333 {dim = 0 : i64, kind = #tpu.reduction_kind<sum>} : vector<16xi1> -> vector<16xi32>
        %slice3A_342 = vector.extract_strided_slice %all_reduce_population_count3A_341 {offsets = [0], sizes = [1], strides = [1]} : vector<16xi32> to vector<1xi32>
        %squeeze3A_343 = vector.extract %slice3A_342[0] : i32 from vector<1xi32>
        %add3A_344 = arith.addi %add3A_324, %squeeze3A_343 : i32
        %mul3A_345 = arith.constant 256 : i32
        %mul3A_346 = arith.muli %add3A_61, %mul3A_345 : i32
        %add3A_347 = arith.constant 208 : i32
        %add3A_348 = arith.addi %mul3A_346, %add3A_347 : i32
        %get3A_349 = arith.index_cast %add3A_348 : i32 to index
        %get3A_350 = tpu.vector_load %arg5[%get3A_349] {strides = array<i32>} : memref<31488xi32, #tpu.memory_space<vmem>>, vector<16xi32>,
        %ge3A_351 = arith.constant 0 : i32
        %ge3A_352 = vector.broadcast %ge3A_351 : i32 to vector<16xi32>
        %ge3A_353 = arith.cmpi sge, %get3A_350, %ge3A_352 : vector<16xi32>
        %add3A_354 = arith.constant 208 : i32
        %add3A_355 = vector.broadcast %add3A_354 : i32 to vector<16xi32>
        %add3A_356 = arith.addi %add3A_355, %iota3A : vector<16xi32>
        %swap3A_357 = arith.index_cast %add3A_344 : i32 to index
        %swap3A_358 = tpu.vector_load %arg11[%swap3A_357] masked %ge3A_353 {strides = array<i32>} : memref<272xi32, #tpu.memory_space<vmem>>, vector<16xi32>, vector<16xi1>
        tpu.vector_store %arg11[%swap3A_357], %add3A_356 masked %ge3A_353 {strides = array<i32>} : memref<272xi32, #tpu.memory_space<vmem>>, vector<16xi32>, vector<16xi1>
        %swap3A_359 = arith.index_cast %add3A_344 : i32 to index
        %swap3A_360 = tpu.vector_load %arg12[%swap3A_359] masked %ge3A_353 {strides = array<i32>} : memref<272xi32, #tpu.memory_space<vmem>>, vector<16xi32>, vector<16xi1>
        tpu.vector_store %arg12[%swap3A_359], %get3A_350 masked %ge3A_353 {strides = array<i32>} : memref<272xi32, #tpu.memory_space<vmem>>, vector<16xi32>, vector<16xi1>
        %all_reduce_population_count3A_361 = tpu.all_reduce %ge3A_353 {dim = 0 : i64, kind = #tpu.reduction_kind<sum>} : vector<16xi1> -> vector<16xi32>
        %slice3A_362 = vector.extract_strided_slice %all_reduce_population_count3A_361 {offsets = [0], sizes = [1], strides = [1]} : vector<16xi32> to vector<1xi32>
        %squeeze3A_363 = vector.extract %slice3A_362[0] : i32 from vector<1xi32>
        %add3A_364 = arith.addi %add3A_344, %squeeze3A_363 : i32
        %mul3A_365 = arith.constant 256 : i32
        %mul3A_366 = arith.muli %add3A_61, %mul3A_365 : i32
        %add3A_367 = arith.constant 224 : i32
        %add3A_368 = arith.addi %mul3A_366, %add3A_367 : i32
        %get3A_369 = arith.index_cast %add3A_368 : i32 to index
        %get3A_370 = tpu.vector_load %arg5[%get3A_369] {strides = array<i32>} : memref<31488xi32, #tpu.memory_space<vmem>>, vector<16xi32>,
        %ge3A_371 = arith.constant 0 : i32
        %ge3A_372 = vector.broadcast %ge3A_371 : i32 to vector<16xi32>
        %ge3A_373 = arith.cmpi sge, %get3A_370, %ge3A_372 : vector<16xi32>
        %add3A_374 = arith.constant 224 : i32
        %add3A_375 = vector.broadcast %add3A_374 : i32 to vector<16xi32>
        %add3A_376 = arith.addi %add3A_375, %iota3A : vector<16xi32>
        %swap3A_377 = arith.index_cast %add3A_364 : i32 to index
        %swap3A_378 = tpu.vector_load %arg11[%swap3A_377] masked %ge3A_373 {strides = array<i32>} : memref<272xi32, #tpu.memory_space<vmem>>, vector<16xi32>, vector<16xi1>
        tpu.vector_store %arg11[%swap3A_377], %add3A_376 masked %ge3A_373 {strides = array<i32>} : memref<272xi32, #tpu.memory_space<vmem>>, vector<16xi32>, vector<16xi1>
        %swap3A_379 = arith.index_cast %add3A_364 : i32 to index
        %swap3A_380 = tpu.vector_load %arg12[%swap3A_379] masked %ge3A_373 {strides = array<i32>} : memref<272xi32, #tpu.memory_space<vmem>>, vector<16xi32>, vector<16xi1>
        tpu.vector_store %arg12[%swap3A_379], %get3A_370 masked %ge3A_373 {strides = array<i32>} : memref<272xi32, #tpu.memory_space<vmem>>, vector<16xi32>, vector<16xi1>
        %all_reduce_population_count3A_381 = tpu.all_reduce %ge3A_373 {dim = 0 : i64, kind = #tpu.reduction_kind<sum>} : vector<16xi1> -> vector<16xi32>
        %slice3A_382 = vector.extract_strided_slice %all_reduce_population_count3A_381 {offsets = [0], sizes = [1], strides = [1]} : vector<16xi32> to vector<1xi32>
        %squeeze3A_383 = vector.extract %slice3A_382[0] : i32 from vector<1xi32>
        %add3A_384 = arith.addi %add3A_364, %squeeze3A_383 : i32
        %mul3A_385 = arith.constant 256 : i32
        %mul3A_386 = arith.muli %add3A_61, %mul3A_385 : i32
        %add3A_387 = arith.constant 240 : i32
        %add3A_388 = arith.addi %mul3A_386, %add3A_387 : i32
        %get3A_389 = arith.index_cast %add3A_388 : i32 to index
        %get3A_390 = tpu.vector_load %arg5[%get3A_389] {strides = array<i32>} : memref<31488xi32, #tpu.memory_space<vmem>>, vector<16xi32>,
        %ge3A_391 = arith.constant 0 : i32
        %ge3A_392 = vector.broadcast %ge3A_391 : i32 to vector<16xi32>
        %ge3A_393 = arith.cmpi sge, %get3A_390, %ge3A_392 : vector<16xi32>
        %add3A_394 = arith.constant 240 : i32
        %add3A_395 = vector.broadcast %add3A_394 : i32 to vector<16xi32>
        %add3A_396 = arith.addi %add3A_395, %iota3A : vector<16xi32>
        %swap3A_397 = arith.index_cast %add3A_384 : i32 to index
        %swap3A_398 = tpu.vector_load %arg11[%swap3A_397] masked %ge3A_393 {strides = array<i32>} : memref<272xi32, #tpu.memory_space<vmem>>, vector<16xi32>, vector<16xi1>
        tpu.vector_store %arg11[%swap3A_397], %add3A_396 masked %ge3A_393 {strides = array<i32>} : memref<272xi32, #tpu.memory_space<vmem>>, vector<16xi32>, vector<16xi1>
        %swap3A_399 = arith.index_cast %add3A_384 : i32 to index
        %swap3A_400 = tpu.vector_load %arg12[%swap3A_399] masked %ge3A_393 {strides = array<i32>} : memref<272xi32, #tpu.memory_space<vmem>>, vector<16xi32>, vector<16xi1>
        tpu.vector_store %arg12[%swap3A_399], %get3A_390 masked %ge3A_393 {strides = array<i32>} : memref<272xi32, #tpu.memory_space<vmem>>, vector<16xi32>, vector<16xi1>
        %all_reduce_population_count3A_401 = tpu.all_reduce %ge3A_393 {dim = 0 : i64, kind = #tpu.reduction_kind<sum>} : vector<16xi1> -> vector<16xi32>
        %slice3A_402 = vector.extract_strided_slice %all_reduce_population_count3A_401 {offsets = [0], sizes = [1], strides = [1]} : vector<16xi32> to vector<1xi32>
        %squeeze3A_403 = vector.extract %slice3A_402[0] : i32 from vector<1xi32>
        %add3A_404 = arith.addi %add3A_384, %squeeze3A_403 : i32
        %while3A_405 = arith.constant 0 : i32
        %while3A_406 = arith.constant 0 : i32
        %while3A_407 = arith.subi %add3A_404, %while3A_406 : i32
        %while3A_408 = arith.addi %while3A_406, %while3A_407 : i32
        %while3A_409 = arith.constant 1 : i32
        %while3A_410 = arith.divsi %while3A_407, %while3A_409 : i32
        %while3A_411 = arith.muli %while3A_410, %while3A_409 : i32
        %while3A_412 = arith.addi %while3A_406, %while3A_411 : i32
        %while3A_413 = arith.constant 1 : i32
        scf.for %while3A_427 = %while3A_406 to %while3A_412 step %while3A_413  : i32 {
          %get3A_428 = arith.index_cast %while3A_427 : i32 to index
          %get3A_429 = tpu.vector_load %arg11[%get3A_428] {strides = array<i32>} : memref<272xi32, #tpu.memory_space<vmem>>, vector<16xi32>,
          %slice3A_430 = vector.extract_strided_slice %get3A_429 {offsets = [0], sizes = [1], strides = [1]} : vector<16xi32> to vector<1xi32>
          %squeeze3A_431 = vector.extract %slice3A_430[0] : i32 from vector<1xi32>
          %get3A_432 = arith.index_cast %while3A_427 : i32 to index
          %get3A_433 = tpu.vector_load %arg12[%get3A_432] {strides = array<i32>} : memref<272xi32, #tpu.memory_space<vmem>>, vector<16xi32>,
          %slice3A_434 = vector.extract_strided_slice %get3A_433 {offsets = [0], sizes = [1], strides = [1]} : vector<16xi32> to vector<1xi32>
          %squeeze3A_435 = vector.extract %slice3A_434[0] : i32 from vector<1xi32>
          %ge3A_436 = arith.constant 8 : i32
          %ge3A_437 = arith.cmpi sge, %while3A_427, %ge3A_436 : i32
          %convert_element_type3A_438 = arith.extui %ge3A_437 : i1 to i32
          %cond3A_439 = arith.constant 0 : i32
          %cond3A_440 = arith.cmpi ne, %convert_element_type3A_438, %cond3A_439 : i32
          scf.if %cond3A_440 {
            %dma_wait3A_529 = arith.constant 0 : i32
            %dma_wait3A_530 = arith.constant 0 : i32
            %dma_wait3A_531 = tpu.memref_slice %arg13[%dma_wait3A_529, %dma_wait3A_530] : memref<8x128xf32, #tpu.memory_space<vmem>> -> memref<1x128xf32, #tpu.memory_space<vmem>>
            %dma_wait3A_532 = arith.constant 0 : i32
            %dma_wait3A_533 = arith.constant 0 : i32
            %dma_wait3A_534 = tpu.memref_slice %arg4[%dma_wait3A_532, %dma_wait3A_533] : memref<51200x128xf32, #tpu.memory_space<hbm>> -> memref<1x128xf32, #tpu.memory_space<hbm>>
            %dma_wait3A_535 = arith.constant 0 : i32
            %dma_wait3A_536 = arith.constant 0 : i32
            %dma_wait3A_537 = tpu.memref_slice %arg4[%dma_wait3A_535, %dma_wait3A_536] : memref<51200x128xf32, #tpu.memory_space<hbm>> -> memref<1x128xf32, #tpu.memory_space<hbm>>
            %dma_wait3A_538 = arith.constant 0 : i32
            %dma_wait3A_539 = arith.constant 0 : i32
            %dma_wait3A_540 = tpu.memref_slice %arg13[%dma_wait3A_538, %dma_wait3A_539] : memref<8x128xf32, #tpu.memory_space<vmem>> -> memref<1x128xf32, #tpu.memory_space<vmem>>
            tpu.wait_dma2 semaphore(%arg15 : memref<!tpu.dma_semaphore, #tpu.memory_space<semaphore_mem>>) src(%dma_wait3A_540 : memref<1x128xf32, #tpu.memory_space<vmem>>) dst(%dma_wait3A_537 : memref<1x128xf32, #tpu.memory_space<hbm>>)
          } else {
          }
          %jit3A = arith.constant 8 : i32
          %eq3A = arith.constant 0 : i32
          %eq3A_441 = arith.cmpi eq, %jit3A, %eq3A : i32
          %jit3A_442 = arith.constant 1 : i32
          %select_n3A = arith.select %eq3A_441, %jit3A_442, %jit3A : i32
          %rem3A = arith.remsi %while3A_427, %select_n3A : i32
          %ne3A = arith.constant 0 : i32
          %ne3A_443 = arith.cmpi ne, %rem3A, %ne3A : i32
          %lt3A_444 = arith.constant 0 : i32
          %lt3A_445 = arith.cmpi slt, %rem3A, %lt3A_444 : i32
          %lt3A_446 = arith.constant 0 : i32
          %lt3A_447 = arith.cmpi slt, %select_n3A, %lt3A_446 : i32
          %ne3A_448 = arith.xori %lt3A_445, %lt3A_447 : i1
          %and3A = arith.andi %ne3A_448, %ne3A_443 : i1
          %add3A_449 = arith.addi %rem3A, %select_n3A : i32
          %select_n3A_450 = arith.select %and3A, %add3A_449, %rem3A : i32
          %broadcast_in_dim3A_451 = vector.broadcast %squeeze3A_431 : i32 to vector<16xi32>
          %add3A_452 = arith.constant 0 : i32
          %add3A_453 = vector.broadcast %add3A_452 : i32 to vector<16xi32>
          %add3A_454 = arith.addi %add3A_453, %iota3A : vector<16xi32>
          %lt3A_455 = arith.constant 100 : i32
          %lt3A_456 = vector.broadcast %lt3A_455 : i32 to vector<16xi32>
          %lt3A_457 = arith.cmpi slt, %add3A_454, %lt3A_456 : vector<16xi32>
          %gather3A = tpu.vector_load_idx %arg8[%add3A_454, %broadcast_in_dim3A_451] masked %lt3A_457 : memref<100x256xf32, #tpu.memory_space<vmem>>[vector<16xi32>, vector<16xi32>], vector<16xf32>, vector<16xi1>
          %swap3A_458 = arith.index_cast %select_n3A_450 : i32 to index
          %swap3A_459 = arith.constant 0 : index
          %swap3A_460 = tpu.vector_load %arg13[%swap3A_458, %swap3A_459] {strides = array<i32>} : memref<8x128xf32, #tpu.memory_space<vmem>>, vector<16xf32>,
          tpu.vector_store %arg13[%swap3A_458, %swap3A_459], %gather3A {strides = array<i32>} : memref<8x128xf32, #tpu.memory_space<vmem>>, vector<16xf32>,
          %add3A_461 = arith.constant 16 : i32
          %add3A_462 = vector.broadcast %add3A_461 : i32 to vector<16xi32>
          %add3A_463 = arith.addi %add3A_462, %iota3A : vector<16xi32>
          %lt3A_464 = arith.constant 100 : i32
          %lt3A_465 = vector.broadcast %lt3A_464 : i32 to vector<16xi32>
          %lt3A_466 = arith.cmpi slt, %add3A_463, %lt3A_465 : vector<16xi32>
          %gather3A_467 = tpu.vector_load_idx %arg8[%add3A_463, %broadcast_in_dim3A_451] masked %lt3A_466 : memref<100x256xf32, #tpu.memory_space<vmem>>[vector<16xi32>, vector<16xi32>], vector<16xf32>, vector<16xi1>
          %swap3A_468 = arith.index_cast %select_n3A_450 : i32 to index
          %swap3A_469 = arith.constant 16 : index
          %swap3A_470 = tpu.vector_load %arg13[%swap3A_468, %swap3A_469] {strides = array<i32>} : memref<8x128xf32, #tpu.memory_space<vmem>>, vector<16xf32>,
          tpu.vector_store %arg13[%swap3A_468, %swap3A_469], %gather3A_467 {strides = array<i32>} : memref<8x128xf32, #tpu.memory_space<vmem>>, vector<16xf32>,
          %add3A_471 = arith.constant 32 : i32
          %add3A_472 = vector.broadcast %add3A_471 : i32 to vector<16xi32>
          %add3A_473 = arith.addi %add3A_472, %iota3A : vector<16xi32>
          %lt3A_474 = arith.constant 100 : i32
          %lt3A_475 = vector.broadcast %lt3A_474 : i32 to vector<16xi32>
          %lt3A_476 = arith.cmpi slt, %add3A_473, %lt3A_475 : vector<16xi32>
          %gather3A_477 = tpu.vector_load_idx %arg8[%add3A_473, %broadcast_in_dim3A_451] masked %lt3A_476 : memref<100x256xf32, #tpu.memory_space<vmem>>[vector<16xi32>, vector<16xi32>], vector<16xf32>, vector<16xi1>
          %swap3A_478 = arith.index_cast %select_n3A_450 : i32 to index
          %swap3A_479 = arith.constant 32 : index
          %swap3A_480 = tpu.vector_load %arg13[%swap3A_478, %swap3A_479] {strides = array<i32>} : memref<8x128xf32, #tpu.memory_space<vmem>>, vector<16xf32>,
          tpu.vector_store %arg13[%swap3A_478, %swap3A_479], %gather3A_477 {strides = array<i32>} : memref<8x128xf32, #tpu.memory_space<vmem>>, vector<16xf32>,
          %add3A_481 = arith.constant 48 : i32
          %add3A_482 = vector.broadcast %add3A_481 : i32 to vector<16xi32>
          %add3A_483 = arith.addi %add3A_482, %iota3A : vector<16xi32>
          %lt3A_484 = arith.constant 100 : i32
          %lt3A_485 = vector.broadcast %lt3A_484 : i32 to vector<16xi32>
          %lt3A_486 = arith.cmpi slt, %add3A_483, %lt3A_485 : vector<16xi32>
          %gather3A_487 = tpu.vector_load_idx %arg8[%add3A_483, %broadcast_in_dim3A_451] masked %lt3A_486 : memref<100x256xf32, #tpu.memory_space<vmem>>[vector<16xi32>, vector<16xi32>], vector<16xf32>, vector<16xi1>
          %swap3A_488 = arith.index_cast %select_n3A_450 : i32 to index
          %swap3A_489 = arith.constant 48 : index
          %swap3A_490 = tpu.vector_load %arg13[%swap3A_488, %swap3A_489] {strides = array<i32>} : memref<8x128xf32, #tpu.memory_space<vmem>>, vector<16xf32>,
          tpu.vector_store %arg13[%swap3A_488, %swap3A_489], %gather3A_487 {strides = array<i32>} : memref<8x128xf32, #tpu.memory_space<vmem>>, vector<16xf32>,
          %add3A_491 = arith.constant 64 : i32
          %add3A_492 = vector.broadcast %add3A_491 : i32 to vector<16xi32>
          %add3A_493 = arith.addi %add3A_492, %iota3A : vector<16xi32>
          %lt3A_494 = arith.constant 100 : i32
          %lt3A_495 = vector.broadcast %lt3A_494 : i32 to vector<16xi32>
          %lt3A_496 = arith.cmpi slt, %add3A_493, %lt3A_495 : vector<16xi32>
          %gather3A_497 = tpu.vector_load_idx %arg8[%add3A_493, %broadcast_in_dim3A_451] masked %lt3A_496 : memref<100x256xf32, #tpu.memory_space<vmem>>[vector<16xi32>, vector<16xi32>], vector<16xf32>, vector<16xi1>
          %swap3A_498 = arith.index_cast %select_n3A_450 : i32 to index
          %swap3A_499 = arith.constant 64 : index
          %swap3A_500 = tpu.vector_load %arg13[%swap3A_498, %swap3A_499] {strides = array<i32>} : memref<8x128xf32, #tpu.memory_space<vmem>>, vector<16xf32>,
          tpu.vector_store %arg13[%swap3A_498, %swap3A_499], %gather3A_497 {strides = array<i32>} : memref<8x128xf32, #tpu.memory_space<vmem>>, vector<16xf32>,
          %add3A_501 = arith.constant 80 : i32
          %add3A_502 = vector.broadcast %add3A_501 : i32 to vector<16xi32>
          %add3A_503 = arith.addi %add3A_502, %iota3A : vector<16xi32>
          %lt3A_504 = arith.constant 100 : i32
          %lt3A_505 = vector.broadcast %lt3A_504 : i32 to vector<16xi32>
          %lt3A_506 = arith.cmpi slt, %add3A_503, %lt3A_505 : vector<16xi32>
          %gather3A_507 = tpu.vector_load_idx %arg8[%add3A_503, %broadcast_in_dim3A_451] masked %lt3A_506 : memref<100x256xf32, #tpu.memory_space<vmem>>[vector<16xi32>, vector<16xi32>], vector<16xf32>, vector<16xi1>
          %swap3A_508 = arith.index_cast %select_n3A_450 : i32 to index
          %swap3A_509 = arith.constant 80 : index
          %swap3A_510 = tpu.vector_load %arg13[%swap3A_508, %swap3A_509] {strides = array<i32>} : memref<8x128xf32, #tpu.memory_space<vmem>>, vector<16xf32>,
          tpu.vector_store %arg13[%swap3A_508, %swap3A_509], %gather3A_507 {strides = array<i32>} : memref<8x128xf32, #tpu.memory_space<vmem>>, vector<16xf32>,
          %add3A_511 = arith.constant 96 : i32
          %add3A_512 = vector.broadcast %add3A_511 : i32 to vector<16xi32>
          %add3A_513 = arith.addi %add3A_512, %iota3A : vector<16xi32>
          %lt3A_514 = arith.constant 100 : i32
          %lt3A_515 = vector.broadcast %lt3A_514 : i32 to vector<16xi32>
          %lt3A_516 = arith.cmpi slt, %add3A_513, %lt3A_515 : vector<16xi32>
          %gather3A_517 = tpu.vector_load_idx %arg8[%add3A_513, %broadcast_in_dim3A_451] masked %lt3A_516 : memref<100x256xf32, #tpu.memory_space<vmem>>[vector<16xi32>, vector<16xi32>], vector<16xf32>, vector<16xi1>
          %swap3A_518 = arith.index_cast %select_n3A_450 : i32 to index
          %swap3A_519 = arith.constant 96 : index
          %swap3A_520 = tpu.vector_load %arg13[%swap3A_518, %swap3A_519] {strides = array<i32>} : memref<8x128xf32, #tpu.memory_space<vmem>>, vector<16xf32>,
          tpu.vector_store %arg13[%swap3A_518, %swap3A_519], %gather3A_517 {strides = array<i32>} : memref<8x128xf32, #tpu.memory_space<vmem>>, vector<16xf32>,
          %dma_start3A_521 = arith.constant 0 : i32
          %dma_start3A_522 = tpu.memref_slice %arg13[%select_n3A_450, %dma_start3A_521] : memref<8x128xf32, #tpu.memory_space<vmem>> -> memref<1x128xf32, #tpu.memory_space<vmem>>
          %dma_start3A_523 = arith.constant 0 : i32
          %dma_start3A_524 = tpu.memref_slice %arg4[%squeeze3A_435, %dma_start3A_523] : memref<51200x128xf32, #tpu.memory_space<hbm>> -> memref<1x128xf32, #tpu.memory_space<hbm>>
          %dma_start3A_525 = arith.constant 0 : i32
          %dma_start3A_526 = tpu.memref_slice %arg4[%squeeze3A_435, %dma_start3A_525] : memref<51200x128xf32, #tpu.memory_space<hbm>> -> memref<1x128xf32, #tpu.memory_space<hbm>>
          %dma_start3A_527 = arith.constant 0 : i32
          %dma_start3A_528 = tpu.memref_slice %arg13[%select_n3A_450, %dma_start3A_527] : memref<8x128xf32, #tpu.memory_space<vmem>> -> memref<1x128xf32, #tpu.memory_space<vmem>>
          tpu.enqueue_dma source(%dma_start3A_528 : memref<1x128xf32, #tpu.memory_space<vmem>>) target(%dma_start3A_526 : memref<1x128xf32, #tpu.memory_space<hbm>>) target_semaphore(%arg15 : memref<!tpu.dma_semaphore, #tpu.memory_space<semaphore_mem>>)
        }
        %while3A_414 = arith.constant 1 : i32
        scf.for %while3A_427 = %while3A_412 to %while3A_408 step %while3A_414  : i32 {
          %get3A_428 = arith.index_cast %while3A_427 : i32 to index
          %get3A_429 = tpu.vector_load %arg11[%get3A_428] {strides = array<i32>} : memref<272xi32, #tpu.memory_space<vmem>>, vector<16xi32>,
          %slice3A_430 = vector.extract_strided_slice %get3A_429 {offsets = [0], sizes = [1], strides = [1]} : vector<16xi32> to vector<1xi32>
          %squeeze3A_431 = vector.extract %slice3A_430[0] : i32 from vector<1xi32>
          %get3A_432 = arith.index_cast %while3A_427 : i32 to index
          %get3A_433 = tpu.vector_load %arg12[%get3A_432] {strides = array<i32>} : memref<272xi32, #tpu.memory_space<vmem>>, vector<16xi32>,
          %slice3A_434 = vector.extract_strided_slice %get3A_433 {offsets = [0], sizes = [1], strides = [1]} : vector<16xi32> to vector<1xi32>
          %squeeze3A_435 = vector.extract %slice3A_434[0] : i32 from vector<1xi32>
          %ge3A_436 = arith.constant 8 : i32
          %ge3A_437 = arith.cmpi sge, %while3A_427, %ge3A_436 : i32
          %convert_element_type3A_438 = arith.extui %ge3A_437 : i1 to i32
          %cond3A_439 = arith.constant 0 : i32
          %cond3A_440 = arith.cmpi ne, %convert_element_type3A_438, %cond3A_439 : i32
          scf.if %cond3A_440 {
            %dma_wait3A_529 = arith.constant 0 : i32
            %dma_wait3A_530 = arith.constant 0 : i32
            %dma_wait3A_531 = tpu.memref_slice %arg13[%dma_wait3A_529, %dma_wait3A_530] : memref<8x128xf32, #tpu.memory_space<vmem>> -> memref<1x128xf32, #tpu.memory_space<vmem>>
            %dma_wait3A_532 = arith.constant 0 : i32
            %dma_wait3A_533 = arith.constant 0 : i32
            %dma_wait3A_534 = tpu.memref_slice %arg4[%dma_wait3A_532, %dma_wait3A_533] : memref<51200x128xf32, #tpu.memory_space<hbm>> -> memref<1x128xf32, #tpu.memory_space<hbm>>
            %dma_wait3A_535 = arith.constant 0 : i32
            %dma_wait3A_536 = arith.constant 0 : i32
            %dma_wait3A_537 = tpu.memref_slice %arg4[%dma_wait3A_535, %dma_wait3A_536] : memref<51200x128xf32, #tpu.memory_space<hbm>> -> memref<1x128xf32, #tpu.memory_space<hbm>>
            %dma_wait3A_538 = arith.constant 0 : i32
            %dma_wait3A_539 = arith.constant 0 : i32
            %dma_wait3A_540 = tpu.memref_slice %arg13[%dma_wait3A_538, %dma_wait3A_539] : memref<8x128xf32, #tpu.memory_space<vmem>> -> memref<1x128xf32, #tpu.memory_space<vmem>>
            tpu.wait_dma2 semaphore(%arg15 : memref<!tpu.dma_semaphore, #tpu.memory_space<semaphore_mem>>) src(%dma_wait3A_540 : memref<1x128xf32, #tpu.memory_space<vmem>>) dst(%dma_wait3A_537 : memref<1x128xf32, #tpu.memory_space<hbm>>)
          } else {
          }
          %jit3A = arith.constant 8 : i32
          %eq3A = arith.constant 0 : i32
          %eq3A_441 = arith.cmpi eq, %jit3A, %eq3A : i32
          %jit3A_442 = arith.constant 1 : i32
          %select_n3A = arith.select %eq3A_441, %jit3A_442, %jit3A : i32
          %rem3A = arith.remsi %while3A_427, %select_n3A : i32
          %ne3A = arith.constant 0 : i32
          %ne3A_443 = arith.cmpi ne, %rem3A, %ne3A : i32
          %lt3A_444 = arith.constant 0 : i32
          %lt3A_445 = arith.cmpi slt, %rem3A, %lt3A_444 : i32
          %lt3A_446 = arith.constant 0 : i32
          %lt3A_447 = arith.cmpi slt, %select_n3A, %lt3A_446 : i32
          %ne3A_448 = arith.xori %lt3A_445, %lt3A_447 : i1
          %and3A = arith.andi %ne3A_448, %ne3A_443 : i1
          %add3A_449 = arith.addi %rem3A, %select_n3A : i32
          %select_n3A_450 = arith.select %and3A, %add3A_449, %rem3A : i32
          %broadcast_in_dim3A_451 = vector.broadcast %squeeze3A_431 : i32 to vector<16xi32>
          %add3A_452 = arith.constant 0 : i32
          %add3A_453 = vector.broadcast %add3A_452 : i32 to vector<16xi32>
          %add3A_454 = arith.addi %add3A_453, %iota3A : vector<16xi32>
          %lt3A_455 = arith.constant 100 : i32
          %lt3A_456 = vector.broadcast %lt3A_455 : i32 to vector<16xi32>
          %lt3A_457 = arith.cmpi slt, %add3A_454, %lt3A_456 : vector<16xi32>
          %gather3A = tpu.vector_load_idx %arg8[%add3A_454, %broadcast_in_dim3A_451] masked %lt3A_457 : memref<100x256xf32, #tpu.memory_space<vmem>>[vector<16xi32>, vector<16xi32>], vector<16xf32>, vector<16xi1>
          %swap3A_458 = arith.index_cast %select_n3A_450 : i32 to index
          %swap3A_459 = arith.constant 0 : index
          %swap3A_460 = tpu.vector_load %arg13[%swap3A_458, %swap3A_459] {strides = array<i32>} : memref<8x128xf32, #tpu.memory_space<vmem>>, vector<16xf32>,
          tpu.vector_store %arg13[%swap3A_458, %swap3A_459], %gather3A {strides = array<i32>} : memref<8x128xf32, #tpu.memory_space<vmem>>, vector<16xf32>,
          %add3A_461 = arith.constant 16 : i32
          %add3A_462 = vector.broadcast %add3A_461 : i32 to vector<16xi32>
          %add3A_463 = arith.addi %add3A_462, %iota3A : vector<16xi32>
          %lt3A_464 = arith.constant 100 : i32
          %lt3A_465 = vector.broadcast %lt3A_464 : i32 to vector<16xi32>
          %lt3A_466 = arith.cmpi slt, %add3A_463, %lt3A_465 : vector<16xi32>
          %gather3A_467 = tpu.vector_load_idx %arg8[%add3A_463, %broadcast_in_dim3A_451] masked %lt3A_466 : memref<100x256xf32, #tpu.memory_space<vmem>>[vector<16xi32>, vector<16xi32>], vector<16xf32>, vector<16xi1>
          %swap3A_468 = arith.index_cast %select_n3A_450 : i32 to index
          %swap3A_469 = arith.constant 16 : index
          %swap3A_470 = tpu.vector_load %arg13[%swap3A_468, %swap3A_469] {strides = array<i32>} : memref<8x128xf32, #tpu.memory_space<vmem>>, vector<16xf32>,
          tpu.vector_store %arg13[%swap3A_468, %swap3A_469], %gather3A_467 {strides = array<i32>} : memref<8x128xf32, #tpu.memory_space<vmem>>, vector<16xf32>,
          %add3A_471 = arith.constant 32 : i32
          %add3A_472 = vector.broadcast %add3A_471 : i32 to vector<16xi32>
          %add3A_473 = arith.addi %add3A_472, %iota3A : vector<16xi32>
          %lt3A_474 = arith.constant 100 : i32
          %lt3A_475 = vector.broadcast %lt3A_474 : i32 to vector<16xi32>
          %lt3A_476 = arith.cmpi slt, %add3A_473, %lt3A_475 : vector<16xi32>
          %gather3A_477 = tpu.vector_load_idx %arg8[%add3A_473, %broadcast_in_dim3A_451] masked %lt3A_476 : memref<100x256xf32, #tpu.memory_space<vmem>>[vector<16xi32>, vector<16xi32>], vector<16xf32>, vector<16xi1>
          %swap3A_478 = arith.index_cast %select_n3A_450 : i32 to index
          %swap3A_479 = arith.constant 32 : index
          %swap3A_480 = tpu.vector_load %arg13[%swap3A_478, %swap3A_479] {strides = array<i32>} : memref<8x128xf32, #tpu.memory_space<vmem>>, vector<16xf32>,
          tpu.vector_store %arg13[%swap3A_478, %swap3A_479], %gather3A_477 {strides = array<i32>} : memref<8x128xf32, #tpu.memory_space<vmem>>, vector<16xf32>,
          %add3A_481 = arith.constant 48 : i32
          %add3A_482 = vector.broadcast %add3A_481 : i32 to vector<16xi32>
          %add3A_483 = arith.addi %add3A_482, %iota3A : vector<16xi32>
          %lt3A_484 = arith.constant 100 : i32
          %lt3A_485 = vector.broadcast %lt3A_484 : i32 to vector<16xi32>
          %lt3A_486 = arith.cmpi slt, %add3A_483, %lt3A_485 : vector<16xi32>
          %gather3A_487 = tpu.vector_load_idx %arg8[%add3A_483, %broadcast_in_dim3A_451] masked %lt3A_486 : memref<100x256xf32, #tpu.memory_space<vmem>>[vector<16xi32>, vector<16xi32>], vector<16xf32>, vector<16xi1>
          %swap3A_488 = arith.index_cast %select_n3A_450 : i32 to index
          %swap3A_489 = arith.constant 48 : index
          %swap3A_490 = tpu.vector_load %arg13[%swap3A_488, %swap3A_489] {strides = array<i32>} : memref<8x128xf32, #tpu.memory_space<vmem>>, vector<16xf32>,
          tpu.vector_store %arg13[%swap3A_488, %swap3A_489], %gather3A_487 {strides = array<i32>} : memref<8x128xf32, #tpu.memory_space<vmem>>, vector<16xf32>,
          %add3A_491 = arith.constant 64 : i32
          %add3A_492 = vector.broadcast %add3A_491 : i32 to vector<16xi32>
          %add3A_493 = arith.addi %add3A_492, %iota3A : vector<16xi32>
          %lt3A_494 = arith.constant 100 : i32
          %lt3A_495 = vector.broadcast %lt3A_494 : i32 to vector<16xi32>
          %lt3A_496 = arith.cmpi slt, %add3A_493, %lt3A_495 : vector<16xi32>
          %gather3A_497 = tpu.vector_load_idx %arg8[%add3A_493, %broadcast_in_dim3A_451] masked %lt3A_496 : memref<100x256xf32, #tpu.memory_space<vmem>>[vector<16xi32>, vector<16xi32>], vector<16xf32>, vector<16xi1>
          %swap3A_498 = arith.index_cast %select_n3A_450 : i32 to index
          %swap3A_499 = arith.constant 64 : index
          %swap3A_500 = tpu.vector_load %arg13[%swap3A_498, %swap3A_499] {strides = array<i32>} : memref<8x128xf32, #tpu.memory_space<vmem>>, vector<16xf32>,
          tpu.vector_store %arg13[%swap3A_498, %swap3A_499], %gather3A_497 {strides = array<i32>} : memref<8x128xf32, #tpu.memory_space<vmem>>, vector<16xf32>,
          %add3A_501 = arith.constant 80 : i32
          %add3A_502 = vector.broadcast %add3A_501 : i32 to vector<16xi32>
          %add3A_503 = arith.addi %add3A_502, %iota3A : vector<16xi32>
          %lt3A_504 = arith.constant 100 : i32
          %lt3A_505 = vector.broadcast %lt3A_504 : i32 to vector<16xi32>
          %lt3A_506 = arith.cmpi slt, %add3A_503, %lt3A_505 : vector<16xi32>
          %gather3A_507 = tpu.vector_load_idx %arg8[%add3A_503, %broadcast_in_dim3A_451] masked %lt3A_506 : memref<100x256xf32, #tpu.memory_space<vmem>>[vector<16xi32>, vector<16xi32>], vector<16xf32>, vector<16xi1>
          %swap3A_508 = arith.index_cast %select_n3A_450 : i32 to index
          %swap3A_509 = arith.constant 80 : index
          %swap3A_510 = tpu.vector_load %arg13[%swap3A_508, %swap3A_509] {strides = array<i32>} : memref<8x128xf32, #tpu.memory_space<vmem>>, vector<16xf32>,
          tpu.vector_store %arg13[%swap3A_508, %swap3A_509], %gather3A_507 {strides = array<i32>} : memref<8x128xf32, #tpu.memory_space<vmem>>, vector<16xf32>,
          %add3A_511 = arith.constant 96 : i32
          %add3A_512 = vector.broadcast %add3A_511 : i32 to vector<16xi32>
          %add3A_513 = arith.addi %add3A_512, %iota3A : vector<16xi32>
          %lt3A_514 = arith.constant 100 : i32
          %lt3A_515 = vector.broadcast %lt3A_514 : i32 to vector<16xi32>
          %lt3A_516 = arith.cmpi slt, %add3A_513, %lt3A_515 : vector<16xi32>
          %gather3A_517 = tpu.vector_load_idx %arg8[%add3A_513, %broadcast_in_dim3A_451] masked %lt3A_516 : memref<100x256xf32, #tpu.memory_space<vmem>>[vector<16xi32>, vector<16xi32>], vector<16xf32>, vector<16xi1>
          %swap3A_518 = arith.index_cast %select_n3A_450 : i32 to index
          %swap3A_519 = arith.constant 96 : index
          %swap3A_520 = tpu.vector_load %arg13[%swap3A_518, %swap3A_519] {strides = array<i32>} : memref<8x128xf32, #tpu.memory_space<vmem>>, vector<16xf32>,
          tpu.vector_store %arg13[%swap3A_518, %swap3A_519], %gather3A_517 {strides = array<i32>} : memref<8x128xf32, #tpu.memory_space<vmem>>, vector<16xf32>,
          %dma_start3A_521 = arith.constant 0 : i32
          %dma_start3A_522 = tpu.memref_slice %arg13[%select_n3A_450, %dma_start3A_521] : memref<8x128xf32, #tpu.memory_space<vmem>> -> memref<1x128xf32, #tpu.memory_space<vmem>>
          %dma_start3A_523 = arith.constant 0 : i32
          %dma_start3A_524 = tpu.memref_slice %arg4[%squeeze3A_435, %dma_start3A_523] : memref<51200x128xf32, #tpu.memory_space<hbm>> -> memref<1x128xf32, #tpu.memory_space<hbm>>
          %dma_start3A_525 = arith.constant 0 : i32
          %dma_start3A_526 = tpu.memref_slice %arg4[%squeeze3A_435, %dma_start3A_525] : memref<51200x128xf32, #tpu.memory_space<hbm>> -> memref<1x128xf32, #tpu.memory_space<hbm>>
          %dma_start3A_527 = arith.constant 0 : i32
          %dma_start3A_528 = tpu.memref_slice %arg13[%select_n3A_450, %dma_start3A_527] : memref<8x128xf32, #tpu.memory_space<vmem>> -> memref<1x128xf32, #tpu.memory_space<vmem>>
          tpu.enqueue_dma source(%dma_start3A_528 : memref<1x128xf32, #tpu.memory_space<vmem>>) target(%dma_start3A_526 : memref<1x128xf32, #tpu.memory_space<hbm>>) target_semaphore(%arg15 : memref<!tpu.dma_semaphore, #tpu.memory_space<semaphore_mem>>)
        }
        %min3A_415 = arith.constant 8 : i32
        %min3A_416 = arith.minsi %add3A_404, %min3A_415 : i32
        %while3A_417 = arith.constant 0 : i32
        %while3A_418 = arith.constant 0 : i32
        %while3A_419 = arith.subi %min3A_416, %while3A_418 : i32
        %while3A_420 = arith.addi %while3A_418, %while3A_419 : i32
        %while3A_421 = arith.constant 1 : i32
        %while3A_422 = arith.divsi %while3A_419, %while3A_421 : i32
        %while3A_423 = arith.muli %while3A_422, %while3A_421 : i32
        %while3A_424 = arith.addi %while3A_418, %while3A_423 : i32
        %while3A_425 = arith.constant 1 : i32
        scf.for %while3A_427 = %while3A_418 to %while3A_424 step %while3A_425  : i32 {
          %dma_wait3A_428 = arith.constant 0 : i32
          %dma_wait3A_429 = arith.constant 0 : i32
          %dma_wait3A_430 = tpu.memref_slice %arg13[%dma_wait3A_428, %dma_wait3A_429] : memref<8x128xf32, #tpu.memory_space<vmem>> -> memref<1x128xf32, #tpu.memory_space<vmem>>
          %dma_wait3A_431 = arith.constant 0 : i32
          %dma_wait3A_432 = arith.constant 0 : i32
          %dma_wait3A_433 = tpu.memref_slice %arg4[%dma_wait3A_431, %dma_wait3A_432] : memref<51200x128xf32, #tpu.memory_space<hbm>> -> memref<1x128xf32, #tpu.memory_space<hbm>>
          %dma_wait3A_434 = arith.constant 0 : i32
          %dma_wait3A_435 = arith.constant 0 : i32
          %dma_wait3A_436 = tpu.memref_slice %arg4[%dma_wait3A_434, %dma_wait3A_435] : memref<51200x128xf32, #tpu.memory_space<hbm>> -> memref<1x128xf32, #tpu.memory_space<hbm>>
          %dma_wait3A_437 = arith.constant 0 : i32
          %dma_wait3A_438 = arith.constant 0 : i32
          %dma_wait3A_439 = tpu.memref_slice %arg13[%dma_wait3A_437, %dma_wait3A_438] : memref<8x128xf32, #tpu.memory_space<vmem>> -> memref<1x128xf32, #tpu.memory_space<vmem>>
          tpu.wait_dma2 semaphore(%arg15 : memref<!tpu.dma_semaphore, #tpu.memory_space<semaphore_mem>>) src(%dma_wait3A_439 : memref<1x128xf32, #tpu.memory_space<vmem>>) dst(%dma_wait3A_436 : memref<1x128xf32, #tpu.memory_space<hbm>>)
        }
        %while3A_426 = arith.constant 1 : i32
        scf.for %while3A_427 = %while3A_424 to %while3A_420 step %while3A_426  : i32 {
          %dma_wait3A_428 = arith.constant 0 : i32
          %dma_wait3A_429 = arith.constant 0 : i32
          %dma_wait3A_430 = tpu.memref_slice %arg13[%dma_wait3A_428, %dma_wait3A_429] : memref<8x128xf32, #tpu.memory_space<vmem>> -> memref<1x128xf32, #tpu.memory_space<vmem>>
          %dma_wait3A_431 = arith.constant 0 : i32
          %dma_wait3A_432 = arith.constant 0 : i32
          %dma_wait3A_433 = tpu.memref_slice %arg4[%dma_wait3A_431, %dma_wait3A_432] : memref<51200x128xf32, #tpu.memory_space<hbm>> -> memref<1x128xf32, #tpu.memory_space<hbm>>
          %dma_wait3A_434 = arith.constant 0 : i32
          %dma_wait3A_435 = arith.constant 0 : i32
          %dma_wait3A_436 = tpu.memref_slice %arg4[%dma_wait3A_434, %dma_wait3A_435] : memref<51200x128xf32, #tpu.memory_space<hbm>> -> memref<1x128xf32, #tpu.memory_space<hbm>>
          %dma_wait3A_437 = arith.constant 0 : i32
          %dma_wait3A_438 = arith.constant 0 : i32
          %dma_wait3A_439 = tpu.memref_slice %arg13[%dma_wait3A_437, %dma_wait3A_438] : memref<8x128xf32, #tpu.memory_space<vmem>> -> memref<1x128xf32, #tpu.memory_space<vmem>>
          tpu.wait_dma2 semaphore(%arg15 : memref<!tpu.dma_semaphore, #tpu.memory_space<semaphore_mem>>) src(%dma_wait3A_439 : memref<1x128xf32, #tpu.memory_space<vmem>>) dst(%dma_wait3A_436 : memref<1x128xf32, #tpu.memory_space<hbm>>)
        }
      } else {
      }
      %add3A_65 = arith.constant 1 : i32
      %add3A_66 = arith.addi %mul3A_59, %add3A_65 : i32
      %lt3A_67 = arith.cmpi slt, %add3A_66, %min3A_8 : i32
      %convert_element_type3A_68 = arith.extui %lt3A_67 : i1 to i32
      %cond3A_69 = arith.constant 0 : i32
      %cond3A_70 = arith.cmpi ne, %convert_element_type3A_68, %cond3A_69 : i32
      scf.if %cond3A_70 {
        %dma_wait3A = arith.constant 0 : i32
        %dma_wait3A_77 = arith.constant 0 : i32
        %dma_wait3A_78 = tpu.memref_slice %arg2[%dma_wait3A, %dma_wait3A_77] : memref<100x1000000xf32, #tpu.memory_space<hbm>> -> memref<100x256xf32, #tpu.memory_space<hbm>>
        %dma_wait3A_79 = arith.constant 0 : i32
        %dma_wait3A_80 = arith.constant 0 : i32
        %dma_wait3A_81 = tpu.memref_slice %arg2[%dma_wait3A_79, %dma_wait3A_80] : memref<100x1000000xf32, #tpu.memory_space<hbm>> -> memref<100x256xf32, #tpu.memory_space<hbm>>
        tpu.wait_dma2 semaphore(%arg14 : memref<!tpu.dma_semaphore, #tpu.memory_space<semaphore_mem>>) src(%dma_wait3A_81 : memref<100x256xf32, #tpu.memory_space<hbm>>) dst(%arg9 : memref<100x256xf32, #tpu.memory_space<vmem>>)
        %add3A_82 = arith.constant 2 : i32
        %add3A_83 = arith.addi %add3A_66, %add3A_82 : i32
        %lt3A_84 = arith.cmpi slt, %add3A_83, %min3A_8 : i32
        %convert_element_type3A_85 = arith.extui %lt3A_84 : i1 to i32
        %cond3A_86 = arith.constant 0 : i32
        %cond3A_87 = arith.cmpi ne, %convert_element_type3A_85, %cond3A_86 : i32
        scf.if %cond3A_87 {
          %add3A_427 = arith.constant 2 : i32
          %add3A_428 = arith.addi %add3A_66, %add3A_427 : i32
          %mul3A_429 = arith.constant 123 : i32
          %mul3A_430 = arith.muli %add3A, %mul3A_429 : i32
          %add3A_431 = arith.addi %mul3A_430, %add3A_428 : i32
          %mul3A_432 = arith.constant 256 : i32
          %mul3A_433 = arith.muli %add3A_431, %mul3A_432 : i32
          %multiple_of3A = tpu.assume_multiple %mul3A_433, 256 : i32
          %dma_start3A_434 = arith.constant 0 : i32
          %dma_start3A_435 = tpu.memref_slice %arg2[%dma_start3A_434, %multiple_of3A] : memref<100x1000000xf32, #tpu.memory_space<hbm>> -> memref<100x256xf32, #tpu.memory_space<hbm>>
          %dma_start3A_436 = arith.constant 0 : i32
          %dma_start3A_437 = tpu.memref_slice %arg2[%dma_start3A_436, %multiple_of3A] : memref<100x1000000xf32, #tpu.memory_space<hbm>> -> memref<100x256xf32, #tpu.memory_space<hbm>>
          tpu.enqueue_dma source(%dma_start3A_437 : memref<100x256xf32, #tpu.memory_space<hbm>>) target(%arg8 : memref<100x256xf32, #tpu.memory_space<vmem>>) target_semaphore(%arg14 : memref<!tpu.dma_semaphore, #tpu.memory_space<semaphore_mem>>)
        } else {
        }
        %mul3A_88 = arith.constant 256 : i32
        %mul3A_89 = arith.muli %add3A_66, %mul3A_88 : i32
        %add3A_90 = arith.constant 0 : i32
        %add3A_91 = arith.addi %mul3A_89, %add3A_90 : i32
        %get3A = arith.index_cast %add3A_91 : i32 to index
        %get3A_92 = tpu.vector_load %arg5[%get3A] {strides = array<i32>} : memref<31488xi32, #tpu.memory_space<vmem>>, vector<16xi32>,
        %ge3A = arith.constant 0 : i32
        %ge3A_93 = vector.broadcast %ge3A : i32 to vector<16xi32>
        %ge3A_94 = arith.cmpi sge, %get3A_92, %ge3A_93 : vector<16xi32>
        %add3A_95 = arith.constant 0 : i32
        %add3A_96 = vector.broadcast %add3A_95 : i32 to vector<16xi32>
        %add3A_97 = arith.addi %add3A_96, %iota3A : vector<16xi32>
        %swap3A = arith.constant 0 : i32
        %swap3A_98 = arith.index_cast %swap3A : i32 to index
        %swap3A_99 = tpu.vector_load %arg11[%swap3A_98] masked %ge3A_94 {strides = array<i32>} : memref<272xi32, #tpu.memory_space<vmem>>, vector<16xi32>, vector<16xi1>
        tpu.vector_store %arg11[%swap3A_98], %add3A_97 masked %ge3A_94 {strides = array<i32>} : memref<272xi32, #tpu.memory_space<vmem>>, vector<16xi32>, vector<16xi1>
        %swap3A_100 = arith.constant 0 : i32
        %swap3A_101 = arith.index_cast %swap3A_100 : i32 to index
        %swap3A_102 = tpu.vector_load %arg12[%swap3A_101] masked %ge3A_94 {strides = array<i32>} : memref<272xi32, #tpu.memory_space<vmem>>, vector<16xi32>, vector<16xi1>
        tpu.vector_store %arg12[%swap3A_101], %get3A_92 masked %ge3A_94 {strides = array<i32>} : memref<272xi32, #tpu.memory_space<vmem>>, vector<16xi32>, vector<16xi1>
        %all_reduce_population_count3A = tpu.all_reduce %ge3A_94 {dim = 0 : i64, kind = #tpu.reduction_kind<sum>} : vector<16xi1> -> vector<16xi32>
        %slice3A = vector.extract_strided_slice %all_reduce_population_count3A {offsets = [0], sizes = [1], strides = [1]} : vector<16xi32> to vector<1xi32>
        %squeeze3A = vector.extract %slice3A[0] : i32 from vector<1xi32>
        %add3A_103 = arith.constant 0 : i32
        %add3A_104 = arith.addi %add3A_103, %squeeze3A : i32
        %mul3A_105 = arith.constant 256 : i32
        %mul3A_106 = arith.muli %add3A_66, %mul3A_105 : i32
        %add3A_107 = arith.constant 16 : i32
        %add3A_108 = arith.addi %mul3A_106, %add3A_107 : i32
        %get3A_109 = arith.index_cast %add3A_108 : i32 to index
        %get3A_110 = tpu.vector_load %arg5[%get3A_109] {strides = array<i32>} : memref<31488xi32, #tpu.memory_space<vmem>>, vector<16xi32>,
        %ge3A_111 = arith.constant 0 : i32
        %ge3A_112 = vector.broadcast %ge3A_111 : i32 to vector<16xi32>
        %ge3A_113 = arith.cmpi sge, %get3A_110, %ge3A_112 : vector<16xi32>
        %add3A_114 = arith.constant 16 : i32
        %add3A_115 = vector.broadcast %add3A_114 : i32 to vector<16xi32>
        %add3A_116 = arith.addi %add3A_115, %iota3A : vector<16xi32>
        %swap3A_117 = arith.index_cast %add3A_104 : i32 to index
        %swap3A_118 = tpu.vector_load %arg11[%swap3A_117] masked %ge3A_113 {strides = array<i32>} : memref<272xi32, #tpu.memory_space<vmem>>, vector<16xi32>, vector<16xi1>
        tpu.vector_store %arg11[%swap3A_117], %add3A_116 masked %ge3A_113 {strides = array<i32>} : memref<272xi32, #tpu.memory_space<vmem>>, vector<16xi32>, vector<16xi1>
        %swap3A_119 = arith.index_cast %add3A_104 : i32 to index
        %swap3A_120 = tpu.vector_load %arg12[%swap3A_119] masked %ge3A_113 {strides = array<i32>} : memref<272xi32, #tpu.memory_space<vmem>>, vector<16xi32>, vector<16xi1>
        tpu.vector_store %arg12[%swap3A_119], %get3A_110 masked %ge3A_113 {strides = array<i32>} : memref<272xi32, #tpu.memory_space<vmem>>, vector<16xi32>, vector<16xi1>
        %all_reduce_population_count3A_121 = tpu.all_reduce %ge3A_113 {dim = 0 : i64, kind = #tpu.reduction_kind<sum>} : vector<16xi1> -> vector<16xi32>
        %slice3A_122 = vector.extract_strided_slice %all_reduce_population_count3A_121 {offsets = [0], sizes = [1], strides = [1]} : vector<16xi32> to vector<1xi32>
        %squeeze3A_123 = vector.extract %slice3A_122[0] : i32 from vector<1xi32>
        %add3A_124 = arith.addi %add3A_104, %squeeze3A_123 : i32
        %mul3A_125 = arith.constant 256 : i32
        %mul3A_126 = arith.muli %add3A_66, %mul3A_125 : i32
        %add3A_127 = arith.constant 32 : i32
        %add3A_128 = arith.addi %mul3A_126, %add3A_127 : i32
        %get3A_129 = arith.index_cast %add3A_128 : i32 to index
        %get3A_130 = tpu.vector_load %arg5[%get3A_129] {strides = array<i32>} : memref<31488xi32, #tpu.memory_space<vmem>>, vector<16xi32>,
        %ge3A_131 = arith.constant 0 : i32
        %ge3A_132 = vector.broadcast %ge3A_131 : i32 to vector<16xi32>
        %ge3A_133 = arith.cmpi sge, %get3A_130, %ge3A_132 : vector<16xi32>
        %add3A_134 = arith.constant 32 : i32
        %add3A_135 = vector.broadcast %add3A_134 : i32 to vector<16xi32>
        %add3A_136 = arith.addi %add3A_135, %iota3A : vector<16xi32>
        %swap3A_137 = arith.index_cast %add3A_124 : i32 to index
        %swap3A_138 = tpu.vector_load %arg11[%swap3A_137] masked %ge3A_133 {strides = array<i32>} : memref<272xi32, #tpu.memory_space<vmem>>, vector<16xi32>, vector<16xi1>
        tpu.vector_store %arg11[%swap3A_137], %add3A_136 masked %ge3A_133 {strides = array<i32>} : memref<272xi32, #tpu.memory_space<vmem>>, vector<16xi32>, vector<16xi1>
        %swap3A_139 = arith.index_cast %add3A_124 : i32 to index
        %swap3A_140 = tpu.vector_load %arg12[%swap3A_139] masked %ge3A_133 {strides = array<i32>} : memref<272xi32, #tpu.memory_space<vmem>>, vector<16xi32>, vector<16xi1>
        tpu.vector_store %arg12[%swap3A_139], %get3A_130 masked %ge3A_133 {strides = array<i32>} : memref<272xi32, #tpu.memory_space<vmem>>, vector<16xi32>, vector<16xi1>
        %all_reduce_population_count3A_141 = tpu.all_reduce %ge3A_133 {dim = 0 : i64, kind = #tpu.reduction_kind<sum>} : vector<16xi1> -> vector<16xi32>
        %slice3A_142 = vector.extract_strided_slice %all_reduce_population_count3A_141 {offsets = [0], sizes = [1], strides = [1]} : vector<16xi32> to vector<1xi32>
        %squeeze3A_143 = vector.extract %slice3A_142[0] : i32 from vector<1xi32>
        %add3A_144 = arith.addi %add3A_124, %squeeze3A_143 : i32
        %mul3A_145 = arith.constant 256 : i32
        %mul3A_146 = arith.muli %add3A_66, %mul3A_145 : i32
        %add3A_147 = arith.constant 48 : i32
        %add3A_148 = arith.addi %mul3A_146, %add3A_147 : i32
        %get3A_149 = arith.index_cast %add3A_148 : i32 to index
        %get3A_150 = tpu.vector_load %arg5[%get3A_149] {strides = array<i32>} : memref<31488xi32, #tpu.memory_space<vmem>>, vector<16xi32>,
        %ge3A_151 = arith.constant 0 : i32
        %ge3A_152 = vector.broadcast %ge3A_151 : i32 to vector<16xi32>
        %ge3A_153 = arith.cmpi sge, %get3A_150, %ge3A_152 : vector<16xi32>
        %add3A_154 = arith.constant 48 : i32
        %add3A_155 = vector.broadcast %add3A_154 : i32 to vector<16xi32>
        %add3A_156 = arith.addi %add3A_155, %iota3A : vector<16xi32>
        %swap3A_157 = arith.index_cast %add3A_144 : i32 to index
        %swap3A_158 = tpu.vector_load %arg11[%swap3A_157] masked %ge3A_153 {strides = array<i32>} : memref<272xi32, #tpu.memory_space<vmem>>, vector<16xi32>, vector<16xi1>
        tpu.vector_store %arg11[%swap3A_157], %add3A_156 masked %ge3A_153 {strides = array<i32>} : memref<272xi32, #tpu.memory_space<vmem>>, vector<16xi32>, vector<16xi1>
        %swap3A_159 = arith.index_cast %add3A_144 : i32 to index
        %swap3A_160 = tpu.vector_load %arg12[%swap3A_159] masked %ge3A_153 {strides = array<i32>} : memref<272xi32, #tpu.memory_space<vmem>>, vector<16xi32>, vector<16xi1>
        tpu.vector_store %arg12[%swap3A_159], %get3A_150 masked %ge3A_153 {strides = array<i32>} : memref<272xi32, #tpu.memory_space<vmem>>, vector<16xi32>, vector<16xi1>
        %all_reduce_population_count3A_161 = tpu.all_reduce %ge3A_153 {dim = 0 : i64, kind = #tpu.reduction_kind<sum>} : vector<16xi1> -> vector<16xi32>
        %slice3A_162 = vector.extract_strided_slice %all_reduce_population_count3A_161 {offsets = [0], sizes = [1], strides = [1]} : vector<16xi32> to vector<1xi32>
        %squeeze3A_163 = vector.extract %slice3A_162[0] : i32 from vector<1xi32>
        %add3A_164 = arith.addi %add3A_144, %squeeze3A_163 : i32
        %mul3A_165 = arith.constant 256 : i32
        %mul3A_166 = arith.muli %add3A_66, %mul3A_165 : i32
        %add3A_167 = arith.constant 64 : i32
        %add3A_168 = arith.addi %mul3A_166, %add3A_167 : i32
        %get3A_169 = arith.index_cast %add3A_168 : i32 to index
        %get3A_170 = tpu.vector_load %arg5[%get3A_169] {strides = array<i32>} : memref<31488xi32, #tpu.memory_space<vmem>>, vector<16xi32>,
        %ge3A_171 = arith.constant 0 : i32
        %ge3A_172 = vector.broadcast %ge3A_171 : i32 to vector<16xi32>
        %ge3A_173 = arith.cmpi sge, %get3A_170, %ge3A_172 : vector<16xi32>
        %add3A_174 = arith.constant 64 : i32
        %add3A_175 = vector.broadcast %add3A_174 : i32 to vector<16xi32>
        %add3A_176 = arith.addi %add3A_175, %iota3A : vector<16xi32>
        %swap3A_177 = arith.index_cast %add3A_164 : i32 to index
        %swap3A_178 = tpu.vector_load %arg11[%swap3A_177] masked %ge3A_173 {strides = array<i32>} : memref<272xi32, #tpu.memory_space<vmem>>, vector<16xi32>, vector<16xi1>
        tpu.vector_store %arg11[%swap3A_177], %add3A_176 masked %ge3A_173 {strides = array<i32>} : memref<272xi32, #tpu.memory_space<vmem>>, vector<16xi32>, vector<16xi1>
        %swap3A_179 = arith.index_cast %add3A_164 : i32 to index
        %swap3A_180 = tpu.vector_load %arg12[%swap3A_179] masked %ge3A_173 {strides = array<i32>} : memref<272xi32, #tpu.memory_space<vmem>>, vector<16xi32>, vector<16xi1>
        tpu.vector_store %arg12[%swap3A_179], %get3A_170 masked %ge3A_173 {strides = array<i32>} : memref<272xi32, #tpu.memory_space<vmem>>, vector<16xi32>, vector<16xi1>
        %all_reduce_population_count3A_181 = tpu.all_reduce %ge3A_173 {dim = 0 : i64, kind = #tpu.reduction_kind<sum>} : vector<16xi1> -> vector<16xi32>
        %slice3A_182 = vector.extract_strided_slice %all_reduce_population_count3A_181 {offsets = [0], sizes = [1], strides = [1]} : vector<16xi32> to vector<1xi32>
        %squeeze3A_183 = vector.extract %slice3A_182[0] : i32 from vector<1xi32>
        %add3A_184 = arith.addi %add3A_164, %squeeze3A_183 : i32
        %mul3A_185 = arith.constant 256 : i32
        %mul3A_186 = arith.muli %add3A_66, %mul3A_185 : i32
        %add3A_187 = arith.constant 80 : i32
        %add3A_188 = arith.addi %mul3A_186, %add3A_187 : i32
        %get3A_189 = arith.index_cast %add3A_188 : i32 to index
        %get3A_190 = tpu.vector_load %arg5[%get3A_189] {strides = array<i32>} : memref<31488xi32, #tpu.memory_space<vmem>>, vector<16xi32>,
        %ge3A_191 = arith.constant 0 : i32
        %ge3A_192 = vector.broadcast %ge3A_191 : i32 to vector<16xi32>
        %ge3A_193 = arith.cmpi sge, %get3A_190, %ge3A_192 : vector<16xi32>
        %add3A_194 = arith.constant 80 : i32
        %add3A_195 = vector.broadcast %add3A_194 : i32 to vector<16xi32>
        %add3A_196 = arith.addi %add3A_195, %iota3A : vector<16xi32>
        %swap3A_197 = arith.index_cast %add3A_184 : i32 to index
        %swap3A_198 = tpu.vector_load %arg11[%swap3A_197] masked %ge3A_193 {strides = array<i32>} : memref<272xi32, #tpu.memory_space<vmem>>, vector<16xi32>, vector<16xi1>
        tpu.vector_store %arg11[%swap3A_197], %add3A_196 masked %ge3A_193 {strides = array<i32>} : memref<272xi32, #tpu.memory_space<vmem>>, vector<16xi32>, vector<16xi1>
        %swap3A_199 = arith.index_cast %add3A_184 : i32 to index
        %swap3A_200 = tpu.vector_load %arg12[%swap3A_199] masked %ge3A_193 {strides = array<i32>} : memref<272xi32, #tpu.memory_space<vmem>>, vector<16xi32>, vector<16xi1>
        tpu.vector_store %arg12[%swap3A_199], %get3A_190 masked %ge3A_193 {strides = array<i32>} : memref<272xi32, #tpu.memory_space<vmem>>, vector<16xi32>, vector<16xi1>
        %all_reduce_population_count3A_201 = tpu.all_reduce %ge3A_193 {dim = 0 : i64, kind = #tpu.reduction_kind<sum>} : vector<16xi1> -> vector<16xi32>
        %slice3A_202 = vector.extract_strided_slice %all_reduce_population_count3A_201 {offsets = [0], sizes = [1], strides = [1]} : vector<16xi32> to vector<1xi32>
        %squeeze3A_203 = vector.extract %slice3A_202[0] : i32 from vector<1xi32>
        %add3A_204 = arith.addi %add3A_184, %squeeze3A_203 : i32
        %mul3A_205 = arith.constant 256 : i32
        %mul3A_206 = arith.muli %add3A_66, %mul3A_205 : i32
        %add3A_207 = arith.constant 96 : i32
        %add3A_208 = arith.addi %mul3A_206, %add3A_207 : i32
        %get3A_209 = arith.index_cast %add3A_208 : i32 to index
        %get3A_210 = tpu.vector_load %arg5[%get3A_209] {strides = array<i32>} : memref<31488xi32, #tpu.memory_space<vmem>>, vector<16xi32>,
        %ge3A_211 = arith.constant 0 : i32
        %ge3A_212 = vector.broadcast %ge3A_211 : i32 to vector<16xi32>
        %ge3A_213 = arith.cmpi sge, %get3A_210, %ge3A_212 : vector<16xi32>
        %add3A_214 = arith.constant 96 : i32
        %add3A_215 = vector.broadcast %add3A_214 : i32 to vector<16xi32>
        %add3A_216 = arith.addi %add3A_215, %iota3A : vector<16xi32>
        %swap3A_217 = arith.index_cast %add3A_204 : i32 to index
        %swap3A_218 = tpu.vector_load %arg11[%swap3A_217] masked %ge3A_213 {strides = array<i32>} : memref<272xi32, #tpu.memory_space<vmem>>, vector<16xi32>, vector<16xi1>
        tpu.vector_store %arg11[%swap3A_217], %add3A_216 masked %ge3A_213 {strides = array<i32>} : memref<272xi32, #tpu.memory_space<vmem>>, vector<16xi32>, vector<16xi1>
        %swap3A_219 = arith.index_cast %add3A_204 : i32 to index
        %swap3A_220 = tpu.vector_load %arg12[%swap3A_219] masked %ge3A_213 {strides = array<i32>} : memref<272xi32, #tpu.memory_space<vmem>>, vector<16xi32>, vector<16xi1>
        tpu.vector_store %arg12[%swap3A_219], %get3A_210 masked %ge3A_213 {strides = array<i32>} : memref<272xi32, #tpu.memory_space<vmem>>, vector<16xi32>, vector<16xi1>
        %all_reduce_population_count3A_221 = tpu.all_reduce %ge3A_213 {dim = 0 : i64, kind = #tpu.reduction_kind<sum>} : vector<16xi1> -> vector<16xi32>
        %slice3A_222 = vector.extract_strided_slice %all_reduce_population_count3A_221 {offsets = [0], sizes = [1], strides = [1]} : vector<16xi32> to vector<1xi32>
        %squeeze3A_223 = vector.extract %slice3A_222[0] : i32 from vector<1xi32>
        %add3A_224 = arith.addi %add3A_204, %squeeze3A_223 : i32
        %mul3A_225 = arith.constant 256 : i32
        %mul3A_226 = arith.muli %add3A_66, %mul3A_225 : i32
        %add3A_227 = arith.constant 112 : i32
        %add3A_228 = arith.addi %mul3A_226, %add3A_227 : i32
        %get3A_229 = arith.index_cast %add3A_228 : i32 to index
        %get3A_230 = tpu.vector_load %arg5[%get3A_229] {strides = array<i32>} : memref<31488xi32, #tpu.memory_space<vmem>>, vector<16xi32>,
        %ge3A_231 = arith.constant 0 : i32
        %ge3A_232 = vector.broadcast %ge3A_231 : i32 to vector<16xi32>
        %ge3A_233 = arith.cmpi sge, %get3A_230, %ge3A_232 : vector<16xi32>
        %add3A_234 = arith.constant 112 : i32
        %add3A_235 = vector.broadcast %add3A_234 : i32 to vector<16xi32>
        %add3A_236 = arith.addi %add3A_235, %iota3A : vector<16xi32>
        %swap3A_237 = arith.index_cast %add3A_224 : i32 to index
        %swap3A_238 = tpu.vector_load %arg11[%swap3A_237] masked %ge3A_233 {strides = array<i32>} : memref<272xi32, #tpu.memory_space<vmem>>, vector<16xi32>, vector<16xi1>
        tpu.vector_store %arg11[%swap3A_237], %add3A_236 masked %ge3A_233 {strides = array<i32>} : memref<272xi32, #tpu.memory_space<vmem>>, vector<16xi32>, vector<16xi1>
        %swap3A_239 = arith.index_cast %add3A_224 : i32 to index
        %swap3A_240 = tpu.vector_load %arg12[%swap3A_239] masked %ge3A_233 {strides = array<i32>} : memref<272xi32, #tpu.memory_space<vmem>>, vector<16xi32>, vector<16xi1>
        tpu.vector_store %arg12[%swap3A_239], %get3A_230 masked %ge3A_233 {strides = array<i32>} : memref<272xi32, #tpu.memory_space<vmem>>, vector<16xi32>, vector<16xi1>
        %all_reduce_population_count3A_241 = tpu.all_reduce %ge3A_233 {dim = 0 : i64, kind = #tpu.reduction_kind<sum>} : vector<16xi1> -> vector<16xi32>
        %slice3A_242 = vector.extract_strided_slice %all_reduce_population_count3A_241 {offsets = [0], sizes = [1], strides = [1]} : vector<16xi32> to vector<1xi32>
        %squeeze3A_243 = vector.extract %slice3A_242[0] : i32 from vector<1xi32>
        %add3A_244 = arith.addi %add3A_224, %squeeze3A_243 : i32
        %mul3A_245 = arith.constant 256 : i32
        %mul3A_246 = arith.muli %add3A_66, %mul3A_245 : i32
        %add3A_247 = arith.constant 128 : i32
        %add3A_248 = arith.addi %mul3A_246, %add3A_247 : i32
        %get3A_249 = arith.index_cast %add3A_248 : i32 to index
        %get3A_250 = tpu.vector_load %arg5[%get3A_249] {strides = array<i32>} : memref<31488xi32, #tpu.memory_space<vmem>>, vector<16xi32>,
        %ge3A_251 = arith.constant 0 : i32
        %ge3A_252 = vector.broadcast %ge3A_251 : i32 to vector<16xi32>
        %ge3A_253 = arith.cmpi sge, %get3A_250, %ge3A_252 : vector<16xi32>
        %add3A_254 = arith.constant 128 : i32
        %add3A_255 = vector.broadcast %add3A_254 : i32 to vector<16xi32>
        %add3A_256 = arith.addi %add3A_255, %iota3A : vector<16xi32>
        %swap3A_257 = arith.index_cast %add3A_244 : i32 to index
        %swap3A_258 = tpu.vector_load %arg11[%swap3A_257] masked %ge3A_253 {strides = array<i32>} : memref<272xi32, #tpu.memory_space<vmem>>, vector<16xi32>, vector<16xi1>
        tpu.vector_store %arg11[%swap3A_257], %add3A_256 masked %ge3A_253 {strides = array<i32>} : memref<272xi32, #tpu.memory_space<vmem>>, vector<16xi32>, vector<16xi1>
        %swap3A_259 = arith.index_cast %add3A_244 : i32 to index
        %swap3A_260 = tpu.vector_load %arg12[%swap3A_259] masked %ge3A_253 {strides = array<i32>} : memref<272xi32, #tpu.memory_space<vmem>>, vector<16xi32>, vector<16xi1>
        tpu.vector_store %arg12[%swap3A_259], %get3A_250 masked %ge3A_253 {strides = array<i32>} : memref<272xi32, #tpu.memory_space<vmem>>, vector<16xi32>, vector<16xi1>
        %all_reduce_population_count3A_261 = tpu.all_reduce %ge3A_253 {dim = 0 : i64, kind = #tpu.reduction_kind<sum>} : vector<16xi1> -> vector<16xi32>
        %slice3A_262 = vector.extract_strided_slice %all_reduce_population_count3A_261 {offsets = [0], sizes = [1], strides = [1]} : vector<16xi32> to vector<1xi32>
        %squeeze3A_263 = vector.extract %slice3A_262[0] : i32 from vector<1xi32>
        %add3A_264 = arith.addi %add3A_244, %squeeze3A_263 : i32
        %mul3A_265 = arith.constant 256 : i32
        %mul3A_266 = arith.muli %add3A_66, %mul3A_265 : i32
        %add3A_267 = arith.constant 144 : i32
        %add3A_268 = arith.addi %mul3A_266, %add3A_267 : i32
        %get3A_269 = arith.index_cast %add3A_268 : i32 to index
        %get3A_270 = tpu.vector_load %arg5[%get3A_269] {strides = array<i32>} : memref<31488xi32, #tpu.memory_space<vmem>>, vector<16xi32>,
        %ge3A_271 = arith.constant 0 : i32
        %ge3A_272 = vector.broadcast %ge3A_271 : i32 to vector<16xi32>
        %ge3A_273 = arith.cmpi sge, %get3A_270, %ge3A_272 : vector<16xi32>
        %add3A_274 = arith.constant 144 : i32
        %add3A_275 = vector.broadcast %add3A_274 : i32 to vector<16xi32>
        %add3A_276 = arith.addi %add3A_275, %iota3A : vector<16xi32>
        %swap3A_277 = arith.index_cast %add3A_264 : i32 to index
        %swap3A_278 = tpu.vector_load %arg11[%swap3A_277] masked %ge3A_273 {strides = array<i32>} : memref<272xi32, #tpu.memory_space<vmem>>, vector<16xi32>, vector<16xi1>
        tpu.vector_store %arg11[%swap3A_277], %add3A_276 masked %ge3A_273 {strides = array<i32>} : memref<272xi32, #tpu.memory_space<vmem>>, vector<16xi32>, vector<16xi1>
        %swap3A_279 = arith.index_cast %add3A_264 : i32 to index
        %swap3A_280 = tpu.vector_load %arg12[%swap3A_279] masked %ge3A_273 {strides = array<i32>} : memref<272xi32, #tpu.memory_space<vmem>>, vector<16xi32>, vector<16xi1>
        tpu.vector_store %arg12[%swap3A_279], %get3A_270 masked %ge3A_273 {strides = array<i32>} : memref<272xi32, #tpu.memory_space<vmem>>, vector<16xi32>, vector<16xi1>
        %all_reduce_population_count3A_281 = tpu.all_reduce %ge3A_273 {dim = 0 : i64, kind = #tpu.reduction_kind<sum>} : vector<16xi1> -> vector<16xi32>
        %slice3A_282 = vector.extract_strided_slice %all_reduce_population_count3A_281 {offsets = [0], sizes = [1], strides = [1]} : vector<16xi32> to vector<1xi32>
        %squeeze3A_283 = vector.extract %slice3A_282[0] : i32 from vector<1xi32>
        %add3A_284 = arith.addi %add3A_264, %squeeze3A_283 : i32
        %mul3A_285 = arith.constant 256 : i32
        %mul3A_286 = arith.muli %add3A_66, %mul3A_285 : i32
        %add3A_287 = arith.constant 160 : i32
        %add3A_288 = arith.addi %mul3A_286, %add3A_287 : i32
        %get3A_289 = arith.index_cast %add3A_288 : i32 to index
        %get3A_290 = tpu.vector_load %arg5[%get3A_289] {strides = array<i32>} : memref<31488xi32, #tpu.memory_space<vmem>>, vector<16xi32>,
        %ge3A_291 = arith.constant 0 : i32
        %ge3A_292 = vector.broadcast %ge3A_291 : i32 to vector<16xi32>
        %ge3A_293 = arith.cmpi sge, %get3A_290, %ge3A_292 : vector<16xi32>
        %add3A_294 = arith.constant 160 : i32
        %add3A_295 = vector.broadcast %add3A_294 : i32 to vector<16xi32>
        %add3A_296 = arith.addi %add3A_295, %iota3A : vector<16xi32>
        %swap3A_297 = arith.index_cast %add3A_284 : i32 to index
        %swap3A_298 = tpu.vector_load %arg11[%swap3A_297] masked %ge3A_293 {strides = array<i32>} : memref<272xi32, #tpu.memory_space<vmem>>, vector<16xi32>, vector<16xi1>
        tpu.vector_store %arg11[%swap3A_297], %add3A_296 masked %ge3A_293 {strides = array<i32>} : memref<272xi32, #tpu.memory_space<vmem>>, vector<16xi32>, vector<16xi1>
        %swap3A_299 = arith.index_cast %add3A_284 : i32 to index
        %swap3A_300 = tpu.vector_load %arg12[%swap3A_299] masked %ge3A_293 {strides = array<i32>} : memref<272xi32, #tpu.memory_space<vmem>>, vector<16xi32>, vector<16xi1>
        tpu.vector_store %arg12[%swap3A_299], %get3A_290 masked %ge3A_293 {strides = array<i32>} : memref<272xi32, #tpu.memory_space<vmem>>, vector<16xi32>, vector<16xi1>
        %all_reduce_population_count3A_301 = tpu.all_reduce %ge3A_293 {dim = 0 : i64, kind = #tpu.reduction_kind<sum>} : vector<16xi1> -> vector<16xi32>
        %slice3A_302 = vector.extract_strided_slice %all_reduce_population_count3A_301 {offsets = [0], sizes = [1], strides = [1]} : vector<16xi32> to vector<1xi32>
        %squeeze3A_303 = vector.extract %slice3A_302[0] : i32 from vector<1xi32>
        %add3A_304 = arith.addi %add3A_284, %squeeze3A_303 : i32
        %mul3A_305 = arith.constant 256 : i32
        %mul3A_306 = arith.muli %add3A_66, %mul3A_305 : i32
        %add3A_307 = arith.constant 176 : i32
        %add3A_308 = arith.addi %mul3A_306, %add3A_307 : i32
        %get3A_309 = arith.index_cast %add3A_308 : i32 to index
        %get3A_310 = tpu.vector_load %arg5[%get3A_309] {strides = array<i32>} : memref<31488xi32, #tpu.memory_space<vmem>>, vector<16xi32>,
        %ge3A_311 = arith.constant 0 : i32
        %ge3A_312 = vector.broadcast %ge3A_311 : i32 to vector<16xi32>
        %ge3A_313 = arith.cmpi sge, %get3A_310, %ge3A_312 : vector<16xi32>
        %add3A_314 = arith.constant 176 : i32
        %add3A_315 = vector.broadcast %add3A_314 : i32 to vector<16xi32>
        %add3A_316 = arith.addi %add3A_315, %iota3A : vector<16xi32>
        %swap3A_317 = arith.index_cast %add3A_304 : i32 to index
        %swap3A_318 = tpu.vector_load %arg11[%swap3A_317] masked %ge3A_313 {strides = array<i32>} : memref<272xi32, #tpu.memory_space<vmem>>, vector<16xi32>, vector<16xi1>
        tpu.vector_store %arg11[%swap3A_317], %add3A_316 masked %ge3A_313 {strides = array<i32>} : memref<272xi32, #tpu.memory_space<vmem>>, vector<16xi32>, vector<16xi1>
        %swap3A_319 = arith.index_cast %add3A_304 : i32 to index
        %swap3A_320 = tpu.vector_load %arg12[%swap3A_319] masked %ge3A_313 {strides = array<i32>} : memref<272xi32, #tpu.memory_space<vmem>>, vector<16xi32>, vector<16xi1>
        tpu.vector_store %arg12[%swap3A_319], %get3A_310 masked %ge3A_313 {strides = array<i32>} : memref<272xi32, #tpu.memory_space<vmem>>, vector<16xi32>, vector<16xi1>
        %all_reduce_population_count3A_321 = tpu.all_reduce %ge3A_313 {dim = 0 : i64, kind = #tpu.reduction_kind<sum>} : vector<16xi1> -> vector<16xi32>
        %slice3A_322 = vector.extract_strided_slice %all_reduce_population_count3A_321 {offsets = [0], sizes = [1], strides = [1]} : vector<16xi32> to vector<1xi32>
        %squeeze3A_323 = vector.extract %slice3A_322[0] : i32 from vector<1xi32>
        %add3A_324 = arith.addi %add3A_304, %squeeze3A_323 : i32
        %mul3A_325 = arith.constant 256 : i32
        %mul3A_326 = arith.muli %add3A_66, %mul3A_325 : i32
        %add3A_327 = arith.constant 192 : i32
        %add3A_328 = arith.addi %mul3A_326, %add3A_327 : i32
        %get3A_329 = arith.index_cast %add3A_328 : i32 to index
        %get3A_330 = tpu.vector_load %arg5[%get3A_329] {strides = array<i32>} : memref<31488xi32, #tpu.memory_space<vmem>>, vector<16xi32>,
        %ge3A_331 = arith.constant 0 : i32
        %ge3A_332 = vector.broadcast %ge3A_331 : i32 to vector<16xi32>
        %ge3A_333 = arith.cmpi sge, %get3A_330, %ge3A_332 : vector<16xi32>
        %add3A_334 = arith.constant 192 : i32
        %add3A_335 = vector.broadcast %add3A_334 : i32 to vector<16xi32>
        %add3A_336 = arith.addi %add3A_335, %iota3A : vector<16xi32>
        %swap3A_337 = arith.index_cast %add3A_324 : i32 to index
        %swap3A_338 = tpu.vector_load %arg11[%swap3A_337] masked %ge3A_333 {strides = array<i32>} : memref<272xi32, #tpu.memory_space<vmem>>, vector<16xi32>, vector<16xi1>
        tpu.vector_store %arg11[%swap3A_337], %add3A_336 masked %ge3A_333 {strides = array<i32>} : memref<272xi32, #tpu.memory_space<vmem>>, vector<16xi32>, vector<16xi1>
        %swap3A_339 = arith.index_cast %add3A_324 : i32 to index
        %swap3A_340 = tpu.vector_load %arg12[%swap3A_339] masked %ge3A_333 {strides = array<i32>} : memref<272xi32, #tpu.memory_space<vmem>>, vector<16xi32>, vector<16xi1>
        tpu.vector_store %arg12[%swap3A_339], %get3A_330 masked %ge3A_333 {strides = array<i32>} : memref<272xi32, #tpu.memory_space<vmem>>, vector<16xi32>, vector<16xi1>
        %all_reduce_population_count3A_341 = tpu.all_reduce %ge3A_333 {dim = 0 : i64, kind = #tpu.reduction_kind<sum>} : vector<16xi1> -> vector<16xi32>
        %slice3A_342 = vector.extract_strided_slice %all_reduce_population_count3A_341 {offsets = [0], sizes = [1], strides = [1]} : vector<16xi32> to vector<1xi32>
        %squeeze3A_343 = vector.extract %slice3A_342[0] : i32 from vector<1xi32>
        %add3A_344 = arith.addi %add3A_324, %squeeze3A_343 : i32
        %mul3A_345 = arith.constant 256 : i32
        %mul3A_346 = arith.muli %add3A_66, %mul3A_345 : i32
        %add3A_347 = arith.constant 208 : i32
        %add3A_348 = arith.addi %mul3A_346, %add3A_347 : i32
        %get3A_349 = arith.index_cast %add3A_348 : i32 to index
        %get3A_350 = tpu.vector_load %arg5[%get3A_349] {strides = array<i32>} : memref<31488xi32, #tpu.memory_space<vmem>>, vector<16xi32>,
        %ge3A_351 = arith.constant 0 : i32
        %ge3A_352 = vector.broadcast %ge3A_351 : i32 to vector<16xi32>
        %ge3A_353 = arith.cmpi sge, %get3A_350, %ge3A_352 : vector<16xi32>
        %add3A_354 = arith.constant 208 : i32
        %add3A_355 = vector.broadcast %add3A_354 : i32 to vector<16xi32>
        %add3A_356 = arith.addi %add3A_355, %iota3A : vector<16xi32>
        %swap3A_357 = arith.index_cast %add3A_344 : i32 to index
        %swap3A_358 = tpu.vector_load %arg11[%swap3A_357] masked %ge3A_353 {strides = array<i32>} : memref<272xi32, #tpu.memory_space<vmem>>, vector<16xi32>, vector<16xi1>
        tpu.vector_store %arg11[%swap3A_357], %add3A_356 masked %ge3A_353 {strides = array<i32>} : memref<272xi32, #tpu.memory_space<vmem>>, vector<16xi32>, vector<16xi1>
        %swap3A_359 = arith.index_cast %add3A_344 : i32 to index
        %swap3A_360 = tpu.vector_load %arg12[%swap3A_359] masked %ge3A_353 {strides = array<i32>} : memref<272xi32, #tpu.memory_space<vmem>>, vector<16xi32>, vector<16xi1>
        tpu.vector_store %arg12[%swap3A_359], %get3A_350 masked %ge3A_353 {strides = array<i32>} : memref<272xi32, #tpu.memory_space<vmem>>, vector<16xi32>, vector<16xi1>
        %all_reduce_population_count3A_361 = tpu.all_reduce %ge3A_353 {dim = 0 : i64, kind = #tpu.reduction_kind<sum>} : vector<16xi1> -> vector<16xi32>
        %slice3A_362 = vector.extract_strided_slice %all_reduce_population_count3A_361 {offsets = [0], sizes = [1], strides = [1]} : vector<16xi32> to vector<1xi32>
        %squeeze3A_363 = vector.extract %slice3A_362[0] : i32 from vector<1xi32>
        %add3A_364 = arith.addi %add3A_344, %squeeze3A_363 : i32
        %mul3A_365 = arith.constant 256 : i32
        %mul3A_366 = arith.muli %add3A_66, %mul3A_365 : i32
        %add3A_367 = arith.constant 224 : i32
        %add3A_368 = arith.addi %mul3A_366, %add3A_367 : i32
        %get3A_369 = arith.index_cast %add3A_368 : i32 to index
        %get3A_370 = tpu.vector_load %arg5[%get3A_369] {strides = array<i32>} : memref<31488xi32, #tpu.memory_space<vmem>>, vector<16xi32>,
        %ge3A_371 = arith.constant 0 : i32
        %ge3A_372 = vector.broadcast %ge3A_371 : i32 to vector<16xi32>
        %ge3A_373 = arith.cmpi sge, %get3A_370, %ge3A_372 : vector<16xi32>
        %add3A_374 = arith.constant 224 : i32
        %add3A_375 = vector.broadcast %add3A_374 : i32 to vector<16xi32>
        %add3A_376 = arith.addi %add3A_375, %iota3A : vector<16xi32>
        %swap3A_377 = arith.index_cast %add3A_364 : i32 to index
        %swap3A_378 = tpu.vector_load %arg11[%swap3A_377] masked %ge3A_373 {strides = array<i32>} : memref<272xi32, #tpu.memory_space<vmem>>, vector<16xi32>, vector<16xi1>
        tpu.vector_store %arg11[%swap3A_377], %add3A_376 masked %ge3A_373 {strides = array<i32>} : memref<272xi32, #tpu.memory_space<vmem>>, vector<16xi32>, vector<16xi1>
        %swap3A_379 = arith.index_cast %add3A_364 : i32 to index
        %swap3A_380 = tpu.vector_load %arg12[%swap3A_379] masked %ge3A_373 {strides = array<i32>} : memref<272xi32, #tpu.memory_space<vmem>>, vector<16xi32>, vector<16xi1>
        tpu.vector_store %arg12[%swap3A_379], %get3A_370 masked %ge3A_373 {strides = array<i32>} : memref<272xi32, #tpu.memory_space<vmem>>, vector<16xi32>, vector<16xi1>
        %all_reduce_population_count3A_381 = tpu.all_reduce %ge3A_373 {dim = 0 : i64, kind = #tpu.reduction_kind<sum>} : vector<16xi1> -> vector<16xi32>
        %slice3A_382 = vector.extract_strided_slice %all_reduce_population_count3A_381 {offsets = [0], sizes = [1], strides = [1]} : vector<16xi32> to vector<1xi32>
        %squeeze3A_383 = vector.extract %slice3A_382[0] : i32 from vector<1xi32>
        %add3A_384 = arith.addi %add3A_364, %squeeze3A_383 : i32
        %mul3A_385 = arith.constant 256 : i32
        %mul3A_386 = arith.muli %add3A_66, %mul3A_385 : i32
        %add3A_387 = arith.constant 240 : i32
        %add3A_388 = arith.addi %mul3A_386, %add3A_387 : i32
        %get3A_389 = arith.index_cast %add3A_388 : i32 to index
        %get3A_390 = tpu.vector_load %arg5[%get3A_389] {strides = array<i32>} : memref<31488xi32, #tpu.memory_space<vmem>>, vector<16xi32>,
        %ge3A_391 = arith.constant 0 : i32
        %ge3A_392 = vector.broadcast %ge3A_391 : i32 to vector<16xi32>
        %ge3A_393 = arith.cmpi sge, %get3A_390, %ge3A_392 : vector<16xi32>
        %add3A_394 = arith.constant 240 : i32
        %add3A_395 = vector.broadcast %add3A_394 : i32 to vector<16xi32>
        %add3A_396 = arith.addi %add3A_395, %iota3A : vector<16xi32>
        %swap3A_397 = arith.index_cast %add3A_384 : i32 to index
        %swap3A_398 = tpu.vector_load %arg11[%swap3A_397] masked %ge3A_393 {strides = array<i32>} : memref<272xi32, #tpu.memory_space<vmem>>, vector<16xi32>, vector<16xi1>
        tpu.vector_store %arg11[%swap3A_397], %add3A_396 masked %ge3A_393 {strides = array<i32>} : memref<272xi32, #tpu.memory_space<vmem>>, vector<16xi32>, vector<16xi1>
        %swap3A_399 = arith.index_cast %add3A_384 : i32 to index
        %swap3A_400 = tpu.vector_load %arg12[%swap3A_399] masked %ge3A_393 {strides = array<i32>} : memref<272xi32, #tpu.memory_space<vmem>>, vector<16xi32>, vector<16xi1>
        tpu.vector_store %arg12[%swap3A_399], %get3A_390 masked %ge3A_393 {strides = array<i32>} : memref<272xi32, #tpu.memory_space<vmem>>, vector<16xi32>, vector<16xi1>
        %all_reduce_population_count3A_401 = tpu.all_reduce %ge3A_393 {dim = 0 : i64, kind = #tpu.reduction_kind<sum>} : vector<16xi1> -> vector<16xi32>
        %slice3A_402 = vector.extract_strided_slice %all_reduce_population_count3A_401 {offsets = [0], sizes = [1], strides = [1]} : vector<16xi32> to vector<1xi32>
        %squeeze3A_403 = vector.extract %slice3A_402[0] : i32 from vector<1xi32>
        %add3A_404 = arith.addi %add3A_384, %squeeze3A_403 : i32
        %while3A_405 = arith.constant 0 : i32
        %while3A_406 = arith.constant 0 : i32
        %while3A_407 = arith.subi %add3A_404, %while3A_406 : i32
        %while3A_408 = arith.addi %while3A_406, %while3A_407 : i32
        %while3A_409 = arith.constant 1 : i32
        %while3A_410 = arith.divsi %while3A_407, %while3A_409 : i32
        %while3A_411 = arith.muli %while3A_410, %while3A_409 : i32
        %while3A_412 = arith.addi %while3A_406, %while3A_411 : i32
        %while3A_413 = arith.constant 1 : i32
        scf.for %while3A_427 = %while3A_406 to %while3A_412 step %while3A_413  : i32 {
          %get3A_428 = arith.index_cast %while3A_427 : i32 to index
          %get3A_429 = tpu.vector_load %arg11[%get3A_428] {strides = array<i32>} : memref<272xi32, #tpu.memory_space<vmem>>, vector<16xi32>,
          %slice3A_430 = vector.extract_strided_slice %get3A_429 {offsets = [0], sizes = [1], strides = [1]} : vector<16xi32> to vector<1xi32>
          %squeeze3A_431 = vector.extract %slice3A_430[0] : i32 from vector<1xi32>
          %get3A_432 = arith.index_cast %while3A_427 : i32 to index
          %get3A_433 = tpu.vector_load %arg12[%get3A_432] {strides = array<i32>} : memref<272xi32, #tpu.memory_space<vmem>>, vector<16xi32>,
          %slice3A_434 = vector.extract_strided_slice %get3A_433 {offsets = [0], sizes = [1], strides = [1]} : vector<16xi32> to vector<1xi32>
          %squeeze3A_435 = vector.extract %slice3A_434[0] : i32 from vector<1xi32>
          %ge3A_436 = arith.constant 8 : i32
          %ge3A_437 = arith.cmpi sge, %while3A_427, %ge3A_436 : i32
          %convert_element_type3A_438 = arith.extui %ge3A_437 : i1 to i32
          %cond3A_439 = arith.constant 0 : i32
          %cond3A_440 = arith.cmpi ne, %convert_element_type3A_438, %cond3A_439 : i32
          scf.if %cond3A_440 {
            %dma_wait3A_529 = arith.constant 0 : i32
            %dma_wait3A_530 = arith.constant 0 : i32
            %dma_wait3A_531 = tpu.memref_slice %arg13[%dma_wait3A_529, %dma_wait3A_530] : memref<8x128xf32, #tpu.memory_space<vmem>> -> memref<1x128xf32, #tpu.memory_space<vmem>>
            %dma_wait3A_532 = arith.constant 0 : i32
            %dma_wait3A_533 = arith.constant 0 : i32
            %dma_wait3A_534 = tpu.memref_slice %arg4[%dma_wait3A_532, %dma_wait3A_533] : memref<51200x128xf32, #tpu.memory_space<hbm>> -> memref<1x128xf32, #tpu.memory_space<hbm>>
            %dma_wait3A_535 = arith.constant 0 : i32
            %dma_wait3A_536 = arith.constant 0 : i32
            %dma_wait3A_537 = tpu.memref_slice %arg4[%dma_wait3A_535, %dma_wait3A_536] : memref<51200x128xf32, #tpu.memory_space<hbm>> -> memref<1x128xf32, #tpu.memory_space<hbm>>
            %dma_wait3A_538 = arith.constant 0 : i32
            %dma_wait3A_539 = arith.constant 0 : i32
            %dma_wait3A_540 = tpu.memref_slice %arg13[%dma_wait3A_538, %dma_wait3A_539] : memref<8x128xf32, #tpu.memory_space<vmem>> -> memref<1x128xf32, #tpu.memory_space<vmem>>
            tpu.wait_dma2 semaphore(%arg15 : memref<!tpu.dma_semaphore, #tpu.memory_space<semaphore_mem>>) src(%dma_wait3A_540 : memref<1x128xf32, #tpu.memory_space<vmem>>) dst(%dma_wait3A_537 : memref<1x128xf32, #tpu.memory_space<hbm>>)
          } else {
          }
          %jit3A = arith.constant 8 : i32
          %eq3A = arith.constant 0 : i32
          %eq3A_441 = arith.cmpi eq, %jit3A, %eq3A : i32
          %jit3A_442 = arith.constant 1 : i32
          %select_n3A = arith.select %eq3A_441, %jit3A_442, %jit3A : i32
          %rem3A = arith.remsi %while3A_427, %select_n3A : i32
          %ne3A = arith.constant 0 : i32
          %ne3A_443 = arith.cmpi ne, %rem3A, %ne3A : i32
          %lt3A_444 = arith.constant 0 : i32
          %lt3A_445 = arith.cmpi slt, %rem3A, %lt3A_444 : i32
          %lt3A_446 = arith.constant 0 : i32
          %lt3A_447 = arith.cmpi slt, %select_n3A, %lt3A_446 : i32
          %ne3A_448 = arith.xori %lt3A_445, %lt3A_447 : i1
          %and3A = arith.andi %ne3A_448, %ne3A_443 : i1
          %add3A_449 = arith.addi %rem3A, %select_n3A : i32
          %select_n3A_450 = arith.select %and3A, %add3A_449, %rem3A : i32
          %broadcast_in_dim3A_451 = vector.broadcast %squeeze3A_431 : i32 to vector<16xi32>
          %add3A_452 = arith.constant 0 : i32
          %add3A_453 = vector.broadcast %add3A_452 : i32 to vector<16xi32>
          %add3A_454 = arith.addi %add3A_453, %iota3A : vector<16xi32>
          %lt3A_455 = arith.constant 100 : i32
          %lt3A_456 = vector.broadcast %lt3A_455 : i32 to vector<16xi32>
          %lt3A_457 = arith.cmpi slt, %add3A_454, %lt3A_456 : vector<16xi32>
          %gather3A = tpu.vector_load_idx %arg9[%add3A_454, %broadcast_in_dim3A_451] masked %lt3A_457 : memref<100x256xf32, #tpu.memory_space<vmem>>[vector<16xi32>, vector<16xi32>], vector<16xf32>, vector<16xi1>
          %swap3A_458 = arith.index_cast %select_n3A_450 : i32 to index
          %swap3A_459 = arith.constant 0 : index
          %swap3A_460 = tpu.vector_load %arg13[%swap3A_458, %swap3A_459] {strides = array<i32>} : memref<8x128xf32, #tpu.memory_space<vmem>>, vector<16xf32>,
          tpu.vector_store %arg13[%swap3A_458, %swap3A_459], %gather3A {strides = array<i32>} : memref<8x128xf32, #tpu.memory_space<vmem>>, vector<16xf32>,
          %add3A_461 = arith.constant 16 : i32
          %add3A_462 = vector.broadcast %add3A_461 : i32 to vector<16xi32>
          %add3A_463 = arith.addi %add3A_462, %iota3A : vector<16xi32>
          %lt3A_464 = arith.constant 100 : i32
          %lt3A_465 = vector.broadcast %lt3A_464 : i32 to vector<16xi32>
          %lt3A_466 = arith.cmpi slt, %add3A_463, %lt3A_465 : vector<16xi32>
          %gather3A_467 = tpu.vector_load_idx %arg9[%add3A_463, %broadcast_in_dim3A_451] masked %lt3A_466 : memref<100x256xf32, #tpu.memory_space<vmem>>[vector<16xi32>, vector<16xi32>], vector<16xf32>, vector<16xi1>
          %swap3A_468 = arith.index_cast %select_n3A_450 : i32 to index
          %swap3A_469 = arith.constant 16 : index
          %swap3A_470 = tpu.vector_load %arg13[%swap3A_468, %swap3A_469] {strides = array<i32>} : memref<8x128xf32, #tpu.memory_space<vmem>>, vector<16xf32>,
          tpu.vector_store %arg13[%swap3A_468, %swap3A_469], %gather3A_467 {strides = array<i32>} : memref<8x128xf32, #tpu.memory_space<vmem>>, vector<16xf32>,
          %add3A_471 = arith.constant 32 : i32
          %add3A_472 = vector.broadcast %add3A_471 : i32 to vector<16xi32>
          %add3A_473 = arith.addi %add3A_472, %iota3A : vector<16xi32>
          %lt3A_474 = arith.constant 100 : i32
          %lt3A_475 = vector.broadcast %lt3A_474 : i32 to vector<16xi32>
          %lt3A_476 = arith.cmpi slt, %add3A_473, %lt3A_475 : vector<16xi32>
          %gather3A_477 = tpu.vector_load_idx %arg9[%add3A_473, %broadcast_in_dim3A_451] masked %lt3A_476 : memref<100x256xf32, #tpu.memory_space<vmem>>[vector<16xi32>, vector<16xi32>], vector<16xf32>, vector<16xi1>
          %swap3A_478 = arith.index_cast %select_n3A_450 : i32 to index
          %swap3A_479 = arith.constant 32 : index
          %swap3A_480 = tpu.vector_load %arg13[%swap3A_478, %swap3A_479] {strides = array<i32>} : memref<8x128xf32, #tpu.memory_space<vmem>>, vector<16xf32>,
          tpu.vector_store %arg13[%swap3A_478, %swap3A_479], %gather3A_477 {strides = array<i32>} : memref<8x128xf32, #tpu.memory_space<vmem>>, vector<16xf32>,
          %add3A_481 = arith.constant 48 : i32
          %add3A_482 = vector.broadcast %add3A_481 : i32 to vector<16xi32>
          %add3A_483 = arith.addi %add3A_482, %iota3A : vector<16xi32>
          %lt3A_484 = arith.constant 100 : i32
          %lt3A_485 = vector.broadcast %lt3A_484 : i32 to vector<16xi32>
          %lt3A_486 = arith.cmpi slt, %add3A_483, %lt3A_485 : vector<16xi32>
          %gather3A_487 = tpu.vector_load_idx %arg9[%add3A_483, %broadcast_in_dim3A_451] masked %lt3A_486 : memref<100x256xf32, #tpu.memory_space<vmem>>[vector<16xi32>, vector<16xi32>], vector<16xf32>, vector<16xi1>
          %swap3A_488 = arith.index_cast %select_n3A_450 : i32 to index
          %swap3A_489 = arith.constant 48 : index
          %swap3A_490 = tpu.vector_load %arg13[%swap3A_488, %swap3A_489] {strides = array<i32>} : memref<8x128xf32, #tpu.memory_space<vmem>>, vector<16xf32>,
          tpu.vector_store %arg13[%swap3A_488, %swap3A_489], %gather3A_487 {strides = array<i32>} : memref<8x128xf32, #tpu.memory_space<vmem>>, vector<16xf32>,
          %add3A_491 = arith.constant 64 : i32
          %add3A_492 = vector.broadcast %add3A_491 : i32 to vector<16xi32>
          %add3A_493 = arith.addi %add3A_492, %iota3A : vector<16xi32>
          %lt3A_494 = arith.constant 100 : i32
          %lt3A_495 = vector.broadcast %lt3A_494 : i32 to vector<16xi32>
          %lt3A_496 = arith.cmpi slt, %add3A_493, %lt3A_495 : vector<16xi32>
          %gather3A_497 = tpu.vector_load_idx %arg9[%add3A_493, %broadcast_in_dim3A_451] masked %lt3A_496 : memref<100x256xf32, #tpu.memory_space<vmem>>[vector<16xi32>, vector<16xi32>], vector<16xf32>, vector<16xi1>
          %swap3A_498 = arith.index_cast %select_n3A_450 : i32 to index
          %swap3A_499 = arith.constant 64 : index
          %swap3A_500 = tpu.vector_load %arg13[%swap3A_498, %swap3A_499] {strides = array<i32>} : memref<8x128xf32, #tpu.memory_space<vmem>>, vector<16xf32>,
          tpu.vector_store %arg13[%swap3A_498, %swap3A_499], %gather3A_497 {strides = array<i32>} : memref<8x128xf32, #tpu.memory_space<vmem>>, vector<16xf32>,
          %add3A_501 = arith.constant 80 : i32
          %add3A_502 = vector.broadcast %add3A_501 : i32 to vector<16xi32>
          %add3A_503 = arith.addi %add3A_502, %iota3A : vector<16xi32>
          %lt3A_504 = arith.constant 100 : i32
          %lt3A_505 = vector.broadcast %lt3A_504 : i32 to vector<16xi32>
          %lt3A_506 = arith.cmpi slt, %add3A_503, %lt3A_505 : vector<16xi32>
          %gather3A_507 = tpu.vector_load_idx %arg9[%add3A_503, %broadcast_in_dim3A_451] masked %lt3A_506 : memref<100x256xf32, #tpu.memory_space<vmem>>[vector<16xi32>, vector<16xi32>], vector<16xf32>, vector<16xi1>
          %swap3A_508 = arith.index_cast %select_n3A_450 : i32 to index
          %swap3A_509 = arith.constant 80 : index
          %swap3A_510 = tpu.vector_load %arg13[%swap3A_508, %swap3A_509] {strides = array<i32>} : memref<8x128xf32, #tpu.memory_space<vmem>>, vector<16xf32>,
          tpu.vector_store %arg13[%swap3A_508, %swap3A_509], %gather3A_507 {strides = array<i32>} : memref<8x128xf32, #tpu.memory_space<vmem>>, vector<16xf32>,
          %add3A_511 = arith.constant 96 : i32
          %add3A_512 = vector.broadcast %add3A_511 : i32 to vector<16xi32>
          %add3A_513 = arith.addi %add3A_512, %iota3A : vector<16xi32>
          %lt3A_514 = arith.constant 100 : i32
          %lt3A_515 = vector.broadcast %lt3A_514 : i32 to vector<16xi32>
          %lt3A_516 = arith.cmpi slt, %add3A_513, %lt3A_515 : vector<16xi32>
          %gather3A_517 = tpu.vector_load_idx %arg9[%add3A_513, %broadcast_in_dim3A_451] masked %lt3A_516 : memref<100x256xf32, #tpu.memory_space<vmem>>[vector<16xi32>, vector<16xi32>], vector<16xf32>, vector<16xi1>
          %swap3A_518 = arith.index_cast %select_n3A_450 : i32 to index
          %swap3A_519 = arith.constant 96 : index
          %swap3A_520 = tpu.vector_load %arg13[%swap3A_518, %swap3A_519] {strides = array<i32>} : memref<8x128xf32, #tpu.memory_space<vmem>>, vector<16xf32>,
          tpu.vector_store %arg13[%swap3A_518, %swap3A_519], %gather3A_517 {strides = array<i32>} : memref<8x128xf32, #tpu.memory_space<vmem>>, vector<16xf32>,
          %dma_start3A_521 = arith.constant 0 : i32
          %dma_start3A_522 = tpu.memref_slice %arg13[%select_n3A_450, %dma_start3A_521] : memref<8x128xf32, #tpu.memory_space<vmem>> -> memref<1x128xf32, #tpu.memory_space<vmem>>
          %dma_start3A_523 = arith.constant 0 : i32
          %dma_start3A_524 = tpu.memref_slice %arg4[%squeeze3A_435, %dma_start3A_523] : memref<51200x128xf32, #tpu.memory_space<hbm>> -> memref<1x128xf32, #tpu.memory_space<hbm>>
          %dma_start3A_525 = arith.constant 0 : i32
          %dma_start3A_526 = tpu.memref_slice %arg4[%squeeze3A_435, %dma_start3A_525] : memref<51200x128xf32, #tpu.memory_space<hbm>> -> memref<1x128xf32, #tpu.memory_space<hbm>>
          %dma_start3A_527 = arith.constant 0 : i32
          %dma_start3A_528 = tpu.memref_slice %arg13[%select_n3A_450, %dma_start3A_527] : memref<8x128xf32, #tpu.memory_space<vmem>> -> memref<1x128xf32, #tpu.memory_space<vmem>>
          tpu.enqueue_dma source(%dma_start3A_528 : memref<1x128xf32, #tpu.memory_space<vmem>>) target(%dma_start3A_526 : memref<1x128xf32, #tpu.memory_space<hbm>>) target_semaphore(%arg15 : memref<!tpu.dma_semaphore, #tpu.memory_space<semaphore_mem>>)
        }
        %while3A_414 = arith.constant 1 : i32
        scf.for %while3A_427 = %while3A_412 to %while3A_408 step %while3A_414  : i32 {
          %get3A_428 = arith.index_cast %while3A_427 : i32 to index
          %get3A_429 = tpu.vector_load %arg11[%get3A_428] {strides = array<i32>} : memref<272xi32, #tpu.memory_space<vmem>>, vector<16xi32>,
          %slice3A_430 = vector.extract_strided_slice %get3A_429 {offsets = [0], sizes = [1], strides = [1]} : vector<16xi32> to vector<1xi32>
          %squeeze3A_431 = vector.extract %slice3A_430[0] : i32 from vector<1xi32>
          %get3A_432 = arith.index_cast %while3A_427 : i32 to index
          %get3A_433 = tpu.vector_load %arg12[%get3A_432] {strides = array<i32>} : memref<272xi32, #tpu.memory_space<vmem>>, vector<16xi32>,
          %slice3A_434 = vector.extract_strided_slice %get3A_433 {offsets = [0], sizes = [1], strides = [1]} : vector<16xi32> to vector<1xi32>
          %squeeze3A_435 = vector.extract %slice3A_434[0] : i32 from vector<1xi32>
          %ge3A_436 = arith.constant 8 : i32
          %ge3A_437 = arith.cmpi sge, %while3A_427, %ge3A_436 : i32
          %convert_element_type3A_438 = arith.extui %ge3A_437 : i1 to i32
          %cond3A_439 = arith.constant 0 : i32
          %cond3A_440 = arith.cmpi ne, %convert_element_type3A_438, %cond3A_439 : i32
          scf.if %cond3A_440 {
            %dma_wait3A_529 = arith.constant 0 : i32
            %dma_wait3A_530 = arith.constant 0 : i32
            %dma_wait3A_531 = tpu.memref_slice %arg13[%dma_wait3A_529, %dma_wait3A_530] : memref<8x128xf32, #tpu.memory_space<vmem>> -> memref<1x128xf32, #tpu.memory_space<vmem>>
            %dma_wait3A_532 = arith.constant 0 : i32
            %dma_wait3A_533 = arith.constant 0 : i32
            %dma_wait3A_534 = tpu.memref_slice %arg4[%dma_wait3A_532, %dma_wait3A_533] : memref<51200x128xf32, #tpu.memory_space<hbm>> -> memref<1x128xf32, #tpu.memory_space<hbm>>
            %dma_wait3A_535 = arith.constant 0 : i32
            %dma_wait3A_536 = arith.constant 0 : i32
            %dma_wait3A_537 = tpu.memref_slice %arg4[%dma_wait3A_535, %dma_wait3A_536] : memref<51200x128xf32, #tpu.memory_space<hbm>> -> memref<1x128xf32, #tpu.memory_space<hbm>>
            %dma_wait3A_538 = arith.constant 0 : i32
            %dma_wait3A_539 = arith.constant 0 : i32
            %dma_wait3A_540 = tpu.memref_slice %arg13[%dma_wait3A_538, %dma_wait3A_539] : memref<8x128xf32, #tpu.memory_space<vmem>> -> memref<1x128xf32, #tpu.memory_space<vmem>>
            tpu.wait_dma2 semaphore(%arg15 : memref<!tpu.dma_semaphore, #tpu.memory_space<semaphore_mem>>) src(%dma_wait3A_540 : memref<1x128xf32, #tpu.memory_space<vmem>>) dst(%dma_wait3A_537 : memref<1x128xf32, #tpu.memory_space<hbm>>)
          } else {
          }
          %jit3A = arith.constant 8 : i32
          %eq3A = arith.constant 0 : i32
          %eq3A_441 = arith.cmpi eq, %jit3A, %eq3A : i32
          %jit3A_442 = arith.constant 1 : i32
          %select_n3A = arith.select %eq3A_441, %jit3A_442, %jit3A : i32
          %rem3A = arith.remsi %while3A_427, %select_n3A : i32
          %ne3A = arith.constant 0 : i32
          %ne3A_443 = arith.cmpi ne, %rem3A, %ne3A : i32
          %lt3A_444 = arith.constant 0 : i32
          %lt3A_445 = arith.cmpi slt, %rem3A, %lt3A_444 : i32
          %lt3A_446 = arith.constant 0 : i32
          %lt3A_447 = arith.cmpi slt, %select_n3A, %lt3A_446 : i32
          %ne3A_448 = arith.xori %lt3A_445, %lt3A_447 : i1
          %and3A = arith.andi %ne3A_448, %ne3A_443 : i1
          %add3A_449 = arith.addi %rem3A, %select_n3A : i32
          %select_n3A_450 = arith.select %and3A, %add3A_449, %rem3A : i32
          %broadcast_in_dim3A_451 = vector.broadcast %squeeze3A_431 : i32 to vector<16xi32>
          %add3A_452 = arith.constant 0 : i32
          %add3A_453 = vector.broadcast %add3A_452 : i32 to vector<16xi32>
          %add3A_454 = arith.addi %add3A_453, %iota3A : vector<16xi32>
          %lt3A_455 = arith.constant 100 : i32
          %lt3A_456 = vector.broadcast %lt3A_455 : i32 to vector<16xi32>
          %lt3A_457 = arith.cmpi slt, %add3A_454, %lt3A_456 : vector<16xi32>
          %gather3A = tpu.vector_load_idx %arg9[%add3A_454, %broadcast_in_dim3A_451] masked %lt3A_457 : memref<100x256xf32, #tpu.memory_space<vmem>>[vector<16xi32>, vector<16xi32>], vector<16xf32>, vector<16xi1>
          %swap3A_458 = arith.index_cast %select_n3A_450 : i32 to index
          %swap3A_459 = arith.constant 0 : index
          %swap3A_460 = tpu.vector_load %arg13[%swap3A_458, %swap3A_459] {strides = array<i32>} : memref<8x128xf32, #tpu.memory_space<vmem>>, vector<16xf32>,
          tpu.vector_store %arg13[%swap3A_458, %swap3A_459], %gather3A {strides = array<i32>} : memref<8x128xf32, #tpu.memory_space<vmem>>, vector<16xf32>,
          %add3A_461 = arith.constant 16 : i32
          %add3A_462 = vector.broadcast %add3A_461 : i32 to vector<16xi32>
          %add3A_463 = arith.addi %add3A_462, %iota3A : vector<16xi32>
          %lt3A_464 = arith.constant 100 : i32
          %lt3A_465 = vector.broadcast %lt3A_464 : i32 to vector<16xi32>
          %lt3A_466 = arith.cmpi slt, %add3A_463, %lt3A_465 : vector<16xi32>
          %gather3A_467 = tpu.vector_load_idx %arg9[%add3A_463, %broadcast_in_dim3A_451] masked %lt3A_466 : memref<100x256xf32, #tpu.memory_space<vmem>>[vector<16xi32>, vector<16xi32>], vector<16xf32>, vector<16xi1>
          %swap3A_468 = arith.index_cast %select_n3A_450 : i32 to index
          %swap3A_469 = arith.constant 16 : index
          %swap3A_470 = tpu.vector_load %arg13[%swap3A_468, %swap3A_469] {strides = array<i32>} : memref<8x128xf32, #tpu.memory_space<vmem>>, vector<16xf32>,
          tpu.vector_store %arg13[%swap3A_468, %swap3A_469], %gather3A_467 {strides = array<i32>} : memref<8x128xf32, #tpu.memory_space<vmem>>, vector<16xf32>,
          %add3A_471 = arith.constant 32 : i32
          %add3A_472 = vector.broadcast %add3A_471 : i32 to vector<16xi32>
          %add3A_473 = arith.addi %add3A_472, %iota3A : vector<16xi32>
          %lt3A_474 = arith.constant 100 : i32
          %lt3A_475 = vector.broadcast %lt3A_474 : i32 to vector<16xi32>
          %lt3A_476 = arith.cmpi slt, %add3A_473, %lt3A_475 : vector<16xi32>
          %gather3A_477 = tpu.vector_load_idx %arg9[%add3A_473, %broadcast_in_dim3A_451] masked %lt3A_476 : memref<100x256xf32, #tpu.memory_space<vmem>>[vector<16xi32>, vector<16xi32>], vector<16xf32>, vector<16xi1>
          %swap3A_478 = arith.index_cast %select_n3A_450 : i32 to index
          %swap3A_479 = arith.constant 32 : index
          %swap3A_480 = tpu.vector_load %arg13[%swap3A_478, %swap3A_479] {strides = array<i32>} : memref<8x128xf32, #tpu.memory_space<vmem>>, vector<16xf32>,
          tpu.vector_store %arg13[%swap3A_478, %swap3A_479], %gather3A_477 {strides = array<i32>} : memref<8x128xf32, #tpu.memory_space<vmem>>, vector<16xf32>,
          %add3A_481 = arith.constant 48 : i32
          %add3A_482 = vector.broadcast %add3A_481 : i32 to vector<16xi32>
          %add3A_483 = arith.addi %add3A_482, %iota3A : vector<16xi32>
          %lt3A_484 = arith.constant 100 : i32
          %lt3A_485 = vector.broadcast %lt3A_484 : i32 to vector<16xi32>
          %lt3A_486 = arith.cmpi slt, %add3A_483, %lt3A_485 : vector<16xi32>
          %gather3A_487 = tpu.vector_load_idx %arg9[%add3A_483, %broadcast_in_dim3A_451] masked %lt3A_486 : memref<100x256xf32, #tpu.memory_space<vmem>>[vector<16xi32>, vector<16xi32>], vector<16xf32>, vector<16xi1>
          %swap3A_488 = arith.index_cast %select_n3A_450 : i32 to index
          %swap3A_489 = arith.constant 48 : index
          %swap3A_490 = tpu.vector_load %arg13[%swap3A_488, %swap3A_489] {strides = array<i32>} : memref<8x128xf32, #tpu.memory_space<vmem>>, vector<16xf32>,
          tpu.vector_store %arg13[%swap3A_488, %swap3A_489], %gather3A_487 {strides = array<i32>} : memref<8x128xf32, #tpu.memory_space<vmem>>, vector<16xf32>,
          %add3A_491 = arith.constant 64 : i32
          %add3A_492 = vector.broadcast %add3A_491 : i32 to vector<16xi32>
          %add3A_493 = arith.addi %add3A_492, %iota3A : vector<16xi32>
          %lt3A_494 = arith.constant 100 : i32
          %lt3A_495 = vector.broadcast %lt3A_494 : i32 to vector<16xi32>
          %lt3A_496 = arith.cmpi slt, %add3A_493, %lt3A_495 : vector<16xi32>
          %gather3A_497 = tpu.vector_load_idx %arg9[%add3A_493, %broadcast_in_dim3A_451] masked %lt3A_496 : memref<100x256xf32, #tpu.memory_space<vmem>>[vector<16xi32>, vector<16xi32>], vector<16xf32>, vector<16xi1>
          %swap3A_498 = arith.index_cast %select_n3A_450 : i32 to index
          %swap3A_499 = arith.constant 64 : index
          %swap3A_500 = tpu.vector_load %arg13[%swap3A_498, %swap3A_499] {strides = array<i32>} : memref<8x128xf32, #tpu.memory_space<vmem>>, vector<16xf32>,
          tpu.vector_store %arg13[%swap3A_498, %swap3A_499], %gather3A_497 {strides = array<i32>} : memref<8x128xf32, #tpu.memory_space<vmem>>, vector<16xf32>,
          %add3A_501 = arith.constant 80 : i32
          %add3A_502 = vector.broadcast %add3A_501 : i32 to vector<16xi32>
          %add3A_503 = arith.addi %add3A_502, %iota3A : vector<16xi32>
          %lt3A_504 = arith.constant 100 : i32
          %lt3A_505 = vector.broadcast %lt3A_504 : i32 to vector<16xi32>
          %lt3A_506 = arith.cmpi slt, %add3A_503, %lt3A_505 : vector<16xi32>
          %gather3A_507 = tpu.vector_load_idx %arg9[%add3A_503, %broadcast_in_dim3A_451] masked %lt3A_506 : memref<100x256xf32, #tpu.memory_space<vmem>>[vector<16xi32>, vector<16xi32>], vector<16xf32>, vector<16xi1>
          %swap3A_508 = arith.index_cast %select_n3A_450 : i32 to index
          %swap3A_509 = arith.constant 80 : index
          %swap3A_510 = tpu.vector_load %arg13[%swap3A_508, %swap3A_509] {strides = array<i32>} : memref<8x128xf32, #tpu.memory_space<vmem>>, vector<16xf32>,
          tpu.vector_store %arg13[%swap3A_508, %swap3A_509], %gather3A_507 {strides = array<i32>} : memref<8x128xf32, #tpu.memory_space<vmem>>, vector<16xf32>,
          %add3A_511 = arith.constant 96 : i32
          %add3A_512 = vector.broadcast %add3A_511 : i32 to vector<16xi32>
          %add3A_513 = arith.addi %add3A_512, %iota3A : vector<16xi32>
          %lt3A_514 = arith.constant 100 : i32
          %lt3A_515 = vector.broadcast %lt3A_514 : i32 to vector<16xi32>
          %lt3A_516 = arith.cmpi slt, %add3A_513, %lt3A_515 : vector<16xi32>
          %gather3A_517 = tpu.vector_load_idx %arg9[%add3A_513, %broadcast_in_dim3A_451] masked %lt3A_516 : memref<100x256xf32, #tpu.memory_space<vmem>>[vector<16xi32>, vector<16xi32>], vector<16xf32>, vector<16xi1>
          %swap3A_518 = arith.index_cast %select_n3A_450 : i32 to index
          %swap3A_519 = arith.constant 96 : index
          %swap3A_520 = tpu.vector_load %arg13[%swap3A_518, %swap3A_519] {strides = array<i32>} : memref<8x128xf32, #tpu.memory_space<vmem>>, vector<16xf32>,
          tpu.vector_store %arg13[%swap3A_518, %swap3A_519], %gather3A_517 {strides = array<i32>} : memref<8x128xf32, #tpu.memory_space<vmem>>, vector<16xf32>,
          %dma_start3A_521 = arith.constant 0 : i32
          %dma_start3A_522 = tpu.memref_slice %arg13[%select_n3A_450, %dma_start3A_521] : memref<8x128xf32, #tpu.memory_space<vmem>> -> memref<1x128xf32, #tpu.memory_space<vmem>>
          %dma_start3A_523 = arith.constant 0 : i32
          %dma_start3A_524 = tpu.memref_slice %arg4[%squeeze3A_435, %dma_start3A_523] : memref<51200x128xf32, #tpu.memory_space<hbm>> -> memref<1x128xf32, #tpu.memory_space<hbm>>
          %dma_start3A_525 = arith.constant 0 : i32
          %dma_start3A_526 = tpu.memref_slice %arg4[%squeeze3A_435, %dma_start3A_525] : memref<51200x128xf32, #tpu.memory_space<hbm>> -> memref<1x128xf32, #tpu.memory_space<hbm>>
          %dma_start3A_527 = arith.constant 0 : i32
          %dma_start3A_528 = tpu.memref_slice %arg13[%select_n3A_450, %dma_start3A_527] : memref<8x128xf32, #tpu.memory_space<vmem>> -> memref<1x128xf32, #tpu.memory_space<vmem>>
          tpu.enqueue_dma source(%dma_start3A_528 : memref<1x128xf32, #tpu.memory_space<vmem>>) target(%dma_start3A_526 : memref<1x128xf32, #tpu.memory_space<hbm>>) target_semaphore(%arg15 : memref<!tpu.dma_semaphore, #tpu.memory_space<semaphore_mem>>)
        }
        %min3A_415 = arith.constant 8 : i32
        %min3A_416 = arith.minsi %add3A_404, %min3A_415 : i32
        %while3A_417 = arith.constant 0 : i32
        %while3A_418 = arith.constant 0 : i32
        %while3A_419 = arith.subi %min3A_416, %while3A_418 : i32
        %while3A_420 = arith.addi %while3A_418, %while3A_419 : i32
        %while3A_421 = arith.constant 1 : i32
        %while3A_422 = arith.divsi %while3A_419, %while3A_421 : i32
        %while3A_423 = arith.muli %while3A_422, %while3A_421 : i32
        %while3A_424 = arith.addi %while3A_418, %while3A_423 : i32
        %while3A_425 = arith.constant 1 : i32
        scf.for %while3A_427 = %while3A_418 to %while3A_424 step %while3A_425  : i32 {
          %dma_wait3A_428 = arith.constant 0 : i32
          %dma_wait3A_429 = arith.constant 0 : i32
          %dma_wait3A_430 = tpu.memref_slice %arg13[%dma_wait3A_428, %dma_wait3A_429] : memref<8x128xf32, #tpu.memory_space<vmem>> -> memref<1x128xf32, #tpu.memory_space<vmem>>
          %dma_wait3A_431 = arith.constant 0 : i32
          %dma_wait3A_432 = arith.constant 0 : i32
          %dma_wait3A_433 = tpu.memref_slice %arg4[%dma_wait3A_431, %dma_wait3A_432] : memref<51200x128xf32, #tpu.memory_space<hbm>> -> memref<1x128xf32, #tpu.memory_space<hbm>>
          %dma_wait3A_434 = arith.constant 0 : i32
          %dma_wait3A_435 = arith.constant 0 : i32
          %dma_wait3A_436 = tpu.memref_slice %arg4[%dma_wait3A_434, %dma_wait3A_435] : memref<51200x128xf32, #tpu.memory_space<hbm>> -> memref<1x128xf32, #tpu.memory_space<hbm>>
          %dma_wait3A_437 = arith.constant 0 : i32
          %dma_wait3A_438 = arith.constant 0 : i32
          %dma_wait3A_439 = tpu.memref_slice %arg13[%dma_wait3A_437, %dma_wait3A_438] : memref<8x128xf32, #tpu.memory_space<vmem>> -> memref<1x128xf32, #tpu.memory_space<vmem>>
          tpu.wait_dma2 semaphore(%arg15 : memref<!tpu.dma_semaphore, #tpu.memory_space<semaphore_mem>>) src(%dma_wait3A_439 : memref<1x128xf32, #tpu.memory_space<vmem>>) dst(%dma_wait3A_436 : memref<1x128xf32, #tpu.memory_space<hbm>>)
        }
        %while3A_426 = arith.constant 1 : i32
        scf.for %while3A_427 = %while3A_424 to %while3A_420 step %while3A_426  : i32 {
          %dma_wait3A_428 = arith.constant 0 : i32
          %dma_wait3A_429 = arith.constant 0 : i32
          %dma_wait3A_430 = tpu.memref_slice %arg13[%dma_wait3A_428, %dma_wait3A_429] : memref<8x128xf32, #tpu.memory_space<vmem>> -> memref<1x128xf32, #tpu.memory_space<vmem>>
          %dma_wait3A_431 = arith.constant 0 : i32
          %dma_wait3A_432 = arith.constant 0 : i32
          %dma_wait3A_433 = tpu.memref_slice %arg4[%dma_wait3A_431, %dma_wait3A_432] : memref<51200x128xf32, #tpu.memory_space<hbm>> -> memref<1x128xf32, #tpu.memory_space<hbm>>
          %dma_wait3A_434 = arith.constant 0 : i32
          %dma_wait3A_435 = arith.constant 0 : i32
          %dma_wait3A_436 = tpu.memref_slice %arg4[%dma_wait3A_434, %dma_wait3A_435] : memref<51200x128xf32, #tpu.memory_space<hbm>> -> memref<1x128xf32, #tpu.memory_space<hbm>>
          %dma_wait3A_437 = arith.constant 0 : i32
          %dma_wait3A_438 = arith.constant 0 : i32
          %dma_wait3A_439 = tpu.memref_slice %arg13[%dma_wait3A_437, %dma_wait3A_438] : memref<8x128xf32, #tpu.memory_space<vmem>> -> memref<1x128xf32, #tpu.memory_space<vmem>>
          tpu.wait_dma2 semaphore(%arg15 : memref<!tpu.dma_semaphore, #tpu.memory_space<semaphore_mem>>) src(%dma_wait3A_439 : memref<1x128xf32, #tpu.memory_space<vmem>>) dst(%dma_wait3A_436 : memref<1x128xf32, #tpu.memory_space<hbm>>)
        }
      } else {
      }
      %add3A_71 = arith.constant 2 : i32
      %add3A_72 = arith.addi %mul3A_59, %add3A_71 : i32
      %lt3A_73 = arith.cmpi slt, %add3A_72, %min3A_8 : i32
      %convert_element_type3A_74 = arith.extui %lt3A_73 : i1 to i32
      %cond3A_75 = arith.constant 0 : i32
      %cond3A_76 = arith.cmpi ne, %convert_element_type3A_74, %cond3A_75 : i32
      scf.if %cond3A_76 {
        %dma_wait3A = arith.constant 0 : i32
        %dma_wait3A_77 = arith.constant 0 : i32
        %dma_wait3A_78 = tpu.memref_slice %arg2[%dma_wait3A, %dma_wait3A_77] : memref<100x1000000xf32, #tpu.memory_space<hbm>> -> memref<100x256xf32, #tpu.memory_space<hbm>>
        %dma_wait3A_79 = arith.constant 0 : i32
        %dma_wait3A_80 = arith.constant 0 : i32
        %dma_wait3A_81 = tpu.memref_slice %arg2[%dma_wait3A_79, %dma_wait3A_80] : memref<100x1000000xf32, #tpu.memory_space<hbm>> -> memref<100x256xf32, #tpu.memory_space<hbm>>
        tpu.wait_dma2 semaphore(%arg14 : memref<!tpu.dma_semaphore, #tpu.memory_space<semaphore_mem>>) src(%dma_wait3A_81 : memref<100x256xf32, #tpu.memory_space<hbm>>) dst(%arg10 : memref<100x256xf32, #tpu.memory_space<vmem>>)
        %add3A_82 = arith.constant 2 : i32
        %add3A_83 = arith.addi %add3A_72, %add3A_82 : i32
        %lt3A_84 = arith.cmpi slt, %add3A_83, %min3A_8 : i32
        %convert_element_type3A_85 = arith.extui %lt3A_84 : i1 to i32
        %cond3A_86 = arith.constant 0 : i32
        %cond3A_87 = arith.cmpi ne, %convert_element_type3A_85, %cond3A_86 : i32
        scf.if %cond3A_87 {
          %add3A_427 = arith.constant 2 : i32
          %add3A_428 = arith.addi %add3A_72, %add3A_427 : i32
          %mul3A_429 = arith.constant 123 : i32
          %mul3A_430 = arith.muli %add3A, %mul3A_429 : i32
          %add3A_431 = arith.addi %mul3A_430, %add3A_428 : i32
          %mul3A_432 = arith.constant 256 : i32
          %mul3A_433 = arith.muli %add3A_431, %mul3A_432 : i32
          %multiple_of3A = tpu.assume_multiple %mul3A_433, 256 : i32
          %dma_start3A_434 = arith.constant 0 : i32
          %dma_start3A_435 = tpu.memref_slice %arg2[%dma_start3A_434, %multiple_of3A] : memref<100x1000000xf32, #tpu.memory_space<hbm>> -> memref<100x256xf32, #tpu.memory_space<hbm>>
          %dma_start3A_436 = arith.constant 0 : i32
          %dma_start3A_437 = tpu.memref_slice %arg2[%dma_start3A_436, %multiple_of3A] : memref<100x1000000xf32, #tpu.memory_space<hbm>> -> memref<100x256xf32, #tpu.memory_space<hbm>>
          tpu.enqueue_dma source(%dma_start3A_437 : memref<100x256xf32, #tpu.memory_space<hbm>>) target(%arg9 : memref<100x256xf32, #tpu.memory_space<vmem>>) target_semaphore(%arg14 : memref<!tpu.dma_semaphore, #tpu.memory_space<semaphore_mem>>)
        } else {
        }
        %mul3A_88 = arith.constant 256 : i32
        %mul3A_89 = arith.muli %add3A_72, %mul3A_88 : i32
        %add3A_90 = arith.constant 0 : i32
        %add3A_91 = arith.addi %mul3A_89, %add3A_90 : i32
        %get3A = arith.index_cast %add3A_91 : i32 to index
        %get3A_92 = tpu.vector_load %arg5[%get3A] {strides = array<i32>} : memref<31488xi32, #tpu.memory_space<vmem>>, vector<16xi32>,
        %ge3A = arith.constant 0 : i32
        %ge3A_93 = vector.broadcast %ge3A : i32 to vector<16xi32>
        %ge3A_94 = arith.cmpi sge, %get3A_92, %ge3A_93 : vector<16xi32>
        %add3A_95 = arith.constant 0 : i32
        %add3A_96 = vector.broadcast %add3A_95 : i32 to vector<16xi32>
        %add3A_97 = arith.addi %add3A_96, %iota3A : vector<16xi32>
        %swap3A = arith.constant 0 : i32
        %swap3A_98 = arith.index_cast %swap3A : i32 to index
        %swap3A_99 = tpu.vector_load %arg11[%swap3A_98] masked %ge3A_94 {strides = array<i32>} : memref<272xi32, #tpu.memory_space<vmem>>, vector<16xi32>, vector<16xi1>
        tpu.vector_store %arg11[%swap3A_98], %add3A_97 masked %ge3A_94 {strides = array<i32>} : memref<272xi32, #tpu.memory_space<vmem>>, vector<16xi32>, vector<16xi1>
        %swap3A_100 = arith.constant 0 : i32
        %swap3A_101 = arith.index_cast %swap3A_100 : i32 to index
        %swap3A_102 = tpu.vector_load %arg12[%swap3A_101] masked %ge3A_94 {strides = array<i32>} : memref<272xi32, #tpu.memory_space<vmem>>, vector<16xi32>, vector<16xi1>
        tpu.vector_store %arg12[%swap3A_101], %get3A_92 masked %ge3A_94 {strides = array<i32>} : memref<272xi32, #tpu.memory_space<vmem>>, vector<16xi32>, vector<16xi1>
        %all_reduce_population_count3A = tpu.all_reduce %ge3A_94 {dim = 0 : i64, kind = #tpu.reduction_kind<sum>} : vector<16xi1> -> vector<16xi32>
        %slice3A = vector.extract_strided_slice %all_reduce_population_count3A {offsets = [0], sizes = [1], strides = [1]} : vector<16xi32> to vector<1xi32>
        %squeeze3A = vector.extract %slice3A[0] : i32 from vector<1xi32>
        %add3A_103 = arith.constant 0 : i32
        %add3A_104 = arith.addi %add3A_103, %squeeze3A : i32
        %mul3A_105 = arith.constant 256 : i32
        %mul3A_106 = arith.muli %add3A_72, %mul3A_105 : i32
        %add3A_107 = arith.constant 16 : i32
        %add3A_108 = arith.addi %mul3A_106, %add3A_107 : i32
        %get3A_109 = arith.index_cast %add3A_108 : i32 to index
        %get3A_110 = tpu.vector_load %arg5[%get3A_109] {strides = array<i32>} : memref<31488xi32, #tpu.memory_space<vmem>>, vector<16xi32>,
        %ge3A_111 = arith.constant 0 : i32
        %ge3A_112 = vector.broadcast %ge3A_111 : i32 to vector<16xi32>
        %ge3A_113 = arith.cmpi sge, %get3A_110, %ge3A_112 : vector<16xi32>
        %add3A_114 = arith.constant 16 : i32
        %add3A_115 = vector.broadcast %add3A_114 : i32 to vector<16xi32>
        %add3A_116 = arith.addi %add3A_115, %iota3A : vector<16xi32>
        %swap3A_117 = arith.index_cast %add3A_104 : i32 to index
        %swap3A_118 = tpu.vector_load %arg11[%swap3A_117] masked %ge3A_113 {strides = array<i32>} : memref<272xi32, #tpu.memory_space<vmem>>, vector<16xi32>, vector<16xi1>
        tpu.vector_store %arg11[%swap3A_117], %add3A_116 masked %ge3A_113 {strides = array<i32>} : memref<272xi32, #tpu.memory_space<vmem>>, vector<16xi32>, vector<16xi1>
        %swap3A_119 = arith.index_cast %add3A_104 : i32 to index
        %swap3A_120 = tpu.vector_load %arg12[%swap3A_119] masked %ge3A_113 {strides = array<i32>} : memref<272xi32, #tpu.memory_space<vmem>>, vector<16xi32>, vector<16xi1>
        tpu.vector_store %arg12[%swap3A_119], %get3A_110 masked %ge3A_113 {strides = array<i32>} : memref<272xi32, #tpu.memory_space<vmem>>, vector<16xi32>, vector<16xi1>
        %all_reduce_population_count3A_121 = tpu.all_reduce %ge3A_113 {dim = 0 : i64, kind = #tpu.reduction_kind<sum>} : vector<16xi1> -> vector<16xi32>
        %slice3A_122 = vector.extract_strided_slice %all_reduce_population_count3A_121 {offsets = [0], sizes = [1], strides = [1]} : vector<16xi32> to vector<1xi32>
        %squeeze3A_123 = vector.extract %slice3A_122[0] : i32 from vector<1xi32>
        %add3A_124 = arith.addi %add3A_104, %squeeze3A_123 : i32
        %mul3A_125 = arith.constant 256 : i32
        %mul3A_126 = arith.muli %add3A_72, %mul3A_125 : i32
        %add3A_127 = arith.constant 32 : i32
        %add3A_128 = arith.addi %mul3A_126, %add3A_127 : i32
        %get3A_129 = arith.index_cast %add3A_128 : i32 to index
        %get3A_130 = tpu.vector_load %arg5[%get3A_129] {strides = array<i32>} : memref<31488xi32, #tpu.memory_space<vmem>>, vector<16xi32>,
        %ge3A_131 = arith.constant 0 : i32
        %ge3A_132 = vector.broadcast %ge3A_131 : i32 to vector<16xi32>
        %ge3A_133 = arith.cmpi sge, %get3A_130, %ge3A_132 : vector<16xi32>
        %add3A_134 = arith.constant 32 : i32
        %add3A_135 = vector.broadcast %add3A_134 : i32 to vector<16xi32>
        %add3A_136 = arith.addi %add3A_135, %iota3A : vector<16xi32>
        %swap3A_137 = arith.index_cast %add3A_124 : i32 to index
        %swap3A_138 = tpu.vector_load %arg11[%swap3A_137] masked %ge3A_133 {strides = array<i32>} : memref<272xi32, #tpu.memory_space<vmem>>, vector<16xi32>, vector<16xi1>
        tpu.vector_store %arg11[%swap3A_137], %add3A_136 masked %ge3A_133 {strides = array<i32>} : memref<272xi32, #tpu.memory_space<vmem>>, vector<16xi32>, vector<16xi1>
        %swap3A_139 = arith.index_cast %add3A_124 : i32 to index
        %swap3A_140 = tpu.vector_load %arg12[%swap3A_139] masked %ge3A_133 {strides = array<i32>} : memref<272xi32, #tpu.memory_space<vmem>>, vector<16xi32>, vector<16xi1>
        tpu.vector_store %arg12[%swap3A_139], %get3A_130 masked %ge3A_133 {strides = array<i32>} : memref<272xi32, #tpu.memory_space<vmem>>, vector<16xi32>, vector<16xi1>
        %all_reduce_population_count3A_141 = tpu.all_reduce %ge3A_133 {dim = 0 : i64, kind = #tpu.reduction_kind<sum>} : vector<16xi1> -> vector<16xi32>
        %slice3A_142 = vector.extract_strided_slice %all_reduce_population_count3A_141 {offsets = [0], sizes = [1], strides = [1]} : vector<16xi32> to vector<1xi32>
        %squeeze3A_143 = vector.extract %slice3A_142[0] : i32 from vector<1xi32>
        %add3A_144 = arith.addi %add3A_124, %squeeze3A_143 : i32
        %mul3A_145 = arith.constant 256 : i32
        %mul3A_146 = arith.muli %add3A_72, %mul3A_145 : i32
        %add3A_147 = arith.constant 48 : i32
        %add3A_148 = arith.addi %mul3A_146, %add3A_147 : i32
        %get3A_149 = arith.index_cast %add3A_148 : i32 to index
        %get3A_150 = tpu.vector_load %arg5[%get3A_149] {strides = array<i32>} : memref<31488xi32, #tpu.memory_space<vmem>>, vector<16xi32>,
        %ge3A_151 = arith.constant 0 : i32
        %ge3A_152 = vector.broadcast %ge3A_151 : i32 to vector<16xi32>
        %ge3A_153 = arith.cmpi sge, %get3A_150, %ge3A_152 : vector<16xi32>
        %add3A_154 = arith.constant 48 : i32
        %add3A_155 = vector.broadcast %add3A_154 : i32 to vector<16xi32>
        %add3A_156 = arith.addi %add3A_155, %iota3A : vector<16xi32>
        %swap3A_157 = arith.index_cast %add3A_144 : i32 to index
        %swap3A_158 = tpu.vector_load %arg11[%swap3A_157] masked %ge3A_153 {strides = array<i32>} : memref<272xi32, #tpu.memory_space<vmem>>, vector<16xi32>, vector<16xi1>
        tpu.vector_store %arg11[%swap3A_157], %add3A_156 masked %ge3A_153 {strides = array<i32>} : memref<272xi32, #tpu.memory_space<vmem>>, vector<16xi32>, vector<16xi1>
        %swap3A_159 = arith.index_cast %add3A_144 : i32 to index
        %swap3A_160 = tpu.vector_load %arg12[%swap3A_159] masked %ge3A_153 {strides = array<i32>} : memref<272xi32, #tpu.memory_space<vmem>>, vector<16xi32>, vector<16xi1>
        tpu.vector_store %arg12[%swap3A_159], %get3A_150 masked %ge3A_153 {strides = array<i32>} : memref<272xi32, #tpu.memory_space<vmem>>, vector<16xi32>, vector<16xi1>
        %all_reduce_population_count3A_161 = tpu.all_reduce %ge3A_153 {dim = 0 : i64, kind = #tpu.reduction_kind<sum>} : vector<16xi1> -> vector<16xi32>
        %slice3A_162 = vector.extract_strided_slice %all_reduce_population_count3A_161 {offsets = [0], sizes = [1], strides = [1]} : vector<16xi32> to vector<1xi32>
        %squeeze3A_163 = vector.extract %slice3A_162[0] : i32 from vector<1xi32>
        %add3A_164 = arith.addi %add3A_144, %squeeze3A_163 : i32
        %mul3A_165 = arith.constant 256 : i32
        %mul3A_166 = arith.muli %add3A_72, %mul3A_165 : i32
        %add3A_167 = arith.constant 64 : i32
        %add3A_168 = arith.addi %mul3A_166, %add3A_167 : i32
        %get3A_169 = arith.index_cast %add3A_168 : i32 to index
        %get3A_170 = tpu.vector_load %arg5[%get3A_169] {strides = array<i32>} : memref<31488xi32, #tpu.memory_space<vmem>>, vector<16xi32>,
        %ge3A_171 = arith.constant 0 : i32
        %ge3A_172 = vector.broadcast %ge3A_171 : i32 to vector<16xi32>
        %ge3A_173 = arith.cmpi sge, %get3A_170, %ge3A_172 : vector<16xi32>
        %add3A_174 = arith.constant 64 : i32
        %add3A_175 = vector.broadcast %add3A_174 : i32 to vector<16xi32>
        %add3A_176 = arith.addi %add3A_175, %iota3A : vector<16xi32>
        %swap3A_177 = arith.index_cast %add3A_164 : i32 to index
        %swap3A_178 = tpu.vector_load %arg11[%swap3A_177] masked %ge3A_173 {strides = array<i32>} : memref<272xi32, #tpu.memory_space<vmem>>, vector<16xi32>, vector<16xi1>
        tpu.vector_store %arg11[%swap3A_177], %add3A_176 masked %ge3A_173 {strides = array<i32>} : memref<272xi32, #tpu.memory_space<vmem>>, vector<16xi32>, vector<16xi1>
        %swap3A_179 = arith.index_cast %add3A_164 : i32 to index
        %swap3A_180 = tpu.vector_load %arg12[%swap3A_179] masked %ge3A_173 {strides = array<i32>} : memref<272xi32, #tpu.memory_space<vmem>>, vector<16xi32>, vector<16xi1>
        tpu.vector_store %arg12[%swap3A_179], %get3A_170 masked %ge3A_173 {strides = array<i32>} : memref<272xi32, #tpu.memory_space<vmem>>, vector<16xi32>, vector<16xi1>
        %all_reduce_population_count3A_181 = tpu.all_reduce %ge3A_173 {dim = 0 : i64, kind = #tpu.reduction_kind<sum>} : vector<16xi1> -> vector<16xi32>
        %slice3A_182 = vector.extract_strided_slice %all_reduce_population_count3A_181 {offsets = [0], sizes = [1], strides = [1]} : vector<16xi32> to vector<1xi32>
        %squeeze3A_183 = vector.extract %slice3A_182[0] : i32 from vector<1xi32>
        %add3A_184 = arith.addi %add3A_164, %squeeze3A_183 : i32
        %mul3A_185 = arith.constant 256 : i32
        %mul3A_186 = arith.muli %add3A_72, %mul3A_185 : i32
        %add3A_187 = arith.constant 80 : i32
        %add3A_188 = arith.addi %mul3A_186, %add3A_187 : i32
        %get3A_189 = arith.index_cast %add3A_188 : i32 to index
        %get3A_190 = tpu.vector_load %arg5[%get3A_189] {strides = array<i32>} : memref<31488xi32, #tpu.memory_space<vmem>>, vector<16xi32>,
        %ge3A_191 = arith.constant 0 : i32
        %ge3A_192 = vector.broadcast %ge3A_191 : i32 to vector<16xi32>
        %ge3A_193 = arith.cmpi sge, %get3A_190, %ge3A_192 : vector<16xi32>
        %add3A_194 = arith.constant 80 : i32
        %add3A_195 = vector.broadcast %add3A_194 : i32 to vector<16xi32>
        %add3A_196 = arith.addi %add3A_195, %iota3A : vector<16xi32>
        %swap3A_197 = arith.index_cast %add3A_184 : i32 to index
        %swap3A_198 = tpu.vector_load %arg11[%swap3A_197] masked %ge3A_193 {strides = array<i32>} : memref<272xi32, #tpu.memory_space<vmem>>, vector<16xi32>, vector<16xi1>
        tpu.vector_store %arg11[%swap3A_197], %add3A_196 masked %ge3A_193 {strides = array<i32>} : memref<272xi32, #tpu.memory_space<vmem>>, vector<16xi32>, vector<16xi1>
        %swap3A_199 = arith.index_cast %add3A_184 : i32 to index
        %swap3A_200 = tpu.vector_load %arg12[%swap3A_199] masked %ge3A_193 {strides = array<i32>} : memref<272xi32, #tpu.memory_space<vmem>>, vector<16xi32>, vector<16xi1>
        tpu.vector_store %arg12[%swap3A_199], %get3A_190 masked %ge3A_193 {strides = array<i32>} : memref<272xi32, #tpu.memory_space<vmem>>, vector<16xi32>, vector<16xi1>
        %all_reduce_population_count3A_201 = tpu.all_reduce %ge3A_193 {dim = 0 : i64, kind = #tpu.reduction_kind<sum>} : vector<16xi1> -> vector<16xi32>
        %slice3A_202 = vector.extract_strided_slice %all_reduce_population_count3A_201 {offsets = [0], sizes = [1], strides = [1]} : vector<16xi32> to vector<1xi32>
        %squeeze3A_203 = vector.extract %slice3A_202[0] : i32 from vector<1xi32>
        %add3A_204 = arith.addi %add3A_184, %squeeze3A_203 : i32
        %mul3A_205 = arith.constant 256 : i32
        %mul3A_206 = arith.muli %add3A_72, %mul3A_205 : i32
        %add3A_207 = arith.constant 96 : i32
        %add3A_208 = arith.addi %mul3A_206, %add3A_207 : i32
        %get3A_209 = arith.index_cast %add3A_208 : i32 to index
        %get3A_210 = tpu.vector_load %arg5[%get3A_209] {strides = array<i32>} : memref<31488xi32, #tpu.memory_space<vmem>>, vector<16xi32>,
        %ge3A_211 = arith.constant 0 : i32
        %ge3A_212 = vector.broadcast %ge3A_211 : i32 to vector<16xi32>
        %ge3A_213 = arith.cmpi sge, %get3A_210, %ge3A_212 : vector<16xi32>
        %add3A_214 = arith.constant 96 : i32
        %add3A_215 = vector.broadcast %add3A_214 : i32 to vector<16xi32>
        %add3A_216 = arith.addi %add3A_215, %iota3A : vector<16xi32>
        %swap3A_217 = arith.index_cast %add3A_204 : i32 to index
        %swap3A_218 = tpu.vector_load %arg11[%swap3A_217] masked %ge3A_213 {strides = array<i32>} : memref<272xi32, #tpu.memory_space<vmem>>, vector<16xi32>, vector<16xi1>
        tpu.vector_store %arg11[%swap3A_217], %add3A_216 masked %ge3A_213 {strides = array<i32>} : memref<272xi32, #tpu.memory_space<vmem>>, vector<16xi32>, vector<16xi1>
        %swap3A_219 = arith.index_cast %add3A_204 : i32 to index
        %swap3A_220 = tpu.vector_load %arg12[%swap3A_219] masked %ge3A_213 {strides = array<i32>} : memref<272xi32, #tpu.memory_space<vmem>>, vector<16xi32>, vector<16xi1>
        tpu.vector_store %arg12[%swap3A_219], %get3A_210 masked %ge3A_213 {strides = array<i32>} : memref<272xi32, #tpu.memory_space<vmem>>, vector<16xi32>, vector<16xi1>
        %all_reduce_population_count3A_221 = tpu.all_reduce %ge3A_213 {dim = 0 : i64, kind = #tpu.reduction_kind<sum>} : vector<16xi1> -> vector<16xi32>
        %slice3A_222 = vector.extract_strided_slice %all_reduce_population_count3A_221 {offsets = [0], sizes = [1], strides = [1]} : vector<16xi32> to vector<1xi32>
        %squeeze3A_223 = vector.extract %slice3A_222[0] : i32 from vector<1xi32>
        %add3A_224 = arith.addi %add3A_204, %squeeze3A_223 : i32
        %mul3A_225 = arith.constant 256 : i32
        %mul3A_226 = arith.muli %add3A_72, %mul3A_225 : i32
        %add3A_227 = arith.constant 112 : i32
        %add3A_228 = arith.addi %mul3A_226, %add3A_227 : i32
        %get3A_229 = arith.index_cast %add3A_228 : i32 to index
        %get3A_230 = tpu.vector_load %arg5[%get3A_229] {strides = array<i32>} : memref<31488xi32, #tpu.memory_space<vmem>>, vector<16xi32>,
        %ge3A_231 = arith.constant 0 : i32
        %ge3A_232 = vector.broadcast %ge3A_231 : i32 to vector<16xi32>
        %ge3A_233 = arith.cmpi sge, %get3A_230, %ge3A_232 : vector<16xi32>
        %add3A_234 = arith.constant 112 : i32
        %add3A_235 = vector.broadcast %add3A_234 : i32 to vector<16xi32>
        %add3A_236 = arith.addi %add3A_235, %iota3A : vector<16xi32>
        %swap3A_237 = arith.index_cast %add3A_224 : i32 to index
        %swap3A_238 = tpu.vector_load %arg11[%swap3A_237] masked %ge3A_233 {strides = array<i32>} : memref<272xi32, #tpu.memory_space<vmem>>, vector<16xi32>, vector<16xi1>
        tpu.vector_store %arg11[%swap3A_237], %add3A_236 masked %ge3A_233 {strides = array<i32>} : memref<272xi32, #tpu.memory_space<vmem>>, vector<16xi32>, vector<16xi1>
        %swap3A_239 = arith.index_cast %add3A_224 : i32 to index
        %swap3A_240 = tpu.vector_load %arg12[%swap3A_239] masked %ge3A_233 {strides = array<i32>} : memref<272xi32, #tpu.memory_space<vmem>>, vector<16xi32>, vector<16xi1>
        tpu.vector_store %arg12[%swap3A_239], %get3A_230 masked %ge3A_233 {strides = array<i32>} : memref<272xi32, #tpu.memory_space<vmem>>, vector<16xi32>, vector<16xi1>
        %all_reduce_population_count3A_241 = tpu.all_reduce %ge3A_233 {dim = 0 : i64, kind = #tpu.reduction_kind<sum>} : vector<16xi1> -> vector<16xi32>
        %slice3A_242 = vector.extract_strided_slice %all_reduce_population_count3A_241 {offsets = [0], sizes = [1], strides = [1]} : vector<16xi32> to vector<1xi32>
        %squeeze3A_243 = vector.extract %slice3A_242[0] : i32 from vector<1xi32>
        %add3A_244 = arith.addi %add3A_224, %squeeze3A_243 : i32
        %mul3A_245 = arith.constant 256 : i32
        %mul3A_246 = arith.muli %add3A_72, %mul3A_245 : i32
        %add3A_247 = arith.constant 128 : i32
        %add3A_248 = arith.addi %mul3A_246, %add3A_247 : i32
        %get3A_249 = arith.index_cast %add3A_248 : i32 to index
        %get3A_250 = tpu.vector_load %arg5[%get3A_249] {strides = array<i32>} : memref<31488xi32, #tpu.memory_space<vmem>>, vector<16xi32>,
        %ge3A_251 = arith.constant 0 : i32
        %ge3A_252 = vector.broadcast %ge3A_251 : i32 to vector<16xi32>
        %ge3A_253 = arith.cmpi sge, %get3A_250, %ge3A_252 : vector<16xi32>
        %add3A_254 = arith.constant 128 : i32
        %add3A_255 = vector.broadcast %add3A_254 : i32 to vector<16xi32>
        %add3A_256 = arith.addi %add3A_255, %iota3A : vector<16xi32>
        %swap3A_257 = arith.index_cast %add3A_244 : i32 to index
        %swap3A_258 = tpu.vector_load %arg11[%swap3A_257] masked %ge3A_253 {strides = array<i32>} : memref<272xi32, #tpu.memory_space<vmem>>, vector<16xi32>, vector<16xi1>
        tpu.vector_store %arg11[%swap3A_257], %add3A_256 masked %ge3A_253 {strides = array<i32>} : memref<272xi32, #tpu.memory_space<vmem>>, vector<16xi32>, vector<16xi1>
        %swap3A_259 = arith.index_cast %add3A_244 : i32 to index
        %swap3A_260 = tpu.vector_load %arg12[%swap3A_259] masked %ge3A_253 {strides = array<i32>} : memref<272xi32, #tpu.memory_space<vmem>>, vector<16xi32>, vector<16xi1>
        tpu.vector_store %arg12[%swap3A_259], %get3A_250 masked %ge3A_253 {strides = array<i32>} : memref<272xi32, #tpu.memory_space<vmem>>, vector<16xi32>, vector<16xi1>
        %all_reduce_population_count3A_261 = tpu.all_reduce %ge3A_253 {dim = 0 : i64, kind = #tpu.reduction_kind<sum>} : vector<16xi1> -> vector<16xi32>
        %slice3A_262 = vector.extract_strided_slice %all_reduce_population_count3A_261 {offsets = [0], sizes = [1], strides = [1]} : vector<16xi32> to vector<1xi32>
        %squeeze3A_263 = vector.extract %slice3A_262[0] : i32 from vector<1xi32>
        %add3A_264 = arith.addi %add3A_244, %squeeze3A_263 : i32
        %mul3A_265 = arith.constant 256 : i32
        %mul3A_266 = arith.muli %add3A_72, %mul3A_265 : i32
        %add3A_267 = arith.constant 144 : i32
        %add3A_268 = arith.addi %mul3A_266, %add3A_267 : i32
        %get3A_269 = arith.index_cast %add3A_268 : i32 to index
        %get3A_270 = tpu.vector_load %arg5[%get3A_269] {strides = array<i32>} : memref<31488xi32, #tpu.memory_space<vmem>>, vector<16xi32>,
        %ge3A_271 = arith.constant 0 : i32
        %ge3A_272 = vector.broadcast %ge3A_271 : i32 to vector<16xi32>
        %ge3A_273 = arith.cmpi sge, %get3A_270, %ge3A_272 : vector<16xi32>
        %add3A_274 = arith.constant 144 : i32
        %add3A_275 = vector.broadcast %add3A_274 : i32 to vector<16xi32>
        %add3A_276 = arith.addi %add3A_275, %iota3A : vector<16xi32>
        %swap3A_277 = arith.index_cast %add3A_264 : i32 to index
        %swap3A_278 = tpu.vector_load %arg11[%swap3A_277] masked %ge3A_273 {strides = array<i32>} : memref<272xi32, #tpu.memory_space<vmem>>, vector<16xi32>, vector<16xi1>
        tpu.vector_store %arg11[%swap3A_277], %add3A_276 masked %ge3A_273 {strides = array<i32>} : memref<272xi32, #tpu.memory_space<vmem>>, vector<16xi32>, vector<16xi1>
        %swap3A_279 = arith.index_cast %add3A_264 : i32 to index
        %swap3A_280 = tpu.vector_load %arg12[%swap3A_279] masked %ge3A_273 {strides = array<i32>} : memref<272xi32, #tpu.memory_space<vmem>>, vector<16xi32>, vector<16xi1>
        tpu.vector_store %arg12[%swap3A_279], %get3A_270 masked %ge3A_273 {strides = array<i32>} : memref<272xi32, #tpu.memory_space<vmem>>, vector<16xi32>, vector<16xi1>
        %all_reduce_population_count3A_281 = tpu.all_reduce %ge3A_273 {dim = 0 : i64, kind = #tpu.reduction_kind<sum>} : vector<16xi1> -> vector<16xi32>
        %slice3A_282 = vector.extract_strided_slice %all_reduce_population_count3A_281 {offsets = [0], sizes = [1], strides = [1]} : vector<16xi32> to vector<1xi32>
        %squeeze3A_283 = vector.extract %slice3A_282[0] : i32 from vector<1xi32>
        %add3A_284 = arith.addi %add3A_264, %squeeze3A_283 : i32
        %mul3A_285 = arith.constant 256 : i32
        %mul3A_286 = arith.muli %add3A_72, %mul3A_285 : i32
        %add3A_287 = arith.constant 160 : i32
        %add3A_288 = arith.addi %mul3A_286, %add3A_287 : i32
        %get3A_289 = arith.index_cast %add3A_288 : i32 to index
        %get3A_290 = tpu.vector_load %arg5[%get3A_289] {strides = array<i32>} : memref<31488xi32, #tpu.memory_space<vmem>>, vector<16xi32>,
        %ge3A_291 = arith.constant 0 : i32
        %ge3A_292 = vector.broadcast %ge3A_291 : i32 to vector<16xi32>
        %ge3A_293 = arith.cmpi sge, %get3A_290, %ge3A_292 : vector<16xi32>
        %add3A_294 = arith.constant 160 : i32
        %add3A_295 = vector.broadcast %add3A_294 : i32 to vector<16xi32>
        %add3A_296 = arith.addi %add3A_295, %iota3A : vector<16xi32>
        %swap3A_297 = arith.index_cast %add3A_284 : i32 to index
        %swap3A_298 = tpu.vector_load %arg11[%swap3A_297] masked %ge3A_293 {strides = array<i32>} : memref<272xi32, #tpu.memory_space<vmem>>, vector<16xi32>, vector<16xi1>
        tpu.vector_store %arg11[%swap3A_297], %add3A_296 masked %ge3A_293 {strides = array<i32>} : memref<272xi32, #tpu.memory_space<vmem>>, vector<16xi32>, vector<16xi1>
        %swap3A_299 = arith.index_cast %add3A_284 : i32 to index
        %swap3A_300 = tpu.vector_load %arg12[%swap3A_299] masked %ge3A_293 {strides = array<i32>} : memref<272xi32, #tpu.memory_space<vmem>>, vector<16xi32>, vector<16xi1>
        tpu.vector_store %arg12[%swap3A_299], %get3A_290 masked %ge3A_293 {strides = array<i32>} : memref<272xi32, #tpu.memory_space<vmem>>, vector<16xi32>, vector<16xi1>
        %all_reduce_population_count3A_301 = tpu.all_reduce %ge3A_293 {dim = 0 : i64, kind = #tpu.reduction_kind<sum>} : vector<16xi1> -> vector<16xi32>
        %slice3A_302 = vector.extract_strided_slice %all_reduce_population_count3A_301 {offsets = [0], sizes = [1], strides = [1]} : vector<16xi32> to vector<1xi32>
        %squeeze3A_303 = vector.extract %slice3A_302[0] : i32 from vector<1xi32>
        %add3A_304 = arith.addi %add3A_284, %squeeze3A_303 : i32
        %mul3A_305 = arith.constant 256 : i32
        %mul3A_306 = arith.muli %add3A_72, %mul3A_305 : i32
        %add3A_307 = arith.constant 176 : i32
        %add3A_308 = arith.addi %mul3A_306, %add3A_307 : i32
        %get3A_309 = arith.index_cast %add3A_308 : i32 to index
        %get3A_310 = tpu.vector_load %arg5[%get3A_309] {strides = array<i32>} : memref<31488xi32, #tpu.memory_space<vmem>>, vector<16xi32>,
        %ge3A_311 = arith.constant 0 : i32
        %ge3A_312 = vector.broadcast %ge3A_311 : i32 to vector<16xi32>
        %ge3A_313 = arith.cmpi sge, %get3A_310, %ge3A_312 : vector<16xi32>
        %add3A_314 = arith.constant 176 : i32
        %add3A_315 = vector.broadcast %add3A_314 : i32 to vector<16xi32>
        %add3A_316 = arith.addi %add3A_315, %iota3A : vector<16xi32>
        %swap3A_317 = arith.index_cast %add3A_304 : i32 to index
        %swap3A_318 = tpu.vector_load %arg11[%swap3A_317] masked %ge3A_313 {strides = array<i32>} : memref<272xi32, #tpu.memory_space<vmem>>, vector<16xi32>, vector<16xi1>
        tpu.vector_store %arg11[%swap3A_317], %add3A_316 masked %ge3A_313 {strides = array<i32>} : memref<272xi32, #tpu.memory_space<vmem>>, vector<16xi32>, vector<16xi1>
        %swap3A_319 = arith.index_cast %add3A_304 : i32 to index
        %swap3A_320 = tpu.vector_load %arg12[%swap3A_319] masked %ge3A_313 {strides = array<i32>} : memref<272xi32, #tpu.memory_space<vmem>>, vector<16xi32>, vector<16xi1>
        tpu.vector_store %arg12[%swap3A_319], %get3A_310 masked %ge3A_313 {strides = array<i32>} : memref<272xi32, #tpu.memory_space<vmem>>, vector<16xi32>, vector<16xi1>
        %all_reduce_population_count3A_321 = tpu.all_reduce %ge3A_313 {dim = 0 : i64, kind = #tpu.reduction_kind<sum>} : vector<16xi1> -> vector<16xi32>
        %slice3A_322 = vector.extract_strided_slice %all_reduce_population_count3A_321 {offsets = [0], sizes = [1], strides = [1]} : vector<16xi32> to vector<1xi32>
        %squeeze3A_323 = vector.extract %slice3A_322[0] : i32 from vector<1xi32>
        %add3A_324 = arith.addi %add3A_304, %squeeze3A_323 : i32
        %mul3A_325 = arith.constant 256 : i32
        %mul3A_326 = arith.muli %add3A_72, %mul3A_325 : i32
        %add3A_327 = arith.constant 192 : i32
        %add3A_328 = arith.addi %mul3A_326, %add3A_327 : i32
        %get3A_329 = arith.index_cast %add3A_328 : i32 to index
        %get3A_330 = tpu.vector_load %arg5[%get3A_329] {strides = array<i32>} : memref<31488xi32, #tpu.memory_space<vmem>>, vector<16xi32>,
        %ge3A_331 = arith.constant 0 : i32
        %ge3A_332 = vector.broadcast %ge3A_331 : i32 to vector<16xi32>
        %ge3A_333 = arith.cmpi sge, %get3A_330, %ge3A_332 : vector<16xi32>
        %add3A_334 = arith.constant 192 : i32
        %add3A_335 = vector.broadcast %add3A_334 : i32 to vector<16xi32>
        %add3A_336 = arith.addi %add3A_335, %iota3A : vector<16xi32>
        %swap3A_337 = arith.index_cast %add3A_324 : i32 to index
        %swap3A_338 = tpu.vector_load %arg11[%swap3A_337] masked %ge3A_333 {strides = array<i32>} : memref<272xi32, #tpu.memory_space<vmem>>, vector<16xi32>, vector<16xi1>
        tpu.vector_store %arg11[%swap3A_337], %add3A_336 masked %ge3A_333 {strides = array<i32>} : memref<272xi32, #tpu.memory_space<vmem>>, vector<16xi32>, vector<16xi1>
        %swap3A_339 = arith.index_cast %add3A_324 : i32 to index
        %swap3A_340 = tpu.vector_load %arg12[%swap3A_339] masked %ge3A_333 {strides = array<i32>} : memref<272xi32, #tpu.memory_space<vmem>>, vector<16xi32>, vector<16xi1>
        tpu.vector_store %arg12[%swap3A_339], %get3A_330 masked %ge3A_333 {strides = array<i32>} : memref<272xi32, #tpu.memory_space<vmem>>, vector<16xi32>, vector<16xi1>
        %all_reduce_population_count3A_341 = tpu.all_reduce %ge3A_333 {dim = 0 : i64, kind = #tpu.reduction_kind<sum>} : vector<16xi1> -> vector<16xi32>
        %slice3A_342 = vector.extract_strided_slice %all_reduce_population_count3A_341 {offsets = [0], sizes = [1], strides = [1]} : vector<16xi32> to vector<1xi32>
        %squeeze3A_343 = vector.extract %slice3A_342[0] : i32 from vector<1xi32>
        %add3A_344 = arith.addi %add3A_324, %squeeze3A_343 : i32
        %mul3A_345 = arith.constant 256 : i32
        %mul3A_346 = arith.muli %add3A_72, %mul3A_345 : i32
        %add3A_347 = arith.constant 208 : i32
        %add3A_348 = arith.addi %mul3A_346, %add3A_347 : i32
        %get3A_349 = arith.index_cast %add3A_348 : i32 to index
        %get3A_350 = tpu.vector_load %arg5[%get3A_349] {strides = array<i32>} : memref<31488xi32, #tpu.memory_space<vmem>>, vector<16xi32>,
        %ge3A_351 = arith.constant 0 : i32
        %ge3A_352 = vector.broadcast %ge3A_351 : i32 to vector<16xi32>
        %ge3A_353 = arith.cmpi sge, %get3A_350, %ge3A_352 : vector<16xi32>
        %add3A_354 = arith.constant 208 : i32
        %add3A_355 = vector.broadcast %add3A_354 : i32 to vector<16xi32>
        %add3A_356 = arith.addi %add3A_355, %iota3A : vector<16xi32>
        %swap3A_357 = arith.index_cast %add3A_344 : i32 to index
        %swap3A_358 = tpu.vector_load %arg11[%swap3A_357] masked %ge3A_353 {strides = array<i32>} : memref<272xi32, #tpu.memory_space<vmem>>, vector<16xi32>, vector<16xi1>
        tpu.vector_store %arg11[%swap3A_357], %add3A_356 masked %ge3A_353 {strides = array<i32>} : memref<272xi32, #tpu.memory_space<vmem>>, vector<16xi32>, vector<16xi1>
        %swap3A_359 = arith.index_cast %add3A_344 : i32 to index
        %swap3A_360 = tpu.vector_load %arg12[%swap3A_359] masked %ge3A_353 {strides = array<i32>} : memref<272xi32, #tpu.memory_space<vmem>>, vector<16xi32>, vector<16xi1>
        tpu.vector_store %arg12[%swap3A_359], %get3A_350 masked %ge3A_353 {strides = array<i32>} : memref<272xi32, #tpu.memory_space<vmem>>, vector<16xi32>, vector<16xi1>
        %all_reduce_population_count3A_361 = tpu.all_reduce %ge3A_353 {dim = 0 : i64, kind = #tpu.reduction_kind<sum>} : vector<16xi1> -> vector<16xi32>
        %slice3A_362 = vector.extract_strided_slice %all_reduce_population_count3A_361 {offsets = [0], sizes = [1], strides = [1]} : vector<16xi32> to vector<1xi32>
        %squeeze3A_363 = vector.extract %slice3A_362[0] : i32 from vector<1xi32>
        %add3A_364 = arith.addi %add3A_344, %squeeze3A_363 : i32
        %mul3A_365 = arith.constant 256 : i32
        %mul3A_366 = arith.muli %add3A_72, %mul3A_365 : i32
        %add3A_367 = arith.constant 224 : i32
        %add3A_368 = arith.addi %mul3A_366, %add3A_367 : i32
        %get3A_369 = arith.index_cast %add3A_368 : i32 to index
        %get3A_370 = tpu.vector_load %arg5[%get3A_369] {strides = array<i32>} : memref<31488xi32, #tpu.memory_space<vmem>>, vector<16xi32>,
        %ge3A_371 = arith.constant 0 : i32
        %ge3A_372 = vector.broadcast %ge3A_371 : i32 to vector<16xi32>
        %ge3A_373 = arith.cmpi sge, %get3A_370, %ge3A_372 : vector<16xi32>
        %add3A_374 = arith.constant 224 : i32
        %add3A_375 = vector.broadcast %add3A_374 : i32 to vector<16xi32>
        %add3A_376 = arith.addi %add3A_375, %iota3A : vector<16xi32>
        %swap3A_377 = arith.index_cast %add3A_364 : i32 to index
        %swap3A_378 = tpu.vector_load %arg11[%swap3A_377] masked %ge3A_373 {strides = array<i32>} : memref<272xi32, #tpu.memory_space<vmem>>, vector<16xi32>, vector<16xi1>
        tpu.vector_store %arg11[%swap3A_377], %add3A_376 masked %ge3A_373 {strides = array<i32>} : memref<272xi32, #tpu.memory_space<vmem>>, vector<16xi32>, vector<16xi1>
        %swap3A_379 = arith.index_cast %add3A_364 : i32 to index
        %swap3A_380 = tpu.vector_load %arg12[%swap3A_379] masked %ge3A_373 {strides = array<i32>} : memref<272xi32, #tpu.memory_space<vmem>>, vector<16xi32>, vector<16xi1>
        tpu.vector_store %arg12[%swap3A_379], %get3A_370 masked %ge3A_373 {strides = array<i32>} : memref<272xi32, #tpu.memory_space<vmem>>, vector<16xi32>, vector<16xi1>
        %all_reduce_population_count3A_381 = tpu.all_reduce %ge3A_373 {dim = 0 : i64, kind = #tpu.reduction_kind<sum>} : vector<16xi1> -> vector<16xi32>
        %slice3A_382 = vector.extract_strided_slice %all_reduce_population_count3A_381 {offsets = [0], sizes = [1], strides = [1]} : vector<16xi32> to vector<1xi32>
        %squeeze3A_383 = vector.extract %slice3A_382[0] : i32 from vector<1xi32>
        %add3A_384 = arith.addi %add3A_364, %squeeze3A_383 : i32
        %mul3A_385 = arith.constant 256 : i32
        %mul3A_386 = arith.muli %add3A_72, %mul3A_385 : i32
        %add3A_387 = arith.constant 240 : i32
        %add3A_388 = arith.addi %mul3A_386, %add3A_387 : i32
        %get3A_389 = arith.index_cast %add3A_388 : i32 to index
        %get3A_390 = tpu.vector_load %arg5[%get3A_389] {strides = array<i32>} : memref<31488xi32, #tpu.memory_space<vmem>>, vector<16xi32>,
        %ge3A_391 = arith.constant 0 : i32
        %ge3A_392 = vector.broadcast %ge3A_391 : i32 to vector<16xi32>
        %ge3A_393 = arith.cmpi sge, %get3A_390, %ge3A_392 : vector<16xi32>
        %add3A_394 = arith.constant 240 : i32
        %add3A_395 = vector.broadcast %add3A_394 : i32 to vector<16xi32>
        %add3A_396 = arith.addi %add3A_395, %iota3A : vector<16xi32>
        %swap3A_397 = arith.index_cast %add3A_384 : i32 to index
        %swap3A_398 = tpu.vector_load %arg11[%swap3A_397] masked %ge3A_393 {strides = array<i32>} : memref<272xi32, #tpu.memory_space<vmem>>, vector<16xi32>, vector<16xi1>
        tpu.vector_store %arg11[%swap3A_397], %add3A_396 masked %ge3A_393 {strides = array<i32>} : memref<272xi32, #tpu.memory_space<vmem>>, vector<16xi32>, vector<16xi1>
        %swap3A_399 = arith.index_cast %add3A_384 : i32 to index
        %swap3A_400 = tpu.vector_load %arg12[%swap3A_399] masked %ge3A_393 {strides = array<i32>} : memref<272xi32, #tpu.memory_space<vmem>>, vector<16xi32>, vector<16xi1>
        tpu.vector_store %arg12[%swap3A_399], %get3A_390 masked %ge3A_393 {strides = array<i32>} : memref<272xi32, #tpu.memory_space<vmem>>, vector<16xi32>, vector<16xi1>
        %all_reduce_population_count3A_401 = tpu.all_reduce %ge3A_393 {dim = 0 : i64, kind = #tpu.reduction_kind<sum>} : vector<16xi1> -> vector<16xi32>
        %slice3A_402 = vector.extract_strided_slice %all_reduce_population_count3A_401 {offsets = [0], sizes = [1], strides = [1]} : vector<16xi32> to vector<1xi32>
        %squeeze3A_403 = vector.extract %slice3A_402[0] : i32 from vector<1xi32>
        %add3A_404 = arith.addi %add3A_384, %squeeze3A_403 : i32
        %while3A_405 = arith.constant 0 : i32
        %while3A_406 = arith.constant 0 : i32
        %while3A_407 = arith.subi %add3A_404, %while3A_406 : i32
        %while3A_408 = arith.addi %while3A_406, %while3A_407 : i32
        %while3A_409 = arith.constant 1 : i32
        %while3A_410 = arith.divsi %while3A_407, %while3A_409 : i32
        %while3A_411 = arith.muli %while3A_410, %while3A_409 : i32
        %while3A_412 = arith.addi %while3A_406, %while3A_411 : i32
        %while3A_413 = arith.constant 1 : i32
        scf.for %while3A_427 = %while3A_406 to %while3A_412 step %while3A_413  : i32 {
          %get3A_428 = arith.index_cast %while3A_427 : i32 to index
          %get3A_429 = tpu.vector_load %arg11[%get3A_428] {strides = array<i32>} : memref<272xi32, #tpu.memory_space<vmem>>, vector<16xi32>,
          %slice3A_430 = vector.extract_strided_slice %get3A_429 {offsets = [0], sizes = [1], strides = [1]} : vector<16xi32> to vector<1xi32>
          %squeeze3A_431 = vector.extract %slice3A_430[0] : i32 from vector<1xi32>
          %get3A_432 = arith.index_cast %while3A_427 : i32 to index
          %get3A_433 = tpu.vector_load %arg12[%get3A_432] {strides = array<i32>} : memref<272xi32, #tpu.memory_space<vmem>>, vector<16xi32>,
          %slice3A_434 = vector.extract_strided_slice %get3A_433 {offsets = [0], sizes = [1], strides = [1]} : vector<16xi32> to vector<1xi32>
          %squeeze3A_435 = vector.extract %slice3A_434[0] : i32 from vector<1xi32>
          %ge3A_436 = arith.constant 8 : i32
          %ge3A_437 = arith.cmpi sge, %while3A_427, %ge3A_436 : i32
          %convert_element_type3A_438 = arith.extui %ge3A_437 : i1 to i32
          %cond3A_439 = arith.constant 0 : i32
          %cond3A_440 = arith.cmpi ne, %convert_element_type3A_438, %cond3A_439 : i32
          scf.if %cond3A_440 {
            %dma_wait3A_529 = arith.constant 0 : i32
            %dma_wait3A_530 = arith.constant 0 : i32
            %dma_wait3A_531 = tpu.memref_slice %arg13[%dma_wait3A_529, %dma_wait3A_530] : memref<8x128xf32, #tpu.memory_space<vmem>> -> memref<1x128xf32, #tpu.memory_space<vmem>>
            %dma_wait3A_532 = arith.constant 0 : i32
            %dma_wait3A_533 = arith.constant 0 : i32
            %dma_wait3A_534 = tpu.memref_slice %arg4[%dma_wait3A_532, %dma_wait3A_533] : memref<51200x128xf32, #tpu.memory_space<hbm>> -> memref<1x128xf32, #tpu.memory_space<hbm>>
            %dma_wait3A_535 = arith.constant 0 : i32
            %dma_wait3A_536 = arith.constant 0 : i32
            %dma_wait3A_537 = tpu.memref_slice %arg4[%dma_wait3A_535, %dma_wait3A_536] : memref<51200x128xf32, #tpu.memory_space<hbm>> -> memref<1x128xf32, #tpu.memory_space<hbm>>
            %dma_wait3A_538 = arith.constant 0 : i32
            %dma_wait3A_539 = arith.constant 0 : i32
            %dma_wait3A_540 = tpu.memref_slice %arg13[%dma_wait3A_538, %dma_wait3A_539] : memref<8x128xf32, #tpu.memory_space<vmem>> -> memref<1x128xf32, #tpu.memory_space<vmem>>
            tpu.wait_dma2 semaphore(%arg15 : memref<!tpu.dma_semaphore, #tpu.memory_space<semaphore_mem>>) src(%dma_wait3A_540 : memref<1x128xf32, #tpu.memory_space<vmem>>) dst(%dma_wait3A_537 : memref<1x128xf32, #tpu.memory_space<hbm>>)
          } else {
          }
          %jit3A = arith.constant 8 : i32
          %eq3A = arith.constant 0 : i32
          %eq3A_441 = arith.cmpi eq, %jit3A, %eq3A : i32
          %jit3A_442 = arith.constant 1 : i32
          %select_n3A = arith.select %eq3A_441, %jit3A_442, %jit3A : i32
          %rem3A = arith.remsi %while3A_427, %select_n3A : i32
          %ne3A = arith.constant 0 : i32
          %ne3A_443 = arith.cmpi ne, %rem3A, %ne3A : i32
          %lt3A_444 = arith.constant 0 : i32
          %lt3A_445 = arith.cmpi slt, %rem3A, %lt3A_444 : i32
          %lt3A_446 = arith.constant 0 : i32
          %lt3A_447 = arith.cmpi slt, %select_n3A, %lt3A_446 : i32
          %ne3A_448 = arith.xori %lt3A_445, %lt3A_447 : i1
          %and3A = arith.andi %ne3A_448, %ne3A_443 : i1
          %add3A_449 = arith.addi %rem3A, %select_n3A : i32
          %select_n3A_450 = arith.select %and3A, %add3A_449, %rem3A : i32
          %broadcast_in_dim3A_451 = vector.broadcast %squeeze3A_431 : i32 to vector<16xi32>
          %add3A_452 = arith.constant 0 : i32
          %add3A_453 = vector.broadcast %add3A_452 : i32 to vector<16xi32>
          %add3A_454 = arith.addi %add3A_453, %iota3A : vector<16xi32>
          %lt3A_455 = arith.constant 100 : i32
          %lt3A_456 = vector.broadcast %lt3A_455 : i32 to vector<16xi32>
          %lt3A_457 = arith.cmpi slt, %add3A_454, %lt3A_456 : vector<16xi32>
          %gather3A = tpu.vector_load_idx %arg10[%add3A_454, %broadcast_in_dim3A_451] masked %lt3A_457 : memref<100x256xf32, #tpu.memory_space<vmem>>[vector<16xi32>, vector<16xi32>], vector<16xf32>, vector<16xi1>
          %swap3A_458 = arith.index_cast %select_n3A_450 : i32 to index
          %swap3A_459 = arith.constant 0 : index
          %swap3A_460 = tpu.vector_load %arg13[%swap3A_458, %swap3A_459] {strides = array<i32>} : memref<8x128xf32, #tpu.memory_space<vmem>>, vector<16xf32>,
          tpu.vector_store %arg13[%swap3A_458, %swap3A_459], %gather3A {strides = array<i32>} : memref<8x128xf32, #tpu.memory_space<vmem>>, vector<16xf32>,
          %add3A_461 = arith.constant 16 : i32
          %add3A_462 = vector.broadcast %add3A_461 : i32 to vector<16xi32>
          %add3A_463 = arith.addi %add3A_462, %iota3A : vector<16xi32>
          %lt3A_464 = arith.constant 100 : i32
          %lt3A_465 = vector.broadcast %lt3A_464 : i32 to vector<16xi32>
          %lt3A_466 = arith.cmpi slt, %add3A_463, %lt3A_465 : vector<16xi32>
          %gather3A_467 = tpu.vector_load_idx %arg10[%add3A_463, %broadcast_in_dim3A_451] masked %lt3A_466 : memref<100x256xf32, #tpu.memory_space<vmem>>[vector<16xi32>, vector<16xi32>], vector<16xf32>, vector<16xi1>
          %swap3A_468 = arith.index_cast %select_n3A_450 : i32 to index
          %swap3A_469 = arith.constant 16 : index
          %swap3A_470 = tpu.vector_load %arg13[%swap3A_468, %swap3A_469] {strides = array<i32>} : memref<8x128xf32, #tpu.memory_space<vmem>>, vector<16xf32>,
          tpu.vector_store %arg13[%swap3A_468, %swap3A_469], %gather3A_467 {strides = array<i32>} : memref<8x128xf32, #tpu.memory_space<vmem>>, vector<16xf32>,
          %add3A_471 = arith.constant 32 : i32
          %add3A_472 = vector.broadcast %add3A_471 : i32 to vector<16xi32>
          %add3A_473 = arith.addi %add3A_472, %iota3A : vector<16xi32>
          %lt3A_474 = arith.constant 100 : i32
          %lt3A_475 = vector.broadcast %lt3A_474 : i32 to vector<16xi32>
          %lt3A_476 = arith.cmpi slt, %add3A_473, %lt3A_475 : vector<16xi32>
          %gather3A_477 = tpu.vector_load_idx %arg10[%add3A_473, %broadcast_in_dim3A_451] masked %lt3A_476 : memref<100x256xf32, #tpu.memory_space<vmem>>[vector<16xi32>, vector<16xi32>], vector<16xf32>, vector<16xi1>
          %swap3A_478 = arith.index_cast %select_n3A_450 : i32 to index
          %swap3A_479 = arith.constant 32 : index
          %swap3A_480 = tpu.vector_load %arg13[%swap3A_478, %swap3A_479] {strides = array<i32>} : memref<8x128xf32, #tpu.memory_space<vmem>>, vector<16xf32>,
          tpu.vector_store %arg13[%swap3A_478, %swap3A_479], %gather3A_477 {strides = array<i32>} : memref<8x128xf32, #tpu.memory_space<vmem>>, vector<16xf32>,
          %add3A_481 = arith.constant 48 : i32
          %add3A_482 = vector.broadcast %add3A_481 : i32 to vector<16xi32>
          %add3A_483 = arith.addi %add3A_482, %iota3A : vector<16xi32>
          %lt3A_484 = arith.constant 100 : i32
          %lt3A_485 = vector.broadcast %lt3A_484 : i32 to vector<16xi32>
          %lt3A_486 = arith.cmpi slt, %add3A_483, %lt3A_485 : vector<16xi32>
          %gather3A_487 = tpu.vector_load_idx %arg10[%add3A_483, %broadcast_in_dim3A_451] masked %lt3A_486 : memref<100x256xf32, #tpu.memory_space<vmem>>[vector<16xi32>, vector<16xi32>], vector<16xf32>, vector<16xi1>
          %swap3A_488 = arith.index_cast %select_n3A_450 : i32 to index
          %swap3A_489 = arith.constant 48 : index
          %swap3A_490 = tpu.vector_load %arg13[%swap3A_488, %swap3A_489] {strides = array<i32>} : memref<8x128xf32, #tpu.memory_space<vmem>>, vector<16xf32>,
          tpu.vector_store %arg13[%swap3A_488, %swap3A_489], %gather3A_487 {strides = array<i32>} : memref<8x128xf32, #tpu.memory_space<vmem>>, vector<16xf32>,
          %add3A_491 = arith.constant 64 : i32
          %add3A_492 = vector.broadcast %add3A_491 : i32 to vector<16xi32>
          %add3A_493 = arith.addi %add3A_492, %iota3A : vector<16xi32>
          %lt3A_494 = arith.constant 100 : i32
          %lt3A_495 = vector.broadcast %lt3A_494 : i32 to vector<16xi32>
          %lt3A_496 = arith.cmpi slt, %add3A_493, %lt3A_495 : vector<16xi32>
          %gather3A_497 = tpu.vector_load_idx %arg10[%add3A_493, %broadcast_in_dim3A_451] masked %lt3A_496 : memref<100x256xf32, #tpu.memory_space<vmem>>[vector<16xi32>, vector<16xi32>], vector<16xf32>, vector<16xi1>
          %swap3A_498 = arith.index_cast %select_n3A_450 : i32 to index
          %swap3A_499 = arith.constant 64 : index
          %swap3A_500 = tpu.vector_load %arg13[%swap3A_498, %swap3A_499] {strides = array<i32>} : memref<8x128xf32, #tpu.memory_space<vmem>>, vector<16xf32>,
          tpu.vector_store %arg13[%swap3A_498, %swap3A_499], %gather3A_497 {strides = array<i32>} : memref<8x128xf32, #tpu.memory_space<vmem>>, vector<16xf32>,
          %add3A_501 = arith.constant 80 : i32
          %add3A_502 = vector.broadcast %add3A_501 : i32 to vector<16xi32>
          %add3A_503 = arith.addi %add3A_502, %iota3A : vector<16xi32>
          %lt3A_504 = arith.constant 100 : i32
          %lt3A_505 = vector.broadcast %lt3A_504 : i32 to vector<16xi32>
          %lt3A_506 = arith.cmpi slt, %add3A_503, %lt3A_505 : vector<16xi32>
          %gather3A_507 = tpu.vector_load_idx %arg10[%add3A_503, %broadcast_in_dim3A_451] masked %lt3A_506 : memref<100x256xf32, #tpu.memory_space<vmem>>[vector<16xi32>, vector<16xi32>], vector<16xf32>, vector<16xi1>
          %swap3A_508 = arith.index_cast %select_n3A_450 : i32 to index
          %swap3A_509 = arith.constant 80 : index
          %swap3A_510 = tpu.vector_load %arg13[%swap3A_508, %swap3A_509] {strides = array<i32>} : memref<8x128xf32, #tpu.memory_space<vmem>>, vector<16xf32>,
          tpu.vector_store %arg13[%swap3A_508, %swap3A_509], %gather3A_507 {strides = array<i32>} : memref<8x128xf32, #tpu.memory_space<vmem>>, vector<16xf32>,
          %add3A_511 = arith.constant 96 : i32
          %add3A_512 = vector.broadcast %add3A_511 : i32 to vector<16xi32>
          %add3A_513 = arith.addi %add3A_512, %iota3A : vector<16xi32>
          %lt3A_514 = arith.constant 100 : i32
          %lt3A_515 = vector.broadcast %lt3A_514 : i32 to vector<16xi32>
          %lt3A_516 = arith.cmpi slt, %add3A_513, %lt3A_515 : vector<16xi32>
          %gather3A_517 = tpu.vector_load_idx %arg10[%add3A_513, %broadcast_in_dim3A_451] masked %lt3A_516 : memref<100x256xf32, #tpu.memory_space<vmem>>[vector<16xi32>, vector<16xi32>], vector<16xf32>, vector<16xi1>
          %swap3A_518 = arith.index_cast %select_n3A_450 : i32 to index
          %swap3A_519 = arith.constant 96 : index
          %swap3A_520 = tpu.vector_load %arg13[%swap3A_518, %swap3A_519] {strides = array<i32>} : memref<8x128xf32, #tpu.memory_space<vmem>>, vector<16xf32>,
          tpu.vector_store %arg13[%swap3A_518, %swap3A_519], %gather3A_517 {strides = array<i32>} : memref<8x128xf32, #tpu.memory_space<vmem>>, vector<16xf32>,
          %dma_start3A_521 = arith.constant 0 : i32
          %dma_start3A_522 = tpu.memref_slice %arg13[%select_n3A_450, %dma_start3A_521] : memref<8x128xf32, #tpu.memory_space<vmem>> -> memref<1x128xf32, #tpu.memory_space<vmem>>
          %dma_start3A_523 = arith.constant 0 : i32
          %dma_start3A_524 = tpu.memref_slice %arg4[%squeeze3A_435, %dma_start3A_523] : memref<51200x128xf32, #tpu.memory_space<hbm>> -> memref<1x128xf32, #tpu.memory_space<hbm>>
          %dma_start3A_525 = arith.constant 0 : i32
          %dma_start3A_526 = tpu.memref_slice %arg4[%squeeze3A_435, %dma_start3A_525] : memref<51200x128xf32, #tpu.memory_space<hbm>> -> memref<1x128xf32, #tpu.memory_space<hbm>>
          %dma_start3A_527 = arith.constant 0 : i32
          %dma_start3A_528 = tpu.memref_slice %arg13[%select_n3A_450, %dma_start3A_527] : memref<8x128xf32, #tpu.memory_space<vmem>> -> memref<1x128xf32, #tpu.memory_space<vmem>>
          tpu.enqueue_dma source(%dma_start3A_528 : memref<1x128xf32, #tpu.memory_space<vmem>>) target(%dma_start3A_526 : memref<1x128xf32, #tpu.memory_space<hbm>>) target_semaphore(%arg15 : memref<!tpu.dma_semaphore, #tpu.memory_space<semaphore_mem>>)
        }
        %while3A_414 = arith.constant 1 : i32
        scf.for %while3A_427 = %while3A_412 to %while3A_408 step %while3A_414  : i32 {
          %get3A_428 = arith.index_cast %while3A_427 : i32 to index
          %get3A_429 = tpu.vector_load %arg11[%get3A_428] {strides = array<i32>} : memref<272xi32, #tpu.memory_space<vmem>>, vector<16xi32>,
          %slice3A_430 = vector.extract_strided_slice %get3A_429 {offsets = [0], sizes = [1], strides = [1]} : vector<16xi32> to vector<1xi32>
          %squeeze3A_431 = vector.extract %slice3A_430[0] : i32 from vector<1xi32>
          %get3A_432 = arith.index_cast %while3A_427 : i32 to index
          %get3A_433 = tpu.vector_load %arg12[%get3A_432] {strides = array<i32>} : memref<272xi32, #tpu.memory_space<vmem>>, vector<16xi32>,
          %slice3A_434 = vector.extract_strided_slice %get3A_433 {offsets = [0], sizes = [1], strides = [1]} : vector<16xi32> to vector<1xi32>
          %squeeze3A_435 = vector.extract %slice3A_434[0] : i32 from vector<1xi32>
          %ge3A_436 = arith.constant 8 : i32
          %ge3A_437 = arith.cmpi sge, %while3A_427, %ge3A_436 : i32
          %convert_element_type3A_438 = arith.extui %ge3A_437 : i1 to i32
          %cond3A_439 = arith.constant 0 : i32
          %cond3A_440 = arith.cmpi ne, %convert_element_type3A_438, %cond3A_439 : i32
          scf.if %cond3A_440 {
            %dma_wait3A_529 = arith.constant 0 : i32
            %dma_wait3A_530 = arith.constant 0 : i32
            %dma_wait3A_531 = tpu.memref_slice %arg13[%dma_wait3A_529, %dma_wait3A_530] : memref<8x128xf32, #tpu.memory_space<vmem>> -> memref<1x128xf32, #tpu.memory_space<vmem>>
            %dma_wait3A_532 = arith.constant 0 : i32
            %dma_wait3A_533 = arith.constant 0 : i32
            %dma_wait3A_534 = tpu.memref_slice %arg4[%dma_wait3A_532, %dma_wait3A_533] : memref<51200x128xf32, #tpu.memory_space<hbm>> -> memref<1x128xf32, #tpu.memory_space<hbm>>
            %dma_wait3A_535 = arith.constant 0 : i32
            %dma_wait3A_536 = arith.constant 0 : i32
            %dma_wait3A_537 = tpu.memref_slice %arg4[%dma_wait3A_535, %dma_wait3A_536] : memref<51200x128xf32, #tpu.memory_space<hbm>> -> memref<1x128xf32, #tpu.memory_space<hbm>>
            %dma_wait3A_538 = arith.constant 0 : i32
            %dma_wait3A_539 = arith.constant 0 : i32
            %dma_wait3A_540 = tpu.memref_slice %arg13[%dma_wait3A_538, %dma_wait3A_539] : memref<8x128xf32, #tpu.memory_space<vmem>> -> memref<1x128xf32, #tpu.memory_space<vmem>>
            tpu.wait_dma2 semaphore(%arg15 : memref<!tpu.dma_semaphore, #tpu.memory_space<semaphore_mem>>) src(%dma_wait3A_540 : memref<1x128xf32, #tpu.memory_space<vmem>>) dst(%dma_wait3A_537 : memref<1x128xf32, #tpu.memory_space<hbm>>)
          } else {
          }
          %jit3A = arith.constant 8 : i32
          %eq3A = arith.constant 0 : i32
          %eq3A_441 = arith.cmpi eq, %jit3A, %eq3A : i32
          %jit3A_442 = arith.constant 1 : i32
          %select_n3A = arith.select %eq3A_441, %jit3A_442, %jit3A : i32
          %rem3A = arith.remsi %while3A_427, %select_n3A : i32
          %ne3A = arith.constant 0 : i32
          %ne3A_443 = arith.cmpi ne, %rem3A, %ne3A : i32
          %lt3A_444 = arith.constant 0 : i32
          %lt3A_445 = arith.cmpi slt, %rem3A, %lt3A_444 : i32
          %lt3A_446 = arith.constant 0 : i32
          %lt3A_447 = arith.cmpi slt, %select_n3A, %lt3A_446 : i32
          %ne3A_448 = arith.xori %lt3A_445, %lt3A_447 : i1
          %and3A = arith.andi %ne3A_448, %ne3A_443 : i1
          %add3A_449 = arith.addi %rem3A, %select_n3A : i32
          %select_n3A_450 = arith.select %and3A, %add3A_449, %rem3A : i32
          %broadcast_in_dim3A_451 = vector.broadcast %squeeze3A_431 : i32 to vector<16xi32>
          %add3A_452 = arith.constant 0 : i32
          %add3A_453 = vector.broadcast %add3A_452 : i32 to vector<16xi32>
          %add3A_454 = arith.addi %add3A_453, %iota3A : vector<16xi32>
          %lt3A_455 = arith.constant 100 : i32
          %lt3A_456 = vector.broadcast %lt3A_455 : i32 to vector<16xi32>
          %lt3A_457 = arith.cmpi slt, %add3A_454, %lt3A_456 : vector<16xi32>
          %gather3A = tpu.vector_load_idx %arg10[%add3A_454, %broadcast_in_dim3A_451] masked %lt3A_457 : memref<100x256xf32, #tpu.memory_space<vmem>>[vector<16xi32>, vector<16xi32>], vector<16xf32>, vector<16xi1>
          %swap3A_458 = arith.index_cast %select_n3A_450 : i32 to index
          %swap3A_459 = arith.constant 0 : index
          %swap3A_460 = tpu.vector_load %arg13[%swap3A_458, %swap3A_459] {strides = array<i32>} : memref<8x128xf32, #tpu.memory_space<vmem>>, vector<16xf32>,
          tpu.vector_store %arg13[%swap3A_458, %swap3A_459], %gather3A {strides = array<i32>} : memref<8x128xf32, #tpu.memory_space<vmem>>, vector<16xf32>,
          %add3A_461 = arith.constant 16 : i32
          %add3A_462 = vector.broadcast %add3A_461 : i32 to vector<16xi32>
          %add3A_463 = arith.addi %add3A_462, %iota3A : vector<16xi32>
          %lt3A_464 = arith.constant 100 : i32
          %lt3A_465 = vector.broadcast %lt3A_464 : i32 to vector<16xi32>
          %lt3A_466 = arith.cmpi slt, %add3A_463, %lt3A_465 : vector<16xi32>
          %gather3A_467 = tpu.vector_load_idx %arg10[%add3A_463, %broadcast_in_dim3A_451] masked %lt3A_466 : memref<100x256xf32, #tpu.memory_space<vmem>>[vector<16xi32>, vector<16xi32>], vector<16xf32>, vector<16xi1>
          %swap3A_468 = arith.index_cast %select_n3A_450 : i32 to index
          %swap3A_469 = arith.constant 16 : index
          %swap3A_470 = tpu.vector_load %arg13[%swap3A_468, %swap3A_469] {strides = array<i32>} : memref<8x128xf32, #tpu.memory_space<vmem>>, vector<16xf32>,
          tpu.vector_store %arg13[%swap3A_468, %swap3A_469], %gather3A_467 {strides = array<i32>} : memref<8x128xf32, #tpu.memory_space<vmem>>, vector<16xf32>,
          %add3A_471 = arith.constant 32 : i32
          %add3A_472 = vector.broadcast %add3A_471 : i32 to vector<16xi32>
          %add3A_473 = arith.addi %add3A_472, %iota3A : vector<16xi32>
          %lt3A_474 = arith.constant 100 : i32
          %lt3A_475 = vector.broadcast %lt3A_474 : i32 to vector<16xi32>
          %lt3A_476 = arith.cmpi slt, %add3A_473, %lt3A_475 : vector<16xi32>
          %gather3A_477 = tpu.vector_load_idx %arg10[%add3A_473, %broadcast_in_dim3A_451] masked %lt3A_476 : memref<100x256xf32, #tpu.memory_space<vmem>>[vector<16xi32>, vector<16xi32>], vector<16xf32>, vector<16xi1>
          %swap3A_478 = arith.index_cast %select_n3A_450 : i32 to index
          %swap3A_479 = arith.constant 32 : index
          %swap3A_480 = tpu.vector_load %arg13[%swap3A_478, %swap3A_479] {strides = array<i32>} : memref<8x128xf32, #tpu.memory_space<vmem>>, vector<16xf32>,
          tpu.vector_store %arg13[%swap3A_478, %swap3A_479], %gather3A_477 {strides = array<i32>} : memref<8x128xf32, #tpu.memory_space<vmem>>, vector<16xf32>,
          %add3A_481 = arith.constant 48 : i32
          %add3A_482 = vector.broadcast %add3A_481 : i32 to vector<16xi32>
          %add3A_483 = arith.addi %add3A_482, %iota3A : vector<16xi32>
          %lt3A_484 = arith.constant 100 : i32
          %lt3A_485 = vector.broadcast %lt3A_484 : i32 to vector<16xi32>
          %lt3A_486 = arith.cmpi slt, %add3A_483, %lt3A_485 : vector<16xi32>
          %gather3A_487 = tpu.vector_load_idx %arg10[%add3A_483, %broadcast_in_dim3A_451] masked %lt3A_486 : memref<100x256xf32, #tpu.memory_space<vmem>>[vector<16xi32>, vector<16xi32>], vector<16xf32>, vector<16xi1>
          %swap3A_488 = arith.index_cast %select_n3A_450 : i32 to index
          %swap3A_489 = arith.constant 48 : index
          %swap3A_490 = tpu.vector_load %arg13[%swap3A_488, %swap3A_489] {strides = array<i32>} : memref<8x128xf32, #tpu.memory_space<vmem>>, vector<16xf32>,
          tpu.vector_store %arg13[%swap3A_488, %swap3A_489], %gather3A_487 {strides = array<i32>} : memref<8x128xf32, #tpu.memory_space<vmem>>, vector<16xf32>,
          %add3A_491 = arith.constant 64 : i32
          %add3A_492 = vector.broadcast %add3A_491 : i32 to vector<16xi32>
          %add3A_493 = arith.addi %add3A_492, %iota3A : vector<16xi32>
          %lt3A_494 = arith.constant 100 : i32
          %lt3A_495 = vector.broadcast %lt3A_494 : i32 to vector<16xi32>
          %lt3A_496 = arith.cmpi slt, %add3A_493, %lt3A_495 : vector<16xi32>
          %gather3A_497 = tpu.vector_load_idx %arg10[%add3A_493, %broadcast_in_dim3A_451] masked %lt3A_496 : memref<100x256xf32, #tpu.memory_space<vmem>>[vector<16xi32>, vector<16xi32>], vector<16xf32>, vector<16xi1>
          %swap3A_498 = arith.index_cast %select_n3A_450 : i32 to index
          %swap3A_499 = arith.constant 64 : index
          %swap3A_500 = tpu.vector_load %arg13[%swap3A_498, %swap3A_499] {strides = array<i32>} : memref<8x128xf32, #tpu.memory_space<vmem>>, vector<16xf32>,
          tpu.vector_store %arg13[%swap3A_498, %swap3A_499], %gather3A_497 {strides = array<i32>} : memref<8x128xf32, #tpu.memory_space<vmem>>, vector<16xf32>,
          %add3A_501 = arith.constant 80 : i32
          %add3A_502 = vector.broadcast %add3A_501 : i32 to vector<16xi32>
          %add3A_503 = arith.addi %add3A_502, %iota3A : vector<16xi32>
          %lt3A_504 = arith.constant 100 : i32
          %lt3A_505 = vector.broadcast %lt3A_504 : i32 to vector<16xi32>
          %lt3A_506 = arith.cmpi slt, %add3A_503, %lt3A_505 : vector<16xi32>
          %gather3A_507 = tpu.vector_load_idx %arg10[%add3A_503, %broadcast_in_dim3A_451] masked %lt3A_506 : memref<100x256xf32, #tpu.memory_space<vmem>>[vector<16xi32>, vector<16xi32>], vector<16xf32>, vector<16xi1>
          %swap3A_508 = arith.index_cast %select_n3A_450 : i32 to index
          %swap3A_509 = arith.constant 80 : index
          %swap3A_510 = tpu.vector_load %arg13[%swap3A_508, %swap3A_509] {strides = array<i32>} : memref<8x128xf32, #tpu.memory_space<vmem>>, vector<16xf32>,
          tpu.vector_store %arg13[%swap3A_508, %swap3A_509], %gather3A_507 {strides = array<i32>} : memref<8x128xf32, #tpu.memory_space<vmem>>, vector<16xf32>,
          %add3A_511 = arith.constant 96 : i32
          %add3A_512 = vector.broadcast %add3A_511 : i32 to vector<16xi32>
          %add3A_513 = arith.addi %add3A_512, %iota3A : vector<16xi32>
          %lt3A_514 = arith.constant 100 : i32
          %lt3A_515 = vector.broadcast %lt3A_514 : i32 to vector<16xi32>
          %lt3A_516 = arith.cmpi slt, %add3A_513, %lt3A_515 : vector<16xi32>
          %gather3A_517 = tpu.vector_load_idx %arg10[%add3A_513, %broadcast_in_dim3A_451] masked %lt3A_516 : memref<100x256xf32, #tpu.memory_space<vmem>>[vector<16xi32>, vector<16xi32>], vector<16xf32>, vector<16xi1>
          %swap3A_518 = arith.index_cast %select_n3A_450 : i32 to index
          %swap3A_519 = arith.constant 96 : index
          %swap3A_520 = tpu.vector_load %arg13[%swap3A_518, %swap3A_519] {strides = array<i32>} : memref<8x128xf32, #tpu.memory_space<vmem>>, vector<16xf32>,
          tpu.vector_store %arg13[%swap3A_518, %swap3A_519], %gather3A_517 {strides = array<i32>} : memref<8x128xf32, #tpu.memory_space<vmem>>, vector<16xf32>,
          %dma_start3A_521 = arith.constant 0 : i32
          %dma_start3A_522 = tpu.memref_slice %arg13[%select_n3A_450, %dma_start3A_521] : memref<8x128xf32, #tpu.memory_space<vmem>> -> memref<1x128xf32, #tpu.memory_space<vmem>>
          %dma_start3A_523 = arith.constant 0 : i32
          %dma_start3A_524 = tpu.memref_slice %arg4[%squeeze3A_435, %dma_start3A_523] : memref<51200x128xf32, #tpu.memory_space<hbm>> -> memref<1x128xf32, #tpu.memory_space<hbm>>
          %dma_start3A_525 = arith.constant 0 : i32
          %dma_start3A_526 = tpu.memref_slice %arg4[%squeeze3A_435, %dma_start3A_525] : memref<51200x128xf32, #tpu.memory_space<hbm>> -> memref<1x128xf32, #tpu.memory_space<hbm>>
          %dma_start3A_527 = arith.constant 0 : i32
          %dma_start3A_528 = tpu.memref_slice %arg13[%select_n3A_450, %dma_start3A_527] : memref<8x128xf32, #tpu.memory_space<vmem>> -> memref<1x128xf32, #tpu.memory_space<vmem>>
          tpu.enqueue_dma source(%dma_start3A_528 : memref<1x128xf32, #tpu.memory_space<vmem>>) target(%dma_start3A_526 : memref<1x128xf32, #tpu.memory_space<hbm>>) target_semaphore(%arg15 : memref<!tpu.dma_semaphore, #tpu.memory_space<semaphore_mem>>)
        }
        %min3A_415 = arith.constant 8 : i32
        %min3A_416 = arith.minsi %add3A_404, %min3A_415 : i32
        %while3A_417 = arith.constant 0 : i32
        %while3A_418 = arith.constant 0 : i32
        %while3A_419 = arith.subi %min3A_416, %while3A_418 : i32
        %while3A_420 = arith.addi %while3A_418, %while3A_419 : i32
        %while3A_421 = arith.constant 1 : i32
        %while3A_422 = arith.divsi %while3A_419, %while3A_421 : i32
        %while3A_423 = arith.muli %while3A_422, %while3A_421 : i32
        %while3A_424 = arith.addi %while3A_418, %while3A_423 : i32
        %while3A_425 = arith.constant 1 : i32
        scf.for %while3A_427 = %while3A_418 to %while3A_424 step %while3A_425  : i32 {
          %dma_wait3A_428 = arith.constant 0 : i32
          %dma_wait3A_429 = arith.constant 0 : i32
          %dma_wait3A_430 = tpu.memref_slice %arg13[%dma_wait3A_428, %dma_wait3A_429] : memref<8x128xf32, #tpu.memory_space<vmem>> -> memref<1x128xf32, #tpu.memory_space<vmem>>
          %dma_wait3A_431 = arith.constant 0 : i32
          %dma_wait3A_432 = arith.constant 0 : i32
          %dma_wait3A_433 = tpu.memref_slice %arg4[%dma_wait3A_431, %dma_wait3A_432] : memref<51200x128xf32, #tpu.memory_space<hbm>> -> memref<1x128xf32, #tpu.memory_space<hbm>>
          %dma_wait3A_434 = arith.constant 0 : i32
          %dma_wait3A_435 = arith.constant 0 : i32
          %dma_wait3A_436 = tpu.memref_slice %arg4[%dma_wait3A_434, %dma_wait3A_435] : memref<51200x128xf32, #tpu.memory_space<hbm>> -> memref<1x128xf32, #tpu.memory_space<hbm>>
          %dma_wait3A_437 = arith.constant 0 : i32
          %dma_wait3A_438 = arith.constant 0 : i32
          %dma_wait3A_439 = tpu.memref_slice %arg13[%dma_wait3A_437, %dma_wait3A_438] : memref<8x128xf32, #tpu.memory_space<vmem>> -> memref<1x128xf32, #tpu.memory_space<vmem>>
          tpu.wait_dma2 semaphore(%arg15 : memref<!tpu.dma_semaphore, #tpu.memory_space<semaphore_mem>>) src(%dma_wait3A_439 : memref<1x128xf32, #tpu.memory_space<vmem>>) dst(%dma_wait3A_436 : memref<1x128xf32, #tpu.memory_space<hbm>>)
        }
        %while3A_426 = arith.constant 1 : i32
        scf.for %while3A_427 = %while3A_424 to %while3A_420 step %while3A_426  : i32 {
          %dma_wait3A_428 = arith.constant 0 : i32
          %dma_wait3A_429 = arith.constant 0 : i32
          %dma_wait3A_430 = tpu.memref_slice %arg13[%dma_wait3A_428, %dma_wait3A_429] : memref<8x128xf32, #tpu.memory_space<vmem>> -> memref<1x128xf32, #tpu.memory_space<vmem>>
          %dma_wait3A_431 = arith.constant 0 : i32
          %dma_wait3A_432 = arith.constant 0 : i32
          %dma_wait3A_433 = tpu.memref_slice %arg4[%dma_wait3A_431, %dma_wait3A_432] : memref<51200x128xf32, #tpu.memory_space<hbm>> -> memref<1x128xf32, #tpu.memory_space<hbm>>
          %dma_wait3A_434 = arith.constant 0 : i32
          %dma_wait3A_435 = arith.constant 0 : i32
          %dma_wait3A_436 = tpu.memref_slice %arg4[%dma_wait3A_434, %dma_wait3A_435] : memref<51200x128xf32, #tpu.memory_space<hbm>> -> memref<1x128xf32, #tpu.memory_space<hbm>>
          %dma_wait3A_437 = arith.constant 0 : i32
          %dma_wait3A_438 = arith.constant 0 : i32
          %dma_wait3A_439 = tpu.memref_slice %arg13[%dma_wait3A_437, %dma_wait3A_438] : memref<8x128xf32, #tpu.memory_space<vmem>> -> memref<1x128xf32, #tpu.memory_space<vmem>>
          tpu.wait_dma2 semaphore(%arg15 : memref<!tpu.dma_semaphore, #tpu.memory_space<semaphore_mem>>) src(%dma_wait3A_439 : memref<1x128xf32, #tpu.memory_space<vmem>>) dst(%dma_wait3A_436 : memref<1x128xf32, #tpu.memory_space<hbm>>)
        }
      } else {
      }
    }
    %scan3A_36 = arith.constant 41 : i32
    %dma_start3A_37 = arith.constant 0 : i32
    %dma_start3A_38 = tpu.memref_slice %arg3[%dma_start3A_37] : memref<51200xi32, #tpu.memory_space<hbm>> -> memref<2048xi32, #tpu.memory_space<hbm>>
    %dma_start3A_39 = arith.constant 0 : i32
    %dma_start3A_40 = tpu.memref_slice %arg3[%dma_start3A_39] : memref<51200xi32, #tpu.memory_space<hbm>> -> memref<2048xi32, #tpu.memory_space<hbm>>
    tpu.enqueue_dma source(%dma_start3A_40 : memref<2048xi32, #tpu.memory_space<hbm>>) target(%arg6 : memref<2048xi32, #tpu.memory_space<vmem>>) target_semaphore(%arg17 : memref<!tpu.dma_semaphore, #tpu.memory_space<semaphore_mem>>)
    %scan3A_41 = arith.constant 0 : i32
    %scan3A_42 = arith.constant 0 : i32
    %scan3A_43 = arith.constant 13 : i32
    %scan3A_44 = arith.addi %scan3A_42, %scan3A_43 : i32
    %scan3A_45 = arith.constant 1 : i32
    %scan3A_46 = scf.for %scan3A_57 = %scan3A_42 to %scan3A_44 step %scan3A_45 iter_args(%scan3A_58 = %scan3A_41) -> (i32)  : i32 {
      %mul3A_59 = arith.constant 2 : i32
      %mul3A_60 = arith.muli %scan3A_57, %mul3A_59 : i32
      %add3A_61 = arith.constant 0 : i32
      %add3A_62 = arith.addi %mul3A_60, %add3A_61 : i32
      %lt3A = arith.constant 25 : i32
      %lt3A_63 = arith.cmpi slt, %add3A_62, %lt3A : i32
      %convert_element_type3A_64 = arith.extui %lt3A_63 : i1 to i32
      %cond3A_65 = arith.constant 0 : i32
      %cond3A_66 = arith.cmpi ne, %convert_element_type3A_64, %cond3A_65 : i32
      %cond3A_67 = scf.if %cond3A_66 -> (i32) {
        %dma_wait3A = arith.constant 0 : i32
        %dma_wait3A_78 = tpu.memref_slice %arg3[%dma_wait3A] : memref<51200xi32, #tpu.memory_space<hbm>> -> memref<2048xi32, #tpu.memory_space<hbm>>
        %dma_wait3A_79 = arith.constant 0 : i32
        %dma_wait3A_80 = tpu.memref_slice %arg3[%dma_wait3A_79] : memref<51200xi32, #tpu.memory_space<hbm>> -> memref<2048xi32, #tpu.memory_space<hbm>>
        tpu.wait_dma2 semaphore(%arg17 : memref<!tpu.dma_semaphore, #tpu.memory_space<semaphore_mem>>) src(%dma_wait3A_80 : memref<2048xi32, #tpu.memory_space<hbm>>) dst(%arg6 : memref<2048xi32, #tpu.memory_space<vmem>>)
        %add3A_81 = arith.constant 1 : i32
        %add3A_82 = arith.addi %add3A_62, %add3A_81 : i32
        %lt3A_83 = arith.constant 25 : i32
        %lt3A_84 = arith.cmpi slt, %add3A_82, %lt3A_83 : i32
        %convert_element_type3A_85 = arith.extui %lt3A_84 : i1 to i32
        %cond3A_86 = arith.constant 0 : i32
        %cond3A_87 = arith.cmpi ne, %convert_element_type3A_85, %cond3A_86 : i32
        scf.if %cond3A_87 {
          %add3A_94 = arith.constant 1 : i32
          %add3A_95 = arith.addi %add3A_62, %add3A_94 : i32
          %mul3A_96 = arith.constant 2048 : i32
          %mul3A_97 = arith.muli %add3A_95, %mul3A_96 : i32
          %dma_start3A_98 = tpu.memref_slice %arg3[%mul3A_97] : memref<51200xi32, #tpu.memory_space<hbm>> -> memref<2048xi32, #tpu.memory_space<hbm>>
          %dma_start3A_99 = tpu.memref_slice %arg3[%mul3A_97] : memref<51200xi32, #tpu.memory_space<hbm>> -> memref<2048xi32, #tpu.memory_space<hbm>>
          tpu.enqueue_dma source(%dma_start3A_99 : memref<2048xi32, #tpu.memory_space<hbm>>) target(%arg7 : memref<2048xi32, #tpu.memory_space<vmem>>) target_semaphore(%arg17 : memref<!tpu.dma_semaphore, #tpu.memory_space<semaphore_mem>>)
        } else {
        }
        %scan3A_88 = arith.constant 0 : i32
        %scan3A_89 = arith.constant 128 : i32
        %scan3A_90 = arith.addi %scan3A_88, %scan3A_89 : i32
        %scan3A_91 = arith.constant 1 : i32
        %scan3A_92 = scf.for %scan3A_94 = %scan3A_88 to %scan3A_90 step %scan3A_91 iter_args(%scan3A_95 = %scan3A_58) -> (i32)  : i32 {
          %mul3A_96 = arith.constant 16 : i32
          %mul3A_97 = arith.muli %scan3A_94, %mul3A_96 : i32
          %get3A = arith.index_cast %mul3A_97 : i32 to index
          %get3A_98 = tpu.vector_load %arg6[%get3A] {strides = array<i32>} : memref<2048xi32, #tpu.memory_space<vmem>>, vector<16xi32>,
          %ge3A = vector.broadcast %mul3A_2 : i32 to vector<16xi32>
          %ge3A_99 = arith.cmpi sge, %get3A_98, %ge3A : vector<16xi32>
          %lt3A_100 = vector.broadcast %add3A_4 : i32 to vector<16xi32>
          %lt3A_101 = arith.cmpi slt, %get3A_98, %lt3A_100 : vector<16xi32>
          %and3A = arith.andi %ge3A_99, %lt3A_101 : vector<16xi1>
          %sub3A_102 = vector.broadcast %mul3A_2 : i32 to vector<16xi32>
          %sub3A_103 = arith.subi %get3A_98, %sub3A_102 : vector<16xi32>
          %jit3A = arith.constant 0 : i32
          %broadcast_in_dim3A_104 = vector.broadcast %jit3A : i32 to vector<16xi32>
          %select_n3A = arith.select %and3A, %sub3A_103, %broadcast_in_dim3A_104 : vector<16xi1>, vector<16xi32>
          %gather3A = tpu.vector_load_idx %arg5[%select_n3A] masked %and3A : memref<31488xi32, #tpu.memory_space<vmem>>[vector<16xi32>], vector<16xi32>, vector<16xi1>
          %mul3A_105 = arith.constant 2048 : i32
          %mul3A_106 = arith.muli %add3A_62, %mul3A_105 : i32
          %mul3A_107 = arith.constant 16 : i32
          %mul3A_108 = arith.muli %scan3A_94, %mul3A_107 : i32
          %add3A_109 = arith.addi %mul3A_106, %mul3A_108 : i32
          %add3A_110 = vector.broadcast %add3A_109 : i32 to vector<16xi32>
          %add3A_111 = arith.addi %add3A_110, %iota3A : vector<16xi32>
          %ne3A = arith.cmpi ne, %gather3A, %add3A_111 : vector<16xi32>
          %and3A_112 = arith.andi %and3A, %ne3A : vector<16xi1>
          %all_reduce_population_count3A = tpu.all_reduce %and3A_112 {dim = 0 : i64, kind = #tpu.reduction_kind<sum>} : vector<16xi1> -> vector<16xi32>
          %slice3A = vector.extract_strided_slice %all_reduce_population_count3A {offsets = [0], sizes = [1], strides = [1]} : vector<16xi32> to vector<1xi32>
          %squeeze3A = vector.extract %slice3A[0] : i32 from vector<1xi32>
          %convert_element_type3A_113 = arith.extui %and3A_112 : vector<16xi1> to vector<16xi32>
          %gt3A_114 = arith.constant 0 : i32
          %gt3A_115 = arith.cmpi sgt, %squeeze3A, %gt3A_114 : i32
          %convert_element_type3A_116 = arith.extui %gt3A_115 : i1 to i32
          %cond3A_117 = arith.constant 0 : i32
          %cond3A_118 = arith.cmpi ne, %convert_element_type3A_116, %cond3A_117 : i32
          scf.if %cond3A_118 {
            %slice3A_120 = vector.extract_strided_slice %convert_element_type3A_113 {offsets = [0], sizes = [1], strides = [1]} : vector<16xi32> to vector<1xi32>
            %squeeze3A_121 = vector.extract %slice3A_120[0] : i32 from vector<1xi32>
            %gt3A_122 = arith.constant 0 : i32
            %gt3A_123 = arith.cmpi sgt, %squeeze3A_121, %gt3A_122 : i32
            %convert_element_type3A_124 = arith.extui %gt3A_123 : i1 to i32
            %cond3A_125 = arith.constant 0 : i32
            %cond3A_126 = arith.cmpi ne, %convert_element_type3A_124, %cond3A_125 : i32
            scf.if %cond3A_126 {
              %slice3A_232 = vector.extract_strided_slice %gather3A {offsets = [0], sizes = [1], strides = [1]} : vector<16xi32> to vector<1xi32>
              %squeeze3A_233 = vector.extract %slice3A_232[0] : i32 from vector<1xi32>
              %slice3A_234 = vector.extract_strided_slice %add3A_111 {offsets = [0], sizes = [1], strides = [1]} : vector<16xi32> to vector<1xi32>
              %squeeze3A_235 = vector.extract %slice3A_234[0] : i32 from vector<1xi32>
              %dma_start3A_236 = arith.constant 0 : i32
              %dma_start3A_237 = tpu.memref_slice %arg4[%squeeze3A_235, %dma_start3A_236] : memref<51200x128xf32, #tpu.memory_space<hbm>> -> memref<1x128xf32, #tpu.memory_space<hbm>>
              %dma_start3A_238 = arith.constant 0 : i32
              %dma_start3A_239 = tpu.memref_slice %arg4[%squeeze3A_233, %dma_start3A_238] : memref<51200x128xf32, #tpu.memory_space<hbm>> -> memref<1x128xf32, #tpu.memory_space<hbm>>
              tpu.enqueue_dma source(%dma_start3A_239 : memref<1x128xf32, #tpu.memory_space<hbm>>) target(%dma_start3A_237 : memref<1x128xf32, #tpu.memory_space<hbm>>) target_semaphore(%arg16 : memref<!tpu.dma_semaphore, #tpu.memory_space<semaphore_mem>>)
            } else {
            }
            %slice3A_127 = vector.extract_strided_slice %convert_element_type3A_113 {offsets = [1], sizes = [1], strides = [1]} : vector<16xi32> to vector<1xi32>
            %squeeze3A_128 = vector.extract %slice3A_127[0] : i32 from vector<1xi32>
            %gt3A_129 = arith.constant 0 : i32
            %gt3A_130 = arith.cmpi sgt, %squeeze3A_128, %gt3A_129 : i32
            %convert_element_type3A_131 = arith.extui %gt3A_130 : i1 to i32
            %cond3A_132 = arith.constant 0 : i32
            %cond3A_133 = arith.cmpi ne, %convert_element_type3A_131, %cond3A_132 : i32
            scf.if %cond3A_133 {
              %slice3A_232 = vector.extract_strided_slice %gather3A {offsets = [1], sizes = [1], strides = [1]} : vector<16xi32> to vector<1xi32>
              %squeeze3A_233 = vector.extract %slice3A_232[0] : i32 from vector<1xi32>
              %slice3A_234 = vector.extract_strided_slice %add3A_111 {offsets = [1], sizes = [1], strides = [1]} : vector<16xi32> to vector<1xi32>
              %squeeze3A_235 = vector.extract %slice3A_234[0] : i32 from vector<1xi32>
              %dma_start3A_236 = arith.constant 0 : i32
              %dma_start3A_237 = tpu.memref_slice %arg4[%squeeze3A_235, %dma_start3A_236] : memref<51200x128xf32, #tpu.memory_space<hbm>> -> memref<1x128xf32, #tpu.memory_space<hbm>>
              %dma_start3A_238 = arith.constant 0 : i32
              %dma_start3A_239 = tpu.memref_slice %arg4[%squeeze3A_233, %dma_start3A_238] : memref<51200x128xf32, #tpu.memory_space<hbm>> -> memref<1x128xf32, #tpu.memory_space<hbm>>
              tpu.enqueue_dma source(%dma_start3A_239 : memref<1x128xf32, #tpu.memory_space<hbm>>) target(%dma_start3A_237 : memref<1x128xf32, #tpu.memory_space<hbm>>) target_semaphore(%arg16 : memref<!tpu.dma_semaphore, #tpu.memory_space<semaphore_mem>>)
            } else {
            }
            %slice3A_134 = vector.extract_strided_slice %convert_element_type3A_113 {offsets = [2], sizes = [1], strides = [1]} : vector<16xi32> to vector<1xi32>
            %squeeze3A_135 = vector.extract %slice3A_134[0] : i32 from vector<1xi32>
            %gt3A_136 = arith.constant 0 : i32
            %gt3A_137 = arith.cmpi sgt, %squeeze3A_135, %gt3A_136 : i32
            %convert_element_type3A_138 = arith.extui %gt3A_137 : i1 to i32
            %cond3A_139 = arith.constant 0 : i32
            %cond3A_140 = arith.cmpi ne, %convert_element_type3A_138, %cond3A_139 : i32
            scf.if %cond3A_140 {
              %slice3A_232 = vector.extract_strided_slice %gather3A {offsets = [2], sizes = [1], strides = [1]} : vector<16xi32> to vector<1xi32>
              %squeeze3A_233 = vector.extract %slice3A_232[0] : i32 from vector<1xi32>
              %slice3A_234 = vector.extract_strided_slice %add3A_111 {offsets = [2], sizes = [1], strides = [1]} : vector<16xi32> to vector<1xi32>
              %squeeze3A_235 = vector.extract %slice3A_234[0] : i32 from vector<1xi32>
              %dma_start3A_236 = arith.constant 0 : i32
              %dma_start3A_237 = tpu.memref_slice %arg4[%squeeze3A_235, %dma_start3A_236] : memref<51200x128xf32, #tpu.memory_space<hbm>> -> memref<1x128xf32, #tpu.memory_space<hbm>>
              %dma_start3A_238 = arith.constant 0 : i32
              %dma_start3A_239 = tpu.memref_slice %arg4[%squeeze3A_233, %dma_start3A_238] : memref<51200x128xf32, #tpu.memory_space<hbm>> -> memref<1x128xf32, #tpu.memory_space<hbm>>
              tpu.enqueue_dma source(%dma_start3A_239 : memref<1x128xf32, #tpu.memory_space<hbm>>) target(%dma_start3A_237 : memref<1x128xf32, #tpu.memory_space<hbm>>) target_semaphore(%arg16 : memref<!tpu.dma_semaphore, #tpu.memory_space<semaphore_mem>>)
            } else {
            }
            %slice3A_141 = vector.extract_strided_slice %convert_element_type3A_113 {offsets = [3], sizes = [1], strides = [1]} : vector<16xi32> to vector<1xi32>
            %squeeze3A_142 = vector.extract %slice3A_141[0] : i32 from vector<1xi32>
            %gt3A_143 = arith.constant 0 : i32
            %gt3A_144 = arith.cmpi sgt, %squeeze3A_142, %gt3A_143 : i32
            %convert_element_type3A_145 = arith.extui %gt3A_144 : i1 to i32
            %cond3A_146 = arith.constant 0 : i32
            %cond3A_147 = arith.cmpi ne, %convert_element_type3A_145, %cond3A_146 : i32
            scf.if %cond3A_147 {
              %slice3A_232 = vector.extract_strided_slice %gather3A {offsets = [3], sizes = [1], strides = [1]} : vector<16xi32> to vector<1xi32>
              %squeeze3A_233 = vector.extract %slice3A_232[0] : i32 from vector<1xi32>
              %slice3A_234 = vector.extract_strided_slice %add3A_111 {offsets = [3], sizes = [1], strides = [1]} : vector<16xi32> to vector<1xi32>
              %squeeze3A_235 = vector.extract %slice3A_234[0] : i32 from vector<1xi32>
              %dma_start3A_236 = arith.constant 0 : i32
              %dma_start3A_237 = tpu.memref_slice %arg4[%squeeze3A_235, %dma_start3A_236] : memref<51200x128xf32, #tpu.memory_space<hbm>> -> memref<1x128xf32, #tpu.memory_space<hbm>>
              %dma_start3A_238 = arith.constant 0 : i32
              %dma_start3A_239 = tpu.memref_slice %arg4[%squeeze3A_233, %dma_start3A_238] : memref<51200x128xf32, #tpu.memory_space<hbm>> -> memref<1x128xf32, #tpu.memory_space<hbm>>
              tpu.enqueue_dma source(%dma_start3A_239 : memref<1x128xf32, #tpu.memory_space<hbm>>) target(%dma_start3A_237 : memref<1x128xf32, #tpu.memory_space<hbm>>) target_semaphore(%arg16 : memref<!tpu.dma_semaphore, #tpu.memory_space<semaphore_mem>>)
            } else {
            }
            %slice3A_148 = vector.extract_strided_slice %convert_element_type3A_113 {offsets = [4], sizes = [1], strides = [1]} : vector<16xi32> to vector<1xi32>
            %squeeze3A_149 = vector.extract %slice3A_148[0] : i32 from vector<1xi32>
            %gt3A_150 = arith.constant 0 : i32
            %gt3A_151 = arith.cmpi sgt, %squeeze3A_149, %gt3A_150 : i32
            %convert_element_type3A_152 = arith.extui %gt3A_151 : i1 to i32
            %cond3A_153 = arith.constant 0 : i32
            %cond3A_154 = arith.cmpi ne, %convert_element_type3A_152, %cond3A_153 : i32
            scf.if %cond3A_154 {
              %slice3A_232 = vector.extract_strided_slice %gather3A {offsets = [4], sizes = [1], strides = [1]} : vector<16xi32> to vector<1xi32>
              %squeeze3A_233 = vector.extract %slice3A_232[0] : i32 from vector<1xi32>
              %slice3A_234 = vector.extract_strided_slice %add3A_111 {offsets = [4], sizes = [1], strides = [1]} : vector<16xi32> to vector<1xi32>
              %squeeze3A_235 = vector.extract %slice3A_234[0] : i32 from vector<1xi32>
              %dma_start3A_236 = arith.constant 0 : i32
              %dma_start3A_237 = tpu.memref_slice %arg4[%squeeze3A_235, %dma_start3A_236] : memref<51200x128xf32, #tpu.memory_space<hbm>> -> memref<1x128xf32, #tpu.memory_space<hbm>>
              %dma_start3A_238 = arith.constant 0 : i32
              %dma_start3A_239 = tpu.memref_slice %arg4[%squeeze3A_233, %dma_start3A_238] : memref<51200x128xf32, #tpu.memory_space<hbm>> -> memref<1x128xf32, #tpu.memory_space<hbm>>
              tpu.enqueue_dma source(%dma_start3A_239 : memref<1x128xf32, #tpu.memory_space<hbm>>) target(%dma_start3A_237 : memref<1x128xf32, #tpu.memory_space<hbm>>) target_semaphore(%arg16 : memref<!tpu.dma_semaphore, #tpu.memory_space<semaphore_mem>>)
            } else {
            }
            %slice3A_155 = vector.extract_strided_slice %convert_element_type3A_113 {offsets = [5], sizes = [1], strides = [1]} : vector<16xi32> to vector<1xi32>
            %squeeze3A_156 = vector.extract %slice3A_155[0] : i32 from vector<1xi32>
            %gt3A_157 = arith.constant 0 : i32
            %gt3A_158 = arith.cmpi sgt, %squeeze3A_156, %gt3A_157 : i32
            %convert_element_type3A_159 = arith.extui %gt3A_158 : i1 to i32
            %cond3A_160 = arith.constant 0 : i32
            %cond3A_161 = arith.cmpi ne, %convert_element_type3A_159, %cond3A_160 : i32
            scf.if %cond3A_161 {
              %slice3A_232 = vector.extract_strided_slice %gather3A {offsets = [5], sizes = [1], strides = [1]} : vector<16xi32> to vector<1xi32>
              %squeeze3A_233 = vector.extract %slice3A_232[0] : i32 from vector<1xi32>
              %slice3A_234 = vector.extract_strided_slice %add3A_111 {offsets = [5], sizes = [1], strides = [1]} : vector<16xi32> to vector<1xi32>
              %squeeze3A_235 = vector.extract %slice3A_234[0] : i32 from vector<1xi32>
              %dma_start3A_236 = arith.constant 0 : i32
              %dma_start3A_237 = tpu.memref_slice %arg4[%squeeze3A_235, %dma_start3A_236] : memref<51200x128xf32, #tpu.memory_space<hbm>> -> memref<1x128xf32, #tpu.memory_space<hbm>>
              %dma_start3A_238 = arith.constant 0 : i32
              %dma_start3A_239 = tpu.memref_slice %arg4[%squeeze3A_233, %dma_start3A_238] : memref<51200x128xf32, #tpu.memory_space<hbm>> -> memref<1x128xf32, #tpu.memory_space<hbm>>
              tpu.enqueue_dma source(%dma_start3A_239 : memref<1x128xf32, #tpu.memory_space<hbm>>) target(%dma_start3A_237 : memref<1x128xf32, #tpu.memory_space<hbm>>) target_semaphore(%arg16 : memref<!tpu.dma_semaphore, #tpu.memory_space<semaphore_mem>>)
            } else {
            }
            %slice3A_162 = vector.extract_strided_slice %convert_element_type3A_113 {offsets = [6], sizes = [1], strides = [1]} : vector<16xi32> to vector<1xi32>
            %squeeze3A_163 = vector.extract %slice3A_162[0] : i32 from vector<1xi32>
            %gt3A_164 = arith.constant 0 : i32
            %gt3A_165 = arith.cmpi sgt, %squeeze3A_163, %gt3A_164 : i32
            %convert_element_type3A_166 = arith.extui %gt3A_165 : i1 to i32
            %cond3A_167 = arith.constant 0 : i32
            %cond3A_168 = arith.cmpi ne, %convert_element_type3A_166, %cond3A_167 : i32
            scf.if %cond3A_168 {
              %slice3A_232 = vector.extract_strided_slice %gather3A {offsets = [6], sizes = [1], strides = [1]} : vector<16xi32> to vector<1xi32>
              %squeeze3A_233 = vector.extract %slice3A_232[0] : i32 from vector<1xi32>
              %slice3A_234 = vector.extract_strided_slice %add3A_111 {offsets = [6], sizes = [1], strides = [1]} : vector<16xi32> to vector<1xi32>
              %squeeze3A_235 = vector.extract %slice3A_234[0] : i32 from vector<1xi32>
              %dma_start3A_236 = arith.constant 0 : i32
              %dma_start3A_237 = tpu.memref_slice %arg4[%squeeze3A_235, %dma_start3A_236] : memref<51200x128xf32, #tpu.memory_space<hbm>> -> memref<1x128xf32, #tpu.memory_space<hbm>>
              %dma_start3A_238 = arith.constant 0 : i32
              %dma_start3A_239 = tpu.memref_slice %arg4[%squeeze3A_233, %dma_start3A_238] : memref<51200x128xf32, #tpu.memory_space<hbm>> -> memref<1x128xf32, #tpu.memory_space<hbm>>
              tpu.enqueue_dma source(%dma_start3A_239 : memref<1x128xf32, #tpu.memory_space<hbm>>) target(%dma_start3A_237 : memref<1x128xf32, #tpu.memory_space<hbm>>) target_semaphore(%arg16 : memref<!tpu.dma_semaphore, #tpu.memory_space<semaphore_mem>>)
            } else {
            }
            %slice3A_169 = vector.extract_strided_slice %convert_element_type3A_113 {offsets = [7], sizes = [1], strides = [1]} : vector<16xi32> to vector<1xi32>
            %squeeze3A_170 = vector.extract %slice3A_169[0] : i32 from vector<1xi32>
            %gt3A_171 = arith.constant 0 : i32
            %gt3A_172 = arith.cmpi sgt, %squeeze3A_170, %gt3A_171 : i32
            %convert_element_type3A_173 = arith.extui %gt3A_172 : i1 to i32
            %cond3A_174 = arith.constant 0 : i32
            %cond3A_175 = arith.cmpi ne, %convert_element_type3A_173, %cond3A_174 : i32
            scf.if %cond3A_175 {
              %slice3A_232 = vector.extract_strided_slice %gather3A {offsets = [7], sizes = [1], strides = [1]} : vector<16xi32> to vector<1xi32>
              %squeeze3A_233 = vector.extract %slice3A_232[0] : i32 from vector<1xi32>
              %slice3A_234 = vector.extract_strided_slice %add3A_111 {offsets = [7], sizes = [1], strides = [1]} : vector<16xi32> to vector<1xi32>
              %squeeze3A_235 = vector.extract %slice3A_234[0] : i32 from vector<1xi32>
              %dma_start3A_236 = arith.constant 0 : i32
              %dma_start3A_237 = tpu.memref_slice %arg4[%squeeze3A_235, %dma_start3A_236] : memref<51200x128xf32, #tpu.memory_space<hbm>> -> memref<1x128xf32, #tpu.memory_space<hbm>>
              %dma_start3A_238 = arith.constant 0 : i32
              %dma_start3A_239 = tpu.memref_slice %arg4[%squeeze3A_233, %dma_start3A_238] : memref<51200x128xf32, #tpu.memory_space<hbm>> -> memref<1x128xf32, #tpu.memory_space<hbm>>
              tpu.enqueue_dma source(%dma_start3A_239 : memref<1x128xf32, #tpu.memory_space<hbm>>) target(%dma_start3A_237 : memref<1x128xf32, #tpu.memory_space<hbm>>) target_semaphore(%arg16 : memref<!tpu.dma_semaphore, #tpu.memory_space<semaphore_mem>>)
            } else {
            }
            %slice3A_176 = vector.extract_strided_slice %convert_element_type3A_113 {offsets = [8], sizes = [1], strides = [1]} : vector<16xi32> to vector<1xi32>
            %squeeze3A_177 = vector.extract %slice3A_176[0] : i32 from vector<1xi32>
            %gt3A_178 = arith.constant 0 : i32
            %gt3A_179 = arith.cmpi sgt, %squeeze3A_177, %gt3A_178 : i32
            %convert_element_type3A_180 = arith.extui %gt3A_179 : i1 to i32
            %cond3A_181 = arith.constant 0 : i32
            %cond3A_182 = arith.cmpi ne, %convert_element_type3A_180, %cond3A_181 : i32
            scf.if %cond3A_182 {
              %slice3A_232 = vector.extract_strided_slice %gather3A {offsets = [8], sizes = [1], strides = [1]} : vector<16xi32> to vector<1xi32>
              %squeeze3A_233 = vector.extract %slice3A_232[0] : i32 from vector<1xi32>
              %slice3A_234 = vector.extract_strided_slice %add3A_111 {offsets = [8], sizes = [1], strides = [1]} : vector<16xi32> to vector<1xi32>
              %squeeze3A_235 = vector.extract %slice3A_234[0] : i32 from vector<1xi32>
              %dma_start3A_236 = arith.constant 0 : i32
              %dma_start3A_237 = tpu.memref_slice %arg4[%squeeze3A_235, %dma_start3A_236] : memref<51200x128xf32, #tpu.memory_space<hbm>> -> memref<1x128xf32, #tpu.memory_space<hbm>>
              %dma_start3A_238 = arith.constant 0 : i32
              %dma_start3A_239 = tpu.memref_slice %arg4[%squeeze3A_233, %dma_start3A_238] : memref<51200x128xf32, #tpu.memory_space<hbm>> -> memref<1x128xf32, #tpu.memory_space<hbm>>
              tpu.enqueue_dma source(%dma_start3A_239 : memref<1x128xf32, #tpu.memory_space<hbm>>) target(%dma_start3A_237 : memref<1x128xf32, #tpu.memory_space<hbm>>) target_semaphore(%arg16 : memref<!tpu.dma_semaphore, #tpu.memory_space<semaphore_mem>>)
            } else {
            }
            %slice3A_183 = vector.extract_strided_slice %convert_element_type3A_113 {offsets = [9], sizes = [1], strides = [1]} : vector<16xi32> to vector<1xi32>
            %squeeze3A_184 = vector.extract %slice3A_183[0] : i32 from vector<1xi32>
            %gt3A_185 = arith.constant 0 : i32
            %gt3A_186 = arith.cmpi sgt, %squeeze3A_184, %gt3A_185 : i32
            %convert_element_type3A_187 = arith.extui %gt3A_186 : i1 to i32
            %cond3A_188 = arith.constant 0 : i32
            %cond3A_189 = arith.cmpi ne, %convert_element_type3A_187, %cond3A_188 : i32
            scf.if %cond3A_189 {
              %slice3A_232 = vector.extract_strided_slice %gather3A {offsets = [9], sizes = [1], strides = [1]} : vector<16xi32> to vector<1xi32>
              %squeeze3A_233 = vector.extract %slice3A_232[0] : i32 from vector<1xi32>
              %slice3A_234 = vector.extract_strided_slice %add3A_111 {offsets = [9], sizes = [1], strides = [1]} : vector<16xi32> to vector<1xi32>
              %squeeze3A_235 = vector.extract %slice3A_234[0] : i32 from vector<1xi32>
              %dma_start3A_236 = arith.constant 0 : i32
              %dma_start3A_237 = tpu.memref_slice %arg4[%squeeze3A_235, %dma_start3A_236] : memref<51200x128xf32, #tpu.memory_space<hbm>> -> memref<1x128xf32, #tpu.memory_space<hbm>>
              %dma_start3A_238 = arith.constant 0 : i32
              %dma_start3A_239 = tpu.memref_slice %arg4[%squeeze3A_233, %dma_start3A_238] : memref<51200x128xf32, #tpu.memory_space<hbm>> -> memref<1x128xf32, #tpu.memory_space<hbm>>
              tpu.enqueue_dma source(%dma_start3A_239 : memref<1x128xf32, #tpu.memory_space<hbm>>) target(%dma_start3A_237 : memref<1x128xf32, #tpu.memory_space<hbm>>) target_semaphore(%arg16 : memref<!tpu.dma_semaphore, #tpu.memory_space<semaphore_mem>>)
            } else {
            }
            %slice3A_190 = vector.extract_strided_slice %convert_element_type3A_113 {offsets = [10], sizes = [1], strides = [1]} : vector<16xi32> to vector<1xi32>
            %squeeze3A_191 = vector.extract %slice3A_190[0] : i32 from vector<1xi32>
            %gt3A_192 = arith.constant 0 : i32
            %gt3A_193 = arith.cmpi sgt, %squeeze3A_191, %gt3A_192 : i32
            %convert_element_type3A_194 = arith.extui %gt3A_193 : i1 to i32
            %cond3A_195 = arith.constant 0 : i32
            %cond3A_196 = arith.cmpi ne, %convert_element_type3A_194, %cond3A_195 : i32
            scf.if %cond3A_196 {
              %slice3A_232 = vector.extract_strided_slice %gather3A {offsets = [10], sizes = [1], strides = [1]} : vector<16xi32> to vector<1xi32>
              %squeeze3A_233 = vector.extract %slice3A_232[0] : i32 from vector<1xi32>
              %slice3A_234 = vector.extract_strided_slice %add3A_111 {offsets = [10], sizes = [1], strides = [1]} : vector<16xi32> to vector<1xi32>
              %squeeze3A_235 = vector.extract %slice3A_234[0] : i32 from vector<1xi32>
              %dma_start3A_236 = arith.constant 0 : i32
              %dma_start3A_237 = tpu.memref_slice %arg4[%squeeze3A_235, %dma_start3A_236] : memref<51200x128xf32, #tpu.memory_space<hbm>> -> memref<1x128xf32, #tpu.memory_space<hbm>>
              %dma_start3A_238 = arith.constant 0 : i32
              %dma_start3A_239 = tpu.memref_slice %arg4[%squeeze3A_233, %dma_start3A_238] : memref<51200x128xf32, #tpu.memory_space<hbm>> -> memref<1x128xf32, #tpu.memory_space<hbm>>
              tpu.enqueue_dma source(%dma_start3A_239 : memref<1x128xf32, #tpu.memory_space<hbm>>) target(%dma_start3A_237 : memref<1x128xf32, #tpu.memory_space<hbm>>) target_semaphore(%arg16 : memref<!tpu.dma_semaphore, #tpu.memory_space<semaphore_mem>>)
            } else {
            }
            %slice3A_197 = vector.extract_strided_slice %convert_element_type3A_113 {offsets = [11], sizes = [1], strides = [1]} : vector<16xi32> to vector<1xi32>
            %squeeze3A_198 = vector.extract %slice3A_197[0] : i32 from vector<1xi32>
            %gt3A_199 = arith.constant 0 : i32
            %gt3A_200 = arith.cmpi sgt, %squeeze3A_198, %gt3A_199 : i32
            %convert_element_type3A_201 = arith.extui %gt3A_200 : i1 to i32
            %cond3A_202 = arith.constant 0 : i32
            %cond3A_203 = arith.cmpi ne, %convert_element_type3A_201, %cond3A_202 : i32
            scf.if %cond3A_203 {
              %slice3A_232 = vector.extract_strided_slice %gather3A {offsets = [11], sizes = [1], strides = [1]} : vector<16xi32> to vector<1xi32>
              %squeeze3A_233 = vector.extract %slice3A_232[0] : i32 from vector<1xi32>
              %slice3A_234 = vector.extract_strided_slice %add3A_111 {offsets = [11], sizes = [1], strides = [1]} : vector<16xi32> to vector<1xi32>
              %squeeze3A_235 = vector.extract %slice3A_234[0] : i32 from vector<1xi32>
              %dma_start3A_236 = arith.constant 0 : i32
              %dma_start3A_237 = tpu.memref_slice %arg4[%squeeze3A_235, %dma_start3A_236] : memref<51200x128xf32, #tpu.memory_space<hbm>> -> memref<1x128xf32, #tpu.memory_space<hbm>>
              %dma_start3A_238 = arith.constant 0 : i32
              %dma_start3A_239 = tpu.memref_slice %arg4[%squeeze3A_233, %dma_start3A_238] : memref<51200x128xf32, #tpu.memory_space<hbm>> -> memref<1x128xf32, #tpu.memory_space<hbm>>
              tpu.enqueue_dma source(%dma_start3A_239 : memref<1x128xf32, #tpu.memory_space<hbm>>) target(%dma_start3A_237 : memref<1x128xf32, #tpu.memory_space<hbm>>) target_semaphore(%arg16 : memref<!tpu.dma_semaphore, #tpu.memory_space<semaphore_mem>>)
            } else {
            }
            %slice3A_204 = vector.extract_strided_slice %convert_element_type3A_113 {offsets = [12], sizes = [1], strides = [1]} : vector<16xi32> to vector<1xi32>
            %squeeze3A_205 = vector.extract %slice3A_204[0] : i32 from vector<1xi32>
            %gt3A_206 = arith.constant 0 : i32
            %gt3A_207 = arith.cmpi sgt, %squeeze3A_205, %gt3A_206 : i32
            %convert_element_type3A_208 = arith.extui %gt3A_207 : i1 to i32
            %cond3A_209 = arith.constant 0 : i32
            %cond3A_210 = arith.cmpi ne, %convert_element_type3A_208, %cond3A_209 : i32
            scf.if %cond3A_210 {
              %slice3A_232 = vector.extract_strided_slice %gather3A {offsets = [12], sizes = [1], strides = [1]} : vector<16xi32> to vector<1xi32>
              %squeeze3A_233 = vector.extract %slice3A_232[0] : i32 from vector<1xi32>
              %slice3A_234 = vector.extract_strided_slice %add3A_111 {offsets = [12], sizes = [1], strides = [1]} : vector<16xi32> to vector<1xi32>
              %squeeze3A_235 = vector.extract %slice3A_234[0] : i32 from vector<1xi32>
              %dma_start3A_236 = arith.constant 0 : i32
              %dma_start3A_237 = tpu.memref_slice %arg4[%squeeze3A_235, %dma_start3A_236] : memref<51200x128xf32, #tpu.memory_space<hbm>> -> memref<1x128xf32, #tpu.memory_space<hbm>>
              %dma_start3A_238 = arith.constant 0 : i32
              %dma_start3A_239 = tpu.memref_slice %arg4[%squeeze3A_233, %dma_start3A_238] : memref<51200x128xf32, #tpu.memory_space<hbm>> -> memref<1x128xf32, #tpu.memory_space<hbm>>
              tpu.enqueue_dma source(%dma_start3A_239 : memref<1x128xf32, #tpu.memory_space<hbm>>) target(%dma_start3A_237 : memref<1x128xf32, #tpu.memory_space<hbm>>) target_semaphore(%arg16 : memref<!tpu.dma_semaphore, #tpu.memory_space<semaphore_mem>>)
            } else {
            }
            %slice3A_211 = vector.extract_strided_slice %convert_element_type3A_113 {offsets = [13], sizes = [1], strides = [1]} : vector<16xi32> to vector<1xi32>
            %squeeze3A_212 = vector.extract %slice3A_211[0] : i32 from vector<1xi32>
            %gt3A_213 = arith.constant 0 : i32
            %gt3A_214 = arith.cmpi sgt, %squeeze3A_212, %gt3A_213 : i32
            %convert_element_type3A_215 = arith.extui %gt3A_214 : i1 to i32
            %cond3A_216 = arith.constant 0 : i32
            %cond3A_217 = arith.cmpi ne, %convert_element_type3A_215, %cond3A_216 : i32
            scf.if %cond3A_217 {
              %slice3A_232 = vector.extract_strided_slice %gather3A {offsets = [13], sizes = [1], strides = [1]} : vector<16xi32> to vector<1xi32>
              %squeeze3A_233 = vector.extract %slice3A_232[0] : i32 from vector<1xi32>
              %slice3A_234 = vector.extract_strided_slice %add3A_111 {offsets = [13], sizes = [1], strides = [1]} : vector<16xi32> to vector<1xi32>
              %squeeze3A_235 = vector.extract %slice3A_234[0] : i32 from vector<1xi32>
              %dma_start3A_236 = arith.constant 0 : i32
              %dma_start3A_237 = tpu.memref_slice %arg4[%squeeze3A_235, %dma_start3A_236] : memref<51200x128xf32, #tpu.memory_space<hbm>> -> memref<1x128xf32, #tpu.memory_space<hbm>>
              %dma_start3A_238 = arith.constant 0 : i32
              %dma_start3A_239 = tpu.memref_slice %arg4[%squeeze3A_233, %dma_start3A_238] : memref<51200x128xf32, #tpu.memory_space<hbm>> -> memref<1x128xf32, #tpu.memory_space<hbm>>
              tpu.enqueue_dma source(%dma_start3A_239 : memref<1x128xf32, #tpu.memory_space<hbm>>) target(%dma_start3A_237 : memref<1x128xf32, #tpu.memory_space<hbm>>) target_semaphore(%arg16 : memref<!tpu.dma_semaphore, #tpu.memory_space<semaphore_mem>>)
            } else {
            }
            %slice3A_218 = vector.extract_strided_slice %convert_element_type3A_113 {offsets = [14], sizes = [1], strides = [1]} : vector<16xi32> to vector<1xi32>
            %squeeze3A_219 = vector.extract %slice3A_218[0] : i32 from vector<1xi32>
            %gt3A_220 = arith.constant 0 : i32
            %gt3A_221 = arith.cmpi sgt, %squeeze3A_219, %gt3A_220 : i32
            %convert_element_type3A_222 = arith.extui %gt3A_221 : i1 to i32
            %cond3A_223 = arith.constant 0 : i32
            %cond3A_224 = arith.cmpi ne, %convert_element_type3A_222, %cond3A_223 : i32
            scf.if %cond3A_224 {
              %slice3A_232 = vector.extract_strided_slice %gather3A {offsets = [14], sizes = [1], strides = [1]} : vector<16xi32> to vector<1xi32>
              %squeeze3A_233 = vector.extract %slice3A_232[0] : i32 from vector<1xi32>
              %slice3A_234 = vector.extract_strided_slice %add3A_111 {offsets = [14], sizes = [1], strides = [1]} : vector<16xi32> to vector<1xi32>
              %squeeze3A_235 = vector.extract %slice3A_234[0] : i32 from vector<1xi32>
              %dma_start3A_236 = arith.constant 0 : i32
              %dma_start3A_237 = tpu.memref_slice %arg4[%squeeze3A_235, %dma_start3A_236] : memref<51200x128xf32, #tpu.memory_space<hbm>> -> memref<1x128xf32, #tpu.memory_space<hbm>>
              %dma_start3A_238 = arith.constant 0 : i32
              %dma_start3A_239 = tpu.memref_slice %arg4[%squeeze3A_233, %dma_start3A_238] : memref<51200x128xf32, #tpu.memory_space<hbm>> -> memref<1x128xf32, #tpu.memory_space<hbm>>
              tpu.enqueue_dma source(%dma_start3A_239 : memref<1x128xf32, #tpu.memory_space<hbm>>) target(%dma_start3A_237 : memref<1x128xf32, #tpu.memory_space<hbm>>) target_semaphore(%arg16 : memref<!tpu.dma_semaphore, #tpu.memory_space<semaphore_mem>>)
            } else {
            }
            %slice3A_225 = vector.extract_strided_slice %convert_element_type3A_113 {offsets = [15], sizes = [1], strides = [1]} : vector<16xi32> to vector<1xi32>
            %squeeze3A_226 = vector.extract %slice3A_225[0] : i32 from vector<1xi32>
            %gt3A_227 = arith.constant 0 : i32
            %gt3A_228 = arith.cmpi sgt, %squeeze3A_226, %gt3A_227 : i32
            %convert_element_type3A_229 = arith.extui %gt3A_228 : i1 to i32
            %cond3A_230 = arith.constant 0 : i32
            %cond3A_231 = arith.cmpi ne, %convert_element_type3A_229, %cond3A_230 : i32
            scf.if %cond3A_231 {
              %slice3A_232 = vector.extract_strided_slice %gather3A {offsets = [15], sizes = [1], strides = [1]} : vector<16xi32> to vector<1xi32>
              %squeeze3A_233 = vector.extract %slice3A_232[0] : i32 from vector<1xi32>
              %slice3A_234 = vector.extract_strided_slice %add3A_111 {offsets = [15], sizes = [1], strides = [1]} : vector<16xi32> to vector<1xi32>
              %squeeze3A_235 = vector.extract %slice3A_234[0] : i32 from vector<1xi32>
              %dma_start3A_236 = arith.constant 0 : i32
              %dma_start3A_237 = tpu.memref_slice %arg4[%squeeze3A_235, %dma_start3A_236] : memref<51200x128xf32, #tpu.memory_space<hbm>> -> memref<1x128xf32, #tpu.memory_space<hbm>>
              %dma_start3A_238 = arith.constant 0 : i32
              %dma_start3A_239 = tpu.memref_slice %arg4[%squeeze3A_233, %dma_start3A_238] : memref<51200x128xf32, #tpu.memory_space<hbm>> -> memref<1x128xf32, #tpu.memory_space<hbm>>
              tpu.enqueue_dma source(%dma_start3A_239 : memref<1x128xf32, #tpu.memory_space<hbm>>) target(%dma_start3A_237 : memref<1x128xf32, #tpu.memory_space<hbm>>) target_semaphore(%arg16 : memref<!tpu.dma_semaphore, #tpu.memory_space<semaphore_mem>>)
            } else {
            }
          } else {
          }
          %add3A_119 = arith.addi %scan3A_95, %squeeze3A : i32
          scf.yield %add3A_119 : i32
        }
        %scan3A_93 = arith.constant 128 : i32
        scf.yield %scan3A_92 : i32
      } else {
        scf.yield %scan3A_58 : i32
      }
      %mul3A_68 = arith.constant 2 : i32
      %mul3A_69 = arith.muli %scan3A_57, %mul3A_68 : i32
      %add3A_70 = arith.constant 1 : i32
      %add3A_71 = arith.addi %mul3A_69, %add3A_70 : i32
      %lt3A_72 = arith.constant 25 : i32
      %lt3A_73 = arith.cmpi slt, %add3A_71, %lt3A_72 : i32
      %convert_element_type3A_74 = arith.extui %lt3A_73 : i1 to i32
      %cond3A_75 = arith.constant 0 : i32
      %cond3A_76 = arith.cmpi ne, %convert_element_type3A_74, %cond3A_75 : i32
      %cond3A_77 = scf.if %cond3A_76 -> (i32) {
        %dma_wait3A = arith.constant 0 : i32
        %dma_wait3A_78 = tpu.memref_slice %arg3[%dma_wait3A] : memref<51200xi32, #tpu.memory_space<hbm>> -> memref<2048xi32, #tpu.memory_space<hbm>>
        %dma_wait3A_79 = arith.constant 0 : i32
        %dma_wait3A_80 = tpu.memref_slice %arg3[%dma_wait3A_79] : memref<51200xi32, #tpu.memory_space<hbm>> -> memref<2048xi32, #tpu.memory_space<hbm>>
        tpu.wait_dma2 semaphore(%arg17 : memref<!tpu.dma_semaphore, #tpu.memory_space<semaphore_mem>>) src(%dma_wait3A_80 : memref<2048xi32, #tpu.memory_space<hbm>>) dst(%arg7 : memref<2048xi32, #tpu.memory_space<vmem>>)
        %add3A_81 = arith.constant 1 : i32
        %add3A_82 = arith.addi %add3A_71, %add3A_81 : i32
        %lt3A_83 = arith.constant 25 : i32
        %lt3A_84 = arith.cmpi slt, %add3A_82, %lt3A_83 : i32
        %convert_element_type3A_85 = arith.extui %lt3A_84 : i1 to i32
        %cond3A_86 = arith.constant 0 : i32
        %cond3A_87 = arith.cmpi ne, %convert_element_type3A_85, %cond3A_86 : i32
        scf.if %cond3A_87 {
          %add3A_94 = arith.constant 1 : i32
          %add3A_95 = arith.addi %add3A_71, %add3A_94 : i32
          %mul3A_96 = arith.constant 2048 : i32
          %mul3A_97 = arith.muli %add3A_95, %mul3A_96 : i32
          %dma_start3A_98 = tpu.memref_slice %arg3[%mul3A_97] : memref<51200xi32, #tpu.memory_space<hbm>> -> memref<2048xi32, #tpu.memory_space<hbm>>
          %dma_start3A_99 = tpu.memref_slice %arg3[%mul3A_97] : memref<51200xi32, #tpu.memory_space<hbm>> -> memref<2048xi32, #tpu.memory_space<hbm>>
          tpu.enqueue_dma source(%dma_start3A_99 : memref<2048xi32, #tpu.memory_space<hbm>>) target(%arg6 : memref<2048xi32, #tpu.memory_space<vmem>>) target_semaphore(%arg17 : memref<!tpu.dma_semaphore, #tpu.memory_space<semaphore_mem>>)
        } else {
        }
        %scan3A_88 = arith.constant 0 : i32
        %scan3A_89 = arith.constant 128 : i32
        %scan3A_90 = arith.addi %scan3A_88, %scan3A_89 : i32
        %scan3A_91 = arith.constant 1 : i32
        %scan3A_92 = scf.for %scan3A_94 = %scan3A_88 to %scan3A_90 step %scan3A_91 iter_args(%scan3A_95 = %cond3A_67) -> (i32)  : i32 {
          %mul3A_96 = arith.constant 16 : i32
          %mul3A_97 = arith.muli %scan3A_94, %mul3A_96 : i32
          %get3A = arith.index_cast %mul3A_97 : i32 to index
          %get3A_98 = tpu.vector_load %arg7[%get3A] {strides = array<i32>} : memref<2048xi32, #tpu.memory_space<vmem>>, vector<16xi32>,
          %ge3A = vector.broadcast %mul3A_2 : i32 to vector<16xi32>
          %ge3A_99 = arith.cmpi sge, %get3A_98, %ge3A : vector<16xi32>
          %lt3A_100 = vector.broadcast %add3A_4 : i32 to vector<16xi32>
          %lt3A_101 = arith.cmpi slt, %get3A_98, %lt3A_100 : vector<16xi32>
          %and3A = arith.andi %ge3A_99, %lt3A_101 : vector<16xi1>
          %sub3A_102 = vector.broadcast %mul3A_2 : i32 to vector<16xi32>
          %sub3A_103 = arith.subi %get3A_98, %sub3A_102 : vector<16xi32>
          %jit3A = arith.constant 0 : i32
          %broadcast_in_dim3A_104 = vector.broadcast %jit3A : i32 to vector<16xi32>
          %select_n3A = arith.select %and3A, %sub3A_103, %broadcast_in_dim3A_104 : vector<16xi1>, vector<16xi32>
          %gather3A = tpu.vector_load_idx %arg5[%select_n3A] masked %and3A : memref<31488xi32, #tpu.memory_space<vmem>>[vector<16xi32>], vector<16xi32>, vector<16xi1>
          %mul3A_105 = arith.constant 2048 : i32
          %mul3A_106 = arith.muli %add3A_71, %mul3A_105 : i32
          %mul3A_107 = arith.constant 16 : i32
          %mul3A_108 = arith.muli %scan3A_94, %mul3A_107 : i32
          %add3A_109 = arith.addi %mul3A_106, %mul3A_108 : i32
          %add3A_110 = vector.broadcast %add3A_109 : i32 to vector<16xi32>
          %add3A_111 = arith.addi %add3A_110, %iota3A : vector<16xi32>
          %ne3A = arith.cmpi ne, %gather3A, %add3A_111 : vector<16xi32>
          %and3A_112 = arith.andi %and3A, %ne3A : vector<16xi1>
          %all_reduce_population_count3A = tpu.all_reduce %and3A_112 {dim = 0 : i64, kind = #tpu.reduction_kind<sum>} : vector<16xi1> -> vector<16xi32>
          %slice3A = vector.extract_strided_slice %all_reduce_population_count3A {offsets = [0], sizes = [1], strides = [1]} : vector<16xi32> to vector<1xi32>
          %squeeze3A = vector.extract %slice3A[0] : i32 from vector<1xi32>
          %convert_element_type3A_113 = arith.extui %and3A_112 : vector<16xi1> to vector<16xi32>
          %gt3A_114 = arith.constant 0 : i32
          %gt3A_115 = arith.cmpi sgt, %squeeze3A, %gt3A_114 : i32
          %convert_element_type3A_116 = arith.extui %gt3A_115 : i1 to i32
          %cond3A_117 = arith.constant 0 : i32
          %cond3A_118 = arith.cmpi ne, %convert_element_type3A_116, %cond3A_117 : i32
          scf.if %cond3A_118 {
            %slice3A_120 = vector.extract_strided_slice %convert_element_type3A_113 {offsets = [0], sizes = [1], strides = [1]} : vector<16xi32> to vector<1xi32>
            %squeeze3A_121 = vector.extract %slice3A_120[0] : i32 from vector<1xi32>
            %gt3A_122 = arith.constant 0 : i32
            %gt3A_123 = arith.cmpi sgt, %squeeze3A_121, %gt3A_122 : i32
            %convert_element_type3A_124 = arith.extui %gt3A_123 : i1 to i32
            %cond3A_125 = arith.constant 0 : i32
            %cond3A_126 = arith.cmpi ne, %convert_element_type3A_124, %cond3A_125 : i32
            scf.if %cond3A_126 {
              %slice3A_232 = vector.extract_strided_slice %gather3A {offsets = [0], sizes = [1], strides = [1]} : vector<16xi32> to vector<1xi32>
              %squeeze3A_233 = vector.extract %slice3A_232[0] : i32 from vector<1xi32>
              %slice3A_234 = vector.extract_strided_slice %add3A_111 {offsets = [0], sizes = [1], strides = [1]} : vector<16xi32> to vector<1xi32>
              %squeeze3A_235 = vector.extract %slice3A_234[0] : i32 from vector<1xi32>
              %dma_start3A_236 = arith.constant 0 : i32
              %dma_start3A_237 = tpu.memref_slice %arg4[%squeeze3A_235, %dma_start3A_236] : memref<51200x128xf32, #tpu.memory_space<hbm>> -> memref<1x128xf32, #tpu.memory_space<hbm>>
              %dma_start3A_238 = arith.constant 0 : i32
              %dma_start3A_239 = tpu.memref_slice %arg4[%squeeze3A_233, %dma_start3A_238] : memref<51200x128xf32, #tpu.memory_space<hbm>> -> memref<1x128xf32, #tpu.memory_space<hbm>>
              tpu.enqueue_dma source(%dma_start3A_239 : memref<1x128xf32, #tpu.memory_space<hbm>>) target(%dma_start3A_237 : memref<1x128xf32, #tpu.memory_space<hbm>>) target_semaphore(%arg16 : memref<!tpu.dma_semaphore, #tpu.memory_space<semaphore_mem>>)
            } else {
            }
            %slice3A_127 = vector.extract_strided_slice %convert_element_type3A_113 {offsets = [1], sizes = [1], strides = [1]} : vector<16xi32> to vector<1xi32>
            %squeeze3A_128 = vector.extract %slice3A_127[0] : i32 from vector<1xi32>
            %gt3A_129 = arith.constant 0 : i32
            %gt3A_130 = arith.cmpi sgt, %squeeze3A_128, %gt3A_129 : i32
            %convert_element_type3A_131 = arith.extui %gt3A_130 : i1 to i32
            %cond3A_132 = arith.constant 0 : i32
            %cond3A_133 = arith.cmpi ne, %convert_element_type3A_131, %cond3A_132 : i32
            scf.if %cond3A_133 {
              %slice3A_232 = vector.extract_strided_slice %gather3A {offsets = [1], sizes = [1], strides = [1]} : vector<16xi32> to vector<1xi32>
              %squeeze3A_233 = vector.extract %slice3A_232[0] : i32 from vector<1xi32>
              %slice3A_234 = vector.extract_strided_slice %add3A_111 {offsets = [1], sizes = [1], strides = [1]} : vector<16xi32> to vector<1xi32>
              %squeeze3A_235 = vector.extract %slice3A_234[0] : i32 from vector<1xi32>
              %dma_start3A_236 = arith.constant 0 : i32
              %dma_start3A_237 = tpu.memref_slice %arg4[%squeeze3A_235, %dma_start3A_236] : memref<51200x128xf32, #tpu.memory_space<hbm>> -> memref<1x128xf32, #tpu.memory_space<hbm>>
              %dma_start3A_238 = arith.constant 0 : i32
              %dma_start3A_239 = tpu.memref_slice %arg4[%squeeze3A_233, %dma_start3A_238] : memref<51200x128xf32, #tpu.memory_space<hbm>> -> memref<1x128xf32, #tpu.memory_space<hbm>>
              tpu.enqueue_dma source(%dma_start3A_239 : memref<1x128xf32, #tpu.memory_space<hbm>>) target(%dma_start3A_237 : memref<1x128xf32, #tpu.memory_space<hbm>>) target_semaphore(%arg16 : memref<!tpu.dma_semaphore, #tpu.memory_space<semaphore_mem>>)
            } else {
            }
            %slice3A_134 = vector.extract_strided_slice %convert_element_type3A_113 {offsets = [2], sizes = [1], strides = [1]} : vector<16xi32> to vector<1xi32>
            %squeeze3A_135 = vector.extract %slice3A_134[0] : i32 from vector<1xi32>
            %gt3A_136 = arith.constant 0 : i32
            %gt3A_137 = arith.cmpi sgt, %squeeze3A_135, %gt3A_136 : i32
            %convert_element_type3A_138 = arith.extui %gt3A_137 : i1 to i32
            %cond3A_139 = arith.constant 0 : i32
            %cond3A_140 = arith.cmpi ne, %convert_element_type3A_138, %cond3A_139 : i32
            scf.if %cond3A_140 {
              %slice3A_232 = vector.extract_strided_slice %gather3A {offsets = [2], sizes = [1], strides = [1]} : vector<16xi32> to vector<1xi32>
              %squeeze3A_233 = vector.extract %slice3A_232[0] : i32 from vector<1xi32>
              %slice3A_234 = vector.extract_strided_slice %add3A_111 {offsets = [2], sizes = [1], strides = [1]} : vector<16xi32> to vector<1xi32>
              %squeeze3A_235 = vector.extract %slice3A_234[0] : i32 from vector<1xi32>
              %dma_start3A_236 = arith.constant 0 : i32
              %dma_start3A_237 = tpu.memref_slice %arg4[%squeeze3A_235, %dma_start3A_236] : memref<51200x128xf32, #tpu.memory_space<hbm>> -> memref<1x128xf32, #tpu.memory_space<hbm>>
              %dma_start3A_238 = arith.constant 0 : i32
              %dma_start3A_239 = tpu.memref_slice %arg4[%squeeze3A_233, %dma_start3A_238] : memref<51200x128xf32, #tpu.memory_space<hbm>> -> memref<1x128xf32, #tpu.memory_space<hbm>>
              tpu.enqueue_dma source(%dma_start3A_239 : memref<1x128xf32, #tpu.memory_space<hbm>>) target(%dma_start3A_237 : memref<1x128xf32, #tpu.memory_space<hbm>>) target_semaphore(%arg16 : memref<!tpu.dma_semaphore, #tpu.memory_space<semaphore_mem>>)
            } else {
            }
            %slice3A_141 = vector.extract_strided_slice %convert_element_type3A_113 {offsets = [3], sizes = [1], strides = [1]} : vector<16xi32> to vector<1xi32>
            %squeeze3A_142 = vector.extract %slice3A_141[0] : i32 from vector<1xi32>
            %gt3A_143 = arith.constant 0 : i32
            %gt3A_144 = arith.cmpi sgt, %squeeze3A_142, %gt3A_143 : i32
            %convert_element_type3A_145 = arith.extui %gt3A_144 : i1 to i32
            %cond3A_146 = arith.constant 0 : i32
            %cond3A_147 = arith.cmpi ne, %convert_element_type3A_145, %cond3A_146 : i32
            scf.if %cond3A_147 {
              %slice3A_232 = vector.extract_strided_slice %gather3A {offsets = [3], sizes = [1], strides = [1]} : vector<16xi32> to vector<1xi32>
              %squeeze3A_233 = vector.extract %slice3A_232[0] : i32 from vector<1xi32>
              %slice3A_234 = vector.extract_strided_slice %add3A_111 {offsets = [3], sizes = [1], strides = [1]} : vector<16xi32> to vector<1xi32>
              %squeeze3A_235 = vector.extract %slice3A_234[0] : i32 from vector<1xi32>
              %dma_start3A_236 = arith.constant 0 : i32
              %dma_start3A_237 = tpu.memref_slice %arg4[%squeeze3A_235, %dma_start3A_236] : memref<51200x128xf32, #tpu.memory_space<hbm>> -> memref<1x128xf32, #tpu.memory_space<hbm>>
              %dma_start3A_238 = arith.constant 0 : i32
              %dma_start3A_239 = tpu.memref_slice %arg4[%squeeze3A_233, %dma_start3A_238] : memref<51200x128xf32, #tpu.memory_space<hbm>> -> memref<1x128xf32, #tpu.memory_space<hbm>>
              tpu.enqueue_dma source(%dma_start3A_239 : memref<1x128xf32, #tpu.memory_space<hbm>>) target(%dma_start3A_237 : memref<1x128xf32, #tpu.memory_space<hbm>>) target_semaphore(%arg16 : memref<!tpu.dma_semaphore, #tpu.memory_space<semaphore_mem>>)
            } else {
            }
            %slice3A_148 = vector.extract_strided_slice %convert_element_type3A_113 {offsets = [4], sizes = [1], strides = [1]} : vector<16xi32> to vector<1xi32>
            %squeeze3A_149 = vector.extract %slice3A_148[0] : i32 from vector<1xi32>
            %gt3A_150 = arith.constant 0 : i32
            %gt3A_151 = arith.cmpi sgt, %squeeze3A_149, %gt3A_150 : i32
            %convert_element_type3A_152 = arith.extui %gt3A_151 : i1 to i32
            %cond3A_153 = arith.constant 0 : i32
            %cond3A_154 = arith.cmpi ne, %convert_element_type3A_152, %cond3A_153 : i32
            scf.if %cond3A_154 {
              %slice3A_232 = vector.extract_strided_slice %gather3A {offsets = [4], sizes = [1], strides = [1]} : vector<16xi32> to vector<1xi32>
              %squeeze3A_233 = vector.extract %slice3A_232[0] : i32 from vector<1xi32>
              %slice3A_234 = vector.extract_strided_slice %add3A_111 {offsets = [4], sizes = [1], strides = [1]} : vector<16xi32> to vector<1xi32>
              %squeeze3A_235 = vector.extract %slice3A_234[0] : i32 from vector<1xi32>
              %dma_start3A_236 = arith.constant 0 : i32
              %dma_start3A_237 = tpu.memref_slice %arg4[%squeeze3A_235, %dma_start3A_236] : memref<51200x128xf32, #tpu.memory_space<hbm>> -> memref<1x128xf32, #tpu.memory_space<hbm>>
              %dma_start3A_238 = arith.constant 0 : i32
              %dma_start3A_239 = tpu.memref_slice %arg4[%squeeze3A_233, %dma_start3A_238] : memref<51200x128xf32, #tpu.memory_space<hbm>> -> memref<1x128xf32, #tpu.memory_space<hbm>>
              tpu.enqueue_dma source(%dma_start3A_239 : memref<1x128xf32, #tpu.memory_space<hbm>>) target(%dma_start3A_237 : memref<1x128xf32, #tpu.memory_space<hbm>>) target_semaphore(%arg16 : memref<!tpu.dma_semaphore, #tpu.memory_space<semaphore_mem>>)
            } else {
            }
            %slice3A_155 = vector.extract_strided_slice %convert_element_type3A_113 {offsets = [5], sizes = [1], strides = [1]} : vector<16xi32> to vector<1xi32>
            %squeeze3A_156 = vector.extract %slice3A_155[0] : i32 from vector<1xi32>
            %gt3A_157 = arith.constant 0 : i32
            %gt3A_158 = arith.cmpi sgt, %squeeze3A_156, %gt3A_157 : i32
            %convert_element_type3A_159 = arith.extui %gt3A_158 : i1 to i32
            %cond3A_160 = arith.constant 0 : i32
            %cond3A_161 = arith.cmpi ne, %convert_element_type3A_159, %cond3A_160 : i32
            scf.if %cond3A_161 {
              %slice3A_232 = vector.extract_strided_slice %gather3A {offsets = [5], sizes = [1], strides = [1]} : vector<16xi32> to vector<1xi32>
              %squeeze3A_233 = vector.extract %slice3A_232[0] : i32 from vector<1xi32>
              %slice3A_234 = vector.extract_strided_slice %add3A_111 {offsets = [5], sizes = [1], strides = [1]} : vector<16xi32> to vector<1xi32>
              %squeeze3A_235 = vector.extract %slice3A_234[0] : i32 from vector<1xi32>
              %dma_start3A_236 = arith.constant 0 : i32
              %dma_start3A_237 = tpu.memref_slice %arg4[%squeeze3A_235, %dma_start3A_236] : memref<51200x128xf32, #tpu.memory_space<hbm>> -> memref<1x128xf32, #tpu.memory_space<hbm>>
              %dma_start3A_238 = arith.constant 0 : i32
              %dma_start3A_239 = tpu.memref_slice %arg4[%squeeze3A_233, %dma_start3A_238] : memref<51200x128xf32, #tpu.memory_space<hbm>> -> memref<1x128xf32, #tpu.memory_space<hbm>>
              tpu.enqueue_dma source(%dma_start3A_239 : memref<1x128xf32, #tpu.memory_space<hbm>>) target(%dma_start3A_237 : memref<1x128xf32, #tpu.memory_space<hbm>>) target_semaphore(%arg16 : memref<!tpu.dma_semaphore, #tpu.memory_space<semaphore_mem>>)
            } else {
            }
            %slice3A_162 = vector.extract_strided_slice %convert_element_type3A_113 {offsets = [6], sizes = [1], strides = [1]} : vector<16xi32> to vector<1xi32>
            %squeeze3A_163 = vector.extract %slice3A_162[0] : i32 from vector<1xi32>
            %gt3A_164 = arith.constant 0 : i32
            %gt3A_165 = arith.cmpi sgt, %squeeze3A_163, %gt3A_164 : i32
            %convert_element_type3A_166 = arith.extui %gt3A_165 : i1 to i32
            %cond3A_167 = arith.constant 0 : i32
            %cond3A_168 = arith.cmpi ne, %convert_element_type3A_166, %cond3A_167 : i32
            scf.if %cond3A_168 {
              %slice3A_232 = vector.extract_strided_slice %gather3A {offsets = [6], sizes = [1], strides = [1]} : vector<16xi32> to vector<1xi32>
              %squeeze3A_233 = vector.extract %slice3A_232[0] : i32 from vector<1xi32>
              %slice3A_234 = vector.extract_strided_slice %add3A_111 {offsets = [6], sizes = [1], strides = [1]} : vector<16xi32> to vector<1xi32>
              %squeeze3A_235 = vector.extract %slice3A_234[0] : i32 from vector<1xi32>
              %dma_start3A_236 = arith.constant 0 : i32
              %dma_start3A_237 = tpu.memref_slice %arg4[%squeeze3A_235, %dma_start3A_236] : memref<51200x128xf32, #tpu.memory_space<hbm>> -> memref<1x128xf32, #tpu.memory_space<hbm>>
              %dma_start3A_238 = arith.constant 0 : i32
              %dma_start3A_239 = tpu.memref_slice %arg4[%squeeze3A_233, %dma_start3A_238] : memref<51200x128xf32, #tpu.memory_space<hbm>> -> memref<1x128xf32, #tpu.memory_space<hbm>>
              tpu.enqueue_dma source(%dma_start3A_239 : memref<1x128xf32, #tpu.memory_space<hbm>>) target(%dma_start3A_237 : memref<1x128xf32, #tpu.memory_space<hbm>>) target_semaphore(%arg16 : memref<!tpu.dma_semaphore, #tpu.memory_space<semaphore_mem>>)
            } else {
            }
            %slice3A_169 = vector.extract_strided_slice %convert_element_type3A_113 {offsets = [7], sizes = [1], strides = [1]} : vector<16xi32> to vector<1xi32>
            %squeeze3A_170 = vector.extract %slice3A_169[0] : i32 from vector<1xi32>
            %gt3A_171 = arith.constant 0 : i32
            %gt3A_172 = arith.cmpi sgt, %squeeze3A_170, %gt3A_171 : i32
            %convert_element_type3A_173 = arith.extui %gt3A_172 : i1 to i32
            %cond3A_174 = arith.constant 0 : i32
            %cond3A_175 = arith.cmpi ne, %convert_element_type3A_173, %cond3A_174 : i32
            scf.if %cond3A_175 {
              %slice3A_232 = vector.extract_strided_slice %gather3A {offsets = [7], sizes = [1], strides = [1]} : vector<16xi32> to vector<1xi32>
              %squeeze3A_233 = vector.extract %slice3A_232[0] : i32 from vector<1xi32>
              %slice3A_234 = vector.extract_strided_slice %add3A_111 {offsets = [7], sizes = [1], strides = [1]} : vector<16xi32> to vector<1xi32>
              %squeeze3A_235 = vector.extract %slice3A_234[0] : i32 from vector<1xi32>
              %dma_start3A_236 = arith.constant 0 : i32
              %dma_start3A_237 = tpu.memref_slice %arg4[%squeeze3A_235, %dma_start3A_236] : memref<51200x128xf32, #tpu.memory_space<hbm>> -> memref<1x128xf32, #tpu.memory_space<hbm>>
              %dma_start3A_238 = arith.constant 0 : i32
              %dma_start3A_239 = tpu.memref_slice %arg4[%squeeze3A_233, %dma_start3A_238] : memref<51200x128xf32, #tpu.memory_space<hbm>> -> memref<1x128xf32, #tpu.memory_space<hbm>>
              tpu.enqueue_dma source(%dma_start3A_239 : memref<1x128xf32, #tpu.memory_space<hbm>>) target(%dma_start3A_237 : memref<1x128xf32, #tpu.memory_space<hbm>>) target_semaphore(%arg16 : memref<!tpu.dma_semaphore, #tpu.memory_space<semaphore_mem>>)
            } else {
            }
            %slice3A_176 = vector.extract_strided_slice %convert_element_type3A_113 {offsets = [8], sizes = [1], strides = [1]} : vector<16xi32> to vector<1xi32>
            %squeeze3A_177 = vector.extract %slice3A_176[0] : i32 from vector<1xi32>
            %gt3A_178 = arith.constant 0 : i32
            %gt3A_179 = arith.cmpi sgt, %squeeze3A_177, %gt3A_178 : i32
            %convert_element_type3A_180 = arith.extui %gt3A_179 : i1 to i32
            %cond3A_181 = arith.constant 0 : i32
            %cond3A_182 = arith.cmpi ne, %convert_element_type3A_180, %cond3A_181 : i32
            scf.if %cond3A_182 {
              %slice3A_232 = vector.extract_strided_slice %gather3A {offsets = [8], sizes = [1], strides = [1]} : vector<16xi32> to vector<1xi32>
              %squeeze3A_233 = vector.extract %slice3A_232[0] : i32 from vector<1xi32>
              %slice3A_234 = vector.extract_strided_slice %add3A_111 {offsets = [8], sizes = [1], strides = [1]} : vector<16xi32> to vector<1xi32>
              %squeeze3A_235 = vector.extract %slice3A_234[0] : i32 from vector<1xi32>
              %dma_start3A_236 = arith.constant 0 : i32
              %dma_start3A_237 = tpu.memref_slice %arg4[%squeeze3A_235, %dma_start3A_236] : memref<51200x128xf32, #tpu.memory_space<hbm>> -> memref<1x128xf32, #tpu.memory_space<hbm>>
              %dma_start3A_238 = arith.constant 0 : i32
              %dma_start3A_239 = tpu.memref_slice %arg4[%squeeze3A_233, %dma_start3A_238] : memref<51200x128xf32, #tpu.memory_space<hbm>> -> memref<1x128xf32, #tpu.memory_space<hbm>>
              tpu.enqueue_dma source(%dma_start3A_239 : memref<1x128xf32, #tpu.memory_space<hbm>>) target(%dma_start3A_237 : memref<1x128xf32, #tpu.memory_space<hbm>>) target_semaphore(%arg16 : memref<!tpu.dma_semaphore, #tpu.memory_space<semaphore_mem>>)
            } else {
            }
            %slice3A_183 = vector.extract_strided_slice %convert_element_type3A_113 {offsets = [9], sizes = [1], strides = [1]} : vector<16xi32> to vector<1xi32>
            %squeeze3A_184 = vector.extract %slice3A_183[0] : i32 from vector<1xi32>
            %gt3A_185 = arith.constant 0 : i32
            %gt3A_186 = arith.cmpi sgt, %squeeze3A_184, %gt3A_185 : i32
            %convert_element_type3A_187 = arith.extui %gt3A_186 : i1 to i32
            %cond3A_188 = arith.constant 0 : i32
            %cond3A_189 = arith.cmpi ne, %convert_element_type3A_187, %cond3A_188 : i32
            scf.if %cond3A_189 {
              %slice3A_232 = vector.extract_strided_slice %gather3A {offsets = [9], sizes = [1], strides = [1]} : vector<16xi32> to vector<1xi32>
              %squeeze3A_233 = vector.extract %slice3A_232[0] : i32 from vector<1xi32>
              %slice3A_234 = vector.extract_strided_slice %add3A_111 {offsets = [9], sizes = [1], strides = [1]} : vector<16xi32> to vector<1xi32>
              %squeeze3A_235 = vector.extract %slice3A_234[0] : i32 from vector<1xi32>
              %dma_start3A_236 = arith.constant 0 : i32
              %dma_start3A_237 = tpu.memref_slice %arg4[%squeeze3A_235, %dma_start3A_236] : memref<51200x128xf32, #tpu.memory_space<hbm>> -> memref<1x128xf32, #tpu.memory_space<hbm>>
              %dma_start3A_238 = arith.constant 0 : i32
              %dma_start3A_239 = tpu.memref_slice %arg4[%squeeze3A_233, %dma_start3A_238] : memref<51200x128xf32, #tpu.memory_space<hbm>> -> memref<1x128xf32, #tpu.memory_space<hbm>>
              tpu.enqueue_dma source(%dma_start3A_239 : memref<1x128xf32, #tpu.memory_space<hbm>>) target(%dma_start3A_237 : memref<1x128xf32, #tpu.memory_space<hbm>>) target_semaphore(%arg16 : memref<!tpu.dma_semaphore, #tpu.memory_space<semaphore_mem>>)
            } else {
            }
            %slice3A_190 = vector.extract_strided_slice %convert_element_type3A_113 {offsets = [10], sizes = [1], strides = [1]} : vector<16xi32> to vector<1xi32>
            %squeeze3A_191 = vector.extract %slice3A_190[0] : i32 from vector<1xi32>
            %gt3A_192 = arith.constant 0 : i32
            %gt3A_193 = arith.cmpi sgt, %squeeze3A_191, %gt3A_192 : i32
            %convert_element_type3A_194 = arith.extui %gt3A_193 : i1 to i32
            %cond3A_195 = arith.constant 0 : i32
            %cond3A_196 = arith.cmpi ne, %convert_element_type3A_194, %cond3A_195 : i32
            scf.if %cond3A_196 {
              %slice3A_232 = vector.extract_strided_slice %gather3A {offsets = [10], sizes = [1], strides = [1]} : vector<16xi32> to vector<1xi32>
              %squeeze3A_233 = vector.extract %slice3A_232[0] : i32 from vector<1xi32>
              %slice3A_234 = vector.extract_strided_slice %add3A_111 {offsets = [10], sizes = [1], strides = [1]} : vector<16xi32> to vector<1xi32>
              %squeeze3A_235 = vector.extract %slice3A_234[0] : i32 from vector<1xi32>
              %dma_start3A_236 = arith.constant 0 : i32
              %dma_start3A_237 = tpu.memref_slice %arg4[%squeeze3A_235, %dma_start3A_236] : memref<51200x128xf32, #tpu.memory_space<hbm>> -> memref<1x128xf32, #tpu.memory_space<hbm>>
              %dma_start3A_238 = arith.constant 0 : i32
              %dma_start3A_239 = tpu.memref_slice %arg4[%squeeze3A_233, %dma_start3A_238] : memref<51200x128xf32, #tpu.memory_space<hbm>> -> memref<1x128xf32, #tpu.memory_space<hbm>>
              tpu.enqueue_dma source(%dma_start3A_239 : memref<1x128xf32, #tpu.memory_space<hbm>>) target(%dma_start3A_237 : memref<1x128xf32, #tpu.memory_space<hbm>>) target_semaphore(%arg16 : memref<!tpu.dma_semaphore, #tpu.memory_space<semaphore_mem>>)
            } else {
            }
            %slice3A_197 = vector.extract_strided_slice %convert_element_type3A_113 {offsets = [11], sizes = [1], strides = [1]} : vector<16xi32> to vector<1xi32>
            %squeeze3A_198 = vector.extract %slice3A_197[0] : i32 from vector<1xi32>
            %gt3A_199 = arith.constant 0 : i32
            %gt3A_200 = arith.cmpi sgt, %squeeze3A_198, %gt3A_199 : i32
            %convert_element_type3A_201 = arith.extui %gt3A_200 : i1 to i32
            %cond3A_202 = arith.constant 0 : i32
            %cond3A_203 = arith.cmpi ne, %convert_element_type3A_201, %cond3A_202 : i32
            scf.if %cond3A_203 {
              %slice3A_232 = vector.extract_strided_slice %gather3A {offsets = [11], sizes = [1], strides = [1]} : vector<16xi32> to vector<1xi32>
              %squeeze3A_233 = vector.extract %slice3A_232[0] : i32 from vector<1xi32>
              %slice3A_234 = vector.extract_strided_slice %add3A_111 {offsets = [11], sizes = [1], strides = [1]} : vector<16xi32> to vector<1xi32>
              %squeeze3A_235 = vector.extract %slice3A_234[0] : i32 from vector<1xi32>
              %dma_start3A_236 = arith.constant 0 : i32
              %dma_start3A_237 = tpu.memref_slice %arg4[%squeeze3A_235, %dma_start3A_236] : memref<51200x128xf32, #tpu.memory_space<hbm>> -> memref<1x128xf32, #tpu.memory_space<hbm>>
              %dma_start3A_238 = arith.constant 0 : i32
              %dma_start3A_239 = tpu.memref_slice %arg4[%squeeze3A_233, %dma_start3A_238] : memref<51200x128xf32, #tpu.memory_space<hbm>> -> memref<1x128xf32, #tpu.memory_space<hbm>>
              tpu.enqueue_dma source(%dma_start3A_239 : memref<1x128xf32, #tpu.memory_space<hbm>>) target(%dma_start3A_237 : memref<1x128xf32, #tpu.memory_space<hbm>>) target_semaphore(%arg16 : memref<!tpu.dma_semaphore, #tpu.memory_space<semaphore_mem>>)
            } else {
            }
            %slice3A_204 = vector.extract_strided_slice %convert_element_type3A_113 {offsets = [12], sizes = [1], strides = [1]} : vector<16xi32> to vector<1xi32>
            %squeeze3A_205 = vector.extract %slice3A_204[0] : i32 from vector<1xi32>
            %gt3A_206 = arith.constant 0 : i32
            %gt3A_207 = arith.cmpi sgt, %squeeze3A_205, %gt3A_206 : i32
            %convert_element_type3A_208 = arith.extui %gt3A_207 : i1 to i32
            %cond3A_209 = arith.constant 0 : i32
            %cond3A_210 = arith.cmpi ne, %convert_element_type3A_208, %cond3A_209 : i32
            scf.if %cond3A_210 {
              %slice3A_232 = vector.extract_strided_slice %gather3A {offsets = [12], sizes = [1], strides = [1]} : vector<16xi32> to vector<1xi32>
              %squeeze3A_233 = vector.extract %slice3A_232[0] : i32 from vector<1xi32>
              %slice3A_234 = vector.extract_strided_slice %add3A_111 {offsets = [12], sizes = [1], strides = [1]} : vector<16xi32> to vector<1xi32>
              %squeeze3A_235 = vector.extract %slice3A_234[0] : i32 from vector<1xi32>
              %dma_start3A_236 = arith.constant 0 : i32
              %dma_start3A_237 = tpu.memref_slice %arg4[%squeeze3A_235, %dma_start3A_236] : memref<51200x128xf32, #tpu.memory_space<hbm>> -> memref<1x128xf32, #tpu.memory_space<hbm>>
              %dma_start3A_238 = arith.constant 0 : i32
              %dma_start3A_239 = tpu.memref_slice %arg4[%squeeze3A_233, %dma_start3A_238] : memref<51200x128xf32, #tpu.memory_space<hbm>> -> memref<1x128xf32, #tpu.memory_space<hbm>>
              tpu.enqueue_dma source(%dma_start3A_239 : memref<1x128xf32, #tpu.memory_space<hbm>>) target(%dma_start3A_237 : memref<1x128xf32, #tpu.memory_space<hbm>>) target_semaphore(%arg16 : memref<!tpu.dma_semaphore, #tpu.memory_space<semaphore_mem>>)
            } else {
            }
            %slice3A_211 = vector.extract_strided_slice %convert_element_type3A_113 {offsets = [13], sizes = [1], strides = [1]} : vector<16xi32> to vector<1xi32>
            %squeeze3A_212 = vector.extract %slice3A_211[0] : i32 from vector<1xi32>
            %gt3A_213 = arith.constant 0 : i32
            %gt3A_214 = arith.cmpi sgt, %squeeze3A_212, %gt3A_213 : i32
            %convert_element_type3A_215 = arith.extui %gt3A_214 : i1 to i32
            %cond3A_216 = arith.constant 0 : i32
            %cond3A_217 = arith.cmpi ne, %convert_element_type3A_215, %cond3A_216 : i32
            scf.if %cond3A_217 {
              %slice3A_232 = vector.extract_strided_slice %gather3A {offsets = [13], sizes = [1], strides = [1]} : vector<16xi32> to vector<1xi32>
              %squeeze3A_233 = vector.extract %slice3A_232[0] : i32 from vector<1xi32>
              %slice3A_234 = vector.extract_strided_slice %add3A_111 {offsets = [13], sizes = [1], strides = [1]} : vector<16xi32> to vector<1xi32>
              %squeeze3A_235 = vector.extract %slice3A_234[0] : i32 from vector<1xi32>
              %dma_start3A_236 = arith.constant 0 : i32
              %dma_start3A_237 = tpu.memref_slice %arg4[%squeeze3A_235, %dma_start3A_236] : memref<51200x128xf32, #tpu.memory_space<hbm>> -> memref<1x128xf32, #tpu.memory_space<hbm>>
              %dma_start3A_238 = arith.constant 0 : i32
              %dma_start3A_239 = tpu.memref_slice %arg4[%squeeze3A_233, %dma_start3A_238] : memref<51200x128xf32, #tpu.memory_space<hbm>> -> memref<1x128xf32, #tpu.memory_space<hbm>>
              tpu.enqueue_dma source(%dma_start3A_239 : memref<1x128xf32, #tpu.memory_space<hbm>>) target(%dma_start3A_237 : memref<1x128xf32, #tpu.memory_space<hbm>>) target_semaphore(%arg16 : memref<!tpu.dma_semaphore, #tpu.memory_space<semaphore_mem>>)
            } else {
            }
            %slice3A_218 = vector.extract_strided_slice %convert_element_type3A_113 {offsets = [14], sizes = [1], strides = [1]} : vector<16xi32> to vector<1xi32>
            %squeeze3A_219 = vector.extract %slice3A_218[0] : i32 from vector<1xi32>
            %gt3A_220 = arith.constant 0 : i32
            %gt3A_221 = arith.cmpi sgt, %squeeze3A_219, %gt3A_220 : i32
            %convert_element_type3A_222 = arith.extui %gt3A_221 : i1 to i32
            %cond3A_223 = arith.constant 0 : i32
            %cond3A_224 = arith.cmpi ne, %convert_element_type3A_222, %cond3A_223 : i32
            scf.if %cond3A_224 {
              %slice3A_232 = vector.extract_strided_slice %gather3A {offsets = [14], sizes = [1], strides = [1]} : vector<16xi32> to vector<1xi32>
              %squeeze3A_233 = vector.extract %slice3A_232[0] : i32 from vector<1xi32>
              %slice3A_234 = vector.extract_strided_slice %add3A_111 {offsets = [14], sizes = [1], strides = [1]} : vector<16xi32> to vector<1xi32>
              %squeeze3A_235 = vector.extract %slice3A_234[0] : i32 from vector<1xi32>
              %dma_start3A_236 = arith.constant 0 : i32
              %dma_start3A_237 = tpu.memref_slice %arg4[%squeeze3A_235, %dma_start3A_236] : memref<51200x128xf32, #tpu.memory_space<hbm>> -> memref<1x128xf32, #tpu.memory_space<hbm>>
              %dma_start3A_238 = arith.constant 0 : i32
              %dma_start3A_239 = tpu.memref_slice %arg4[%squeeze3A_233, %dma_start3A_238] : memref<51200x128xf32, #tpu.memory_space<hbm>> -> memref<1x128xf32, #tpu.memory_space<hbm>>
              tpu.enqueue_dma source(%dma_start3A_239 : memref<1x128xf32, #tpu.memory_space<hbm>>) target(%dma_start3A_237 : memref<1x128xf32, #tpu.memory_space<hbm>>) target_semaphore(%arg16 : memref<!tpu.dma_semaphore, #tpu.memory_space<semaphore_mem>>)
            } else {
            }
            %slice3A_225 = vector.extract_strided_slice %convert_element_type3A_113 {offsets = [15], sizes = [1], strides = [1]} : vector<16xi32> to vector<1xi32>
            %squeeze3A_226 = vector.extract %slice3A_225[0] : i32 from vector<1xi32>
            %gt3A_227 = arith.constant 0 : i32
            %gt3A_228 = arith.cmpi sgt, %squeeze3A_226, %gt3A_227 : i32
            %convert_element_type3A_229 = arith.extui %gt3A_228 : i1 to i32
            %cond3A_230 = arith.constant 0 : i32
            %cond3A_231 = arith.cmpi ne, %convert_element_type3A_229, %cond3A_230 : i32
            scf.if %cond3A_231 {
              %slice3A_232 = vector.extract_strided_slice %gather3A {offsets = [15], sizes = [1], strides = [1]} : vector<16xi32> to vector<1xi32>
              %squeeze3A_233 = vector.extract %slice3A_232[0] : i32 from vector<1xi32>
              %slice3A_234 = vector.extract_strided_slice %add3A_111 {offsets = [15], sizes = [1], strides = [1]} : vector<16xi32> to vector<1xi32>
              %squeeze3A_235 = vector.extract %slice3A_234[0] : i32 from vector<1xi32>
              %dma_start3A_236 = arith.constant 0 : i32
              %dma_start3A_237 = tpu.memref_slice %arg4[%squeeze3A_235, %dma_start3A_236] : memref<51200x128xf32, #tpu.memory_space<hbm>> -> memref<1x128xf32, #tpu.memory_space<hbm>>
              %dma_start3A_238 = arith.constant 0 : i32
              %dma_start3A_239 = tpu.memref_slice %arg4[%squeeze3A_233, %dma_start3A_238] : memref<51200x128xf32, #tpu.memory_space<hbm>> -> memref<1x128xf32, #tpu.memory_space<hbm>>
              tpu.enqueue_dma source(%dma_start3A_239 : memref<1x128xf32, #tpu.memory_space<hbm>>) target(%dma_start3A_237 : memref<1x128xf32, #tpu.memory_space<hbm>>) target_semaphore(%arg16 : memref<!tpu.dma_semaphore, #tpu.memory_space<semaphore_mem>>)
            } else {
            }
          } else {
          }
          %add3A_119 = arith.addi %scan3A_95, %squeeze3A : i32
          scf.yield %add3A_119 : i32
        }
        %scan3A_93 = arith.constant 128 : i32
        scf.yield %scan3A_92 : i32
      } else {
        scf.yield %cond3A_67 : i32
      }
      scf.yield %cond3A_77 : i32
    }
    %scan3A_47 = arith.constant 13 : i32
    %while3A = arith.constant 0 : i32
    %while3A_48 = arith.constant 0 : i32
    %while3A_49 = arith.subi %scan3A_46, %while3A_48 : i32
    %while3A_50 = arith.addi %while3A_48, %while3A_49 : i32
    %while3A_51 = arith.constant 1 : i32
    %while3A_52 = arith.divsi %while3A_49, %while3A_51 : i32
    %while3A_53 = arith.muli %while3A_52, %while3A_51 : i32
    %while3A_54 = arith.addi %while3A_48, %while3A_53 : i32
    %while3A_55 = arith.constant 1 : i32
    scf.for %while3A_57 = %while3A_48 to %while3A_54 step %while3A_55  : i32 {
      %dma_wait3A = arith.constant 0 : i32
      %dma_wait3A_58 = arith.constant 0 : i32
      %dma_wait3A_59 = tpu.memref_slice %arg4[%dma_wait3A, %dma_wait3A_58] : memref<51200x128xf32, #tpu.memory_space<hbm>> -> memref<1x128xf32, #tpu.memory_space<hbm>>
      %dma_wait3A_60 = arith.constant 0 : i32
      %dma_wait3A_61 = arith.constant 0 : i32
      %dma_wait3A_62 = tpu.memref_slice %arg4[%dma_wait3A_60, %dma_wait3A_61] : memref<51200x128xf32, #tpu.memory_space<hbm>> -> memref<1x128xf32, #tpu.memory_space<hbm>>
      tpu.wait_dma2 semaphore(%arg16 : memref<!tpu.dma_semaphore, #tpu.memory_space<semaphore_mem>>) src(%dma_wait3A_62 : memref<1x128xf32, #tpu.memory_space<hbm>>) dst(%dma_wait3A_59 : memref<1x128xf32, #tpu.memory_space<hbm>>)
    }
    %while3A_56 = arith.constant 1 : i32
    scf.for %while3A_57 = %while3A_54 to %while3A_50 step %while3A_56  : i32 {
      %dma_wait3A = arith.constant 0 : i32
      %dma_wait3A_58 = arith.constant 0 : i32
      %dma_wait3A_59 = tpu.memref_slice %arg4[%dma_wait3A, %dma_wait3A_58] : memref<51200x128xf32, #tpu.memory_space<hbm>> -> memref<1x128xf32, #tpu.memory_space<hbm>>
      %dma_wait3A_60 = arith.constant 0 : i32
      %dma_wait3A_61 = arith.constant 0 : i32
      %dma_wait3A_62 = tpu.memref_slice %arg4[%dma_wait3A_60, %dma_wait3A_61] : memref<51200x128xf32, #tpu.memory_space<hbm>> -> memref<1x128xf32, #tpu.memory_space<hbm>>
      tpu.wait_dma2 semaphore(%arg16 : memref<!tpu.dma_semaphore, #tpu.memory_space<semaphore_mem>>) src(%dma_wait3A_62 : memref<1x128xf32, #tpu.memory_space<hbm>>) dst(%dma_wait3A_59 : memref<1x128xf32, #tpu.memory_space<hbm>>)
    }
    return
  }
}

module attributes {stable_mosaic.version = 14 : i64} {
  func.func @_tc_body(%arg0: i32, %arg1: memref<400x128xf32, #tpu.memory_space<vmem>>, %arg2: memref<400x100xf32, #tpu.memory_space<vmem>>, %arg3: memref<4x100x25xf32, #tpu.memory_space<vmem>>, %arg4: memref<4x100x25xf32, #tpu.memory_space<vmem>>, %arg5: memref<4x100x25xf32, #tpu.memory_space<vmem>>, %arg6: memref<4x100x25xf32, #tpu.memory_space<vmem>>, %arg7: memref<4x25xf32, #tpu.memory_space<vmem>>, %arg8: memref<4x25xf32, #tpu.memory_space<vmem>>, %arg9: memref<4x25xf32, #tpu.memory_space<vmem>>, %arg10: memref<1x100xf32, #tpu.memory_space<vmem>>, %arg11: memref<2x100xf32, #tpu.memory_space<vmem>>, %arg12: memref<400x100xf32, #tpu.memory_space<vmem>>) attributes {dimension_semantics = [#tpu.dimension_semantics<arbitrary>], iteration_bounds = array<i64: 128>, scalar_prefetch = 0 : i64, scratch_operands = 0 : i64, tpu.core_type = #tpu.core_type<tc>, window_params = [{transform_indices = @transform_0, window_bounds = array<i64: 400, 128>}, {pipeline_mode = #tpu.pipeline_mode<synchronous>, transform_indices = @transform_1, window_bounds = array<i64: 400, 100>}, {pipeline_mode = #tpu.pipeline_mode<synchronous>, transform_indices = @transform_2, window_bounds = array<i64: 4, 100, 25>}, {pipeline_mode = #tpu.pipeline_mode<synchronous>, transform_indices = @transform_3, window_bounds = array<i64: 4, 100, 25>}, {pipeline_mode = #tpu.pipeline_mode<synchronous>, transform_indices = @transform_4, window_bounds = array<i64: 4, 100, 25>}, {pipeline_mode = #tpu.pipeline_mode<synchronous>, transform_indices = @transform_5, window_bounds = array<i64: 4, 100, 25>}, {pipeline_mode = #tpu.pipeline_mode<synchronous>, transform_indices = @transform_6, window_bounds = array<i64: 4, 25>}, {pipeline_mode = #tpu.pipeline_mode<synchronous>, transform_indices = @transform_7, window_bounds = array<i64: 4, 25>}, {pipeline_mode = #tpu.pipeline_mode<synchronous>, transform_indices = @transform_8, window_bounds = array<i64: 4, 25>}, {pipeline_mode = #tpu.pipeline_mode<synchronous>, transform_indices = @transform_9, window_bounds = array<i64: 1, 100>}, {pipeline_mode = #tpu.pipeline_mode<synchronous>, transform_indices = @transform_10, window_bounds = array<i64: 2, 100>}, {transform_indices = @transform_11, window_bounds = array<i64: 400, 100>}]} {
    %get3A = arith.constant 0 : index
    %get3A_0 = arith.constant 0 : index
    %get3A_1 = vector.load %arg1[%get3A, %get3A_0] : memref<400x128xf32, #tpu.memory_space<vmem>>, vector<400x100xf32>
    %get3A_2 = arith.constant 0 : index
    %get3A_3 = arith.constant 0 : index
    %get3A_4 = vector.load %arg2[%get3A_2, %get3A_3] : memref<400x100xf32, #tpu.memory_space<vmem>>, vector<400x100xf32>
    %add3A = arith.addf %get3A_1, %get3A_4 : vector<400x100xf32>
    %iota3A = tpu.iota {dimensions = array<i32: 0>} : vector<400x400xi32>
    %jit3A = arith.constant 50 : i32
    %div3A = vector.broadcast %jit3A : i32 to vector<400x400xi32>
    %div3A_5 = arith.divsi %iota3A, %div3A : vector<400x400xi32>
    %sign3A = arith.constant 0 : i32
    %sign3A_6 = vector.broadcast %sign3A : i32 to vector<400x400xi32>
    %sign3A_7 = arith.cmpi sgt, %iota3A, %sign3A_6 : vector<400x400xi32>
    %sign3A_8 = arith.extui %sign3A_7 : vector<400x400xi1> to vector<400x400xi32>
    %sign3A_9 = arith.constant 0 : i32
    %sign3A_10 = vector.broadcast %sign3A_9 : i32 to vector<400x400xi32>
    %sign3A_11 = arith.cmpi slt, %iota3A, %sign3A_10 : vector<400x400xi32>
    %sign3A_12 = arith.extui %sign3A_11 : vector<400x400xi1> to vector<400x400xi32>
    %sign3A_13 = arith.subi %sign3A_8, %sign3A_12 : vector<400x400xi32>
    %sign3A_14 = arith.constant 0 : i32
    %sign3A_15 = arith.cmpi sgt, %jit3A, %sign3A_14 : i32
    %sign3A_16 = arith.extui %sign3A_15 : i1 to i32
    %sign3A_17 = arith.constant 0 : i32
    %sign3A_18 = arith.cmpi slt, %jit3A, %sign3A_17 : i32
    %sign3A_19 = arith.extui %sign3A_18 : i1 to i32
    %sign3A_20 = arith.subi %sign3A_16, %sign3A_19 : i32
    %ne3A = vector.broadcast %sign3A_20 : i32 to vector<400x400xi32>
    %ne3A_21 = arith.cmpi ne, %sign3A_13, %ne3A : vector<400x400xi32>
    %rem3A = vector.broadcast %jit3A : i32 to vector<400x400xi32>
    %rem3A_22 = arith.remsi %iota3A, %rem3A : vector<400x400xi32>
    %ne3A_23 = arith.constant 0 : i32
    %ne3A_24 = vector.broadcast %ne3A_23 : i32 to vector<400x400xi32>
    %ne3A_25 = arith.cmpi ne, %rem3A_22, %ne3A_24 : vector<400x400xi32>
    %and3A = arith.andi %ne3A_21, %ne3A_25 : vector<400x400xi1>
    %sub3A = arith.constant 1 : i32
    %sub3A_26 = vector.broadcast %sub3A : i32 to vector<400x400xi32>
    %sub3A_27 = arith.subi %div3A_5, %sub3A_26 : vector<400x400xi32>
    %select_n3A = arith.select %and3A, %sub3A_27, %div3A_5 : vector<400x400xi1>, vector<400x400xi32>
    %iota3A_28 = tpu.iota {dimensions = array<i32: 1>} : vector<400x400xi32>
    %jit3A_29 = arith.constant 50 : i32
    %div3A_30 = vector.broadcast %jit3A_29 : i32 to vector<400x400xi32>
    %div3A_31 = arith.divsi %iota3A_28, %div3A_30 : vector<400x400xi32>
    %sign3A_32 = arith.constant 0 : i32
    %sign3A_33 = vector.broadcast %sign3A_32 : i32 to vector<400x400xi32>
    %sign3A_34 = arith.cmpi sgt, %iota3A_28, %sign3A_33 : vector<400x400xi32>
    %sign3A_35 = arith.extui %sign3A_34 : vector<400x400xi1> to vector<400x400xi32>
    %sign3A_36 = arith.constant 0 : i32
    %sign3A_37 = vector.broadcast %sign3A_36 : i32 to vector<400x400xi32>
    %sign3A_38 = arith.cmpi slt, %iota3A_28, %sign3A_37 : vector<400x400xi32>
    %sign3A_39 = arith.extui %sign3A_38 : vector<400x400xi1> to vector<400x400xi32>
    %sign3A_40 = arith.subi %sign3A_35, %sign3A_39 : vector<400x400xi32>
    %sign3A_41 = arith.constant 0 : i32
    %sign3A_42 = arith.cmpi sgt, %jit3A_29, %sign3A_41 : i32
    %sign3A_43 = arith.extui %sign3A_42 : i1 to i32
    %sign3A_44 = arith.constant 0 : i32
    %sign3A_45 = arith.cmpi slt, %jit3A_29, %sign3A_44 : i32
    %sign3A_46 = arith.extui %sign3A_45 : i1 to i32
    %sign3A_47 = arith.subi %sign3A_43, %sign3A_46 : i32
    %ne3A_48 = vector.broadcast %sign3A_47 : i32 to vector<400x400xi32>
    %ne3A_49 = arith.cmpi ne, %sign3A_40, %ne3A_48 : vector<400x400xi32>
    %rem3A_50 = vector.broadcast %jit3A_29 : i32 to vector<400x400xi32>
    %rem3A_51 = arith.remsi %iota3A_28, %rem3A_50 : vector<400x400xi32>
    %ne3A_52 = arith.constant 0 : i32
    %ne3A_53 = vector.broadcast %ne3A_52 : i32 to vector<400x400xi32>
    %ne3A_54 = arith.cmpi ne, %rem3A_51, %ne3A_53 : vector<400x400xi32>
    %and3A_55 = arith.andi %ne3A_49, %ne3A_54 : vector<400x400xi1>
    %sub3A_56 = arith.constant 1 : i32
    %sub3A_57 = vector.broadcast %sub3A_56 : i32 to vector<400x400xi32>
    %sub3A_58 = arith.subi %div3A_31, %sub3A_57 : vector<400x400xi32>
    %select_n3A_59 = arith.select %and3A_55, %sub3A_58, %div3A_31 : vector<400x400xi1>, vector<400x400xi32>
    %eq3A = arith.cmpi eq, %select_n3A, %select_n3A_59 : vector<400x400xi32>
    %jit3A_60 = arith.constant 0.000000e+00 : f32
    %jit3A_61 = arith.constant -1.000000e+30 : f32
    %broadcast_in_dim3A = vector.broadcast %jit3A_60 : f32 to vector<400x400xf32>
    %broadcast_in_dim3A_62 = vector.broadcast %jit3A_61 : f32 to vector<400x400xf32>
    %select_n3A_63 = arith.select %eq3A, %broadcast_in_dim3A, %broadcast_in_dim3A_62 : vector<400x400xi1>, vector<400x400xf32>
    %broadcast_in_dim3A_64 = arith.constant 0.000000e+00 : f32
    %broadcast_in_dim3A_65 = vector.broadcast %broadcast_in_dim3A_64 : f32 to vector<400x100xf32>
    %get3A_66 = arith.constant 0 : index
    %get3A_67 = arith.constant 0 : index
    %get3A_68 = arith.constant 0 : index
    %get3A_69 = vector.load %arg3[%get3A_66, %get3A_67, %get3A_68] : memref<4x100x25xf32, #tpu.memory_space<vmem>>, vector<1x100x25xf32>
    %get3A_70 = vector.shape_cast %get3A_69 : vector<1x100x25xf32> to vector<100x25xf32>
    %dot_general3A = arith.constant dense<0.000000e+00> : vector<400x25xf32>
    %dot_general3A_71 = tpu.matmul %add3A, %get3A_70, %dot_general3A {dimension_numbers = #tpu.dot_dimension_numbers<[1], [0], [0], [1], [0, 0, 1, 1], [], []>, transpose_lhs_hint = false} : vector<400x100xf32>, vector<100x25xf32>, vector<400x25xf32> -> vector<400x25xf32>
    %get3A_72 = arith.constant 0 : index
    %get3A_73 = arith.constant 0 : index
    %get3A_74 = vector.load %arg7[%get3A_72, %get3A_73] : memref<4x25xf32, #tpu.memory_space<vmem>>, vector<1x25xf32>
    %add3A_75 = vector.broadcast %get3A_74 : vector<1x25xf32> to vector<400x25xf32>
    %add3A_76 = arith.addf %dot_general3A_71, %add3A_75 : vector<400x25xf32>
    %get3A_77 = arith.constant 0 : index
    %get3A_78 = arith.constant 0 : index
    %get3A_79 = arith.constant 0 : index
    %get3A_80 = vector.load %arg4[%get3A_77, %get3A_78, %get3A_79] : memref<4x100x25xf32, #tpu.memory_space<vmem>>, vector<1x100x25xf32>
    %get3A_81 = vector.shape_cast %get3A_80 : vector<1x100x25xf32> to vector<100x25xf32>
    %dot_general3A_82 = arith.constant dense<0.000000e+00> : vector<400x25xf32>
    %dot_general3A_83 = tpu.matmul %add3A, %get3A_81, %dot_general3A_82 {dimension_numbers = #tpu.dot_dimension_numbers<[1], [0], [0], [1], [0, 0, 1, 1], [], []>, transpose_lhs_hint = false} : vector<400x100xf32>, vector<100x25xf32>, vector<400x25xf32> -> vector<400x25xf32>
    %get3A_84 = arith.constant 0 : index
    %get3A_85 = arith.constant 0 : index
    %get3A_86 = vector.load %arg8[%get3A_84, %get3A_85] : memref<4x25xf32, #tpu.memory_space<vmem>>, vector<1x25xf32>
    %add3A_87 = vector.broadcast %get3A_86 : vector<1x25xf32> to vector<400x25xf32>
    %add3A_88 = arith.addf %dot_general3A_83, %add3A_87 : vector<400x25xf32>
    %get3A_89 = arith.constant 0 : index
    %get3A_90 = arith.constant 0 : index
    %get3A_91 = arith.constant 0 : index
    %get3A_92 = vector.load %arg5[%get3A_89, %get3A_90, %get3A_91] : memref<4x100x25xf32, #tpu.memory_space<vmem>>, vector<1x100x25xf32>
    %get3A_93 = vector.shape_cast %get3A_92 : vector<1x100x25xf32> to vector<100x25xf32>
    %dot_general3A_94 = arith.constant dense<0.000000e+00> : vector<400x25xf32>
    %dot_general3A_95 = tpu.matmul %add3A, %get3A_93, %dot_general3A_94 {dimension_numbers = #tpu.dot_dimension_numbers<[1], [0], [0], [1], [0, 0, 1, 1], [], []>, transpose_lhs_hint = false} : vector<400x100xf32>, vector<100x25xf32>, vector<400x25xf32> -> vector<400x25xf32>
    %get3A_96 = arith.constant 0 : index
    %get3A_97 = arith.constant 0 : index
    %get3A_98 = vector.load %arg9[%get3A_96, %get3A_97] : memref<4x25xf32, #tpu.memory_space<vmem>>, vector<1x25xf32>
    %add3A_99 = vector.broadcast %get3A_98 : vector<1x25xf32> to vector<400x25xf32>
    %add3A_100 = arith.addf %dot_general3A_95, %add3A_99 : vector<400x25xf32>
    %dot_general3A_101 = arith.constant dense<0.000000e+00> : vector<400x400xf32>
    %dot_general3A_102 = tpu.matmul %add3A_76, %add3A_88, %dot_general3A_101 {dimension_numbers = #tpu.dot_dimension_numbers<[1], [1], [0], [0], [0, 0, 1, 0], [], []>, transpose_lhs_hint = false} : vector<400x25xf32>, vector<400x25xf32>, vector<400x400xf32> -> vector<400x400xf32>
    %add3A_103 = arith.addf %dot_general3A_102, %select_n3A_63 : vector<400x400xf32>
    %exp3A = math.exp %add3A_103 : vector<400x400xf32>
    %dot_general3A_104 = arith.constant dense<0.000000e+00> : vector<400x25xf32>
    %dot_general3A_105 = tpu.matmul %exp3A, %add3A_100, %dot_general3A_104 {dimension_numbers = #tpu.dot_dimension_numbers<[1], [0], [0], [1], [0, 0, 1, 1], [], []>, transpose_lhs_hint = false} : vector<400x400xf32>, vector<400x25xf32>, vector<400x25xf32> -> vector<400x25xf32>
    %reduce_sum3A = arith.constant dense<0.000000e+00> : vector<400xf32>
    %reduce_sum3A_106 = vector.multi_reduction <add>, %exp3A, %reduce_sum3A [1] : vector<400x400xf32> to vector<400xf32>
    %broadcast_in_dim3A_107 = vector.shape_cast %reduce_sum3A_106 : vector<400xf32> to vector<400x1xf32>
    %div3A_108 = arith.constant 1.000000e+00 : f32
    %div3A_109 = vector.broadcast %div3A_108 : f32 to vector<400x1xf32>
    %div3A_110 = arith.divf %div3A_109, %broadcast_in_dim3A_107 : vector<400x1xf32>
    %mul3A = vector.broadcast %div3A_110 : vector<400x1xf32> to vector<400x25xf32>
    %mul3A_111 = arith.mulf %dot_general3A_105, %mul3A : vector<400x25xf32>
    %get3A_112 = arith.constant 0 : index
    %get3A_113 = arith.constant 0 : index
    %get3A_114 = arith.constant 0 : index
    %get3A_115 = vector.load %arg6[%get3A_112, %get3A_113, %get3A_114] : memref<4x100x25xf32, #tpu.memory_space<vmem>>, vector<1x100x25xf32>
    %get3A_116 = vector.shape_cast %get3A_115 : vector<1x100x25xf32> to vector<100x25xf32>
    %dot_general3A_117 = arith.constant dense<0.000000e+00> : vector<400x100xf32>
    %dot_general3A_118 = tpu.matmul %mul3A_111, %get3A_116, %dot_general3A_117 {dimension_numbers = #tpu.dot_dimension_numbers<[1], [1], [0], [0], [0, 0, 1, 0], [], []>, transpose_lhs_hint = false} : vector<400x25xf32>, vector<100x25xf32>, vector<400x100xf32> -> vector<400x100xf32>
    %add3A_119 = arith.addf %broadcast_in_dim3A_65, %dot_general3A_118 : vector<400x100xf32>
    %get3A_120 = arith.constant 1 : index
    %get3A_121 = arith.constant 0 : index
    %get3A_122 = arith.constant 0 : index
    %get3A_123 = vector.load %arg3[%get3A_120, %get3A_121, %get3A_122] : memref<4x100x25xf32, #tpu.memory_space<vmem>>, vector<1x100x25xf32>
    %get3A_124 = vector.shape_cast %get3A_123 : vector<1x100x25xf32> to vector<100x25xf32>
    %dot_general3A_125 = arith.constant dense<0.000000e+00> : vector<400x25xf32>
    %dot_general3A_126 = tpu.matmul %add3A, %get3A_124, %dot_general3A_125 {dimension_numbers = #tpu.dot_dimension_numbers<[1], [0], [0], [1], [0, 0, 1, 1], [], []>, transpose_lhs_hint = false} : vector<400x100xf32>, vector<100x25xf32>, vector<400x25xf32> -> vector<400x25xf32>
    %get3A_127 = arith.constant 1 : index
    %get3A_128 = arith.constant 0 : index
    %get3A_129 = vector.load %arg7[%get3A_127, %get3A_128] : memref<4x25xf32, #tpu.memory_space<vmem>>, vector<1x25xf32>
    %add3A_130 = vector.broadcast %get3A_129 : vector<1x25xf32> to vector<400x25xf32>
    %add3A_131 = arith.addf %dot_general3A_126, %add3A_130 : vector<400x25xf32>
    %get3A_132 = arith.constant 1 : index
    %get3A_133 = arith.constant 0 : index
    %get3A_134 = arith.constant 0 : index
    %get3A_135 = vector.load %arg4[%get3A_132, %get3A_133, %get3A_134] : memref<4x100x25xf32, #tpu.memory_space<vmem>>, vector<1x100x25xf32>
    %get3A_136 = vector.shape_cast %get3A_135 : vector<1x100x25xf32> to vector<100x25xf32>
    %dot_general3A_137 = arith.constant dense<0.000000e+00> : vector<400x25xf32>
    %dot_general3A_138 = tpu.matmul %add3A, %get3A_136, %dot_general3A_137 {dimension_numbers = #tpu.dot_dimension_numbers<[1], [0], [0], [1], [0, 0, 1, 1], [], []>, transpose_lhs_hint = false} : vector<400x100xf32>, vector<100x25xf32>, vector<400x25xf32> -> vector<400x25xf32>
    %get3A_139 = arith.constant 1 : index
    %get3A_140 = arith.constant 0 : index
    %get3A_141 = vector.load %arg8[%get3A_139, %get3A_140] : memref<4x25xf32, #tpu.memory_space<vmem>>, vector<1x25xf32>
    %add3A_142 = vector.broadcast %get3A_141 : vector<1x25xf32> to vector<400x25xf32>
    %add3A_143 = arith.addf %dot_general3A_138, %add3A_142 : vector<400x25xf32>
    %get3A_144 = arith.constant 1 : index
    %get3A_145 = arith.constant 0 : index
    %get3A_146 = arith.constant 0 : index
    %get3A_147 = vector.load %arg5[%get3A_144, %get3A_145, %get3A_146] : memref<4x100x25xf32, #tpu.memory_space<vmem>>, vector<1x100x25xf32>
    %get3A_148 = vector.shape_cast %get3A_147 : vector<1x100x25xf32> to vector<100x25xf32>
    %dot_general3A_149 = arith.constant dense<0.000000e+00> : vector<400x25xf32>
    %dot_general3A_150 = tpu.matmul %add3A, %get3A_148, %dot_general3A_149 {dimension_numbers = #tpu.dot_dimension_numbers<[1], [0], [0], [1], [0, 0, 1, 1], [], []>, transpose_lhs_hint = false} : vector<400x100xf32>, vector<100x25xf32>, vector<400x25xf32> -> vector<400x25xf32>
    %get3A_151 = arith.constant 1 : index
    %get3A_152 = arith.constant 0 : index
    %get3A_153 = vector.load %arg9[%get3A_151, %get3A_152] : memref<4x25xf32, #tpu.memory_space<vmem>>, vector<1x25xf32>
    %add3A_154 = vector.broadcast %get3A_153 : vector<1x25xf32> to vector<400x25xf32>
    %add3A_155 = arith.addf %dot_general3A_150, %add3A_154 : vector<400x25xf32>
    %dot_general3A_156 = arith.constant dense<0.000000e+00> : vector<400x400xf32>
    %dot_general3A_157 = tpu.matmul %add3A_131, %add3A_143, %dot_general3A_156 {dimension_numbers = #tpu.dot_dimension_numbers<[1], [1], [0], [0], [0, 0, 1, 0], [], []>, transpose_lhs_hint = false} : vector<400x25xf32>, vector<400x25xf32>, vector<400x400xf32> -> vector<400x400xf32>
    %add3A_158 = arith.addf %dot_general3A_157, %select_n3A_63 : vector<400x400xf32>
    %exp3A_159 = math.exp %add3A_158 : vector<400x400xf32>
    %dot_general3A_160 = arith.constant dense<0.000000e+00> : vector<400x25xf32>
    %dot_general3A_161 = tpu.matmul %exp3A_159, %add3A_155, %dot_general3A_160 {dimension_numbers = #tpu.dot_dimension_numbers<[1], [0], [0], [1], [0, 0, 1, 1], [], []>, transpose_lhs_hint = false} : vector<400x400xf32>, vector<400x25xf32>, vector<400x25xf32> -> vector<400x25xf32>
    %reduce_sum3A_162 = arith.constant dense<0.000000e+00> : vector<400xf32>
    %reduce_sum3A_163 = vector.multi_reduction <add>, %exp3A_159, %reduce_sum3A_162 [1] : vector<400x400xf32> to vector<400xf32>
    %broadcast_in_dim3A_164 = vector.shape_cast %reduce_sum3A_163 : vector<400xf32> to vector<400x1xf32>
    %div3A_165 = arith.constant 1.000000e+00 : f32
    %div3A_166 = vector.broadcast %div3A_165 : f32 to vector<400x1xf32>
    %div3A_167 = arith.divf %div3A_166, %broadcast_in_dim3A_164 : vector<400x1xf32>
    %mul3A_168 = vector.broadcast %div3A_167 : vector<400x1xf32> to vector<400x25xf32>
    %mul3A_169 = arith.mulf %dot_general3A_161, %mul3A_168 : vector<400x25xf32>
    %get3A_170 = arith.constant 1 : index
    %get3A_171 = arith.constant 0 : index
    %get3A_172 = arith.constant 0 : index
    %get3A_173 = vector.load %arg6[%get3A_170, %get3A_171, %get3A_172] : memref<4x100x25xf32, #tpu.memory_space<vmem>>, vector<1x100x25xf32>
    %get3A_174 = vector.shape_cast %get3A_173 : vector<1x100x25xf32> to vector<100x25xf32>
    %dot_general3A_175 = arith.constant dense<0.000000e+00> : vector<400x100xf32>
    %dot_general3A_176 = tpu.matmul %mul3A_169, %get3A_174, %dot_general3A_175 {dimension_numbers = #tpu.dot_dimension_numbers<[1], [1], [0], [0], [0, 0, 1, 0], [], []>, transpose_lhs_hint = false} : vector<400x25xf32>, vector<100x25xf32>, vector<400x100xf32> -> vector<400x100xf32>
    %add3A_177 = arith.addf %add3A_119, %dot_general3A_176 : vector<400x100xf32>
    %get3A_178 = arith.constant 2 : index
    %get3A_179 = arith.constant 0 : index
    %get3A_180 = arith.constant 0 : index
    %get3A_181 = vector.load %arg3[%get3A_178, %get3A_179, %get3A_180] : memref<4x100x25xf32, #tpu.memory_space<vmem>>, vector<1x100x25xf32>
    %get3A_182 = vector.shape_cast %get3A_181 : vector<1x100x25xf32> to vector<100x25xf32>
    %dot_general3A_183 = arith.constant dense<0.000000e+00> : vector<400x25xf32>
    %dot_general3A_184 = tpu.matmul %add3A, %get3A_182, %dot_general3A_183 {dimension_numbers = #tpu.dot_dimension_numbers<[1], [0], [0], [1], [0, 0, 1, 1], [], []>, transpose_lhs_hint = false} : vector<400x100xf32>, vector<100x25xf32>, vector<400x25xf32> -> vector<400x25xf32>
    %get3A_185 = arith.constant 2 : index
    %get3A_186 = arith.constant 0 : index
    %get3A_187 = vector.load %arg7[%get3A_185, %get3A_186] : memref<4x25xf32, #tpu.memory_space<vmem>>, vector<1x25xf32>
    %add3A_188 = vector.broadcast %get3A_187 : vector<1x25xf32> to vector<400x25xf32>
    %add3A_189 = arith.addf %dot_general3A_184, %add3A_188 : vector<400x25xf32>
    %get3A_190 = arith.constant 2 : index
    %get3A_191 = arith.constant 0 : index
    %get3A_192 = arith.constant 0 : index
    %get3A_193 = vector.load %arg4[%get3A_190, %get3A_191, %get3A_192] : memref<4x100x25xf32, #tpu.memory_space<vmem>>, vector<1x100x25xf32>
    %get3A_194 = vector.shape_cast %get3A_193 : vector<1x100x25xf32> to vector<100x25xf32>
    %dot_general3A_195 = arith.constant dense<0.000000e+00> : vector<400x25xf32>
    %dot_general3A_196 = tpu.matmul %add3A, %get3A_194, %dot_general3A_195 {dimension_numbers = #tpu.dot_dimension_numbers<[1], [0], [0], [1], [0, 0, 1, 1], [], []>, transpose_lhs_hint = false} : vector<400x100xf32>, vector<100x25xf32>, vector<400x25xf32> -> vector<400x25xf32>
    %get3A_197 = arith.constant 2 : index
    %get3A_198 = arith.constant 0 : index
    %get3A_199 = vector.load %arg8[%get3A_197, %get3A_198] : memref<4x25xf32, #tpu.memory_space<vmem>>, vector<1x25xf32>
    %add3A_200 = vector.broadcast %get3A_199 : vector<1x25xf32> to vector<400x25xf32>
    %add3A_201 = arith.addf %dot_general3A_196, %add3A_200 : vector<400x25xf32>
    %get3A_202 = arith.constant 2 : index
    %get3A_203 = arith.constant 0 : index
    %get3A_204 = arith.constant 0 : index
    %get3A_205 = vector.load %arg5[%get3A_202, %get3A_203, %get3A_204] : memref<4x100x25xf32, #tpu.memory_space<vmem>>, vector<1x100x25xf32>
    %get3A_206 = vector.shape_cast %get3A_205 : vector<1x100x25xf32> to vector<100x25xf32>
    %dot_general3A_207 = arith.constant dense<0.000000e+00> : vector<400x25xf32>
    %dot_general3A_208 = tpu.matmul %add3A, %get3A_206, %dot_general3A_207 {dimension_numbers = #tpu.dot_dimension_numbers<[1], [0], [0], [1], [0, 0, 1, 1], [], []>, transpose_lhs_hint = false} : vector<400x100xf32>, vector<100x25xf32>, vector<400x25xf32> -> vector<400x25xf32>
    %get3A_209 = arith.constant 2 : index
    %get3A_210 = arith.constant 0 : index
    %get3A_211 = vector.load %arg9[%get3A_209, %get3A_210] : memref<4x25xf32, #tpu.memory_space<vmem>>, vector<1x25xf32>
    %add3A_212 = vector.broadcast %get3A_211 : vector<1x25xf32> to vector<400x25xf32>
    %add3A_213 = arith.addf %dot_general3A_208, %add3A_212 : vector<400x25xf32>
    %dot_general3A_214 = arith.constant dense<0.000000e+00> : vector<400x400xf32>
    %dot_general3A_215 = tpu.matmul %add3A_189, %add3A_201, %dot_general3A_214 {dimension_numbers = #tpu.dot_dimension_numbers<[1], [1], [0], [0], [0, 0, 1, 0], [], []>, transpose_lhs_hint = false} : vector<400x25xf32>, vector<400x25xf32>, vector<400x400xf32> -> vector<400x400xf32>
    %add3A_216 = arith.addf %dot_general3A_215, %select_n3A_63 : vector<400x400xf32>
    %exp3A_217 = math.exp %add3A_216 : vector<400x400xf32>
    %dot_general3A_218 = arith.constant dense<0.000000e+00> : vector<400x25xf32>
    %dot_general3A_219 = tpu.matmul %exp3A_217, %add3A_213, %dot_general3A_218 {dimension_numbers = #tpu.dot_dimension_numbers<[1], [0], [0], [1], [0, 0, 1, 1], [], []>, transpose_lhs_hint = false} : vector<400x400xf32>, vector<400x25xf32>, vector<400x25xf32> -> vector<400x25xf32>
    %reduce_sum3A_220 = arith.constant dense<0.000000e+00> : vector<400xf32>
    %reduce_sum3A_221 = vector.multi_reduction <add>, %exp3A_217, %reduce_sum3A_220 [1] : vector<400x400xf32> to vector<400xf32>
    %broadcast_in_dim3A_222 = vector.shape_cast %reduce_sum3A_221 : vector<400xf32> to vector<400x1xf32>
    %div3A_223 = arith.constant 1.000000e+00 : f32
    %div3A_224 = vector.broadcast %div3A_223 : f32 to vector<400x1xf32>
    %div3A_225 = arith.divf %div3A_224, %broadcast_in_dim3A_222 : vector<400x1xf32>
    %mul3A_226 = vector.broadcast %div3A_225 : vector<400x1xf32> to vector<400x25xf32>
    %mul3A_227 = arith.mulf %dot_general3A_219, %mul3A_226 : vector<400x25xf32>
    %get3A_228 = arith.constant 2 : index
    %get3A_229 = arith.constant 0 : index
    %get3A_230 = arith.constant 0 : index
    %get3A_231 = vector.load %arg6[%get3A_228, %get3A_229, %get3A_230] : memref<4x100x25xf32, #tpu.memory_space<vmem>>, vector<1x100x25xf32>
    %get3A_232 = vector.shape_cast %get3A_231 : vector<1x100x25xf32> to vector<100x25xf32>
    %dot_general3A_233 = arith.constant dense<0.000000e+00> : vector<400x100xf32>
    %dot_general3A_234 = tpu.matmul %mul3A_227, %get3A_232, %dot_general3A_233 {dimension_numbers = #tpu.dot_dimension_numbers<[1], [1], [0], [0], [0, 0, 1, 0], [], []>, transpose_lhs_hint = false} : vector<400x25xf32>, vector<100x25xf32>, vector<400x100xf32> -> vector<400x100xf32>
    %add3A_235 = arith.addf %add3A_177, %dot_general3A_234 : vector<400x100xf32>
    %get3A_236 = arith.constant 3 : index
    %get3A_237 = arith.constant 0 : index
    %get3A_238 = arith.constant 0 : index
    %get3A_239 = vector.load %arg3[%get3A_236, %get3A_237, %get3A_238] : memref<4x100x25xf32, #tpu.memory_space<vmem>>, vector<1x100x25xf32>
    %get3A_240 = vector.shape_cast %get3A_239 : vector<1x100x25xf32> to vector<100x25xf32>
    %dot_general3A_241 = arith.constant dense<0.000000e+00> : vector<400x25xf32>
    %dot_general3A_242 = tpu.matmul %add3A, %get3A_240, %dot_general3A_241 {dimension_numbers = #tpu.dot_dimension_numbers<[1], [0], [0], [1], [0, 0, 1, 1], [], []>, transpose_lhs_hint = false} : vector<400x100xf32>, vector<100x25xf32>, vector<400x25xf32> -> vector<400x25xf32>
    %get3A_243 = arith.constant 3 : index
    %get3A_244 = arith.constant 0 : index
    %get3A_245 = vector.load %arg7[%get3A_243, %get3A_244] : memref<4x25xf32, #tpu.memory_space<vmem>>, vector<1x25xf32>
    %add3A_246 = vector.broadcast %get3A_245 : vector<1x25xf32> to vector<400x25xf32>
    %add3A_247 = arith.addf %dot_general3A_242, %add3A_246 : vector<400x25xf32>
    %get3A_248 = arith.constant 3 : index
    %get3A_249 = arith.constant 0 : index
    %get3A_250 = arith.constant 0 : index
    %get3A_251 = vector.load %arg4[%get3A_248, %get3A_249, %get3A_250] : memref<4x100x25xf32, #tpu.memory_space<vmem>>, vector<1x100x25xf32>
    %get3A_252 = vector.shape_cast %get3A_251 : vector<1x100x25xf32> to vector<100x25xf32>
    %dot_general3A_253 = arith.constant dense<0.000000e+00> : vector<400x25xf32>
    %dot_general3A_254 = tpu.matmul %add3A, %get3A_252, %dot_general3A_253 {dimension_numbers = #tpu.dot_dimension_numbers<[1], [0], [0], [1], [0, 0, 1, 1], [], []>, transpose_lhs_hint = false} : vector<400x100xf32>, vector<100x25xf32>, vector<400x25xf32> -> vector<400x25xf32>
    %get3A_255 = arith.constant 3 : index
    %get3A_256 = arith.constant 0 : index
    %get3A_257 = vector.load %arg8[%get3A_255, %get3A_256] : memref<4x25xf32, #tpu.memory_space<vmem>>, vector<1x25xf32>
    %add3A_258 = vector.broadcast %get3A_257 : vector<1x25xf32> to vector<400x25xf32>
    %add3A_259 = arith.addf %dot_general3A_254, %add3A_258 : vector<400x25xf32>
    %get3A_260 = arith.constant 3 : index
    %get3A_261 = arith.constant 0 : index
    %get3A_262 = arith.constant 0 : index
    %get3A_263 = vector.load %arg5[%get3A_260, %get3A_261, %get3A_262] : memref<4x100x25xf32, #tpu.memory_space<vmem>>, vector<1x100x25xf32>
    %get3A_264 = vector.shape_cast %get3A_263 : vector<1x100x25xf32> to vector<100x25xf32>
    %dot_general3A_265 = arith.constant dense<0.000000e+00> : vector<400x25xf32>
    %dot_general3A_266 = tpu.matmul %add3A, %get3A_264, %dot_general3A_265 {dimension_numbers = #tpu.dot_dimension_numbers<[1], [0], [0], [1], [0, 0, 1, 1], [], []>, transpose_lhs_hint = false} : vector<400x100xf32>, vector<100x25xf32>, vector<400x25xf32> -> vector<400x25xf32>
    %get3A_267 = arith.constant 3 : index
    %get3A_268 = arith.constant 0 : index
    %get3A_269 = vector.load %arg9[%get3A_267, %get3A_268] : memref<4x25xf32, #tpu.memory_space<vmem>>, vector<1x25xf32>
    %add3A_270 = vector.broadcast %get3A_269 : vector<1x25xf32> to vector<400x25xf32>
    %add3A_271 = arith.addf %dot_general3A_266, %add3A_270 : vector<400x25xf32>
    %dot_general3A_272 = arith.constant dense<0.000000e+00> : vector<400x400xf32>
    %dot_general3A_273 = tpu.matmul %add3A_247, %add3A_259, %dot_general3A_272 {dimension_numbers = #tpu.dot_dimension_numbers<[1], [1], [0], [0], [0, 0, 1, 0], [], []>, transpose_lhs_hint = false} : vector<400x25xf32>, vector<400x25xf32>, vector<400x400xf32> -> vector<400x400xf32>
    %add3A_274 = arith.addf %dot_general3A_273, %select_n3A_63 : vector<400x400xf32>
    %exp3A_275 = math.exp %add3A_274 : vector<400x400xf32>
    %dot_general3A_276 = arith.constant dense<0.000000e+00> : vector<400x25xf32>
    %dot_general3A_277 = tpu.matmul %exp3A_275, %add3A_271, %dot_general3A_276 {dimension_numbers = #tpu.dot_dimension_numbers<[1], [0], [0], [1], [0, 0, 1, 1], [], []>, transpose_lhs_hint = false} : vector<400x400xf32>, vector<400x25xf32>, vector<400x25xf32> -> vector<400x25xf32>
    %reduce_sum3A_278 = arith.constant dense<0.000000e+00> : vector<400xf32>
    %reduce_sum3A_279 = vector.multi_reduction <add>, %exp3A_275, %reduce_sum3A_278 [1] : vector<400x400xf32> to vector<400xf32>
    %broadcast_in_dim3A_280 = vector.shape_cast %reduce_sum3A_279 : vector<400xf32> to vector<400x1xf32>
    %div3A_281 = arith.constant 1.000000e+00 : f32
    %div3A_282 = vector.broadcast %div3A_281 : f32 to vector<400x1xf32>
    %div3A_283 = arith.divf %div3A_282, %broadcast_in_dim3A_280 : vector<400x1xf32>
    %mul3A_284 = vector.broadcast %div3A_283 : vector<400x1xf32> to vector<400x25xf32>
    %mul3A_285 = arith.mulf %dot_general3A_277, %mul3A_284 : vector<400x25xf32>
    %get3A_286 = arith.constant 3 : index
    %get3A_287 = arith.constant 0 : index
    %get3A_288 = arith.constant 0 : index
    %get3A_289 = vector.load %arg6[%get3A_286, %get3A_287, %get3A_288] : memref<4x100x25xf32, #tpu.memory_space<vmem>>, vector<1x100x25xf32>
    %get3A_290 = vector.shape_cast %get3A_289 : vector<1x100x25xf32> to vector<100x25xf32>
    %dot_general3A_291 = arith.constant dense<0.000000e+00> : vector<400x100xf32>
    %dot_general3A_292 = tpu.matmul %mul3A_285, %get3A_290, %dot_general3A_291 {dimension_numbers = #tpu.dot_dimension_numbers<[1], [1], [0], [0], [0, 0, 1, 0], [], []>, transpose_lhs_hint = false} : vector<400x25xf32>, vector<100x25xf32>, vector<400x100xf32> -> vector<400x100xf32>
    %add3A_293 = arith.addf %add3A_235, %dot_general3A_292 : vector<400x100xf32>
    %add3A_294 = arith.addf %add3A, %add3A_293 : vector<400x100xf32>
    %get3A_295 = arith.constant 0 : index
    %get3A_296 = arith.constant 0 : index
    %get3A_297 = vector.load %arg10[%get3A_295, %get3A_296] : memref<1x100xf32, #tpu.memory_space<vmem>>, vector<1x100xf32>
    %add3A_298 = vector.broadcast %get3A_297 : vector<1x100xf32> to vector<400x100xf32>
    %add3A_299 = arith.addf %add3A_294, %add3A_298 : vector<400x100xf32>
    %reduce_sum3A_300 = arith.constant dense<0.000000e+00> : vector<400xf32>
    %reduce_sum3A_301 = vector.multi_reduction <add>, %add3A_299, %reduce_sum3A_300 [1] : vector<400x100xf32> to vector<400xf32>
    %broadcast_in_dim3A_302 = vector.shape_cast %reduce_sum3A_301 : vector<400xf32> to vector<400x1xf32>
    %div3A_303 = arith.constant 1.000000e+02 : f32
    %div3A_304 = vector.broadcast %div3A_303 : f32 to vector<400x1xf32>
    %div3A_305 = arith.divf %broadcast_in_dim3A_302, %div3A_304 : vector<400x1xf32>
    %sub3A_306 = vector.broadcast %div3A_305 : vector<400x1xf32> to vector<400x100xf32>
    %sub3A_307 = arith.subf %add3A_299, %sub3A_306 : vector<400x100xf32>
    %mul3A_308 = arith.mulf %sub3A_307, %sub3A_307 : vector<400x100xf32>
    %reduce_sum3A_309 = arith.constant dense<0.000000e+00> : vector<400xf32>
    %reduce_sum3A_310 = vector.multi_reduction <add>, %mul3A_308, %reduce_sum3A_309 [1] : vector<400x100xf32> to vector<400xf32>
    %broadcast_in_dim3A_311 = vector.shape_cast %reduce_sum3A_310 : vector<400xf32> to vector<400x1xf32>
    %div3A_312 = arith.constant 1.000000e+02 : f32
    %div3A_313 = vector.broadcast %div3A_312 : f32 to vector<400x1xf32>
    %div3A_314 = arith.divf %broadcast_in_dim3A_311, %div3A_313 : vector<400x1xf32>
    %add3A_315 = arith.constant 9.99999974E-6 : f32
    %add3A_316 = vector.broadcast %add3A_315 : f32 to vector<400x1xf32>
    %add3A_317 = arith.addf %div3A_314, %add3A_316 : vector<400x1xf32>
    %rsqrt3A = math.rsqrt %add3A_317 : vector<400x1xf32>
    %mul3A_318 = vector.broadcast %rsqrt3A : vector<400x1xf32> to vector<400x100xf32>
    %mul3A_319 = arith.mulf %sub3A_307, %mul3A_318 : vector<400x100xf32>
    %get3A_320 = arith.constant 0 : index
    %get3A_321 = arith.constant 0 : index
    %get3A_322 = vector.load %arg11[%get3A_320, %get3A_321] : memref<2x100xf32, #tpu.memory_space<vmem>>, vector<1x100xf32>
    %mul3A_323 = vector.broadcast %get3A_322 : vector<1x100xf32> to vector<400x100xf32>
    %mul3A_324 = arith.mulf %mul3A_319, %mul3A_323 : vector<400x100xf32>
    %get3A_325 = arith.constant 1 : index
    %get3A_326 = arith.constant 0 : index
    %get3A_327 = vector.load %arg11[%get3A_325, %get3A_326] : memref<2x100xf32, #tpu.memory_space<vmem>>, vector<1x100xf32>
    %add3A_328 = vector.broadcast %get3A_327 : vector<1x100xf32> to vector<400x100xf32>
    %add3A_329 = arith.addf %mul3A_324, %add3A_328 : vector<400x100xf32>
    %swap3A = arith.constant 0 : index
    %swap3A_330 = arith.constant 0 : index
    %swap3A_331 = vector.load %arg12[%swap3A, %swap3A_330] : memref<400x100xf32, #tpu.memory_space<vmem>>, vector<400x100xf32>
    tpu.vector_store %arg12[%swap3A, %swap3A_330], %add3A_329 {strides = array<i32>} : memref<400x100xf32, #tpu.memory_space<vmem>>, vector<400x100xf32>,
    return
  }
  func.func @transform_0(%arg0: i32) -> (i32, i32) {
    %c0_i32 = arith.constant 0 : i32
    %c0_i32_0 = arith.constant 0 : i32
    return %arg0, %c0_i32 : i32, i32
  }
  func.func @transform_1(%arg0: i32) -> (i32, i32) {
    %c0_i32 = arith.constant 0 : i32
    %c0_i32_0 = arith.constant 0 : i32
    %c0_i32_1 = arith.constant 0 : i32
    return %c0_i32, %c0_i32_0 : i32, i32
  }
  func.func @transform_2(%arg0: i32) -> (i32, i32, i32) {
    %c0_i32 = arith.constant 0 : i32
    %c0_i32_0 = arith.constant 0 : i32
    %c0_i32_1 = arith.constant 0 : i32
    %c0_i32_2 = arith.constant 0 : i32
    return %c0_i32, %c0_i32_0, %c0_i32_1 : i32, i32, i32
  }
  func.func @transform_3(%arg0: i32) -> (i32, i32, i32) {
    %c0_i32 = arith.constant 0 : i32
    %c0_i32_0 = arith.constant 0 : i32
    %c0_i32_1 = arith.constant 0 : i32
    %c0_i32_2 = arith.constant 0 : i32
    return %c0_i32, %c0_i32_0, %c0_i32_1 : i32, i32, i32
  }
  func.func @transform_4(%arg0: i32) -> (i32, i32, i32) {
    %c0_i32 = arith.constant 0 : i32
    %c0_i32_0 = arith.constant 0 : i32
    %c0_i32_1 = arith.constant 0 : i32
    %c0_i32_2 = arith.constant 0 : i32
    return %c0_i32, %c0_i32_0, %c0_i32_1 : i32, i32, i32
  }
  func.func @transform_5(%arg0: i32) -> (i32, i32, i32) {
    %c0_i32 = arith.constant 0 : i32
    %c0_i32_0 = arith.constant 0 : i32
    %c0_i32_1 = arith.constant 0 : i32
    %c0_i32_2 = arith.constant 0 : i32
    return %c0_i32, %c0_i32_0, %c0_i32_1 : i32, i32, i32
  }
  func.func @transform_6(%arg0: i32) -> (i32, i32) {
    %c0_i32 = arith.constant 0 : i32
    %c0_i32_0 = arith.constant 0 : i32
    %c0_i32_1 = arith.constant 0 : i32
    return %c0_i32, %c0_i32_0 : i32, i32
  }
  func.func @transform_7(%arg0: i32) -> (i32, i32) {
    %c0_i32 = arith.constant 0 : i32
    %c0_i32_0 = arith.constant 0 : i32
    %c0_i32_1 = arith.constant 0 : i32
    return %c0_i32, %c0_i32_0 : i32, i32
  }
  func.func @transform_8(%arg0: i32) -> (i32, i32) {
    %c0_i32 = arith.constant 0 : i32
    %c0_i32_0 = arith.constant 0 : i32
    %c0_i32_1 = arith.constant 0 : i32
    return %c0_i32, %c0_i32_0 : i32, i32
  }
  func.func @transform_9(%arg0: i32) -> (i32, i32) {
    %c0_i32 = arith.constant 0 : i32
    %c0_i32_0 = arith.constant 0 : i32
    %c0_i32_1 = arith.constant 0 : i32
    return %c0_i32, %c0_i32_0 : i32, i32
  }
  func.func @transform_10(%arg0: i32) -> (i32, i32) {
    %c0_i32 = arith.constant 0 : i32
    %c0_i32_0 = arith.constant 0 : i32
    %c0_i32_1 = arith.constant 0 : i32
    return %c0_i32, %c0_i32_0 : i32, i32
  }
  func.func @transform_11(%arg0: i32) -> (i32, i32) {
    %c0_i32 = arith.constant 0 : i32
    %c0_i32_0 = arith.constant 0 : i32
    return %arg0, %c0_i32 : i32, i32
  }
}

</mosaic_0001>

<sc_bundles>
// kernel: kernel.4.cloned.1.call-start
scs
__scs_entry_jumppad:
0x0: {  	(pc) =	sbr.rel $0x88, $3  }
0x1: {  	(tag) =	ssettag $0x0;
	lr =	simm.s32 $0x1  }
0x2: {  	[smem:$0x3F95] =	sst lr;
	_ =	strace $0xD0000000  }
0x3: {  	_ = 	snop  }
0x4: {  	_ = 	snop  }
0x5: {  	_ = 	snop  }
0x6: {  	_ = 	snop  }
0x7: {  	_ = 	snop  }
__scs_overlays_trampoline_lowered:
0x8: {  	[smem:$0x3FA4] =	sst s0  }
0x9: {  	[smem:$0x3FA5] =	sst s1  }
0xa: {  	[smem:$0x3FA6] =	sst s2  }
0xb: {  	[smem:$0x3FA7] =	sst s3  }
0xc: {  	[smem:$0x3FA8] =	sst s4  }
0xd: {  	[smem:$0x3FA9] =	sst s5  }
0xe: {  	[smem:$0x3FAA] =	sst s6  }
0xf: {  	[smem:$0x3FAB] =	sst s7  }
0x10: {  	[smem:$0x3FAC] =	sst s8  }
0x11: {  	[smem:$0x3FAD] =	sst s9;
	s0 =	simm.s32 @!p0 $0x0  }
0x12: {  	s1 =	sld [smem:$0x3F93];
	s0 =	simm.s32 @p0 $0x1  }
0x13: {  	[smem:$0x3FAE] =	sst s0;
	s0 =	simm.s32 @!p1 $0x0  }
0x14: {  	s2 =	sld [smem:$0x3F92];
	s0 =	simm.s32 @p1 $0x1  }
0x15: {  	[smem:$0x3FAF] =	sst s0;
	s0 =	simm.s32 @!p2 $0x0  }
0x16: {  	s3 =	sld [smem:$0x3FDB];
	s0 =	simm.s32 @p2 $0x1  }
0x17: {  	s4 =	simm.s32 $0x1BF5;
	[smem:$0x3FB1] =	sst s0  }
0x18: {  	s0 =	sld [smem:$0x3F94];
	_ =	swait.ge [sflag:s4], $0x0  }
0x19: {  	s7 =	sld [smem:$0x3F95]  }
0x1a: {  	s8 =	sadd.s32 $0xFFFFE003, lr  }
0x1b: {  	s9 =	sadd.s32 $0xFFFFFEF7, lr;
	s5 =	simm.s32 $0xFFFFFFFF;
	p2 =	slt.u32 s8, $0xFFFFF086  }
0x1c: {  	p1 =	slt.u32 s9, $0xF7A;
	s5 =	simm.s32 @!p2 $0x0  }
0x1d: {  	s5 =	simm.s32 @p1 $0x1;
	p0 =	seq.s32 s7, s2  }
0x1e: {  	s7 =	smul.u32 @!p0 $0xF7A, s2;
	p2 =	seq.s32 @!p0 s5, $0x0  }
0x1f: {  	s9 =	smul.u32 $0xF7A, s1;
	s8 =	simm.s32 @!p0 $0x1BF5;
	p2 =	por !p2, p0  }
0x20: {  	[sflag:s8] =	ssyncset.s32 @!p0 $0xFFFFF086;
	s6 =	sadd.s32 @!p0 s3, s7;
	s7 =	simm.s32 @!p0 $0x108  }
0x21: {  	s3 =	sadd.s32 s3, s9;
	s6 =	sadd.s32 @!p0 $0x88, s6;
	s7 =	simm.s32 @p2 $0x1082  }
0x22: {  	[simem:s7], [sflag:s8] =	dma.local @!p0 [hbm:s6], $0xF7A  }
0x23: {  	s9 =	sor.u32 $0xD0000000, s2;
	s6 =	simm.s32 $0x108;
	_ =	swait.ge @!p0 [sflag:s8], $0x0  }
0x24: {  	s3 =	sadd.s32 $0x88, s3;
	s6 =	simm.s32 @!p1 $0x1082;
	[sflag:s4] =	ssyncset.s32 $0xFFFFF086  }
0x25: {  	[simem:s6], [sflag:s4] =	dma.local [hbm:s3], $0xF7A  }
0x26: {  	[smem:$0x3F95] =	sst s1;
	(tag) =	ssettag s2;
	_ =	strace s9  }
0x27: {  	s1 =	sld [smem:$0x3FA5]  }
0x28: {  	s2 =	sld [smem:$0x3FA6]  }
0x29: {  	s4 =	sld [smem:$0x3FA8]  }
0x2a: {  	p0 =	seq.s32 s5, $0x0;
	s5 =	sld [smem:$0x3FA9]  }
0x2b: {  	s6 =	sld [smem:$0x3FAA]  }
0x2c: {  	s7 =	sld [smem:$0x3FAB]  }
0x2d: {  	s3 =	simm.s32 $0x108;
	s8 =	sld [smem:$0x3FAC]  }
0x2e: {  	s3 =	simm.s32 @!p0 $0x1082;
	s9 =	sld [smem:$0x3FAD]  }
0x2f: {  	lr =	sadd.s32 s0, s3;
	s0 =	sld [smem:$0x3FA4]  }
0x30: {  	s3 =	sld [smem:$0x3FA7]  }
0x31: {  	[smem:$0x3FB0] =	sst s10  }
0x32: {  	s10 =	sld [smem:$0x3FAE];
	_ =	sdelay $0x3  }
0x33: {  	p0 =	seq.s32 s10, $0x1;
	s10 =	sld [smem:$0x3FB0];
	_ =	sdelay $0x3  }
0x34: {  	[smem:$0x3FB0] =	sst s10  }
0x35: {  	s10 =	sld [smem:$0x3FAF];
	_ =	sdelay $0x3  }
0x36: {  	p1 =	seq.s32 s10, $0x1;
	s10 =	sld [smem:$0x3FB0];
	_ =	sdelay $0x3  }
0x37: {  	[smem:$0x3FB0] =	sst s10  }
0x38: {  	s10 =	sld [smem:$0x3FB1]  }
0x39: {  	_ = 	snop;
	(pc) =	sbr.ind lr, $3  }
0x3a: {  	_ = 	snop  }
0x3b: {  	_ = 	snop  }
0x3c: {  	p2 =	seq.s32 s10, $0x1;
	s10 =	sld [smem:$0x3FB0]  }
0x3d: {  	_ =	shalt  }
0x3e: {  	_ =	shalt  }
0x3f: {  	_ =	shalt  }
0x40: {  	_ =	shalt  }
0x41: {  	_ =	shalt  }
0x42: {  	_ =	shalt  }
0x43: {  	_ =	shalt  }
0x44: {  	_ =	shalt  }
0x45: {  	_ =	shalt  }
0x46: {  	_ =	shalt  }
0x47: {  	_ =	shalt  }
0x48: {  	_ =	shalt  }
0x49: {  	_ =	shalt  }
0x4a: {  	_ =	shalt  }
0x4b: {  	_ =	shalt  }
0x4c: {  	_ =	shalt  }
0x4d: {  	_ =	shalt  }
0x4e: {  	_ =	shalt  }
0x4f: {  	_ =	shalt  }
0x50: {  	_ =	shalt  }
0x51: {  	_ =	shalt  }
0x52: {  	_ =	shalt  }
0x53: {  	_ =	shalt  }
0x54: {  	_ =	shalt  }
0x55: {  	_ =	shalt  }
0x56: {  	_ =	shalt  }
0x57: {  	_ =	shalt  }
0x58: {  	_ =	shalt  }
0x59: {  	_ =	shalt  }
0x5a: {  	_ =	shalt  }
0x5b: {  	_ =	shalt  }
0x5c: {  	_ =	shalt  }
0x5d: {  	_ =	shalt  }
0x5e: {  	_ =	shalt  }
0x5f: {  	_ =	shalt  }
0x60: {  	_ =	shalt  }
0x61: {  	_ =	shalt  }
0x62: {  	_ =	shalt  }
0x63: {  	_ =	shalt  }
0x64: {  	_ =	shalt  }
0x65: {  	_ =	shalt  }
0x66: {  	_ =	shalt  }
0x67: {  	_ =	shalt  }
0x68: {  	_ =	shalt  }
0x69: {  	_ =	shalt  }
0x6a: {  	_ =	shalt  }
0x6b: {  	_ =	shalt  }
0x6c: {  	_ =	shalt  }
0x6d: {  	_ =	shalt  }
0x6e: {  	_ =	shalt  }
0x6f: {  	_ =	shalt  }
0x70: {  	_ =	shalt  }
0x71: {  	_ =	shalt  }
0x72: {  	_ =	shalt  }
0x73: {  	_ =	shalt  }
0x74: {  	_ =	shalt  }
0x75: {  	_ =	shalt  }
0x76: {  	_ =	shalt  }
0x77: {  	_ =	shalt  }
0x78: {  	_ =	shalt  }
0x79: {  	_ =	shalt  }
0x7a: {  	_ =	shalt  }
0x7b: {  	_ =	shalt  }
0x7c: {  	_ =	shalt  }
0x7d: {  	_ =	shalt  }
0x7e: {  	_ =	shalt  }
0x7f: {  	_ =	shalt  }
0x80: {  	_ =	shalt  }
0x81: {  	_ =	shalt  }
0x82: {  	_ =	shalt  }
0x83: {  	_ =	shalt  }
0x84: {  	_ =	shalt  }
0x85: {  	_ =	shalt  }
0x86: {  	_ =	shalt  }
0x87: {  	_ =	shalt  }
.Lfunc_end0:
.L_simem_size_0:
called_computation_lowered:
.L_overlay_start_0:
0x88: {  	s2 =	sld [smem:$0x3FD9]  }
0x89: {  	s3 =	sld [smem:$0x3FFE];
	_ =	sdelay $0x1  }
0x8a: {  	s1 =	srdreg.scid  }
0x8b: {  	s0 =	sand.u32 $0x1, s1  }
0x8c: {  	s17 =	sshll.u32 s0, $0xA;
	s2 =	sadd.s32 s3, s2  }
0x8d: {  	s2 =	sadd.s32 s2, s17  }
0x8e: {  	[smem:$0x3FBC] =	sst s2  }
0x8f: {  	_ = 	snop  }
0x90: {  	s2 =	sld [smem:$0x3FC8]  }
0x91: {  	s18 =	sld [smem:$0x3FD0];
	(tm) =	ssettm $0x1  }
0x92: {  	s4 =	sld [smem:$0x3FFB];
	_ =	sdelay $0x3  }
0x93: {  	_ =	strace s4  }
0x94: {  	s4 =	sld [smem:$0x3FFC];
	_ =	sdelay $0x3  }
0x95: {  	_ =	strace s4  }
0x96: {  	s4 =	sld [smem:$0x3FFD];
	_ =	sdelay $0x3  }
0x97: {  	_ =	strace s4  }
0x98: {  	_ =	strace $0x8FFFFFFF  }
0x99: {  	s19 =	sld [smem:$0x3FDB];
	_ =	sdelay $0x1  }
0x9a: {  	s5 =	simm.s32 $_scs_section_size  }
0x9b: {  	s6 =	simm.s32 $_size__tile_overlayer_lowered;
	s7 =	simm.s32 $_tile_overlayer_lowered  }
0x9c: {  	s22 =	simm.s32 $0x1BFF;
	s21 =	sshll.u32 s7, $0x1;
	s4 =	sadd.s32 s5, s19  }
0x9d: {  	s8 =	simm.s32 $0x0;
	s20 =	sshll.u32 s6, $0x1;
	s6 =	sadd.s32 s21, s4  }
0x9e: {  	[timem:s8], [sflag:s22] =	dma.local [hbm:s6], s20  }
0x9f: {  	_ =	swait.ge [sflag:s22], s20  }
0xa0: {  	s5 =	ssub.s32 $0x0, s20;
	[sflag:s22] =	ssyncset.done $0x0  }
0xa1: {  	[sflag:s22] =	ssyncadd.s32 s5;
	_ =	sdelay $0x1  }
0xa2: {  	s23 =	simm.s32 $0x1B8B  }
0xa3: {  	_ =	swait.ge [sflag:s23], $0x1  }
0xa4: {  	[sflag:s23] =	ssyncset.done $0x0  }
0xa5: {  	s25 =	simm.s32 $0x1B8E;
	s24 =	sld [smem:$0x3FFE];
	[sflag:s23] =	ssyncadd.s32 $0xFFFFFFFF  }
0xa6: {  	s26 =	simm.s32 $execute0_lowered;
	[smem:$0x3FD2] =	sst s25  }
0xa7: {  	s6 =	sshll.u32 s26, $0x1;
	_ =	strace $0x80000046;
	[dreg:$0x1] =	wrdreg $0xFFFFFFFF  }
0xa8: {  	s28 =	simm.s32 $_size_execute0_lowered;
	s4 =	sadd.s32 s4, s6;
	[dreg:$0x0] =	wrdreg $0x0  }
0xa9: {  	s6 =	sshll.u32 s28, $0x1;
	[dreg:$0x2] =	wrdreg s4  }
0xaa: {  	[dreg:$0x3] =	wrdreg s6  }
0xab: {  	[dreg:$0x4] =	wrdreg $0xC0  }
0xac: {  	_ =	task [dreg:s8], $0x5FFFF  }
0xad: {  	[dreg:$0x1] =	wrdreg $0xFFFFFFFF  }
0xae: {  	[dreg:$0x0] =	wrdreg $0x60  }
0xaf: {  	[dreg:$0x2] =	wrdreg s2  }
0xb0: {  	[dreg:$0x3] =	wrdreg s18  }
0xb1: {  	[dreg:$0x4] =	wrdreg s24  }
0xb2: {  	[dreg:$0x5] =	wrdreg $0x9  }
0xb3: {  	_ =	task.clear_ibuf [dreg:s8], $0x6FFFF;
	_ =	strace $0x90000046  }
0xb4: {  	s29 =	simm.s32 $0x9;
	_ =	strace $0x80000048  }
0xb5: {  	_ =	swait.ge [sflag:s29], $0x1  }
0xb6: {  	[sflag:s29] =	ssyncadd.s32 $0xFFFFFFFF  }
0xb7: {  	_ =	strace $0x90000048  }
0xb8: {  	_ =	sfence  }
0xb9: {  	s30 =	sld [smem:$0x0];
	_ =	sdelay $0x2  }
0xba: {  	s31 =	sshll.u32 s1, $0xD;
	s1 =	sshrl.u32 s1, $0x2  }
0xbb: {  	s3 =	sand.u32 $0x4000, s31;
	s1 =	sadd.s32 s1, s30  }
0xbc: {  	s0 =	sor.u32 s3, s0;
	s1 =	sshll.u32 s1, $0x11  }
0xbd: {  	s0 =	sor.u32 s1, s0  }
0xbe: {  	s0 =	sadd.s32 $0x8F2B, s0  }
0xbf: {  	[sflag:s0] =	ssyncadd.remote.s32 $0x1  }
0xc0: {  	_ =	sfence.sel $0xFFFF  }
0xc1: {  	[dreg:$0x0] =	wrdreg $0xFFFFFFFF;
	(pc) =	sbr.abs _section_cstart, $3  }
0xc2: {  	[dreg:$0x1] =	wrdreg $0xFFFFFFFF  }
0xc3: {  	_ =	task.clear_ibuf [dreg:s8], $0x2FFFF;
	_ =	strace $0x9FFFFFFF  }
0xc4: {  	(tm) =	ssettm $0x7FFFFFFF  }
0xc5: {  	_ =	shalt  }
tec
execute0_lowered:
.L_overlay_start_1:
0x0: {  	(tag) =	ssettag $0x1  }
0x1: {  	v0 =	vimm.s32 $0xB80;
	vm14 =	vcmask $0x300;
	vm13 =	vcmask $0x704  }
0x2: {  	vm12 =	vcmask $0xB08;
	vm11 =	vcmask $0xF0C;
	vm10 =	vcmask $0x1310  }
0x3: {  	vm9 =	vcmask $0x1714;
	vm8 =	vcmask $0x1B18;
	vm7 =	vcmask $0x1F1C  }
0x4: {  	vm6 =	vcmask $0x2320;
	vm5 =	vcmask $0x2724;
	vm4 =	vcmask $0x2B28  }
0x5: {  	vm3 =	vcmask $0x2F2C;
	vm2 =	vcmask $0x3330;
	vm0 =	vcmask $0x3734  }
0x6: {  	vm1 =	vcmask $0x3B38;
	v5 =	vimm.s32 $0x1B80;
	v6 =	vimm.s32 $0x2B80  }
0x7: {  	v7 =	vimm.s32 $0x3B80;
	v8 =	vimm.s32 $0x4B80;
	v9 =	vimm.s32 $0x5B80  }
0x8: {  	v10 =	vimm.s32 $0x6B80;
	v11 =	vimm.s32 $0x0;
	v0 =	vsel vm14, $0x0, v0  }
0x9: {  	v5 =	vsel vm14, $0x1000, v5;
	v6 =	vsel vm14, $0x2000, v6;
	v7 =	vsel vm14, $0x3000, v7  }
0xa: {  	v8 =	vsel vm14, $0x4000, v8;
	v9 =	vsel vm14, $0x5000, v9;
	v10 =	vsel vm14, $0x6000, v10  }
0xb: {  	v0 =	vsel vm13, $0x80, v0;
	v5 =	vsel vm13, $0x1080, v5;
	v6 =	vsel vm13, $0x2080, v6  }
0xc: {  	v7 =	vsel vm13, $0x3080, v7;
	v8 =	vsel vm13, $0x4080, v8;
	v9 =	vsel vm13, $0x5080, v9  }
0xd: {  	v10 =	vsel vm13, $0x6080, v10;
	v0 =	vsel vm12, $0x100, v0;
	v5 =	vsel vm12, $0x1100, v5  }
0xe: {  	v6 =	vsel vm12, $0x2100, v6;
	v7 =	vsel vm12, $0x3100, v7;
	v8 =	vsel vm12, $0x4100, v8  }
0xf: {  	v9 =	vsel vm12, $0x5100, v9;
	v10 =	vsel vm12, $0x6100, v10;
	v0 =	vsel vm11, $0x180, v0  }
0x10: {  	v5 =	vsel vm11, $0x1180, v5;
	v6 =	vsel vm11, $0x2180, v6;
	v7 =	vsel vm11, $0x3180, v7  }
0x11: {  	v8 =	vsel vm11, $0x4180, v8;
	v9 =	vsel vm11, $0x5180, v9;
	v10 =	vsel vm11, $0x6180, v10  }
0x12: {  	v0 =	vsel vm10, $0x200, v0;
	v5 =	vsel vm10, $0x1200, v5;
	v6 =	vsel vm10, $0x2200, v6  }
0x13: {  	v7 =	vsel vm10, $0x3200, v7;
	v8 =	vsel vm10, $0x4200, v8;
	v9 =	vsel vm10, $0x5200, v9  }
0x14: {  	v10 =	vsel vm10, $0x6200, v10;
	v0 =	vsel vm9, $0x280, v0;
	v5 =	vsel vm9, $0x1280, v5  }
0x15: {  	v6 =	vsel vm9, $0x2280, v6;
	v7 =	vsel vm9, $0x3280, v7;
	v8 =	vsel vm9, $0x4280, v8  }
0x16: {  	v9 =	vsel vm9, $0x5280, v9;
	v10 =	vsel vm9, $0x6280, v10;
	v0 =	vsel vm8, $0x300, v0  }
0x17: {  	v5 =	vsel vm8, $0x1300, v5;
	v6 =	vsel vm8, $0x2300, v6;
	v7 =	vsel vm8, $0x3300, v7  }
0x18: {  	v8 =	vsel vm8, $0x4300, v8;
	v9 =	vsel vm8, $0x5300, v9;
	v10 =	vsel vm8, $0x6300, v10  }
0x19: {  	v0 =	vsel vm7, $0x380, v0;
	v5 =	vsel vm7, $0x1380, v5;
	v6 =	vsel vm7, $0x2380, v6  }
0x1a: {  	v7 =	vsel vm7, $0x3380, v7;
	v8 =	vsel vm7, $0x4380, v8;
	v9 =	vsel vm7, $0x5380, v9  }
0x1b: {  	s1 =	srdreg.scid;
	s0 =	stileid.u32;
	v10 =	vsel vm7, $0x6380, v10;
	v0 =	vsel vm6, $0x800, v0;
	v5 =	vsel vm6, $0x1800, v5  }
0x1c: {  	s7 =	sand.u32 $0x1, s1;
	s28 =	sshll.u32 s0, $0x1;
	v6 =	vsel vm6, $0x2800, v6;
	v7 =	vsel vm6, $0x3800, v7;
	v8 =	vsel vm6, $0x4800, v8  }
0x1d: {  	s6 =	sor.u32 s7, s28;
	v9 =	vsel vm6, $0x5800, v9;
	v10 =	vsel vm6, $0x6800, v10;
	v0 =	vsel vm5, $0x880, v0  }
0x1e: {  	s3 =	smul.u32 $0x7B00, s6;
	v5 =	vsel vm5, $0x1880, v5;
	v6 =	vsel vm5, $0x2880, v6;
	v7 =	vsel vm5, $0x3880, v7  }
0x1f: {  	v8 =	vsel vm5, $0x4880, v8;
	v9 =	vsel vm5, $0x5880, v9;
	v10 =	vsel vm5, $0x6880, v10  }
0x20: {  	v1 =	vsel vm4, $0x900, v0;
	v0 =	vmov s3;
	v5 =	vsel vm4, $0x1900, v5  }
0x21: {  	s2 =	rddreg [dreg:$0x1];
	v6 =	vsel vm4, $0x2900, v6;
	v7 =	vsel vm4, $0x3900, v7;
	v8 =	vsel vm4, $0x4900, v8  }
0x22: {  	s12 =	rddreg [dreg:$0x2];
	s29 =	sadd.s32 $0x7B00, s3;
	v9 =	vsel vm4, $0x5900, v9;
	v10 =	vsel vm4, $0x6900, v10;
	v2 =	vsel vm3, $0x980, v1  }
0x23: {  	s4 =	simm.s32 $0x0;
	s13 =	simm.s32 $0x7B00;
	s14 =	simm.s32 $0x4;
	v1 =	vmov s29;
	v5 =	vsel vm3, $0x1980, v5;
	v6 =	vsel vm3, $0x2980, v6  }
0x24: {  	s17 =	simm.s32 $0x8B00;
	s18 =	simm.s32 $0xF300;
	s19 =	simm.s32 $0x2;
	v7 =	vsel vm3, $0x3980, v7;
	v8 =	vsel vm3, $0x4980, v8;
	v9 =	vsel vm3, $0x5980, v9  }
0x25: {  	s20 =	simm.s32 $0x15B00;
	s21 =	simm.s32 $0x3;
	s1 =	rddreg [dreg:$0x0];
	v10 =	vsel vm3, $0x6980, v10;
	v3 =	vsel vm2, $0xA00, v2;
	v2 =	vimm.s32 $0xFFFFFFFF  }
0x26: {  	s22 =	simm.s32 $0x0;
	[smem:$0x7FF] =	sst s4;
	s8 =	smul.u32 $0x3D800, s6;
	v5 =	vsel vm2, $0x1A00, v5;
	v6 =	vsel vm2, $0x2A00, v6;
	v7 =	vsel vm2, $0x3A00, v7  }
0x27: {  	_ =	strace $0x80000047;
	s7 =	ssub.s32 $0x2, s7;
	s5 =	smul.u32 $0x7B, s6;
	v8 =	vsel vm2, $0x4A00, v8;
	v9 =	vsel vm2, $0x5A00, v9;
	v10 =	vsel vm2, $0x6A00, v10  }
.Ltmp0:
0x28: {  	s6 =	sadd.s32 $0x1A00, s12;
	s8 =	sshrl.u32 s8, $0x3;
	v4 =	vsel vm0, $0xA80, v3;
	v3 =	vlaneseq.u32;
	v5 =	vsel vm0, $0x1A80, v5;
	(pc) =	sbr.rel .LBB2_1-.Ltmp0, $4  }
0x29: {  	s9 =	sshrl.u32 s7, $0x1;
	s12 =	sadd.s32 $0x9A00, s12;
	s30 =	sadd.s32 s1, s8;
	v6 =	vsel vm0, $0x2A80, v6;
	v7 =	vsel vm0, $0x3A80, v7;
	v8 =	vsel vm0, $0x4A80, v8  }
0x2a: {  	s11 =	ssub.s32 s7, s9;
	s10 =	ssub.s32 $0xF43, s5;
	s31 =	sadd.s32 $0x100, s30;
	v9 =	vsel vm0, $0x5A80, v9;
	v10 =	vsel vm0, $0x6A80, v10;
	v4 =	vsel vm1, $0xB00, v4  }
0x2b: {  	s11 =	smax.u32 s11, $0x1;
	[dreg:$0x5] =	wrdreg s31;
	s3 =	sadd.s32 s1, s3;
	v5 =	vsel vm1, $0x1B00, v5;
	v6 =	vsel vm1, $0x2B00, v6;
	v7 =	vsel vm1, $0x3B00, v7  }
0x2c: {  	s7 =	smin.u32 s10, $0x7B;
	s8 =	sadd.s32 $0x200, s2;
	[dreg:$0x4] =	wrdreg s3;
	v8 =	vsel vm1, $0x4B00, v8;
	v9 =	vsel vm1, $0x5B00, v9;
	v10 =	vsel vm1, $0x6B00, v10  }
.LBB2_44:
0x2d: {  	[sflag:s21] =	ssyncadd.s32 $0xFFFFFFF0  }
.LBB2_45:
0x2e: {  	s22 =	sadd.s32 $0x1, s22  }
0x2f: {  	p0 =	sne.s32 s22, s11  }
.Ltmp1:
0x30: {  	_ = 	snop;
	(pc) =	sbr.rel @!p0 .LBB2_46-.Ltmp1, $1  }
0x31: {  	_ =	sdelay $0x3  }
.LBB2_1:
0x32: {  	s3 =	simm.s32 $0x0;
	s15 =	simm.s32 $0x200  }
.LBB2_2:
0x33: {  	p0 =	sne.s32 s15, $0x1EA00;
	[tilespmem:s3+$0x70] =	vst v2  }
0x34: {  	[tilespmem:s3+$0x0] =	vst v2  }
0x35: {  	[tilespmem:s3+$0x10] =	vst v2  }
.Ltmp2:
0x36: {  	[tilespmem:s3+$0x20] =	vst v2;
	(pc) =	sbr.rel @p0 .LBB2_2-.Ltmp2, $4  }
0x37: {  	[tilespmem:s3+$0x30] =	vst v2  }
0x38: {  	[tilespmem:s3+$0x40] =	vst v2  }
0x39: {  	[tilespmem:s3+$0x50] =	vst v2  }
0x3a: {  	[tilespmem:s3+$0x60] =	vst v2;
	s3 =	sshra.s32 s15, $0x2;
	s15 =	sadd.s32 $0x200, s15  }
0x3b: {  	[tilespmem:s3+$0x70] =	vst v2  }
0x3c: {  	[tilespmem:s3+$0x0] =	vst v2  }
0x3d: {  	[tilespmem:s3+$0x10] =	vst v2  }
0x3e: {  	[tilespmem:s3+$0x20] =	vst v2  }
.Ltmp3:
0x3f: {  	[tilespmem:s3+$0x30] =	vst v2;
	(pc) =	sbr.rel .LBB2_4-.Ltmp3, $4  }
0x40: {  	[tilespmem:s3+$0x40] =	vst v2  }
0x41: {  	[tilespmem:s3+$0x50] =	vst v2  }
0x42: {  	[tilespmem:s3+$0x60] =	vst v2;
	s3 =	simm.s32 $0x0;
	s15 =	simm.s32 $0x830;
	s23 =	simm.s32 $0x0  }
0x43: {  	[tilespmem:s13], [sflag:$0x4] =	stream.linear.gather [hbm4b:s2+s3], $0x800, $0x38;
	[tilespmem:$0x1CA00] =	vst v63  }
.LBB2_9:
0x44: {  	s23 =	sadd.s32 $0x1, s23  }
0x45: {  	p0 =	sne.s32 s23, $0xD  }
.Ltmp4:
0x46: {  	_ = 	snop;
	(pc) =	sbr.rel @!p0 .LBB2_10-.Ltmp4, $2  }
0x47: {  	_ =	sdelay $0x2  }
0x48: {  	s3 =	sadd.s32 $0x1000, s3;
	s15 =	sadd.s32 $0x1000, s15  }
.LBB2_4:
0x49: {  	_ =	swait.ge [sflag:s14], $0x800;
	s24 =	sshllo.u32 s23, $0x1  }
0x4a: {  	[sflag:s14] =	ssyncset.done $0x0;
	p0 =	sgt.u32 s24, $0x18  }
0x4b: {  	[sflag:s14] =	ssyncadd.s32 $0xFFFFF800;
	s24 =	sshll.u32 @!p0 s24, $0x8  }
0x4c: {  	s25 =	simm.s32 @!p0 $0x0;
	s26 =	simm.s32 @!p0 $0x8300;
	s24 =	sadd.s32 @!p0 s2, s24  }
0x4d: {  	[tilespmem:s26], [sflag:$0x4] =	stream.linear.gather @!p0 [hbm4b:s24+s25], $0x800, $0x38;
	[tilespmem:$0x1CA00] =	vst v63  }
0x4e: {  	s24 =	simm.s32 $0x7B20;
	s25 =	simm.s32 $0x0  }
.LBB2_5:
0x4f: {  	v12 =	vld [tilespmem:s24+$0xFFFFFFE0];
	_ =	sdelay $0x4  }
0x50: {  	vm0 =	vge.s32 v12, v0;
	vm1 =	vlt.s32 v12, v1;
	v13 =	vsub.s32 v12, v0  }
0x51: {  	v12 =	vand.u32 $0x7F, v12;
	vm0 =	vmand vm0, vm1;
	v13 =	vand.u32 $0xFFFFFF80, v13  }
0x52: {  	v12 =	vor.u32 v12, v13;
	_ =	sdelay $0x2  }
0x53: {  	s26 =	sadd.s32 s25, s3  }
0x54: {  	v57 =	vor.u32 s26, v3  }
0x55: {  	[tilespmem:v12+s4+$0x0] =	vst.idx.msk vm0, v57  }
0x56: {  	v12 =	vld [tilespmem:s24+$0xFFFFFFF0];
	_ =	sdelay $0x4  }
0x57: {  	vm10 =	vge.s32 v12, v0;
	vm11 =	vlt.s32 v12, v1;
	v58 =	vsub.s32 v12, v0  }
0x58: {  	v12 =	vand.u32 $0x7F, v12;
	vm0 =	vmand vm10, vm11;
	v13 =	vand.u32 $0xFFFFFF80, v58  }
0x59: {  	v12 =	vor.u32 v12, v13;
	_ =	sdelay $0x2  }
0x5a: {  	s28 =	sadd.s32 $0x10, s26  }
0x5b: {  	v59 =	vor.u32 s28, v3  }
0x5c: {  	[tilespmem:v12+s4+$0x0] =	vst.idx.msk vm0, v59  }
0x5d: {  	v12 =	vld [tilespmem:s24+$0x0];
	_ =	sdelay $0x4  }
0x5e: {  	vm12 =	vge.s32 v12, v0;
	vm13 =	vlt.s32 v12, v1;
	v60 =	vsub.s32 v12, v0  }
0x5f: {  	v12 =	vand.u32 $0x7F, v12;
	vm0 =	vmand vm12, vm13;
	v13 =	vand.u32 $0xFFFFFF80, v60  }
0x60: {  	v12 =	vor.u32 v12, v13;
	_ =	sdelay $0x2  }
0x61: {  	s31 =	sadd.s32 $0x20, s26  }
0x62: {  	v61 =	vor.u32 s31, v3  }
0x63: {  	[tilespmem:v12+s4+$0x0] =	vst.idx.msk vm0, v61  }
0x64: {  	v12 =	vld [tilespmem:s24+$0x10];
	_ =	sdelay $0x4  }
0x65: {  	vm14 =	vge.s32 v12, v0;
	vm15 =	vlt.s32 v12, v1;
	v62 =	vsub.s32 v12, v0  }
0x66: {  	v12 =	vand.u32 $0x7F, v12;
	vm0 =	vmand vm14, vm15;
	v13 =	vand.u32 $0xFFFFFF80, v62  }
0x67: {  	p1 =	sne.s32 s25, $0x7C0;
	v12 =	vor.u32 v12, v13  }
.Ltmp5:
0x68: {  	_ = 	snop;
	(pc) =	sbr.rel @p1 .LBB2_5-.Ltmp5, $4  }
0x69: {  	_ = 	snop  }
0x6a: {  	s26 =	sadd.s32 $0x30, s26  }
0x6b: {  	v63 =	vor.u32 s26, v3  }
0x6c: {  	s25 =	sadd.s32 $0x40, s25;
	s24 =	sadd.s32 $0x40, s24;
	[tilespmem:v12+s4+$0x0] =	vst.idx.msk vm0, v63  }
.Ltmp6:
0x6d: {  	(pc) =	sbr.rel @p0 .LBB2_9-.Ltmp6, $1  }
0x6e: {  	_ =	sdelay $0x3  }
0x6f: {  	_ =	swait.ge [sflag:s14], $0x800  }
0x70: {  	s24 =	sshll.u32 s23, $0x9;
	[sflag:s14] =	ssyncset.done $0x0  }
0x71: {  	s25 =	sadd.s32 s24, s8;
	s24 =	simm.s32 $0x0;
	[sflag:s14] =	ssyncadd.s32 $0xFFFFF800  }
0x72: {  	[tilespmem:s13], [sflag:$0x4] =	stream.linear.gather [hbm4b:s25+s24], $0x800, $0x38;
	[tilespmem:$0x1CA00] =	vst v63  }
0x73: {  	s25 =	smov.u32 s15  }
.LBB2_8:
0x74: {  	s26 =	sshra.s32 s24, $0x2  }
0x75: {  	v12 =	vld [tilespmem:s26+$0x8300];
	_ =	sdelay $0x4  }
0x76: {  	vm0 =	vge.s32 v12, v0;
	vm1 =	vlt.s32 v12, v1;
	v13 =	vsub.s32 v12, v0  }
0x77: {  	v12 =	vand.u32 $0x7F, v12;
	vm0 =	vmand vm0, vm1;
	v13 =	vand.u32 $0xFFFFFF80, v13  }
0x78: {  	v12 =	vor.u32 v12, v13;
	_ =	sdelay $0x2  }
0x79: {  	s28 =	sadd.s32 $0xFFFFFFD0, s25  }
0x7a: {  	v57 =	vor.u32 s28, v3  }
0x7b: {  	[tilespmem:v12+s4+$0x0] =	vst.idx.msk vm0, v57  }
0x7c: {  	v12 =	vld [tilespmem:s26+$0x8310];
	_ =	sdelay $0x4  }
0x7d: {  	vm10 =	vge.s32 v12, v0;
	vm11 =	vlt.s32 v12, v1;
	v58 =	vsub.s32 v12, v0  }
0x7e: {  	v12 =	vand.u32 $0x7F, v12;
	vm0 =	vmand vm10, vm11;
	v13 =	vand.u32 $0xFFFFFF80, v58  }
0x7f: {  	v12 =	vor.u32 v12, v13;
	_ =	sdelay $0x2  }
0x80: {  	s30 =	sadd.s32 $0xFFFFFFE0, s25  }
0x81: {  	v59 =	vor.u32 s30, v3  }
0x82: {  	[tilespmem:v12+s4+$0x0] =	vst.idx.msk vm0, v59  }
0x83: {  	v12 =	vld [tilespmem:s26+$0x8320];
	_ =	sdelay $0x4  }
0x84: {  	vm12 =	vge.s32 v12, v0;
	vm13 =	vlt.s32 v12, v1;
	v60 =	vsub.s32 v12, v0  }
0x85: {  	v12 =	vand.u32 $0x7F, v12;
	vm0 =	vmand vm12, vm13;
	v13 =	vand.u32 $0xFFFFFF80, v60  }
0x86: {  	v12 =	vor.u32 v12, v13;
	_ =	sdelay $0x2  }
0x87: {  	s31 =	sadd.s32 $0xFFFFFFF0, s25  }
0x88: {  	v61 =	vor.u32 s31, v3  }
0x89: {  	[tilespmem:v12+s4+$0x0] =	vst.idx.msk vm0, v61  }
0x8a: {  	v12 =	vld [tilespmem:s26+$0x8330];
	_ =	sdelay $0x4  }
0x8b: {  	vm14 =	vge.s32 v12, v0;
	vm15 =	vlt.s32 v12, v1;
	v62 =	vsub.s32 v12, v0  }
0x8c: {  	v12 =	vand.u32 $0x7F, v12;
	vm0 =	vmand vm14, vm15;
	v13 =	vand.u32 $0xFFFFFF80, v62  }
0x8d: {  	p0 =	sne.s32 s24, $0x1F00;
	v12 =	vor.u32 v12, v13  }
.Ltmp7:
0x8e: {  	_ = 	snop;
	(pc) =	sbr.rel @p0 .LBB2_8-.Ltmp7, $3  }
0x8f: {  	_ =	sdelay $0x1  }
0x90: {  	v63 =	vor.u32 s25, v3  }
0x91: {  	s25 =	sadd.s32 $0x40, s25;
	s24 =	sadd.s32 $0x100, s24;
	[tilespmem:v12+s4+$0x0] =	vst.idx.msk vm0, v63  }
.Ltmp8:
0x92: {  	_ = 	snop;
	(pc) =	sbr.rel .LBB2_9-.Ltmp8, $1  }
0x93: {  	_ =	sdelay $0x3  }
.LBB2_10:
.Ltmp9:
0x94: {  	(pc) =	sbr.rel .LBB2_11-.Ltmp9, $4  }
0x95: {  	s3 =	rddreg [dreg:$0x4];
	s9 =	simm.s32 $0x800;
	s10 =	simm.s32 $0x7A1400  }
0x96: {  	[tilespmem:s17], [sflag:$0x1] =	stream.strided.gather [hbm4b:s3+s9], $0x6800, s10, s9, $0x38;
	[tilespmem:$0x1CA00] =	vst v63  }
0x97: {  	s31 =	rddreg [dreg:$0x5];
	s23 =	simm.s32 $0x0  }
0x98: {  	[tilespmem:s18], [sflag:$0x1] =	stream.strided.gather [hbm4b:s31+s9], $0x6800, s10, s9, $0x38;
	[tilespmem:$0x1CA00] =	vst v63  }
.LBB2_28:
0x99: {  	[sflag:s19] =	ssyncadd.s32 $0xFFFFFF80  }
.LBB2_29:
0x9a: {  	s23 =	sadd.s32 $0x1, s23  }
0x9b: {  	p0 =	sne.s32 s23, $0x29  }
.Ltmp10:
0x9c: {  	_ = 	snop;
	(pc) =	sbr.rel @!p0 .LBB2_30-.Ltmp10, $1  }
0x9d: {  	_ =	sdelay $0x3  }
.LBB2_11:
0x9e: {  	s24 =	smul.u32 $0x3, s23;
	_ =	sdelay $0x1  }
0x9f: {  	p0 =	sge.u32 s24, s7  }
0xa0: {  	s3 =	sadd.s32 @!p0 $0x2, s24  }
0xa1: {  	p1 =	sge.u32 @!p0 s3, s7  }
0xa2: {  	s15 =	simm.s32 @!p0 $0x1;
	p1 =	por p1, p0  }
0xa3: {  	_ =	swait.ge @!p0 [sflag:s15], $0x6800;
	s3 =	sadd.s32 @!p1 s5, s3  }
0xa4: {  	s28 =	smul.u32 @!p0 $0xC00, s23;
	[sflag:s15] =	ssyncset.done @!p0 $0x0;
	s3 =	sshll.u32 @!p1 s3, $0x8  }
0xa5: {  	[sflag:s15] =	ssyncadd.s32 @!p0 $0xFFFF9800;
	s15 =	simm.s32 @!p1 $0x800;
	s3 =	sand.u32 @!p1 $0x1FFFFF00, s3  }
0xa6: {  	s25 =	simm.s32 @!p1 $0x7A1400;
	s26 =	simm.s32 @!p1 $0x15B00;
	s3 =	sadd.s32 @!p1 s1, s3  }
0xa7: {  	[tilespmem:s26], [sflag:$0x1] =	stream.strided.gather @!p1 [hbm4b:s3+s15], $0x6800, s25, s15, $0x38;
	[tilespmem:$0x1CA00] =	vst v63  }
0xa8: {  	s3 =	sshra.s32 @!p0 s28, $0x2  }
0xa9: {  	v13 =	vld @!p0 [tilespmem:s3+$0x0];
	_ =	sdelay $0x4  }
0xaa: {  	v12 =	vlaneseq.u32 @!p0;
	s25 =	simm.s32 @!p0 $0x1C300;
	vm0 =	vgt.s32 @!p0 v13, $0xFFFFFFFF  }
0xab: {  	s15 =	simm.s32 @!p0 $0x1C480;
	[tilespmem:s25+$0x0] =	vst.msk @!p0 vm0, v12  }
0xac: {  	[tilespmem:s15+$0x0] =	vst.msk @!p0 vm0, v13;
	v13 =	vmpcnt.ones.xlane @!p0 vm0  }
0xad: {  	v14 =	vld @!p0 [tilespmem:s3+$0x10]  }
0xae: {  	(v2sf) =	vpush @!p0 v13, $0x0;
	_ =	sdelay $0x3  }
0xaf: {  	vm0 =	vgt.s32 @!p0 v14, $0xFFFFFFFF  }
0xb0: {  	v13 =	vmpcnt.ones.xlane @!p0 vm0;
	_ =	sdelay $0x1  }
0xb1: {  	(v2sf) =	vpush @!p0 v13, $0x0;
	_ =	sdelay $0x7  }
0xb2: {  	v13 =	vor.u32 @!p0 $0x10, v12;
	s26 =	spop @!p0 (v2sf)  }
0xb3: {  	[tilespmem:s26+$0x1C300] =	vst.msk @!p0 vm0, v13  }
0xb4: {  	[tilespmem:s26+$0x1C480] =	vst.msk @!p0 vm0, v14  }
0xb5: {  	v13 =	vld @!p0 [tilespmem:s3+$0x20];
	_ =	sdelay $0x3  }
0xb6: {  	s28 =	spop @!p0 (v2sf)  }
0xb7: {  	v14 =	vor.u32 @!p0 $0x20, v12;
	s26 =	sadd.s32 @!p0 s26, s28;
	vm0 =	vgt.s32 @!p0 v13, $0xFFFFFFFF  }
0xb8: {  	[tilespmem:s26+$0x1C300] =	vst.msk @!p0 vm0, v14;
	v14 =	vmpcnt.ones.xlane @!p0 vm0  }
0xb9: {  	[tilespmem:s26+$0x1C480] =	vst.msk @!p0 vm0, v13  }
0xba: {  	(v2sf) =	vpush @!p0 v14, $0x0;
	v13 =	vld @!p0 [tilespmem:s3+$0x30];
	_ =	sdelay $0x4  }
0xbb: {  	vm0 =	vgt.s32 @!p0 v13, $0xFFFFFFFF  }
0xbc: {  	v14 =	vmpcnt.ones.xlane @!p0 vm0;
	_ =	sdelay $0x1  }
0xbd: {  	(v2sf) =	vpush @!p0 v14, $0x0;
	_ =	sdelay $0x6  }
0xbe: {  	s28 =	spop @!p0 (v2sf)  }
0xbf: {  	v14 =	vor.u32 @!p0 $0x30, v12;
	s26 =	sadd.s32 @!p0 s26, s28  }
0xc0: {  	[tilespmem:s26+$0x1C300] =	vst.msk @!p0 vm0, v14  }
0xc1: {  	[tilespmem:s26+$0x1C480] =	vst.msk @!p0 vm0, v13  }
0xc2: {  	v13 =	vld @!p0 [tilespmem:s3+$0x40];
	_ =	sdelay $0x3  }
0xc3: {  	s28 =	spop @!p0 (v2sf)  }
0xc4: {  	v14 =	vor.u32 @!p0 $0x40, v12;
	s26 =	sadd.s32 @!p0 s26, s28;
	vm0 =	vgt.s32 @!p0 v13, $0xFFFFFFFF  }
0xc5: {  	[tilespmem:s26+$0x1C300] =	vst.msk @!p0 vm0, v14;
	v14 =	vmpcnt.ones.xlane @!p0 vm0  }
0xc6: {  	[tilespmem:s26+$0x1C480] =	vst.msk @!p0 vm0, v13  }
0xc7: {  	(v2sf) =	vpush @!p0 v14, $0x0;
	v13 =	vld @!p0 [tilespmem:s3+$0x50];
	_ =	sdelay $0x4  }
0xc8: {  	vm0 =	vgt.s32 @!p0 v13, $0xFFFFFFFF  }
0xc9: {  	v14 =	vmpcnt.ones.xlane @!p0 vm0;
	_ =	sdelay $0x1  }
0xca: {  	(v2sf) =	vpush @!p0 v14, $0x0;
	_ =	sdelay $0x6  }
0xcb: {  	s28 =	spop @!p0 (v2sf)  }
0xcc: {  	v14 =	vor.u32 @!p0 $0x50, v12;
	s26 =	sadd.s32 @!p0 s26, s28  }
0xcd: {  	[tilespmem:s26+$0x1C300] =	vst.msk @!p0 vm0, v14  }
0xce: {  	[tilespmem:s26+$0x1C480] =	vst.msk @!p0 vm0, v13  }
0xcf: {  	v13 =	vld @!p0 [tilespmem:s3+$0x60];
	_ =	sdelay $0x3  }
0xd0: {  	s28 =	spop @!p0 (v2sf)  }
0xd1: {  	v14 =	vor.u32 @!p0 $0x60, v12;
	s26 =	sadd.s32 @!p0 s26, s28;
	vm0 =	vgt.s32 @!p0 v13, $0xFFFFFFFF  }
0xd2: {  	[tilespmem:s26+$0x1C300] =	vst.msk @!p0 vm0, v14;
	v14 =	vmpcnt.ones.xlane @!p0 vm0  }
0xd3: {  	[tilespmem:s26+$0x1C480] =	vst.msk @!p0 vm0, v13  }
0xd4: {  	(v2sf) =	vpush @!p0 v14, $0x0;
	v13 =	vld @!p0 [tilespmem:s3+$0x70];
	_ =	sdelay $0x4  }
0xd5: {  	vm0 =	vgt.s32 @!p0 v13, $0xFFFFFFFF  }
0xd6: {  	v14 =	vmpcnt.ones.xlane @!p0 vm0;
	_ =	sdelay $0x1  }
0xd7: {  	(v2sf) =	vpush @!p0 v14, $0x0;
	_ =	sdelay $0x6  }
0xd8: {  	s28 =	spop @!p0 (v2sf)  }
0xd9: {  	v14 =	vor.u32 @!p0 $0x70, v12;
	s26 =	sadd.s32 @!p0 s26, s28  }
0xda: {  	[tilespmem:s26+$0x1C300] =	vst.msk @!p0 vm0, v14  }
0xdb: {  	[tilespmem:s26+$0x1C480] =	vst.msk @!p0 vm0, v13  }
0xdc: {  	v13 =	vld @!p0 [tilespmem:s3+$0x80];
	_ =	sdelay $0x3  }
0xdd: {  	s28 =	spop @!p0 (v2sf)  }
0xde: {  	v14 =	vor.u32 @!p0 $0x80, v12;
	s26 =	sadd.s32 @!p0 s26, s28;
	vm0 =	vgt.s32 @!p0 v13, $0xFFFFFFFF  }
0xdf: {  	[tilespmem:s26+$0x1C300] =	vst.msk @!p0 vm0, v14;
	v14 =	vmpcnt.ones.xlane @!p0 vm0  }
0xe0: {  	[tilespmem:s26+$0x1C480] =	vst.msk @!p0 vm0, v13  }
0xe1: {  	(v2sf) =	vpush @!p0 v14, $0x0;
	v13 =	vld @!p0 [tilespmem:s3+$0x90];
	_ =	sdelay $0x4  }
0xe2: {  	vm0 =	vgt.s32 @!p0 v13, $0xFFFFFFFF  }
0xe3: {  	v14 =	vmpcnt.ones.xlane @!p0 vm0;
	_ =	sdelay $0x1  }
0xe4: {  	(v2sf) =	vpush @!p0 v14, $0x0;
	_ =	sdelay $0x6  }
0xe5: {  	s28 =	spop @!p0 (v2sf)  }
0xe6: {  	v14 =	vor.u32 @!p0 $0x90, v12;
	s26 =	sadd.s32 @!p0 s26, s28  }
0xe7: {  	[tilespmem:s26+$0x1C300] =	vst.msk @!p0 vm0, v14  }
0xe8: {  	[tilespmem:s26+$0x1C480] =	vst.msk @!p0 vm0, v13  }
0xe9: {  	v13 =	vld @!p0 [tilespmem:s3+$0xA0];
	_ =	sdelay $0x3  }
0xea: {  	s28 =	spop @!p0 (v2sf)  }
0xeb: {  	v14 =	vor.u32 @!p0 $0xA0, v12;
	s26 =	sadd.s32 @!p0 s26, s28;
	vm0 =	vgt.s32 @!p0 v13, $0xFFFFFFFF  }
0xec: {  	[tilespmem:s26+$0x1C300] =	vst.msk @!p0 vm0, v14;
	v14 =	vmpcnt.ones.xlane @!p0 vm0  }
0xed: {  	[tilespmem:s26+$0x1C480] =	vst.msk @!p0 vm0, v13  }
0xee: {  	(v2sf) =	vpush @!p0 v14, $0x0;
	v13 =	vld @!p0 [tilespmem:s3+$0xB0];
	_ =	sdelay $0x4  }
0xef: {  	vm0 =	vgt.s32 @!p0 v13, $0xFFFFFFFF  }
0xf0: {  	v14 =	vmpcnt.ones.xlane @!p0 vm0;
	_ =	sdelay $0x1  }
0xf1: {  	(v2sf) =	vpush @!p0 v14, $0x0;
	_ =	sdelay $0x6  }
0xf2: {  	s28 =	spop @!p0 (v2sf)  }
0xf3: {  	v14 =	vor.u32 @!p0 $0xB0, v12;
	s26 =	sadd.s32 @!p0 s26, s28  }
0xf4: {  	[tilespmem:s26+$0x1C300] =	vst.msk @!p0 vm0, v14  }
0xf5: {  	[tilespmem:s26+$0x1C480] =	vst.msk @!p0 vm0, v13  }
0xf6: {  	v13 =	vld @!p0 [tilespmem:s3+$0xC0];
	_ =	sdelay $0x3  }
0xf7: {  	s28 =	spop @!p0 (v2sf)  }
0xf8: {  	v14 =	vor.u32 @!p0 $0xC0, v12;
	s26 =	sadd.s32 @!p0 s26, s28;
	vm0 =	vgt.s32 @!p0 v13, $0xFFFFFFFF  }
0xf9: {  	[tilespmem:s26+$0x1C300] =	vst.msk @!p0 vm0, v14;
	v14 =	vmpcnt.ones.xlane @!p0 vm0  }
0xfa: {  	[tilespmem:s26+$0x1C480] =	vst.msk @!p0 vm0, v13  }
0xfb: {  	(v2sf) =	vpush @!p0 v14, $0x0;
	v13 =	vld @!p0 [tilespmem:s3+$0xD0];
	_ =	sdelay $0x4  }
0xfc: {  	vm0 =	vgt.s32 @!p0 v13, $0xFFFFFFFF  }
0xfd: {  	v14 =	vmpcnt.ones.xlane @!p0 vm0;
	_ =	sdelay $0x1  }
0xfe: {  	(v2sf) =	vpush @!p0 v14, $0x0;
	_ =	sdelay $0x6  }
0xff: {  	s28 =	spop @!p0 (v2sf)  }
0x100: {  	v14 =	vor.u32 @!p0 $0xD0, v12;
	s26 =	sadd.s32 @!p0 s26, s28  }
0x101: {  	[tilespmem:s26+$0x1C300] =	vst.msk @!p0 vm0, v14  }
0x102: {  	[tilespmem:s26+$0x1C480] =	vst.msk @!p0 vm0, v13  }
0x103: {  	v13 =	vld @!p0 [tilespmem:s3+$0xE0];
	_ =	sdelay $0x3  }
0x104: {  	s28 =	spop @!p0 (v2sf)  }
0x105: {  	v14 =	vor.u32 @!p0 $0xE0, v12;
	s26 =	sadd.s32 @!p0 s26, s28;
	vm0 =	vgt.s32 @!p0 v13, $0xFFFFFFFF  }
0x106: {  	[tilespmem:s26+$0x1C300] =	vst.msk @!p0 vm0, v14  }
0x107: {  	[tilespmem:s26+$0x1C480] =	vst.msk @!p0 vm0, v13  }
0x108: {  	v13 =	vld @!p0 [tilespmem:s3+$0xF0];
	_ =	sdelay $0x4  }
0x109: {  	v14 =	vmpcnt.ones.xlane @!p0 vm0;
	vm0 =	vgt.s32 @!p0 v13, $0xFFFFFFFF  }
0x10a: {  	v15 =	vmpcnt.ones.xlane @!p0 vm0  }
0x10b: {  	(v2sf) =	vpush @!p0 v14, $0x0  }
0x10c: {  	(v2sf) =	vpush @!p0 v15, $0x0;
	_ =	sdelay $0xd  }
0x10d: {  	s3 =	spop @!p0 (v2sf)  }
0x10e: {  	s26 =	sadd.s32 @!p0 s26, s3;
	s3 =	spop @!p0 (v2sf)  }
0x10f: {  	s3 =	sadd.s32 @!p0 s26, s3  }
0x110: {  	p1 =	slt.s32 @!p0 s3, $0x1  }
0x111: {  	p1 =	por p0, p1  }
.Ltmp11:
0x112: {  	_ = 	snop;
	(pc) =	sbr.rel @p1 .LBB2_17-.Ltmp11, $4  }
0x113: {  	_ = 	snop  }
0x114: {  	v12 =	vor.u32 @!p0 $0xF0, v12  }
0x115: {  	[tilespmem:s26+$0x1C300] =	vst.msk @!p0 vm0, v12  }
0x116: {  	[tilespmem:s26+$0x1C480] =	vst.msk @!p0 vm0, v13;
	s26 =	simm.s32 @!p0 $0x0  }
0x117: {  	v12 =	vld [tilespmem:s25+$0x0];
	_ =	sdelay $0x4  }
0x118: {  	v12 =	vbroadcast v12, $0x0;
	_ =	sdelay $0x1  }
0x119: {  	v13 =	vshll.u32 v12, $0x3  }
0x11a: {  	v12 =	vand.u32 $0x7F, v12;
	v13 =	vand.u32 $0xFFFFFC00, v13  }
0x11b: {  	v12 =	vor.u32 v12, v13  }
0x11c: {  	p0 =	por $0x1, $0x1;
	v13 =	vadd.s32 v4, v12  }
0x11d: {  	v14 =	vld [tilespmem:s15+$0x0];
	s15 =	simm.s32 @!p0 $0x2  }
0x11e: {  	_ =	swait.ge @!p0 [sflag:s15], $0x80  }
0x11f: {  	[sflag:s15] =	ssyncset.done @!p0 $0x0  }
0x120: {  	[sflag:s15] =	ssyncadd.s32 @!p0 $0xFFFFFF80  }
0x121: {  	v13 =	vld.idx.msk [tilespmem:v13+s17+$0x0], $0xffff  }
0x122: {  	v15 =	vadd.s32 v5, v12;
	_ =	sdelay $0x2  }
0x123: {  	s28 =	sand.u32 $0x380, s26  }
0x124: {  	[tilespmem:s28+$0x1C600] =	vst v13  }
0x125: {  	v13 =	vld.idx.msk [tilespmem:v15+s17+$0x0], $0xffff  }
0x126: {  	v60 =	vadd.s32 v6, v12;
	_ =	sdelay $0x3  }
0x127: {  	[tilespmem:s28+$0x1C610] =	vst v13  }
0x128: {  	v13 =	vld.idx.msk [tilespmem:v60+s17+$0x0], $0xffff  }
0x129: {  	v61 =	vadd.s32 v7, v12;
	_ =	sdelay $0x3  }
0x12a: {  	[tilespmem:s28+$0x1C620] =	vst v13  }
0x12b: {  	v13 =	vld.idx.msk [tilespmem:v61+s17+$0x0], $0xffff  }
0x12c: {  	v62 =	vadd.s32 v8, v12;
	_ =	sdelay $0x3  }
0x12d: {  	(v2sf) =	vpush v14, $0x0;
	[tilespmem:s28+$0x1C630] =	vst v13  }
0x12e: {  	v13 =	vld.idx.msk [tilespmem:v62+s17+$0x0], $0xffff  }
0x12f: {  	v63 =	vadd.s32 v9, v12;
	_ =	sdelay $0x3  }
0x130: {  	[tilespmem:s28+$0x1C640] =	vst v13  }
0x131: {  	v13 =	vld.idx.msk [tilespmem:v63+s17+$0x0], $0xffff  }
0x132: {  	v12 =	vadd.s32 v10, v12;
	_ =	sdelay $0x3  }
0x133: {  	[tilespmem:s28+$0x1C650] =	vst v13  }
0x134: {  	p0 =	sgt.s32 s3, $0x1;
	v12 =	vld.idx.msk [tilespmem:v12+s17+$0x0], $0xf  }
.Ltmp12:
0x135: {  	_ = 	snop;
	(pc) =	sbr.rel @!p0 .LBB2_14-.Ltmp12, $4  }
0x136: {  	s31 =	spop (v2sf)  }
0x137: {  	s26 =	simm.s32 $0x1C301;
	s25 =	sshll.u32 s31, $0x4  }
0x138: {  	s30 =	sadd.s32 $0x1C600, s28;
	s15 =	simm.s32 $0x1;
	s29 =	sand.u32 $0x1FFFFFF0, s25  }
0x139: {  	s25 =	simm.s32 $0x1C481;
	s29 =	sadd.s32 s6, s29;
	[tilespmem:s28+$0x1C660] =	vst v12;
	s28 =	simm.s32 $0x80  }
.LBB2_13:
0x13a: {  	[hbm4b:s29+s4] =	stream.linear.scatter [tilespmem:s30], [sflag:$0x2], $0x80, $0x38;
	[tilespmem:$0x1CA00] =	vst v63  }
0x13b: {  	s29 =	smov.u32 s15;
	s15 =	sadd.s32 $0x1, s15;
	v12 =	vld [tilespmem:s26+$0x0]  }
0x13c: {  	p0 =	slt.s32 s15, s3;
	_ =	sdelay $0x3  }
0x13d: {  	v12 =	vbroadcast v12, $0x0;
	_ =	sdelay $0x1  }
0x13e: {  	v13 =	vshll.u32 v12, $0x3  }
0x13f: {  	v12 =	vand.u32 $0x7F, v12;
	v13 =	vand.u32 $0xFFFFFC00, v13  }
0x140: {  	v12 =	vor.u32 v12, v13  }
0x141: {  	p1 =	slt.u32 s29, $0x8;
	v13 =	vadd.s32 v4, v12  }
0x142: {  	s29 =	simm.s32 @!p1 $0x2;
	v14 =	vld [tilespmem:s25+$0x0]  }
0x143: {  	_ =	swait.ge @!p1 [sflag:s29], $0x80  }
0x144: {  	[sflag:s29] =	ssyncset.done @!p1 $0x0  }
0x145: {  	[sflag:s29] =	ssyncadd.s32 @!p1 $0xFFFFFF80  }
0x146: {  	v13 =	vld.idx.msk [tilespmem:v13+s17+$0x0], $0xffff  }
0x147: {  	(v2sf) =	vpush v14, $0x0  }
0x148: {  	v14 =	vadd.s32 v5, v12;
	_ =	sdelay $0x2  }
0x149: {  	s29 =	sand.u32 $0x380, s28  }
0x14a: {  	[tilespmem:s29+$0x1C600] =	vst v13  }
0x14b: {  	v13 =	vld.idx.msk [tilespmem:v14+s17+$0x0], $0xffff;
	_ =	sdelay $0x1  }
0x14c: {  	v14 =	vadd.s32 v6, v12;
	_ =	sdelay $0x3  }
0x14d: {  	[tilespmem:s29+$0x1C610] =	vst v13  }
0x14e: {  	v13 =	vld.idx.msk [tilespmem:v14+s17+$0x0], $0xffff;
	_ =	sdelay $0x1  }
0x14f: {  	v14 =	vadd.s32 v7, v12;
	s30 =	spop (v2sf)  }
0x150: {  	s30 =	sshll.u32 s30, $0x4  }
0x151: {  	s31 =	sand.u32 $0x1FFFFFF0, s30;
	_ =	sdelay $0x1  }
0x152: {  	[tilespmem:s29+$0x1C620] =	vst v13  }
0x153: {  	v13 =	vld.idx.msk [tilespmem:v14+s17+$0x0], $0xffff;
	_ =	sdelay $0x1  }
0x154: {  	v14 =	vadd.s32 v8, v12;
	_ =	sdelay $0x3  }
0x155: {  	[tilespmem:s29+$0x1C630] =	vst v13  }
0x156: {  	v13 =	vld.idx.msk [tilespmem:v14+s17+$0x0], $0xffff;
	_ =	sdelay $0x1  }
0x157: {  	v14 =	vadd.s32 v9, v12;
	_ =	sdelay $0x3  }
0x158: {  	[tilespmem:s29+$0x1C640] =	vst v13  }
0x159: {  	v13 =	vld.idx.msk [tilespmem:v14+s17+$0x0], $0xffff;
	_ =	sdelay $0x1  }
0x15a: {  	v12 =	vadd.s32 v10, v12;
	_ =	sdelay $0x3  }
0x15b: {  	[tilespmem:s29+$0x1C650] =	vst v13  }
0x15c: {  	v12 =	vld.idx.msk [tilespmem:v12+s17+$0x0], $0xf;
	_ =	sdelay $0x1  }
.Ltmp13:
0x15d: {  	(pc) =	sbr.rel @p0 .LBB2_13-.Ltmp13, $3  }
0x15e: {  	_ =	sdelay $0x1  }
0x15f: {  	s26 =	sadd.s32 $0x1, s26;
	s25 =	sadd.s32 $0x1, s25  }
0x160: {  	s28 =	sadd.s32 $0x80, s28;
	s30 =	sadd.s32 $0x1C600, s29;
	[tilespmem:s29+$0x1C660] =	vst v12;
	s29 =	sadd.s32 s6, s31  }
.LBB2_14:
0x161: {  	s3 =	smin.u32 s3, $0x8  }
0x162: {  	p0 =	sne.s32 s3, $0x1  }
.Ltmp14:
0x163: {  	_ = 	snop;
	(pc) =	sbr.rel @!p0 .LBB2_16-.Ltmp14, $4  }
0x164: {  	_ = 	snop  }
0x165: {  	[hbm4b:s29+s4] =	stream.linear.scatter [tilespmem:s30], [sflag:$0x2], $0x80, $0x38;
	[tilespmem:$0x1CA00] =	vst v63  }
0x166: {  	_ =	swait.ge [sflag:s19], $0x80  }
0x167: {  	s3 =	sadd.s32 $0xFFFFFFFF, s3;
	[sflag:s19] =	ssyncset.done $0x0  }
.LBB2_15:
0x168: {  	p0 =	sne.s32 s3, $0x1;
	s3 =	sadd.s32 $0xFFFFFFFF, s3;
	[sflag:s19] =	ssyncadd.s32 $0xFFFFFF80  }
.Ltmp15:
0x169: {  	(pc) =	sbr.rel @p0 .LBB2_15-.Ltmp15, $3  }
0x16a: {  	_ =	sdelay $0x1  }
0x16b: {  	_ =	swait.ge [sflag:s19], $0x80  }
0x16c: {  	[sflag:s19] =	ssyncset.done $0x0  }
.LBB2_16:
0x16d: {  	[sflag:s19] =	ssyncadd.s32 $0xFFFFFF80  }
.LBB2_17:
0x16e: {  	s3 =	sadd.s32 $0x1, s24  }
0x16f: {  	p0 =	sge.u32 s3, s7  }
0x170: {  	s15 =	sadd.s32 @!p0 $0x3, s24  }
0x171: {  	p1 =	sge.u32 @!p0 s15, s7  }
0x172: {  	s25 =	simm.s32 @!p0 $0x1;
	p1 =	por p1, p0  }
0x173: {  	s3 =	sshll.u32 @!p0 s3, $0x8;
	_ =	swait.ge @!p0 [sflag:s25], $0x6800;
	s15 =	sadd.s32 @!p1 s5, s15  }
0x174: {  	s3 =	sand.u32 @!p0 $0x3FFFFF00, s3;
	[sflag:s25] =	ssyncset.done @!p0 $0x0;
	s15 =	sshll.u32 @!p1 s15, $0x8  }
0x175: {  	[sflag:s25] =	ssyncadd.s32 @!p0 $0xFFFF9800;
	s25 =	simm.s32 @!p1 $0x800;
	s15 =	sand.u32 @!p1 $0x1FFFFF00, s15  }
0x176: {  	s26 =	simm.s32 @!p1 $0x7A1400;
	s28 =	simm.s32 @!p1 $0x8B00;
	s15 =	sadd.s32 @!p1 s1, s15  }
0x177: {  	[tilespmem:s28], [sflag:$0x1] =	stream.strided.gather @!p1 [hbm4b:s15+s25], $0x6800, s26, s25, $0x38;
	[tilespmem:$0x1CA00] =	vst v63  }
0x178: {  	v13 =	vld @!p0 [tilespmem:s3+$0x0];
	_ =	sdelay $0x4  }
0x179: {  	v12 =	vlaneseq.u32 @!p0;
	s25 =	simm.s32 @!p0 $0x1C300;
	vm0 =	vgt.s32 @!p0 v13, $0xFFFFFFFF  }
0x17a: {  	s15 =	simm.s32 @!p0 $0x1C480;
	[tilespmem:s25+$0x0] =	vst.msk @!p0 vm0, v12  }
0x17b: {  	[tilespmem:s15+$0x0] =	vst.msk @!p0 vm0, v13;
	v13 =	vmpcnt.ones.xlane @!p0 vm0  }
0x17c: {  	v14 =	vld @!p0 [tilespmem:s3+$0x10]  }
0x17d: {  	(v2sf) =	vpush @!p0 v13, $0x0;
	_ =	sdelay $0x3  }
0x17e: {  	vm0 =	vgt.s32 @!p0 v14, $0xFFFFFFFF  }
0x17f: {  	v13 =	vmpcnt.ones.xlane @!p0 vm0;
	_ =	sdelay $0x1  }
0x180: {  	(v2sf) =	vpush @!p0 v13, $0x0;
	_ =	sdelay $0x7  }
0x181: {  	v13 =	vor.u32 @!p0 $0x10, v12;
	s26 =	spop @!p0 (v2sf)  }
0x182: {  	[tilespmem:s26+$0x1C300] =	vst.msk @!p0 vm0, v13  }
0x183: {  	[tilespmem:s26+$0x1C480] =	vst.msk @!p0 vm0, v14  }
0x184: {  	v13 =	vld @!p0 [tilespmem:s3+$0x20];
	_ =	sdelay $0x3  }
0x185: {  	s28 =	spop @!p0 (v2sf)  }
0x186: {  	v14 =	vor.u32 @!p0 $0x20, v12;
	s26 =	sadd.s32 @!p0 s26, s28;
	vm0 =	vgt.s32 @!p0 v13, $0xFFFFFFFF  }
0x187: {  	[tilespmem:s26+$0x1C300] =	vst.msk @!p0 vm0, v14;
	v14 =	vmpcnt.ones.xlane @!p0 vm0  }
0x188: {  	[tilespmem:s26+$0x1C480] =	vst.msk @!p0 vm0, v13  }
0x189: {  	(v2sf) =	vpush @!p0 v14, $0x0;
	v13 =	vld @!p0 [tilespmem:s3+$0x30];
	_ =	sdelay $0x4  }
0x18a: {  	vm0 =	vgt.s32 @!p0 v13, $0xFFFFFFFF  }
0x18b: {  	v14 =	vmpcnt.ones.xlane @!p0 vm0;
	_ =	sdelay $0x1  }
0x18c: {  	(v2sf) =	vpush @!p0 v14, $0x0;
	_ =	sdelay $0x6  }
0x18d: {  	s28 =	spop @!p0 (v2sf)  }
0x18e: {  	v14 =	vor.u32 @!p0 $0x30, v12;
	s26 =	sadd.s32 @!p0 s26, s28  }
0x18f: {  	[tilespmem:s26+$0x1C300] =	vst.msk @!p0 vm0, v14  }
0x190: {  	[tilespmem:s26+$0x1C480] =	vst.msk @!p0 vm0, v13  }
0x191: {  	v13 =	vld @!p0 [tilespmem:s3+$0x40];
	_ =	sdelay $0x3  }
0x192: {  	s28 =	spop @!p0 (v2sf)  }
0x193: {  	v14 =	vor.u32 @!p0 $0x40, v12;
	s26 =	sadd.s32 @!p0 s26, s28;
	vm0 =	vgt.s32 @!p0 v13, $0xFFFFFFFF  }
0x194: {  	[tilespmem:s26+$0x1C300] =	vst.msk @!p0 vm0, v14;
	v14 =	vmpcnt.ones.xlane @!p0 vm0  }
0x195: {  	[tilespmem:s26+$0x1C480] =	vst.msk @!p0 vm0, v13  }
0x196: {  	(v2sf) =	vpush @!p0 v14, $0x0;
	v13 =	vld @!p0 [tilespmem:s3+$0x50];
	_ =	sdelay $0x4  }
0x197: {  	vm0 =	vgt.s32 @!p0 v13, $0xFFFFFFFF  }
0x198: {  	v14 =	vmpcnt.ones.xlane @!p0 vm0;
	_ =	sdelay $0x1  }
0x199: {  	(v2sf) =	vpush @!p0 v14, $0x0;
	_ =	sdelay $0x6  }
0x19a: {  	s28 =	spop @!p0 (v2sf)  }
0x19b: {  	v14 =	vor.u32 @!p0 $0x50, v12;
	s26 =	sadd.s32 @!p0 s26, s28  }
0x19c: {  	[tilespmem:s26+$0x1C300] =	vst.msk @!p0 vm0, v14  }
0x19d: {  	[tilespmem:s26+$0x1C480] =	vst.msk @!p0 vm0, v13  }
0x19e: {  	v13 =	vld @!p0 [tilespmem:s3+$0x60];
	_ =	sdelay $0x3  }
0x19f: {  	s28 =	spop @!p0 (v2sf)  }
0x1a0: {  	v14 =	vor.u32 @!p0 $0x60, v12;
	s26 =	sadd.s32 @!p0 s26, s28;
	vm0 =	vgt.s32 @!p0 v13, $0xFFFFFFFF  }
0x1a1: {  	[tilespmem:s26+$0x1C300] =	vst.msk @!p0 vm0, v14;
	v14 =	vmpcnt.ones.xlane @!p0 vm0  }
0x1a2: {  	[tilespmem:s26+$0x1C480] =	vst.msk @!p0 vm0, v13  }
0x1a3: {  	(v2sf) =	vpush @!p0 v14, $0x0;
	v13 =	vld @!p0 [tilespmem:s3+$0x70];
	_ =	sdelay $0x4  }
0x1a4: {  	vm0 =	vgt.s32 @!p0 v13, $0xFFFFFFFF  }
0x1a5: {  	v14 =	vmpcnt.ones.xlane @!p0 vm0;
	_ =	sdelay $0x1  }
0x1a6: {  	(v2sf) =	vpush @!p0 v14, $0x0;
	_ =	sdelay $0x6  }
0x1a7: {  	s28 =	spop @!p0 (v2sf)  }
0x1a8: {  	v14 =	vor.u32 @!p0 $0x70, v12;
	s26 =	sadd.s32 @!p0 s26, s28  }
0x1a9: {  	[tilespmem:s26+$0x1C300] =	vst.msk @!p0 vm0, v14  }
0x1aa: {  	[tilespmem:s26+$0x1C480] =	vst.msk @!p0 vm0, v13  }
0x1ab: {  	v13 =	vld @!p0 [tilespmem:s3+$0x80];
	_ =	sdelay $0x3  }
0x1ac: {  	s28 =	spop @!p0 (v2sf)  }
0x1ad: {  	v14 =	vor.u32 @!p0 $0x80, v12;
	s26 =	sadd.s32 @!p0 s26, s28;
	vm0 =	vgt.s32 @!p0 v13, $0xFFFFFFFF  }
0x1ae: {  	[tilespmem:s26+$0x1C300] =	vst.msk @!p0 vm0, v14;
	v14 =	vmpcnt.ones.xlane @!p0 vm0  }
0x1af: {  	[tilespmem:s26+$0x1C480] =	vst.msk @!p0 vm0, v13  }
0x1b0: {  	(v2sf) =	vpush @!p0 v14, $0x0;
	v13 =	vld @!p0 [tilespmem:s3+$0x90];
	_ =	sdelay $0x4  }
0x1b1: {  	vm0 =	vgt.s32 @!p0 v13, $0xFFFFFFFF  }
0x1b2: {  	v14 =	vmpcnt.ones.xlane @!p0 vm0;
	_ =	sdelay $0x1  }
0x1b3: {  	(v2sf) =	vpush @!p0 v14, $0x0;
	_ =	sdelay $0x6  }
0x1b4: {  	s28 =	spop @!p0 (v2sf)  }
0x1b5: {  	v14 =	vor.u32 @!p0 $0x90, v12;
	s26 =	sadd.s32 @!p0 s26, s28  }
0x1b6: {  	[tilespmem:s26+$0x1C300] =	vst.msk @!p0 vm0, v14  }
0x1b7: {  	[tilespmem:s26+$0x1C480] =	vst.msk @!p0 vm0, v13  }
0x1b8: {  	v13 =	vld @!p0 [tilespmem:s3+$0xA0];
	_ =	sdelay $0x3  }
0x1b9: {  	s28 =	spop @!p0 (v2sf)  }
0x1ba: {  	v14 =	vor.u32 @!p0 $0xA0, v12;
	s26 =	sadd.s32 @!p0 s26, s28;
	vm0 =	vgt.s32 @!p0 v13, $0xFFFFFFFF  }
0x1bb: {  	[tilespmem:s26+$0x1C300] =	vst.msk @!p0 vm0, v14;
	v14 =	vmpcnt.ones.xlane @!p0 vm0  }
0x1bc: {  	[tilespmem:s26+$0x1C480] =	vst.msk @!p0 vm0, v13  }
0x1bd: {  	(v2sf) =	vpush @!p0 v14, $0x0;
	v13 =	vld @!p0 [tilespmem:s3+$0xB0];
	_ =	sdelay $0x4  }
0x1be: {  	vm0 =	vgt.s32 @!p0 v13, $0xFFFFFFFF  }
0x1bf: {  	v14 =	vmpcnt.ones.xlane @!p0 vm0;
	_ =	sdelay $0x1  }
0x1c0: {  	(v2sf) =	vpush @!p0 v14, $0x0;
	_ =	sdelay $0x6  }
0x1c1: {  	s28 =	spop @!p0 (v2sf)  }
0x1c2: {  	v14 =	vor.u32 @!p0 $0xB0, v12;
	s26 =	sadd.s32 @!p0 s26, s28  }
0x1c3: {  	[tilespmem:s26+$0x1C300] =	vst.msk @!p0 vm0, v14  }
0x1c4: {  	[tilespmem:s26+$0x1C480] =	vst.msk @!p0 vm0, v13  }
0x1c5: {  	v13 =	vld @!p0 [tilespmem:s3+$0xC0];
	_ =	sdelay $0x3  }
0x1c6: {  	s28 =	spop @!p0 (v2sf)  }
0x1c7: {  	v14 =	vor.u32 @!p0 $0xC0, v12;
	s26 =	sadd.s32 @!p0 s26, s28;
	vm0 =	vgt.s32 @!p0 v13, $0xFFFFFFFF  }
0x1c8: {  	[tilespmem:s26+$0x1C300] =	vst.msk @!p0 vm0, v14;
	v14 =	vmpcnt.ones.xlane @!p0 vm0  }
0x1c9: {  	[tilespmem:s26+$0x1C480] =	vst.msk @!p0 vm0, v13  }
0x1ca: {  	(v2sf) =	vpush @!p0 v14, $0x0;
	v13 =	vld @!p0 [tilespmem:s3+$0xD0];
	_ =	sdelay $0x4  }
0x1cb: {  	vm0 =	vgt.s32 @!p0 v13, $0xFFFFFFFF  }
0x1cc: {  	v14 =	vmpcnt.ones.xlane @!p0 vm0;
	_ =	sdelay $0x1  }
0x1cd: {  	(v2sf) =	vpush @!p0 v14, $0x0;
	_ =	sdelay $0x6  }
0x1ce: {  	s28 =	spop @!p0 (v2sf)  }
0x1cf: {  	v14 =	vor.u32 @!p0 $0xD0, v12;
	s26 =	sadd.s32 @!p0 s26, s28  }
0x1d0: {  	[tilespmem:s26+$0x1C300] =	vst.msk @!p0 vm0, v14  }
0x1d1: {  	[tilespmem:s26+$0x1C480] =	vst.msk @!p0 vm0, v13  }
0x1d2: {  	v13 =	vld @!p0 [tilespmem:s3+$0xE0];
	_ =	sdelay $0x3  }
0x1d3: {  	s28 =	spop @!p0 (v2sf)  }
0x1d4: {  	v14 =	vor.u32 @!p0 $0xE0, v12;
	s26 =	sadd.s32 @!p0 s26, s28;
	vm0 =	vgt.s32 @!p0 v13, $0xFFFFFFFF  }
0x1d5: {  	[tilespmem:s26+$0x1C300] =	vst.msk @!p0 vm0, v14  }
0x1d6: {  	[tilespmem:s26+$0x1C480] =	vst.msk @!p0 vm0, v13  }
0x1d7: {  	v13 =	vld @!p0 [tilespmem:s3+$0xF0];
	_ =	sdelay $0x4  }
0x1d8: {  	v14 =	vmpcnt.ones.xlane @!p0 vm0;
	vm0 =	vgt.s32 @!p0 v13, $0xFFFFFFFF  }
0x1d9: {  	v15 =	vmpcnt.ones.xlane @!p0 vm0  }
0x1da: {  	(v2sf) =	vpush @!p0 v14, $0x0  }
0x1db: {  	(v2sf) =	vpush @!p0 v15, $0x0;
	_ =	sdelay $0xd  }
0x1dc: {  	s3 =	spop @!p0 (v2sf)  }
0x1dd: {  	s26 =	sadd.s32 @!p0 s26, s3;
	s3 =	spop @!p0 (v2sf)  }
0x1de: {  	s3 =	sadd.s32 @!p0 s26, s3  }
0x1df: {  	p1 =	slt.s32 @!p0 s3, $0x1  }
0x1e0: {  	p1 =	por p0, p1  }
.Ltmp16:
0x1e1: {  	_ = 	snop;
	(pc) =	sbr.rel @p1 .LBB2_23-.Ltmp16, $4  }
0x1e2: {  	_ = 	snop  }
0x1e3: {  	v12 =	vor.u32 @!p0 $0xF0, v12  }
0x1e4: {  	[tilespmem:s26+$0x1C300] =	vst.msk @!p0 vm0, v12  }
0x1e5: {  	[tilespmem:s26+$0x1C480] =	vst.msk @!p0 vm0, v13;
	s26 =	simm.s32 @!p0 $0x0  }
0x1e6: {  	v12 =	vld [tilespmem:s25+$0x0];
	_ =	sdelay $0x4  }
0x1e7: {  	v12 =	vbroadcast v12, $0x0;
	_ =	sdelay $0x1  }
0x1e8: {  	v13 =	vshll.u32 v12, $0x3  }
0x1e9: {  	v12 =	vand.u32 $0x7F, v12;
	v13 =	vand.u32 $0xFFFFFC00, v13  }
0x1ea: {  	v12 =	vor.u32 v12, v13  }
0x1eb: {  	p0 =	por $0x1, $0x1;
	v13 =	vadd.s32 v4, v12  }
0x1ec: {  	v14 =	vld [tilespmem:s15+$0x0];
	s15 =	simm.s32 @!p0 $0x2  }
0x1ed: {  	_ =	swait.ge @!p0 [sflag:s15], $0x80  }
0x1ee: {  	[sflag:s15] =	ssyncset.done @!p0 $0x0  }
0x1ef: {  	[sflag:s15] =	ssyncadd.s32 @!p0 $0xFFFFFF80  }
0x1f0: {  	v13 =	vld.idx.msk [tilespmem:v13+s18+$0x0], $0xffff  }
0x1f1: {  	v15 =	vadd.s32 v5, v12;
	_ =	sdelay $0x2  }
0x1f2: {  	s28 =	sand.u32 $0x380, s26  }
0x1f3: {  	[tilespmem:s28+$0x1C600] =	vst v13  }
0x1f4: {  	v13 =	vld.idx.msk [tilespmem:v15+s18+$0x0], $0xffff  }
0x1f5: {  	v60 =	vadd.s32 v6, v12;
	_ =	sdelay $0x3  }
0x1f6: {  	[tilespmem:s28+$0x1C610] =	vst v13  }
0x1f7: {  	v13 =	vld.idx.msk [tilespmem:v60+s18+$0x0], $0xffff  }
0x1f8: {  	v61 =	vadd.s32 v7, v12;
	_ =	sdelay $0x3  }
0x1f9: {  	[tilespmem:s28+$0x1C620] =	vst v13  }
0x1fa: {  	v13 =	vld.idx.msk [tilespmem:v61+s18+$0x0], $0xffff  }
0x1fb: {  	v62 =	vadd.s32 v8, v12;
	_ =	sdelay $0x3  }
0x1fc: {  	(v2sf) =	vpush v14, $0x0;
	[tilespmem:s28+$0x1C630] =	vst v13  }
0x1fd: {  	v13 =	vld.idx.msk [tilespmem:v62+s18+$0x0], $0xffff  }
0x1fe: {  	v63 =	vadd.s32 v9, v12;
	_ =	sdelay $0x3  }
0x1ff: {  	[tilespmem:s28+$0x1C640] =	vst v13  }
0x200: {  	v13 =	vld.idx.msk [tilespmem:v63+s18+$0x0], $0xffff  }
0x201: {  	v12 =	vadd.s32 v10, v12;
	_ =	sdelay $0x3  }
0x202: {  	[tilespmem:s28+$0x1C650] =	vst v13  }
0x203: {  	p0 =	sgt.s32 s3, $0x1;
	v12 =	vld.idx.msk [tilespmem:v12+s18+$0x0], $0xf  }
.Ltmp17:
0x204: {  	_ = 	snop;
	(pc) =	sbr.rel @!p0 .LBB2_20-.Ltmp17, $4  }
0x205: {  	s31 =	spop (v2sf)  }
0x206: {  	s26 =	simm.s32 $0x1C301;
	s25 =	sshll.u32 s31, $0x4  }
0x207: {  	s30 =	sadd.s32 $0x1C600, s28;
	s15 =	simm.s32 $0x1;
	s29 =	sand.u32 $0x1FFFFFF0, s25  }
0x208: {  	s25 =	simm.s32 $0x1C481;
	s29 =	sadd.s32 s6, s29;
	[tilespmem:s28+$0x1C660] =	vst v12;
	s28 =	simm.s32 $0x80  }
.LBB2_19:
0x209: {  	[hbm4b:s29+s4] =	stream.linear.scatter [tilespmem:s30], [sflag:$0x2], $0x80, $0x38;
	[tilespmem:$0x1CA00] =	vst v63  }
0x20a: {  	s29 =	smov.u32 s15;
	s15 =	sadd.s32 $0x1, s15;
	v12 =	vld [tilespmem:s26+$0x0]  }
0x20b: {  	p0 =	slt.s32 s15, s3;
	_ =	sdelay $0x3  }
0x20c: {  	v12 =	vbroadcast v12, $0x0;
	_ =	sdelay $0x1  }
0x20d: {  	v13 =	vshll.u32 v12, $0x3  }
0x20e: {  	v12 =	vand.u32 $0x7F, v12;
	v13 =	vand.u32 $0xFFFFFC00, v13  }
0x20f: {  	v12 =	vor.u32 v12, v13  }
0x210: {  	p1 =	slt.u32 s29, $0x8;
	v13 =	vadd.s32 v4, v12  }
0x211: {  	s29 =	simm.s32 @!p1 $0x2;
	v14 =	vld [tilespmem:s25+$0x0]  }
0x212: {  	_ =	swait.ge @!p1 [sflag:s29], $0x80  }
0x213: {  	[sflag:s29] =	ssyncset.done @!p1 $0x0  }
0x214: {  	[sflag:s29] =	ssyncadd.s32 @!p1 $0xFFFFFF80  }
0x215: {  	v13 =	vld.idx.msk [tilespmem:v13+s18+$0x0], $0xffff  }
0x216: {  	(v2sf) =	vpush v14, $0x0  }
0x217: {  	v14 =	vadd.s32 v5, v12;
	_ =	sdelay $0x2  }
0x218: {  	s29 =	sand.u32 $0x380, s28  }
0x219: {  	[tilespmem:s29+$0x1C600] =	vst v13  }
0x21a: {  	v13 =	vld.idx.msk [tilespmem:v14+s18+$0x0], $0xffff;
	_ =	sdelay $0x1  }
0x21b: {  	v14 =	vadd.s32 v6, v12;
	_ =	sdelay $0x3  }
0x21c: {  	[tilespmem:s29+$0x1C610] =	vst v13  }
0x21d: {  	v13 =	vld.idx.msk [tilespmem:v14+s18+$0x0], $0xffff;
	_ =	sdelay $0x1  }
0x21e: {  	v14 =	vadd.s32 v7, v12;
	s30 =	spop (v2sf)  }
0x21f: {  	s30 =	sshll.u32 s30, $0x4  }
0x220: {  	s31 =	sand.u32 $0x1FFFFFF0, s30;
	_ =	sdelay $0x1  }
0x221: {  	[tilespmem:s29+$0x1C620] =	vst v13  }
0x222: {  	v13 =	vld.idx.msk [tilespmem:v14+s18+$0x0], $0xffff;
	_ =	sdelay $0x1  }
0x223: {  	v14 =	vadd.s32 v8, v12;
	_ =	sdelay $0x3  }
0x224: {  	[tilespmem:s29+$0x1C630] =	vst v13  }
0x225: {  	v13 =	vld.idx.msk [tilespmem:v14+s18+$0x0], $0xffff;
	_ =	sdelay $0x1  }
0x226: {  	v14 =	vadd.s32 v9, v12;
	_ =	sdelay $0x3  }
0x227: {  	[tilespmem:s29+$0x1C640] =	vst v13  }
0x228: {  	v13 =	vld.idx.msk [tilespmem:v14+s18+$0x0], $0xffff;
	_ =	sdelay $0x1  }
0x229: {  	v12 =	vadd.s32 v10, v12;
	_ =	sdelay $0x3  }
0x22a: {  	[tilespmem:s29+$0x1C650] =	vst v13  }
0x22b: {  	v12 =	vld.idx.msk [tilespmem:v12+s18+$0x0], $0xf;
	_ =	sdelay $0x1  }
.Ltmp18:
0x22c: {  	(pc) =	sbr.rel @p0 .LBB2_19-.Ltmp18, $3  }
0x22d: {  	_ =	sdelay $0x1  }
0x22e: {  	s26 =	sadd.s32 $0x1, s26;
	s25 =	sadd.s32 $0x1, s25  }
0x22f: {  	s28 =	sadd.s32 $0x80, s28;
	s30 =	sadd.s32 $0x1C600, s29;
	[tilespmem:s29+$0x1C660] =	vst v12;
	s29 =	sadd.s32 s6, s31  }
.LBB2_20:
0x230: {  	s3 =	smin.u32 s3, $0x8  }
0x231: {  	p0 =	sne.s32 s3, $0x1  }
.Ltmp19:
0x232: {  	_ = 	snop;
	(pc) =	sbr.rel @!p0 .LBB2_22-.Ltmp19, $4  }
0x233: {  	_ = 	snop  }
0x234: {  	[hbm4b:s29+s4] =	stream.linear.scatter [tilespmem:s30], [sflag:$0x2], $0x80, $0x38;
	[tilespmem:$0x1CA00] =	vst v63  }
0x235: {  	_ =	swait.ge [sflag:s19], $0x80  }
0x236: {  	s3 =	sadd.s32 $0xFFFFFFFF, s3;
	[sflag:s19] =	ssyncset.done $0x0  }
.LBB2_21:
0x237: {  	p0 =	sne.s32 s3, $0x1;
	s3 =	sadd.s32 $0xFFFFFFFF, s3;
	[sflag:s19] =	ssyncadd.s32 $0xFFFFFF80  }
.Ltmp20:
0x238: {  	(pc) =	sbr.rel @p0 .LBB2_21-.Ltmp20, $3  }
0x239: {  	_ =	sdelay $0x1  }
0x23a: {  	_ =	swait.ge [sflag:s19], $0x80  }
0x23b: {  	[sflag:s19] =	ssyncset.done $0x0  }
.LBB2_22:
0x23c: {  	[sflag:s19] =	ssyncadd.s32 $0xFFFFFF80  }
.LBB2_23:
0x23d: {  	s3 =	sadd.s32 $0x2, s24  }
0x23e: {  	p0 =	sge.u32 s3, s7  }
0x23f: {  	s15 =	sadd.s32 @!p0 $0x4, s24  }
0x240: {  	p1 =	sge.u32 @!p0 s15, s7  }
0x241: {  	s24 =	simm.s32 @!p0 $0x1;
	p1 =	por p1, p0  }
0x242: {  	s3 =	sshll.u32 @!p0 s3, $0x8;
	_ =	swait.ge @!p0 [sflag:s24], $0x6800;
	s15 =	sadd.s32 @!p1 s5, s15  }
0x243: {  	s3 =	sand.u32 @!p0 $0x3FFFFF00, s3;
	[sflag:s24] =	ssyncset.done @!p0 $0x0;
	s15 =	sshll.u32 @!p1 s15, $0x8  }
0x244: {  	[sflag:s24] =	ssyncadd.s32 @!p0 $0xFFFF9800;
	s24 =	simm.s32 @!p1 $0x800;
	s15 =	sand.u32 @!p1 $0x1FFFFF00, s15  }
0x245: {  	s25 =	simm.s32 @!p1 $0x7A1400;
	s26 =	simm.s32 @!p1 $0xF300;
	s15 =	sadd.s32 @!p1 s1, s15  }
0x246: {  	[tilespmem:s26], [sflag:$0x1] =	stream.strided.gather @!p1 [hbm4b:s15+s24], $0x6800, s25, s24, $0x38;
	[tilespmem:$0x1CA00] =	vst v63  }
0x247: {  	v13 =	vld @!p0 [tilespmem:s3+$0x0];
	_ =	sdelay $0x4  }
0x248: {  	v12 =	vlaneseq.u32 @!p0;
	s24 =	simm.s32 @!p0 $0x1C300;
	vm0 =	vgt.s32 @!p0 v13, $0xFFFFFFFF  }
0x249: {  	s15 =	simm.s32 @!p0 $0x1C480;
	[tilespmem:s24+$0x0] =	vst.msk @!p0 vm0, v12  }
0x24a: {  	[tilespmem:s15+$0x0] =	vst.msk @!p0 vm0, v13;
	v13 =	vmpcnt.ones.xlane @!p0 vm0  }
0x24b: {  	v14 =	vld @!p0 [tilespmem:s3+$0x10]  }
0x24c: {  	(v2sf) =	vpush @!p0 v13, $0x0;
	_ =	sdelay $0x3  }
0x24d: {  	vm0 =	vgt.s32 @!p0 v14, $0xFFFFFFFF  }
0x24e: {  	v13 =	vmpcnt.ones.xlane @!p0 vm0;
	_ =	sdelay $0x1  }
0x24f: {  	(v2sf) =	vpush @!p0 v13, $0x0;
	_ =	sdelay $0x7  }
0x250: {  	v13 =	vor.u32 @!p0 $0x10, v12;
	s25 =	spop @!p0 (v2sf)  }
0x251: {  	[tilespmem:s25+$0x1C300] =	vst.msk @!p0 vm0, v13  }
0x252: {  	[tilespmem:s25+$0x1C480] =	vst.msk @!p0 vm0, v14  }
0x253: {  	v13 =	vld @!p0 [tilespmem:s3+$0x20];
	_ =	sdelay $0x3  }
0x254: {  	s26 =	spop @!p0 (v2sf)  }
0x255: {  	v14 =	vor.u32 @!p0 $0x20, v12;
	s25 =	sadd.s32 @!p0 s25, s26;
	vm0 =	vgt.s32 @!p0 v13, $0xFFFFFFFF  }
0x256: {  	[tilespmem:s25+$0x1C300] =	vst.msk @!p0 vm0, v14;
	v14 =	vmpcnt.ones.xlane @!p0 vm0  }
0x257: {  	[tilespmem:s25+$0x1C480] =	vst.msk @!p0 vm0, v13  }
0x258: {  	(v2sf) =	vpush @!p0 v14, $0x0;
	v13 =	vld @!p0 [tilespmem:s3+$0x30];
	_ =	sdelay $0x4  }
0x259: {  	vm0 =	vgt.s32 @!p0 v13, $0xFFFFFFFF  }
0x25a: {  	v14 =	vmpcnt.ones.xlane @!p0 vm0;
	_ =	sdelay $0x1  }
0x25b: {  	(v2sf) =	vpush @!p0 v14, $0x0;
	_ =	sdelay $0x6  }
0x25c: {  	s26 =	spop @!p0 (v2sf)  }
0x25d: {  	v14 =	vor.u32 @!p0 $0x30, v12;
	s25 =	sadd.s32 @!p0 s25, s26  }
0x25e: {  	[tilespmem:s25+$0x1C300] =	vst.msk @!p0 vm0, v14  }
0x25f: {  	[tilespmem:s25+$0x1C480] =	vst.msk @!p0 vm0, v13  }
0x260: {  	v13 =	vld @!p0 [tilespmem:s3+$0x40];
	_ =	sdelay $0x3  }
0x261: {  	s26 =	spop @!p0 (v2sf)  }
0x262: {  	v14 =	vor.u32 @!p0 $0x40, v12;
	s25 =	sadd.s32 @!p0 s25, s26;
	vm0 =	vgt.s32 @!p0 v13, $0xFFFFFFFF  }
0x263: {  	[tilespmem:s25+$0x1C300] =	vst.msk @!p0 vm0, v14;
	v14 =	vmpcnt.ones.xlane @!p0 vm0  }
0x264: {  	[tilespmem:s25+$0x1C480] =	vst.msk @!p0 vm0, v13  }
0x265: {  	(v2sf) =	vpush @!p0 v14, $0x0;
	v13 =	vld @!p0 [tilespmem:s3+$0x50];
	_ =	sdelay $0x4  }
0x266: {  	vm0 =	vgt.s32 @!p0 v13, $0xFFFFFFFF  }
0x267: {  	v14 =	vmpcnt.ones.xlane @!p0 vm0;
	_ =	sdelay $0x1  }
0x268: {  	(v2sf) =	vpush @!p0 v14, $0x0;
	_ =	sdelay $0x6  }
0x269: {  	s26 =	spop @!p0 (v2sf)  }
0x26a: {  	v14 =	vor.u32 @!p0 $0x50, v12;
	s25 =	sadd.s32 @!p0 s25, s26  }
0x26b: {  	[tilespmem:s25+$0x1C300] =	vst.msk @!p0 vm0, v14  }
0x26c: {  	[tilespmem:s25+$0x1C480] =	vst.msk @!p0 vm0, v13  }
0x26d: {  	v13 =	vld @!p0 [tilespmem:s3+$0x60];
	_ =	sdelay $0x3  }
0x26e: {  	s26 =	spop @!p0 (v2sf)  }
0x26f: {  	v14 =	vor.u32 @!p0 $0x60, v12;
	s25 =	sadd.s32 @!p0 s25, s26;
	vm0 =	vgt.s32 @!p0 v13, $0xFFFFFFFF  }
0x270: {  	[tilespmem:s25+$0x1C300] =	vst.msk @!p0 vm0, v14;
	v14 =	vmpcnt.ones.xlane @!p0 vm0  }
0x271: {  	[tilespmem:s25+$0x1C480] =	vst.msk @!p0 vm0, v13  }
0x272: {  	(v2sf) =	vpush @!p0 v14, $0x0;
	v13 =	vld @!p0 [tilespmem:s3+$0x70];
	_ =	sdelay $0x4  }
0x273: {  	vm0 =	vgt.s32 @!p0 v13, $0xFFFFFFFF  }
0x274: {  	v14 =	vmpcnt.ones.xlane @!p0 vm0;
	_ =	sdelay $0x1  }
0x275: {  	(v2sf) =	vpush @!p0 v14, $0x0;
	_ =	sdelay $0x6  }
0x276: {  	s26 =	spop @!p0 (v2sf)  }
0x277: {  	v14 =	vor.u32 @!p0 $0x70, v12;
	s25 =	sadd.s32 @!p0 s25, s26  }
0x278: {  	[tilespmem:s25+$0x1C300] =	vst.msk @!p0 vm0, v14  }
0x279: {  	[tilespmem:s25+$0x1C480] =	vst.msk @!p0 vm0, v13  }
0x27a: {  	v13 =	vld @!p0 [tilespmem:s3+$0x80];
	_ =	sdelay $0x3  }
0x27b: {  	s26 =	spop @!p0 (v2sf)  }
0x27c: {  	v14 =	vor.u32 @!p0 $0x80, v12;
	s25 =	sadd.s32 @!p0 s25, s26;
	vm0 =	vgt.s32 @!p0 v13, $0xFFFFFFFF  }
0x27d: {  	[tilespmem:s25+$0x1C300] =	vst.msk @!p0 vm0, v14;
	v14 =	vmpcnt.ones.xlane @!p0 vm0  }
0x27e: {  	[tilespmem:s25+$0x1C480] =	vst.msk @!p0 vm0, v13  }
0x27f: {  	(v2sf) =	vpush @!p0 v14, $0x0;
	v13 =	vld @!p0 [tilespmem:s3+$0x90];
	_ =	sdelay $0x4  }
0x280: {  	vm0 =	vgt.s32 @!p0 v13, $0xFFFFFFFF  }
0x281: {  	v14 =	vmpcnt.ones.xlane @!p0 vm0;
	_ =	sdelay $0x1  }
0x282: {  	(v2sf) =	vpush @!p0 v14, $0x0;
	_ =	sdelay $0x6  }
0x283: {  	s26 =	spop @!p0 (v2sf)  }
0x284: {  	v14 =	vor.u32 @!p0 $0x90, v12;
	s25 =	sadd.s32 @!p0 s25, s26  }
0x285: {  	[tilespmem:s25+$0x1C300] =	vst.msk @!p0 vm0, v14  }
0x286: {  	[tilespmem:s25+$0x1C480] =	vst.msk @!p0 vm0, v13  }
0x287: {  	v13 =	vld @!p0 [tilespmem:s3+$0xA0];
	_ =	sdelay $0x3  }
0x288: {  	s26 =	spop @!p0 (v2sf)  }
0x289: {  	v14 =	vor.u32 @!p0 $0xA0, v12;
	s25 =	sadd.s32 @!p0 s25, s26;
	vm0 =	vgt.s32 @!p0 v13, $0xFFFFFFFF  }
0x28a: {  	[tilespmem:s25+$0x1C300] =	vst.msk @!p0 vm0, v14;
	v14 =	vmpcnt.ones.xlane @!p0 vm0  }
0x28b: {  	[tilespmem:s25+$0x1C480] =	vst.msk @!p0 vm0, v13  }
0x28c: {  	(v2sf) =	vpush @!p0 v14, $0x0;
	v13 =	vld @!p0 [tilespmem:s3+$0xB0];
	_ =	sdelay $0x4  }
0x28d: {  	vm0 =	vgt.s32 @!p0 v13, $0xFFFFFFFF  }
0x28e: {  	v14 =	vmpcnt.ones.xlane @!p0 vm0;
	_ =	sdelay $0x1  }
0x28f: {  	(v2sf) =	vpush @!p0 v14, $0x0;
	_ =	sdelay $0x6  }
0x290: {  	s26 =	spop @!p0 (v2sf)  }
0x291: {  	v14 =	vor.u32 @!p0 $0xB0, v12;
	s25 =	sadd.s32 @!p0 s25, s26  }
0x292: {  	[tilespmem:s25+$0x1C300] =	vst.msk @!p0 vm0, v14  }
0x293: {  	[tilespmem:s25+$0x1C480] =	vst.msk @!p0 vm0, v13  }
0x294: {  	v13 =	vld @!p0 [tilespmem:s3+$0xC0];
	_ =	sdelay $0x3  }
0x295: {  	s26 =	spop @!p0 (v2sf)  }
0x296: {  	v14 =	vor.u32 @!p0 $0xC0, v12;
	s25 =	sadd.s32 @!p0 s25, s26;
	vm0 =	vgt.s32 @!p0 v13, $0xFFFFFFFF  }
0x297: {  	[tilespmem:s25+$0x1C300] =	vst.msk @!p0 vm0, v14;
	v14 =	vmpcnt.ones.xlane @!p0 vm0  }
0x298: {  	[tilespmem:s25+$0x1C480] =	vst.msk @!p0 vm0, v13  }
0x299: {  	(v2sf) =	vpush @!p0 v14, $0x0;
	v13 =	vld @!p0 [tilespmem:s3+$0xD0];
	_ =	sdelay $0x4  }
0x29a: {  	vm0 =	vgt.s32 @!p0 v13, $0xFFFFFFFF  }
0x29b: {  	v14 =	vmpcnt.ones.xlane @!p0 vm0;
	_ =	sdelay $0x1  }
0x29c: {  	(v2sf) =	vpush @!p0 v14, $0x0;
	_ =	sdelay $0x6  }
0x29d: {  	s26 =	spop @!p0 (v2sf)  }
0x29e: {  	v14 =	vor.u32 @!p0 $0xD0, v12;
	s25 =	sadd.s32 @!p0 s25, s26  }
0x29f: {  	[tilespmem:s25+$0x1C300] =	vst.msk @!p0 vm0, v14  }
0x2a0: {  	[tilespmem:s25+$0x1C480] =	vst.msk @!p0 vm0, v13  }
0x2a1: {  	v13 =	vld @!p0 [tilespmem:s3+$0xE0];
	_ =	sdelay $0x3  }
0x2a2: {  	s26 =	spop @!p0 (v2sf)  }
0x2a3: {  	v14 =	vor.u32 @!p0 $0xE0, v12;
	s25 =	sadd.s32 @!p0 s25, s26;
	vm0 =	vgt.s32 @!p0 v13, $0xFFFFFFFF  }
0x2a4: {  	[tilespmem:s25+$0x1C300] =	vst.msk @!p0 vm0, v14  }
0x2a5: {  	[tilespmem:s25+$0x1C480] =	vst.msk @!p0 vm0, v13  }
0x2a6: {  	v13 =	vld @!p0 [tilespmem:s3+$0xF0];
	_ =	sdelay $0x4  }
0x2a7: {  	v14 =	vmpcnt.ones.xlane @!p0 vm0;
	vm0 =	vgt.s32 @!p0 v13, $0xFFFFFFFF  }
0x2a8: {  	v15 =	vmpcnt.ones.xlane @!p0 vm0  }
0x2a9: {  	(v2sf) =	vpush @!p0 v14, $0x0  }
0x2aa: {  	(v2sf) =	vpush @!p0 v15, $0x0;
	_ =	sdelay $0xd  }
0x2ab: {  	s3 =	spop @!p0 (v2sf)  }
0x2ac: {  	s25 =	sadd.s32 @!p0 s25, s3;
	s3 =	spop @!p0 (v2sf)  }
0x2ad: {  	s3 =	sadd.s32 @!p0 s25, s3  }
0x2ae: {  	p1 =	slt.s32 @!p0 s3, $0x1  }
0x2af: {  	p1 =	por p0, p1  }
.Ltmp21:
0x2b0: {  	_ = 	snop;
	(pc) =	sbr.rel @p1 .LBB2_29-.Ltmp21, $4  }
0x2b1: {  	_ = 	snop  }
0x2b2: {  	v12 =	vor.u32 @!p0 $0xF0, v12  }
0x2b3: {  	[tilespmem:s25+$0x1C300] =	vst.msk @!p0 vm0, v12  }
0x2b4: {  	[tilespmem:s25+$0x1C480] =	vst.msk @!p0 vm0, v13;
	s25 =	simm.s32 @!p0 $0x0  }
0x2b5: {  	v12 =	vld [tilespmem:s24+$0x0];
	_ =	sdelay $0x4  }
0x2b6: {  	v12 =	vbroadcast v12, $0x0;
	_ =	sdelay $0x1  }
0x2b7: {  	v13 =	vshll.u32 v12, $0x3  }
0x2b8: {  	v12 =	vand.u32 $0x7F, v12;
	v13 =	vand.u32 $0xFFFFFC00, v13  }
0x2b9: {  	v12 =	vor.u32 v12, v13  }
0x2ba: {  	p0 =	por $0x1, $0x1;
	v13 =	vadd.s32 v4, v12  }
0x2bb: {  	v14 =	vld [tilespmem:s15+$0x0];
	s15 =	simm.s32 @!p0 $0x2  }
0x2bc: {  	_ =	swait.ge @!p0 [sflag:s15], $0x80  }
0x2bd: {  	[sflag:s15] =	ssyncset.done @!p0 $0x0  }
0x2be: {  	[sflag:s15] =	ssyncadd.s32 @!p0 $0xFFFFFF80  }
0x2bf: {  	v13 =	vld.idx.msk [tilespmem:v13+s20+$0x0], $0xffff  }
0x2c0: {  	v15 =	vadd.s32 v5, v12;
	_ =	sdelay $0x2  }
0x2c1: {  	s26 =	sand.u32 $0x380, s25  }
0x2c2: {  	[tilespmem:s26+$0x1C600] =	vst v13  }
0x2c3: {  	v13 =	vld.idx.msk [tilespmem:v15+s20+$0x0], $0xffff  }
0x2c4: {  	v60 =	vadd.s32 v6, v12;
	_ =	sdelay $0x3  }
0x2c5: {  	[tilespmem:s26+$0x1C610] =	vst v13  }
0x2c6: {  	v13 =	vld.idx.msk [tilespmem:v60+s20+$0x0], $0xffff  }
0x2c7: {  	v61 =	vadd.s32 v7, v12;
	_ =	sdelay $0x3  }
0x2c8: {  	[tilespmem:s26+$0x1C620] =	vst v13  }
0x2c9: {  	v13 =	vld.idx.msk [tilespmem:v61+s20+$0x0], $0xffff  }
0x2ca: {  	v62 =	vadd.s32 v8, v12;
	_ =	sdelay $0x3  }
0x2cb: {  	(v2sf) =	vpush v14, $0x0;
	[tilespmem:s26+$0x1C630] =	vst v13  }
0x2cc: {  	v13 =	vld.idx.msk [tilespmem:v62+s20+$0x0], $0xffff  }
0x2cd: {  	v63 =	vadd.s32 v9, v12;
	_ =	sdelay $0x3  }
0x2ce: {  	[tilespmem:s26+$0x1C640] =	vst v13  }
0x2cf: {  	v13 =	vld.idx.msk [tilespmem:v63+s20+$0x0], $0xffff  }
0x2d0: {  	v12 =	vadd.s32 v10, v12;
	_ =	sdelay $0x3  }
0x2d1: {  	[tilespmem:s26+$0x1C650] =	vst v13  }
0x2d2: {  	p0 =	sgt.s32 s3, $0x1;
	v12 =	vld.idx.msk [tilespmem:v12+s20+$0x0], $0xf  }
.Ltmp22:
0x2d3: {  	_ = 	snop;
	(pc) =	sbr.rel @!p0 .LBB2_26-.Ltmp22, $4  }
0x2d4: {  	s31 =	spop (v2sf)  }
0x2d5: {  	s25 =	simm.s32 $0x1C301;
	s24 =	sshll.u32 s31, $0x4  }
0x2d6: {  	s29 =	sadd.s32 $0x1C600, s26;
	s15 =	simm.s32 $0x1;
	s28 =	sand.u32 $0x1FFFFFF0, s24  }
0x2d7: {  	s24 =	simm.s32 $0x1C481;
	s28 =	sadd.s32 s6, s28;
	[tilespmem:s26+$0x1C660] =	vst v12;
	s26 =	simm.s32 $0x80  }
.LBB2_25:
0x2d8: {  	[hbm4b:s28+s4] =	stream.linear.scatter [tilespmem:s29], [sflag:$0x2], $0x80, $0x38;
	[tilespmem:$0x1CA00] =	vst v63  }
0x2d9: {  	s28 =	smov.u32 s15;
	s15 =	sadd.s32 $0x1, s15;
	v12 =	vld [tilespmem:s25+$0x0]  }
0x2da: {  	p0 =	slt.s32 s15, s3;
	_ =	sdelay $0x3  }
0x2db: {  	v12 =	vbroadcast v12, $0x0;
	_ =	sdelay $0x1  }
0x2dc: {  	v13 =	vshll.u32 v12, $0x3  }
0x2dd: {  	v12 =	vand.u32 $0x7F, v12;
	v13 =	vand.u32 $0xFFFFFC00, v13  }
0x2de: {  	v12 =	vor.u32 v12, v13  }
0x2df: {  	p1 =	slt.u32 s28, $0x8;
	v13 =	vadd.s32 v4, v12  }
0x2e0: {  	s28 =	simm.s32 @!p1 $0x2;
	v14 =	vld [tilespmem:s24+$0x0]  }
0x2e1: {  	_ =	swait.ge @!p1 [sflag:s28], $0x80  }
0x2e2: {  	[sflag:s28] =	ssyncset.done @!p1 $0x0  }
0x2e3: {  	[sflag:s28] =	ssyncadd.s32 @!p1 $0xFFFFFF80  }
0x2e4: {  	v13 =	vld.idx.msk [tilespmem:v13+s20+$0x0], $0xffff  }
0x2e5: {  	(v2sf) =	vpush v14, $0x0  }
0x2e6: {  	v14 =	vadd.s32 v5, v12;
	_ =	sdelay $0x2  }
0x2e7: {  	s28 =	sand.u32 $0x380, s26  }
0x2e8: {  	[tilespmem:s28+$0x1C600] =	vst v13  }
0x2e9: {  	v13 =	vld.idx.msk [tilespmem:v14+s20+$0x0], $0xffff;
	_ =	sdelay $0x1  }
0x2ea: {  	v14 =	vadd.s32 v6, v12;
	_ =	sdelay $0x3  }
0x2eb: {  	[tilespmem:s28+$0x1C610] =	vst v13  }
0x2ec: {  	v13 =	vld.idx.msk [tilespmem:v14+s20+$0x0], $0xffff;
	_ =	sdelay $0x1  }
0x2ed: {  	v14 =	vadd.s32 v7, v12;
	s29 =	spop (v2sf)  }
0x2ee: {  	s29 =	sshll.u32 s29, $0x4  }
0x2ef: {  	s30 =	sand.u32 $0x1FFFFFF0, s29;
	_ =	sdelay $0x1  }
0x2f0: {  	[tilespmem:s28+$0x1C620] =	vst v13  }
0x2f1: {  	v13 =	vld.idx.msk [tilespmem:v14+s20+$0x0], $0xffff;
	_ =	sdelay $0x1  }
0x2f2: {  	v14 =	vadd.s32 v8, v12;
	_ =	sdelay $0x3  }
0x2f3: {  	[tilespmem:s28+$0x1C630] =	vst v13  }
0x2f4: {  	v13 =	vld.idx.msk [tilespmem:v14+s20+$0x0], $0xffff;
	_ =	sdelay $0x1  }
0x2f5: {  	v14 =	vadd.s32 v9, v12;
	_ =	sdelay $0x3  }
0x2f6: {  	[tilespmem:s28+$0x1C640] =	vst v13  }
0x2f7: {  	v13 =	vld.idx.msk [tilespmem:v14+s20+$0x0], $0xffff;
	_ =	sdelay $0x1  }
0x2f8: {  	v12 =	vadd.s32 v10, v12;
	_ =	sdelay $0x3  }
0x2f9: {  	[tilespmem:s28+$0x1C650] =	vst v13  }
0x2fa: {  	v12 =	vld.idx.msk [tilespmem:v12+s20+$0x0], $0xf;
	_ =	sdelay $0x1  }
.Ltmp23:
0x2fb: {  	(pc) =	sbr.rel @p0 .LBB2_25-.Ltmp23, $3  }
0x2fc: {  	_ =	sdelay $0x1  }
0x2fd: {  	s25 =	sadd.s32 $0x1, s25;
	s24 =	sadd.s32 $0x1, s24  }
0x2fe: {  	s26 =	sadd.s32 $0x80, s26;
	s29 =	sadd.s32 $0x1C600, s28;
	[tilespmem:s28+$0x1C660] =	vst v12;
	s28 =	sadd.s32 s6, s30  }
.LBB2_26:
0x2ff: {  	s3 =	smin.u32 s3, $0x8  }
0x300: {  	p0 =	sne.s32 s3, $0x1  }
.Ltmp24:
0x301: {  	_ = 	snop;
	(pc) =	sbr.rel @!p0 .LBB2_28-.Ltmp24, $4  }
0x302: {  	_ = 	snop  }
0x303: {  	[hbm4b:s28+s4] =	stream.linear.scatter [tilespmem:s29], [sflag:$0x2], $0x80, $0x38;
	[tilespmem:$0x1CA00] =	vst v63  }
0x304: {  	_ =	swait.ge [sflag:s19], $0x80  }
0x305: {  	s3 =	sadd.s32 $0xFFFFFFFF, s3;
	[sflag:s19] =	ssyncset.done $0x0  }
.LBB2_27:
0x306: {  	p0 =	sne.s32 s3, $0x1;
	s3 =	sadd.s32 $0xFFFFFFFF, s3;
	[sflag:s19] =	ssyncadd.s32 $0xFFFFFF80  }
.Ltmp25:
0x307: {  	(pc) =	sbr.rel @p0 .LBB2_27-.Ltmp25, $3  }
0x308: {  	_ =	sdelay $0x1  }
0x309: {  	_ =	swait.ge [sflag:s19], $0x80  }
0x30a: {  	[sflag:s19] =	ssyncset.done $0x0  }
.Ltmp26:
0x30b: {  	_ = 	snop;
	(pc) =	sbr.rel .LBB2_28-.Ltmp26, $1  }
0x30c: {  	_ =	sdelay $0x3  }
.LBB2_30:
.Ltmp27:
0x30d: {  	(pc) =	sbr.rel .LBB2_31-.Ltmp27, $4  }
0x30e: {  	_ = 	snop  }
0x30f: {  	s24 =	simm.s32 $0x0;
	s25 =	simm.s32 $0x800;
	s26 =	smov.u32 s12  }
0x310: {  	s28 =	smov.u32 s6;
	s23 =	simm.s32 $0x0;
	s29 =	simm.s32 $0x0  }
0x311: {  	[tilespmem:s13], [sflag:$0x4] =	stream.linear.gather [hbm4b:s2+s24], $0x800, $0x38;
	[tilespmem:$0x1CA00] =	vst v63  }
.LBB2_40:
0x312: {  	s29 =	sadd.s32 $0x1, s29  }
0x313: {  	p0 =	seq.s32 s29, $0xD  }
.Ltmp28:
0x314: {  	_ = 	snop;
	(pc) =	sbr.rel @p0 .LBB2_41-.Ltmp28, $3  }
0x315: {  	_ =	sdelay $0x1  }
0x316: {  	s28 =	sadd.s32 $0x10000, s28  }
0x317: {  	s24 =	sadd.s32 $0x1000, s24;
	s26 =	sadd.s32 $0x10000, s26;
	s25 =	sadd.s32 $0x1000, s25  }
.LBB2_31:
0x318: {  	_ =	swait.ge [sflag:s14], $0x800;
	s3 =	sshllo.u32 s29, $0x1  }
.Ltmp29:
0x319: {  	[sflag:s14] =	ssyncset.done $0x0;
	p0 =	sgt.u32 s3, $0x18;
	(pc) =	sbr.rel .LBB2_32-.Ltmp29, $4  }
0x31a: {  	[sflag:s14] =	ssyncadd.s32 $0xFFFFF800;
	s3 =	sshll.u32 @!p0 s3, $0x8  }
0x31b: {  	s15 =	simm.s32 @!p0 $0x0;
	s30 =	simm.s32 @!p0 $0x8300;
	s3 =	sadd.s32 @!p0 s2, s3  }
0x31c: {  	[tilespmem:s30], [sflag:$0x4] =	stream.linear.gather @!p0 [hbm4b:s3+s15], $0x800, $0x38;
	[tilespmem:$0x1CA00] =	vst v63  }
0x31d: {  	s31 =	smov.u32 s28;
	s30 =	smov.u32 s24;
	s3 =	simm.s32 $0x0  }
.LBB2_34:
0x31e: {  	s3 =	sadd.s32 $0x40, s3  }
0x31f: {  	p1 =	sne.s32 s3, $0x2000  }
.Ltmp30:
0x320: {  	_ = 	snop;
	(pc) =	sbr.rel @!p1 .LBB2_35-.Ltmp30, $2  }
0x321: {  	_ =	sdelay $0x2  }
0x322: {  	s23 =	sadd.s32 s23, s15;
	s31 =	sadd.s32 $0x100, s31;
	s30 =	sadd.s32 $0x10, s30  }
.LBB2_32:
0x323: {  	s15 =	sshra.s32 s3, $0x2  }
0x324: {  	v12 =	vld [tilespmem:s15+$0x7B00];
	_ =	sdelay $0x4  }
0x325: {  	vm0 =	vge.s32 v12, v0;
	vm1 =	vlt.s32 v12, v1  }
0x326: {  	v12 =	vsub.s32 v12, v0;
	vm0 =	vmand vm0, vm1  }
0x327: {  	v12 =	vnsel vm0, $0x0, v12;
	_ =	sdelay $0x4  }
0x328: {  	v12 =	vld.idx.msk [tilespmem:v12+s4+$0x0], vm0;
	_ =	sdelay $0x3  }
0x329: {  	v13 =	vor.u32 s30, v3  }
0x32a: {  	vm1 =	vne.s32 v12, v13  }
0x32b: {  	vm0 =	vmand vm0, vm1  }
0x32c: {  	v14 =	vmpcnt.ones.xlane vm0;
	_ =	sdelay $0x1  }
0x32d: {  	(v2sf) =	vpush v14, $0x0;
	_ =	sdelay $0xe  }
0x32e: {  	s15 =	spop (v2sf)  }
0x32f: {  	p1 =	slt.s32 s15, $0x1  }
.Ltmp31:
0x330: {  	_ = 	snop;
	(pc) =	sbr.rel @p1 .LBB2_34-.Ltmp31, $1  }
0x331: {  	_ =	sdelay $0x3  }
0x332: {  	v14 =	vsel vm0, $0x1, v11  }
0x333: {  	(v2sf) =	vpush v14, $0x0;
	_ =	sdelay $0xe  }
0x334: {  	s16 =	spop (v2sf)  }
0x335: {  	p1 =	seq.s32 s16, $0x0  }
0x336: {  	(v2sf) =	vpush @!p1 v12, $0x0;
	_ =	sdelay $0xe  }
0x337: {  	s16 =	spop @!p1 (v2sf)  }
0x338: {  	s16 =	sshll.u32 @!p1 s16, $0x4  }
0x339: {  	s9 =	sshll.u32 @!p1 s0, $0x6;
	s16 =	sand.u32 @!p1 $0x1FFFFFF0, s16  }
0x33a: {  	s9 =	sor.u32 @!p1 $0x1C03, s9;
	s16 =	sadd.s32 @!p1 s6, s16  }
0x33b: {  	[hbm:s31], [sflag:s9] =	dma.local @!p1 [hbm:s16], $0x10  }
0x33c: {  	(v2sf) =	vpush v14, $0x1;
	_ =	sdelay $0xe  }
0x33d: {  	s9 =	spop (v2sf)  }
0x33e: {  	p1 =	seq.s32 s9, $0x0  }
0x33f: {  	(v2sf) =	vpush @!p1 v13, $0x1  }
0x340: {  	(v2sf) =	vpush @!p1 v12, $0x1;
	_ =	sdelay $0xd  }
0x341: {  	s9 =	spop @!p1 (v2sf)  }
0x342: {  	s16 =	spop @!p1 (v2sf)  }
0x343: {  	s9 =	sshll.u32 @!p1 s9, $0x4;
	s16 =	sshll.u32 @!p1 s16, $0x4  }
0x344: {  	s10 =	sshll.u32 @!p1 s0, $0x6;
	s9 =	sand.u32 @!p1 $0x1FFFFF90, s9;
	s16 =	sand.u32 @!p1 $0x1FFFFFF0, s16  }
0x345: {  	s10 =	sor.u32 @!p1 $0x1C03, s10;
	s9 =	sadd.s32 @!p1 s6, s9;
	s16 =	sadd.s32 @!p1 s6, s16  }
0x346: {  	[hbm:s9], [sflag:s10] =	dma.local @!p1 [hbm:s16], $0x10  }
0x347: {  	(v2sf) =	vpush v14, $0x2;
	_ =	sdelay $0xe  }
0x348: {  	s9 =	spop (v2sf)  }
0x349: {  	p1 =	seq.s32 s9, $0x0  }
0x34a: {  	(v2sf) =	vpush @!p1 v13, $0x2  }
0x34b: {  	(v2sf) =	vpush @!p1 v12, $0x2;
	_ =	sdelay $0xd  }
0x34c: {  	s9 =	spop @!p1 (v2sf)  }
0x34d: {  	s10 =	spop @!p1 (v2sf)  }
0x34e: {  	s9 =	sshll.u32 @!p1 s9, $0x4;
	s10 =	sshll.u32 @!p1 s10, $0x4  }
0x34f: {  	s16 =	sshll.u32 @!p1 s0, $0x6;
	s9 =	sand.u32 @!p1 $0x1FFFFFA0, s9;
	s10 =	sand.u32 @!p1 $0x1FFFFFF0, s10  }
0x350: {  	s16 =	sor.u32 @!p1 $0x1C03, s16;
	s9 =	sadd.s32 @!p1 s6, s9;
	s10 =	sadd.s32 @!p1 s6, s10  }
0x351: {  	[hbm:s9], [sflag:s16] =	dma.local @!p1 [hbm:s10], $0x10  }
0x352: {  	(v2sf) =	vpush v14, $0x3;
	_ =	sdelay $0xe  }
0x353: {  	s9 =	spop (v2sf)  }
0x354: {  	p1 =	seq.s32 s9, $0x0  }
0x355: {  	(v2sf) =	vpush @!p1 v13, $0x3  }
0x356: {  	(v2sf) =	vpush @!p1 v12, $0x3;
	_ =	sdelay $0xd  }
0x357: {  	s9 =	spop @!p1 (v2sf)  }
0x358: {  	s10 =	spop @!p1 (v2sf)  }
0x359: {  	s9 =	sshll.u32 @!p1 s9, $0x4;
	s10 =	sshll.u32 @!p1 s10, $0x4  }
0x35a: {  	s16 =	sshll.u32 @!p1 s0, $0x6;
	s9 =	sand.u32 @!p1 $0x1FFFFFB0, s9;
	s10 =	sand.u32 @!p1 $0x1FFFFFF0, s10  }
0x35b: {  	s16 =	sor.u32 @!p1 $0x1C03, s16;
	s9 =	sadd.s32 @!p1 s6, s9;
	s10 =	sadd.s32 @!p1 s6, s10  }
0x35c: {  	[hbm:s9], [sflag:s16] =	dma.local @!p1 [hbm:s10], $0x10  }
0x35d: {  	(v2sf) =	vpush v14, $0x4;
	_ =	sdelay $0xe  }
0x35e: {  	s9 =	spop (v2sf)  }
0x35f: {  	p1 =	seq.s32 s9, $0x0  }
0x360: {  	(v2sf) =	vpush @!p1 v13, $0x4  }
0x361: {  	(v2sf) =	vpush @!p1 v12, $0x4;
	_ =	sdelay $0xd  }
0x362: {  	s9 =	spop @!p1 (v2sf)  }
0x363: {  	s10 =	spop @!p1 (v2sf)  }
0x364: {  	s9 =	sshll.u32 @!p1 s9, $0x4;
	s10 =	sshll.u32 @!p1 s10, $0x4  }
0x365: {  	s16 =	sshll.u32 @!p1 s0, $0x6;
	s9 =	sand.u32 @!p1 $0x1FFFFFC0, s9;
	s10 =	sand.u32 @!p1 $0x1FFFFFF0, s10  }
0x366: {  	s16 =	sor.u32 @!p1 $0x1C03, s16;
	s9 =	sadd.s32 @!p1 s6, s9;
	s10 =	sadd.s32 @!p1 s6, s10  }
0x367: {  	[hbm:s9], [sflag:s16] =	dma.local @!p1 [hbm:s10], $0x10  }
0x368: {  	(v2sf) =	vpush v14, $0x5;
	_ =	sdelay $0xe  }
0x369: {  	s9 =	spop (v2sf)  }
0x36a: {  	p1 =	seq.s32 s9, $0x0  }
0x36b: {  	(v2sf) =	vpush @!p1 v13, $0x5  }
0x36c: {  	(v2sf) =	vpush @!p1 v12, $0x5;
	_ =	sdelay $0xd  }
0x36d: {  	s9 =	spop @!p1 (v2sf)  }
0x36e: {  	s10 =	spop @!p1 (v2sf)  }
0x36f: {  	s9 =	sshll.u32 @!p1 s9, $0x4;
	s10 =	sshll.u32 @!p1 s10, $0x4  }
0x370: {  	s16 =	sshll.u32 @!p1 s0, $0x6;
	s9 =	sand.u32 @!p1 $0x1FFFFFD0, s9;
	s10 =	sand.u32 @!p1 $0x1FFFFFF0, s10  }
0x371: {  	s16 =	sor.u32 @!p1 $0x1C03, s16;
	s9 =	sadd.s32 @!p1 s6, s9;
	s10 =	sadd.s32 @!p1 s6, s10  }
0x372: {  	[hbm:s9], [sflag:s16] =	dma.local @!p1 [hbm:s10], $0x10  }
0x373: {  	(v2sf) =	vpush v14, $0x6;
	_ =	sdelay $0xe  }
0x374: {  	s9 =	spop (v2sf)  }
0x375: {  	p1 =	seq.s32 s9, $0x0  }
0x376: {  	(v2sf) =	vpush @!p1 v13, $0x6  }
0x377: {  	(v2sf) =	vpush @!p1 v12, $0x6;
	_ =	sdelay $0xd  }
0x378: {  	s9 =	spop @!p1 (v2sf)  }
0x379: {  	s10 =	spop @!p1 (v2sf)  }
0x37a: {  	s9 =	sshll.u32 @!p1 s9, $0x4;
	s10 =	sshll.u32 @!p1 s10, $0x4  }
0x37b: {  	s16 =	sshll.u32 @!p1 s0, $0x6;
	s9 =	sand.u32 @!p1 $0x1FFFFFE0, s9;
	s10 =	sand.u32 @!p1 $0x1FFFFFF0, s10  }
0x37c: {  	s16 =	sor.u32 @!p1 $0x1C03, s16;
	s9 =	sadd.s32 @!p1 s6, s9;
	s10 =	sadd.s32 @!p1 s6, s10  }
0x37d: {  	[hbm:s9], [sflag:s16] =	dma.local @!p1 [hbm:s10], $0x10  }
0x37e: {  	(v2sf) =	vpush v14, $0x7;
	_ =	sdelay $0xe  }
0x37f: {  	s9 =	spop (v2sf)  }
0x380: {  	p1 =	seq.s32 s9, $0x0  }
0x381: {  	(v2sf) =	vpush @!p1 v13, $0x7  }
0x382: {  	(v2sf) =	vpush @!p1 v12, $0x7;
	_ =	sdelay $0xd  }
0x383: {  	s9 =	spop @!p1 (v2sf)  }
0x384: {  	s10 =	spop @!p1 (v2sf)  }
0x385: {  	s9 =	sshll.u32 @!p1 s9, $0x4;
	s10 =	sshll.u32 @!p1 s10, $0x4  }
0x386: {  	s16 =	sshll.u32 @!p1 s0, $0x6;
	s9 =	sand.u32 @!p1 $0x1FFFFFF0, s9;
	s10 =	sand.u32 @!p1 $0x1FFFFFF0, s10  }
0x387: {  	s16 =	sor.u32 @!p1 $0x1C03, s16;
	s9 =	sadd.s32 @!p1 s6, s9;
	s10 =	sadd.s32 @!p1 s6, s10  }
0x388: {  	[hbm:s9], [sflag:s16] =	dma.local @!p1 [hbm:s10], $0x10  }
0x389: {  	(v2sf) =	vpush v14, $0x8;
	_ =	sdelay $0xe  }
0x38a: {  	s9 =	spop (v2sf)  }
0x38b: {  	p1 =	seq.s32 s9, $0x0  }
0x38c: {  	(v2sf) =	vpush @!p1 v13, $0x8  }
0x38d: {  	(v2sf) =	vpush @!p1 v12, $0x8;
	_ =	sdelay $0xd  }
0x38e: {  	s9 =	spop @!p1 (v2sf)  }
0x38f: {  	s10 =	spop @!p1 (v2sf)  }
0x390: {  	s9 =	sshll.u32 @!p1 s9, $0x4;
	s10 =	sshll.u32 @!p1 s10, $0x4  }
0x391: {  	s16 =	sshll.u32 @!p1 s0, $0x6;
	s9 =	sand.u32 @!p1 $0x1FFFFFF0, s9;
	s10 =	sand.u32 @!p1 $0x1FFFFFF0, s10  }
0x392: {  	s16 =	sor.u32 @!p1 $0x1C03, s16;
	s9 =	sadd.s32 @!p1 s6, s9;
	s10 =	sadd.s32 @!p1 s6, s10  }
0x393: {  	[hbm:s9], [sflag:s16] =	dma.local @!p1 [hbm:s10], $0x10  }
0x394: {  	(v2sf) =	vpush v14, $0x9;
	_ =	sdelay $0xe  }
0x395: {  	s9 =	spop (v2sf)  }
0x396: {  	p1 =	seq.s32 s9, $0x0  }
0x397: {  	(v2sf) =	vpush @!p1 v13, $0x9  }
0x398: {  	(v2sf) =	vpush @!p1 v12, $0x9;
	_ =	sdelay $0xd  }
0x399: {  	s9 =	spop @!p1 (v2sf)  }
0x39a: {  	s10 =	spop @!p1 (v2sf)  }
0x39b: {  	s9 =	sshll.u32 @!p1 s9, $0x4;
	s10 =	sshll.u32 @!p1 s10, $0x4  }
0x39c: {  	s16 =	sshll.u32 @!p1 s0, $0x6;
	s9 =	sand.u32 @!p1 $0x1FFFFF90, s9;
	s10 =	sand.u32 @!p1 $0x1FFFFFF0, s10  }
0x39d: {  	s16 =	sor.u32 @!p1 $0x1C03, s16;
	s9 =	sadd.s32 @!p1 s6, s9;
	s10 =	sadd.s32 @!p1 s6, s10  }
0x39e: {  	[hbm:s9], [sflag:s16] =	dma.local @!p1 [hbm:s10], $0x10  }
0x39f: {  	(v2sf) =	vpush v14, $0xA;
	_ =	sdelay $0xe  }
0x3a0: {  	s9 =	spop (v2sf)  }
0x3a1: {  	p1 =	seq.s32 s9, $0x0  }
0x3a2: {  	(v2sf) =	vpush @!p1 v13, $0xA  }
0x3a3: {  	(v2sf) =	vpush @!p1 v12, $0xA;
	_ =	sdelay $0xd  }
0x3a4: {  	s9 =	spop @!p1 (v2sf)  }
0x3a5: {  	s10 =	spop @!p1 (v2sf)  }
0x3a6: {  	s9 =	sshll.u32 @!p1 s9, $0x4;
	s10 =	sshll.u32 @!p1 s10, $0x4  }
0x3a7: {  	s16 =	sshll.u32 @!p1 s0, $0x6;
	s9 =	sand.u32 @!p1 $0x1FFFFFA0, s9;
	s10 =	sand.u32 @!p1 $0x1FFFFFF0, s10  }
0x3a8: {  	s16 =	sor.u32 @!p1 $0x1C03, s16;
	s9 =	sadd.s32 @!p1 s6, s9;
	s10 =	sadd.s32 @!p1 s6, s10  }
0x3a9: {  	[hbm:s9], [sflag:s16] =	dma.local @!p1 [hbm:s10], $0x10  }
0x3aa: {  	(v2sf) =	vpush v14, $0xB;
	_ =	sdelay $0xe  }
0x3ab: {  	s9 =	spop (v2sf)  }
0x3ac: {  	p1 =	seq.s32 s9, $0x0  }
0x3ad: {  	(v2sf) =	vpush @!p1 v13, $0xB  }
0x3ae: {  	(v2sf) =	vpush @!p1 v12, $0xB;
	_ =	sdelay $0xd  }
0x3af: {  	s9 =	spop @!p1 (v2sf)  }
0x3b0: {  	s10 =	spop @!p1 (v2sf)  }
0x3b1: {  	s9 =	sshll.u32 @!p1 s9, $0x4;
	s10 =	sshll.u32 @!p1 s10, $0x4  }
0x3b2: {  	s16 =	sshll.u32 @!p1 s0, $0x6;
	s9 =	sand.u32 @!p1 $0x1FFFFFB0, s9;
	s10 =	sand.u32 @!p1 $0x1FFFFFF0, s10  }
0x3b3: {  	s16 =	sor.u32 @!p1 $0x1C03, s16;
	s9 =	sadd.s32 @!p1 s6, s9;
	s10 =	sadd.s32 @!p1 s6, s10  }
0x3b4: {  	[hbm:s9], [sflag:s16] =	dma.local @!p1 [hbm:s10], $0x10  }
0x3b5: {  	(v2sf) =	vpush v14, $0xC;
	_ =	sdelay $0xe  }
0x3b6: {  	s9 =	spop (v2sf)  }
0x3b7: {  	p1 =	seq.s32 s9, $0x0  }
0x3b8: {  	(v2sf) =	vpush @!p1 v13, $0xC  }
0x3b9: {  	(v2sf) =	vpush @!p1 v12, $0xC;
	_ =	sdelay $0xd  }
0x3ba: {  	s9 =	spop @!p1 (v2sf)  }
0x3bb: {  	s10 =	spop @!p1 (v2sf)  }
0x3bc: {  	s9 =	sshll.u32 @!p1 s9, $0x4;
	s10 =	sshll.u32 @!p1 s10, $0x4  }
0x3bd: {  	s16 =	sshll.u32 @!p1 s0, $0x6;
	s9 =	sand.u32 @!p1 $0x1FFFFFC0, s9;
	s10 =	sand.u32 @!p1 $0x1FFFFFF0, s10  }
0x3be: {  	s16 =	sor.u32 @!p1 $0x1C03, s16;
	s9 =	sadd.s32 @!p1 s6, s9;
	s10 =	sadd.s32 @!p1 s6, s10  }
0x3bf: {  	[hbm:s9], [sflag:s16] =	dma.local @!p1 [hbm:s10], $0x10  }
0x3c0: {  	(v2sf) =	vpush v14, $0xD;
	_ =	sdelay $0xe  }
0x3c1: {  	s9 =	spop (v2sf)  }
0x3c2: {  	p1 =	seq.s32 s9, $0x0  }
0x3c3: {  	(v2sf) =	vpush @!p1 v13, $0xD  }
0x3c4: {  	(v2sf) =	vpush @!p1 v12, $0xD;
	_ =	sdelay $0xd  }
0x3c5: {  	s9 =	spop @!p1 (v2sf)  }
0x3c6: {  	s10 =	spop @!p1 (v2sf)  }
0x3c7: {  	s9 =	sshll.u32 @!p1 s9, $0x4;
	s10 =	sshll.u32 @!p1 s10, $0x4  }
0x3c8: {  	s16 =	sshll.u32 @!p1 s0, $0x6;
	s9 =	sand.u32 @!p1 $0x1FFFFFD0, s9;
	s10 =	sand.u32 @!p1 $0x1FFFFFF0, s10  }
0x3c9: {  	s16 =	sor.u32 @!p1 $0x1C03, s16;
	s9 =	sadd.s32 @!p1 s6, s9;
	s10 =	sadd.s32 @!p1 s6, s10  }
0x3ca: {  	[hbm:s9], [sflag:s16] =	dma.local @!p1 [hbm:s10], $0x10  }
0x3cb: {  	(v2sf) =	vpush v14, $0xE;
	_ =	sdelay $0xe  }
0x3cc: {  	s9 =	spop (v2sf)  }
0x3cd: {  	p1 =	seq.s32 s9, $0x0  }
0x3ce: {  	(v2sf) =	vpush @!p1 v13, $0xE  }
0x3cf: {  	(v2sf) =	vpush @!p1 v12, $0xE;
	_ =	sdelay $0xd  }
0x3d0: {  	s9 =	spop @!p1 (v2sf)  }
0x3d1: {  	s10 =	spop @!p1 (v2sf)  }
0x3d2: {  	s9 =	sshll.u32 @!p1 s9, $0x4;
	s10 =	sshll.u32 @!p1 s10, $0x4  }
0x3d3: {  	s16 =	sshll.u32 @!p1 s0, $0x6;
	s9 =	sand.u32 @!p1 $0x1FFFFFE0, s9;
	s10 =	sand.u32 @!p1 $0x1FFFFFF0, s10  }
0x3d4: {  	s16 =	sor.u32 @!p1 $0x1C03, s16;
	s9 =	sadd.s32 @!p1 s6, s9;
	s10 =	sadd.s32 @!p1 s6, s10  }
0x3d5: {  	[hbm:s9], [sflag:s16] =	dma.local @!p1 [hbm:s10], $0x10  }
0x3d6: {  	(v2sf) =	vpush v14, $0xF;
	_ =	sdelay $0xe  }
0x3d7: {  	s9 =	spop (v2sf)  }
0x3d8: {  	p1 =	seq.s32 s9, $0x0  }
0x3d9: {  	(v2sf) =	vpush @!p1 v13, $0xF  }
0x3da: {  	(v2sf) =	vpush @!p1 v12, $0xF;
	_ =	sdelay $0xd  }
0x3db: {  	s9 =	spop @!p1 (v2sf)  }
.Ltmp32:
0x3dc: {  	s10 =	spop @!p1 (v2sf);
	(pc) =	sbr.rel .LBB2_34-.Ltmp32, $4  }
0x3dd: {  	s9 =	sshll.u32 @!p1 s9, $0x4;
	s10 =	sshll.u32 @!p1 s10, $0x4  }
0x3de: {  	s16 =	sshll.u32 @!p1 s0, $0x6;
	s9 =	sand.u32 @!p1 $0x1FFFFFF0, s9;
	s10 =	sand.u32 @!p1 $0x1FFFFFF0, s10  }
0x3df: {  	s16 =	sor.u32 @!p1 $0x1C03, s16;
	s9 =	sadd.s32 @!p1 s6, s9;
	s10 =	sadd.s32 @!p1 s6, s10  }
0x3e0: {  	[hbm:s9], [sflag:s16] =	dma.local @!p1 [hbm:s10], $0x10  }
.LBB2_35:
.Ltmp33:
0x3e1: {  	(pc) =	sbr.rel @p0 .LBB2_40-.Ltmp33, $1  }
0x3e2: {  	_ =	sdelay $0x3  }
.Ltmp34:
0x3e3: {  	_ =	swait.ge [sflag:s14], $0x800;
	(pc) =	sbr.rel .LBB2_37-.Ltmp34, $4  }
0x3e4: {  	s3 =	sshll.u32 s29, $0x9;
	[sflag:s14] =	ssyncset.done $0x0  }
0x3e5: {  	s30 =	simm.s32 $0x0;
	s3 =	sadd.s32 s3, s8;
	[sflag:s14] =	ssyncadd.s32 $0xFFFFF800  }
0x3e6: {  	[tilespmem:s13], [sflag:$0x4] =	stream.linear.gather [hbm4b:s3+s30], $0x800, $0x38;
	[tilespmem:$0x1CA00] =	vst v63  }
0x3e7: {  	s31 =	smov.u32 s25;
	s3 =	smov.u32 s26  }
.LBB2_39:
0x3e8: {  	s30 =	sadd.s32 $0x40, s30  }
0x3e9: {  	p0 =	sne.s32 s30, $0x2000  }
.Ltmp35:
0x3ea: {  	_ = 	snop;
	(pc) =	sbr.rel @!p0 .LBB2_40-.Ltmp35, $2  }
0x3eb: {  	_ =	sdelay $0x2  }
0x3ec: {  	s23 =	sadd.s32 s23, s15;
	s3 =	sadd.s32 $0x100, s3;
	s31 =	sadd.s32 $0x10, s31  }
.LBB2_37:
0x3ed: {  	s9 =	sshra.s32 s30, $0x2  }
0x3ee: {  	v12 =	vld [tilespmem:s9+$0x8300];
	_ =	sdelay $0x4  }
0x3ef: {  	vm0 =	vge.s32 v12, v0;
	vm1 =	vlt.s32 v12, v1  }
0x3f0: {  	v12 =	vsub.s32 v12, v0;
	vm0 =	vmand vm0, vm1  }
0x3f1: {  	v12 =	vnsel vm0, $0x0, v12;
	_ =	sdelay $0x4  }
0x3f2: {  	v12 =	vld.idx.msk [tilespmem:v12+s4+$0x0], vm0;
	_ =	sdelay $0x3  }
0x3f3: {  	v13 =	vor.u32 s31, v3  }
0x3f4: {  	vm1 =	vne.s32 v12, v13  }
0x3f5: {  	vm0 =	vmand vm0, vm1  }
0x3f6: {  	v14 =	vmpcnt.ones.xlane vm0;
	_ =	sdelay $0x1  }
0x3f7: {  	(v2sf) =	vpush v14, $0x0;
	_ =	sdelay $0xe  }
0x3f8: {  	s15 =	spop (v2sf)  }
0x3f9: {  	p0 =	slt.s32 s15, $0x1  }
.Ltmp36:
0x3fa: {  	_ = 	snop;
	(pc) =	sbr.rel @p0 .LBB2_39-.Ltmp36, $1  }
0x3fb: {  	_ =	sdelay $0x3  }
0x3fc: {  	v14 =	vsel vm0, $0x1, v11  }
0x3fd: {  	(v2sf) =	vpush v14, $0x0;
	_ =	sdelay $0xe  }
0x3fe: {  	s9 =	spop (v2sf)  }
0x3ff: {  	p0 =	seq.s32 s9, $0x0  }
0x400: {  	(v2sf) =	vpush @!p0 v12, $0x0;
	_ =	sdelay $0xe  }
0x401: {  	s9 =	spop @!p0 (v2sf)  }
0x402: {  	s9 =	sshll.u32 @!p0 s9, $0x4  }
0x403: {  	s10 =	sshll.u32 @!p0 s0, $0x6;
	s9 =	sand.u32 @!p0 $0x1FFFFFF0, s9  }
0x404: {  	s10 =	sor.u32 @!p0 $0x1C03, s10;
	s9 =	sadd.s32 @!p0 s6, s9  }
0x405: {  	[hbm:s3], [sflag:s10] =	dma.local @!p0 [hbm:s9], $0x10  }
0x406: {  	(v2sf) =	vpush v14, $0x1;
	_ =	sdelay $0xe  }
0x407: {  	s9 =	spop (v2sf)  }
0x408: {  	p0 =	seq.s32 s9, $0x0  }
0x409: {  	(v2sf) =	vpush @!p0 v13, $0x1  }
0x40a: {  	(v2sf) =	vpush @!p0 v12, $0x1;
	_ =	sdelay $0xd  }
0x40b: {  	s9 =	spop @!p0 (v2sf)  }
0x40c: {  	s10 =	spop @!p0 (v2sf)  }
0x40d: {  	s9 =	sshll.u32 @!p0 s9, $0x4;
	s10 =	sshll.u32 @!p0 s10, $0x4  }
0x40e: {  	s16 =	sshll.u32 @!p0 s0, $0x6;
	s9 =	sand.u32 @!p0 $0x1FFFFF90, s9;
	s10 =	sand.u32 @!p0 $0x1FFFFFF0, s10  }
0x40f: {  	s16 =	sor.u32 @!p0 $0x1C03, s16;
	s9 =	sadd.s32 @!p0 s6, s9;
	s10 =	sadd.s32 @!p0 s6, s10  }
0x410: {  	[hbm:s9], [sflag:s16] =	dma.local @!p0 [hbm:s10], $0x10  }
0x411: {  	(v2sf) =	vpush v14, $0x2;
	_ =	sdelay $0xe  }
0x412: {  	s9 =	spop (v2sf)  }
0x413: {  	p0 =	seq.s32 s9, $0x0  }
0x414: {  	(v2sf) =	vpush @!p0 v13, $0x2  }
0x415: {  	(v2sf) =	vpush @!p0 v12, $0x2;
	_ =	sdelay $0xd  }
0x416: {  	s9 =	spop @!p0 (v2sf)  }
0x417: {  	s10 =	spop @!p0 (v2sf)  }
0x418: {  	s9 =	sshll.u32 @!p0 s9, $0x4;
	s10 =	sshll.u32 @!p0 s10, $0x4  }
0x419: {  	s16 =	sshll.u32 @!p0 s0, $0x6;
	s9 =	sand.u32 @!p0 $0x1FFFFFA0, s9;
	s10 =	sand.u32 @!p0 $0x1FFFFFF0, s10  }
0x41a: {  	s16 =	sor.u32 @!p0 $0x1C03, s16;
	s9 =	sadd.s32 @!p0 s6, s9;
	s10 =	sadd.s32 @!p0 s6, s10  }
0x41b: {  	[hbm:s9], [sflag:s16] =	dma.local @!p0 [hbm:s10], $0x10  }
0x41c: {  	(v2sf) =	vpush v14, $0x3;
	_ =	sdelay $0xe  }
0x41d: {  	s9 =	spop (v2sf)  }
0x41e: {  	p0 =	seq.s32 s9, $0x0  }
0x41f: {  	(v2sf) =	vpush @!p0 v13, $0x3  }
0x420: {  	(v2sf) =	vpush @!p0 v12, $0x3;
	_ =	sdelay $0xd  }
0x421: {  	s9 =	spop @!p0 (v2sf)  }
0x422: {  	s10 =	spop @!p0 (v2sf)  }
0x423: {  	s9 =	sshll.u32 @!p0 s9, $0x4;
	s10 =	sshll.u32 @!p0 s10, $0x4  }
0x424: {  	s16 =	sshll.u32 @!p0 s0, $0x6;
	s9 =	sand.u32 @!p0 $0x1FFFFFB0, s9;
	s10 =	sand.u32 @!p0 $0x1FFFFFF0, s10  }
0x425: {  	s16 =	sor.u32 @!p0 $0x1C03, s16;
	s9 =	sadd.s32 @!p0 s6, s9;
	s10 =	sadd.s32 @!p0 s6, s10  }
0x426: {  	[hbm:s9], [sflag:s16] =	dma.local @!p0 [hbm:s10], $0x10  }
0x427: {  	(v2sf) =	vpush v14, $0x4;
	_ =	sdelay $0xe  }
0x428: {  	s9 =	spop (v2sf)  }
0x429: {  	p0 =	seq.s32 s9, $0x0  }
0x42a: {  	(v2sf) =	vpush @!p0 v13, $0x4  }
0x42b: {  	(v2sf) =	vpush @!p0 v12, $0x4;
	_ =	sdelay $0xd  }
0x42c: {  	s9 =	spop @!p0 (v2sf)  }
0x42d: {  	s10 =	spop @!p0 (v2sf)  }
0x42e: {  	s9 =	sshll.u32 @!p0 s9, $0x4;
	s10 =	sshll.u32 @!p0 s10, $0x4  }
0x42f: {  	s16 =	sshll.u32 @!p0 s0, $0x6;
	s9 =	sand.u32 @!p0 $0x1FFFFFC0, s9;
	s10 =	sand.u32 @!p0 $0x1FFFFFF0, s10  }
0x430: {  	s16 =	sor.u32 @!p0 $0x1C03, s16;
	s9 =	sadd.s32 @!p0 s6, s9;
	s10 =	sadd.s32 @!p0 s6, s10  }
0x431: {  	[hbm:s9], [sflag:s16] =	dma.local @!p0 [hbm:s10], $0x10  }
0x432: {  	(v2sf) =	vpush v14, $0x5;
	_ =	sdelay $0xe  }
0x433: {  	s9 =	spop (v2sf)  }
0x434: {  	p0 =	seq.s32 s9, $0x0  }
0x435: {  	(v2sf) =	vpush @!p0 v13, $0x5  }
0x436: {  	(v2sf) =	vpush @!p0 v12, $0x5;
	_ =	sdelay $0xd  }
0x437: {  	s9 =	spop @!p0 (v2sf)  }
0x438: {  	s10 =	spop @!p0 (v2sf)  }
0x439: {  	s9 =	sshll.u32 @!p0 s9, $0x4;
	s10 =	sshll.u32 @!p0 s10, $0x4  }
0x43a: {  	s16 =	sshll.u32 @!p0 s0, $0x6;
	s9 =	sand.u32 @!p0 $0x1FFFFFD0, s9;
	s10 =	sand.u32 @!p0 $0x1FFFFFF0, s10  }
0x43b: {  	s16 =	sor.u32 @!p0 $0x1C03, s16;
	s9 =	sadd.s32 @!p0 s6, s9;
	s10 =	sadd.s32 @!p0 s6, s10  }
0x43c: {  	[hbm:s9], [sflag:s16] =	dma.local @!p0 [hbm:s10], $0x10  }
0x43d: {  	(v2sf) =	vpush v14, $0x6;
	_ =	sdelay $0xe  }
0x43e: {  	s9 =	spop (v2sf)  }
0x43f: {  	p0 =	seq.s32 s9, $0x0  }
0x440: {  	(v2sf) =	vpush @!p0 v13, $0x6  }
0x441: {  	(v2sf) =	vpush @!p0 v12, $0x6;
	_ =	sdelay $0xd  }
0x442: {  	s9 =	spop @!p0 (v2sf)  }
0x443: {  	s10 =	spop @!p0 (v2sf)  }
0x444: {  	s9 =	sshll.u32 @!p0 s9, $0x4;
	s10 =	sshll.u32 @!p0 s10, $0x4  }
0x445: {  	s16 =	sshll.u32 @!p0 s0, $0x6;
	s9 =	sand.u32 @!p0 $0x1FFFFFE0, s9;
	s10 =	sand.u32 @!p0 $0x1FFFFFF0, s10  }
0x446: {  	s16 =	sor.u32 @!p0 $0x1C03, s16;
	s9 =	sadd.s32 @!p0 s6, s9;
	s10 =	sadd.s32 @!p0 s6, s10  }
0x447: {  	[hbm:s9], [sflag:s16] =	dma.local @!p0 [hbm:s10], $0x10  }
0x448: {  	(v2sf) =	vpush v14, $0x7;
	_ =	sdelay $0xe  }
0x449: {  	s9 =	spop (v2sf)  }
0x44a: {  	p0 =	seq.s32 s9, $0x0  }
0x44b: {  	(v2sf) =	vpush @!p0 v13, $0x7  }
0x44c: {  	(v2sf) =	vpush @!p0 v12, $0x7;
	_ =	sdelay $0xd  }
0x44d: {  	s9 =	spop @!p0 (v2sf)  }
0x44e: {  	s10 =	spop @!p0 (v2sf)  }
0x44f: {  	s9 =	sshll.u32 @!p0 s9, $0x4;
	s10 =	sshll.u32 @!p0 s10, $0x4  }
0x450: {  	s16 =	sshll.u32 @!p0 s0, $0x6;
	s9 =	sand.u32 @!p0 $0x1FFFFFF0, s9;
	s10 =	sand.u32 @!p0 $0x1FFFFFF0, s10  }
0x451: {  	s16 =	sor.u32 @!p0 $0x1C03, s16;
	s9 =	sadd.s32 @!p0 s6, s9;
	s10 =	sadd.s32 @!p0 s6, s10  }
0x452: {  	[hbm:s9], [sflag:s16] =	dma.local @!p0 [hbm:s10], $0x10  }
0x453: {  	(v2sf) =	vpush v14, $0x8;
	_ =	sdelay $0xe  }
0x454: {  	s9 =	spop (v2sf)  }
0x455: {  	p0 =	seq.s32 s9, $0x0  }
0x456: {  	(v2sf) =	vpush @!p0 v13, $0x8  }
0x457: {  	(v2sf) =	vpush @!p0 v12, $0x8;
	_ =	sdelay $0xd  }
0x458: {  	s9 =	spop @!p0 (v2sf)  }
0x459: {  	s10 =	spop @!p0 (v2sf)  }
0x45a: {  	s9 =	sshll.u32 @!p0 s9, $0x4;
	s10 =	sshll.u32 @!p0 s10, $0x4  }
0x45b: {  	s16 =	sshll.u32 @!p0 s0, $0x6;
	s9 =	sand.u32 @!p0 $0x1FFFFFF0, s9;
	s10 =	sand.u32 @!p0 $0x1FFFFFF0, s10  }
0x45c: {  	s16 =	sor.u32 @!p0 $0x1C03, s16;
	s9 =	sadd.s32 @!p0 s6, s9;
	s10 =	sadd.s32 @!p0 s6, s10  }
0x45d: {  	[hbm:s9], [sflag:s16] =	dma.local @!p0 [hbm:s10], $0x10  }
0x45e: {  	(v2sf) =	vpush v14, $0x9;
	_ =	sdelay $0xe  }
0x45f: {  	s9 =	spop (v2sf)  }
0x460: {  	p0 =	seq.s32 s9, $0x0  }
0x461: {  	(v2sf) =	vpush @!p0 v13, $0x9  }
0x462: {  	(v2sf) =	vpush @!p0 v12, $0x9;
	_ =	sdelay $0xd  }
0x463: {  	s9 =	spop @!p0 (v2sf)  }
0x464: {  	s10 =	spop @!p0 (v2sf)  }
0x465: {  	s9 =	sshll.u32 @!p0 s9, $0x4;
	s10 =	sshll.u32 @!p0 s10, $0x4  }
0x466: {  	s16 =	sshll.u32 @!p0 s0, $0x6;
	s9 =	sand.u32 @!p0 $0x1FFFFF90, s9;
	s10 =	sand.u32 @!p0 $0x1FFFFFF0, s10  }
0x467: {  	s16 =	sor.u32 @!p0 $0x1C03, s16;
	s9 =	sadd.s32 @!p0 s6, s9;
	s10 =	sadd.s32 @!p0 s6, s10  }
0x468: {  	[hbm:s9], [sflag:s16] =	dma.local @!p0 [hbm:s10], $0x10  }
0x469: {  	(v2sf) =	vpush v14, $0xA;
	_ =	sdelay $0xe  }
0x46a: {  	s9 =	spop (v2sf)  }
0x46b: {  	p0 =	seq.s32 s9, $0x0  }
0x46c: {  	(v2sf) =	vpush @!p0 v13, $0xA  }
0x46d: {  	(v2sf) =	vpush @!p0 v12, $0xA;
	_ =	sdelay $0xd  }
0x46e: {  	s9 =	spop @!p0 (v2sf)  }
0x46f: {  	s10 =	spop @!p0 (v2sf)  }
0x470: {  	s9 =	sshll.u32 @!p0 s9, $0x4;
	s10 =	sshll.u32 @!p0 s10, $0x4  }
0x471: {  	s16 =	sshll.u32 @!p0 s0, $0x6;
	s9 =	sand.u32 @!p0 $0x1FFFFFA0, s9;
	s10 =	sand.u32 @!p0 $0x1FFFFFF0, s10  }
0x472: {  	s16 =	sor.u32 @!p0 $0x1C03, s16;
	s9 =	sadd.s32 @!p0 s6, s9;
	s10 =	sadd.s32 @!p0 s6, s10  }
0x473: {  	[hbm:s9], [sflag:s16] =	dma.local @!p0 [hbm:s10], $0x10  }
0x474: {  	(v2sf) =	vpush v14, $0xB;
	_ =	sdelay $0xe  }
0x475: {  	s9 =	spop (v2sf)  }
0x476: {  	p0 =	seq.s32 s9, $0x0  }
0x477: {  	(v2sf) =	vpush @!p0 v13, $0xB  }
0x478: {  	(v2sf) =	vpush @!p0 v12, $0xB;
	_ =	sdelay $0xd  }
0x479: {  	s9 =	spop @!p0 (v2sf)  }
0x47a: {  	s10 =	spop @!p0 (v2sf)  }
0x47b: {  	s9 =	sshll.u32 @!p0 s9, $0x4;
	s10 =	sshll.u32 @!p0 s10, $0x4  }
0x47c: {  	s16 =	sshll.u32 @!p0 s0, $0x6;
	s9 =	sand.u32 @!p0 $0x1FFFFFB0, s9;
	s10 =	sand.u32 @!p0 $0x1FFFFFF0, s10  }
0x47d: {  	s16 =	sor.u32 @!p0 $0x1C03, s16;
	s9 =	sadd.s32 @!p0 s6, s9;
	s10 =	sadd.s32 @!p0 s6, s10  }
0x47e: {  	[hbm:s9], [sflag:s16] =	dma.local @!p0 [hbm:s10], $0x10  }
0x47f: {  	(v2sf) =	vpush v14, $0xC;
	_ =	sdelay $0xe  }
0x480: {  	s9 =	spop (v2sf)  }
0x481: {  	p0 =	seq.s32 s9, $0x0  }
0x482: {  	(v2sf) =	vpush @!p0 v13, $0xC  }
0x483: {  	(v2sf) =	vpush @!p0 v12, $0xC;
	_ =	sdelay $0xd  }
0x484: {  	s9 =	spop @!p0 (v2sf)  }
0x485: {  	s10 =	spop @!p0 (v2sf)  }
0x486: {  	s9 =	sshll.u32 @!p0 s9, $0x4;
	s10 =	sshll.u32 @!p0 s10, $0x4  }
0x487: {  	s16 =	sshll.u32 @!p0 s0, $0x6;
	s9 =	sand.u32 @!p0 $0x1FFFFFC0, s9;
	s10 =	sand.u32 @!p0 $0x1FFFFFF0, s10  }
0x488: {  	s16 =	sor.u32 @!p0 $0x1C03, s16;
	s9 =	sadd.s32 @!p0 s6, s9;
	s10 =	sadd.s32 @!p0 s6, s10  }
0x489: {  	[hbm:s9], [sflag:s16] =	dma.local @!p0 [hbm:s10], $0x10  }
0x48a: {  	(v2sf) =	vpush v14, $0xD;
	_ =	sdelay $0xe  }
0x48b: {  	s9 =	spop (v2sf)  }
0x48c: {  	p0 =	seq.s32 s9, $0x0  }
0x48d: {  	(v2sf) =	vpush @!p0 v13, $0xD  }
0x48e: {  	(v2sf) =	vpush @!p0 v12, $0xD;
	_ =	sdelay $0xd  }
0x48f: {  	s9 =	spop @!p0 (v2sf)  }
0x490: {  	s10 =	spop @!p0 (v2sf)  }
0x491: {  	s9 =	sshll.u32 @!p0 s9, $0x4;
	s10 =	sshll.u32 @!p0 s10, $0x4  }
0x492: {  	s16 =	sshll.u32 @!p0 s0, $0x6;
	s9 =	sand.u32 @!p0 $0x1FFFFFD0, s9;
	s10 =	sand.u32 @!p0 $0x1FFFFFF0, s10  }
0x493: {  	s16 =	sor.u32 @!p0 $0x1C03, s16;
	s9 =	sadd.s32 @!p0 s6, s9;
	s10 =	sadd.s32 @!p0 s6, s10  }
0x494: {  	[hbm:s9], [sflag:s16] =	dma.local @!p0 [hbm:s10], $0x10  }
0x495: {  	(v2sf) =	vpush v14, $0xE;
	_ =	sdelay $0xe  }
0x496: {  	s9 =	spop (v2sf)  }
0x497: {  	p0 =	seq.s32 s9, $0x0  }
0x498: {  	(v2sf) =	vpush @!p0 v13, $0xE  }
0x499: {  	(v2sf) =	vpush @!p0 v12, $0xE;
	_ =	sdelay $0xd  }
0x49a: {  	s9 =	spop @!p0 (v2sf)  }
0x49b: {  	s10 =	spop @!p0 (v2sf)  }
0x49c: {  	s9 =	sshll.u32 @!p0 s9, $0x4;
	s10 =	sshll.u32 @!p0 s10, $0x4  }
0x49d: {  	s16 =	sshll.u32 @!p0 s0, $0x6;
	s9 =	sand.u32 @!p0 $0x1FFFFFE0, s9;
	s10 =	sand.u32 @!p0 $0x1FFFFFF0, s10  }
0x49e: {  	s16 =	sor.u32 @!p0 $0x1C03, s16;
	s9 =	sadd.s32 @!p0 s6, s9;
	s10 =	sadd.s32 @!p0 s6, s10  }
0x49f: {  	[hbm:s9], [sflag:s16] =	dma.local @!p0 [hbm:s10], $0x10  }
0x4a0: {  	(v2sf) =	vpush v14, $0xF;
	_ =	sdelay $0xe  }
0x4a1: {  	s9 =	spop (v2sf)  }
0x4a2: {  	p0 =	seq.s32 s9, $0x0  }
0x4a3: {  	(v2sf) =	vpush @!p0 v13, $0xF  }
0x4a4: {  	(v2sf) =	vpush @!p0 v12, $0xF;
	_ =	sdelay $0xd  }
0x4a5: {  	s9 =	spop @!p0 (v2sf)  }
.Ltmp37:
0x4a6: {  	s10 =	spop @!p0 (v2sf);
	(pc) =	sbr.rel .LBB2_39-.Ltmp37, $4  }
0x4a7: {  	s9 =	sshll.u32 @!p0 s9, $0x4;
	s10 =	sshll.u32 @!p0 s10, $0x4  }
0x4a8: {  	s16 =	sshll.u32 @!p0 s0, $0x6;
	s9 =	sand.u32 @!p0 $0x1FFFFFF0, s9;
	s10 =	sand.u32 @!p0 $0x1FFFFFF0, s10  }
0x4a9: {  	s16 =	sor.u32 @!p0 $0x1C03, s16;
	s9 =	sadd.s32 @!p0 s6, s9;
	s10 =	sadd.s32 @!p0 s6, s10  }
0x4aa: {  	[hbm:s9], [sflag:s16] =	dma.local @!p0 [hbm:s10], $0x10  }
.LBB2_41:
0x4ab: {  	p0 =	sgt.s32 s23, $0x0  }
.Ltmp38:
0x4ac: {  	_ = 	snop;
	(pc) =	sbr.rel @!p0 .LBB2_45-.Ltmp38, $1  }
0x4ad: {  	_ =	sdelay $0x3  }
0x4ae: {  	p0 =	sne.s32 s23, $0x1  }
.Ltmp39:
0x4af: {  	_ = 	snop;
	(pc) =	sbr.rel @!p0 .LBB2_44-.Ltmp39, $3  }
0x4b0: {  	_ =	sdelay $0x1  }
0x4b1: {  	_ =	swait.ge [sflag:s21], $0x10  }
0x4b2: {  	s3 =	sadd.s32 $0xFFFFFFFF, s23;
	[sflag:s21] =	ssyncset.done $0x0  }
.LBB2_43:
0x4b3: {  	p0 =	sne.s32 s3, $0x1;
	s3 =	sadd.s32 $0xFFFFFFFF, s3;
	[sflag:s21] =	ssyncadd.s32 $0xFFFFFFF0  }
.Ltmp40:
0x4b4: {  	(pc) =	sbr.rel @p0 .LBB2_43-.Ltmp40, $3  }
0x4b5: {  	_ =	sdelay $0x1  }
0x4b6: {  	_ =	swait.ge [sflag:s21], $0x10  }
0x4b7: {  	[sflag:s21] =	ssyncset.done $0x0  }
.Ltmp41:
0x4b8: {  	_ = 	snop;
	(pc) =	sbr.rel .LBB2_44-.Ltmp41, $1  }
0x4b9: {  	_ =	sdelay $0x3  }
.LBB2_46:
0x4ba: {  	_ =	sfence.sel $0x180000  }
0x4bb: {  	[bflag:$0x0] =	sbarrier.arrive $0xFFFF  }
0x4bc: {  	_ =	strace $0x90000047  }
0x4bd: {  	[bflag:$0x2] =	sbarrier.arrive $0xFFFF  }
0x4be: {  	p0 =	sne.s32 s0, $0x0;
	s0 =	rddreg [dreg:$0x3]  }
0x4bf: {  	s0 =	sadd.s32 @!p0 $0x100000, s0  }
0x4c0: {  	[sflag:s0] =	ssyncadd.tile.s32 @!p0 $0x1;
	_ =	shalt  }
.Lfunc_end2:
_tile_overlayer_lowered:
.L_overlay_start_2:
0x4c1: {  	(tag) =	ssettag $0x2  }
0x4c2: {  	s0 =	rddreg [dreg:$0x0];
	s2 =	stileid.u32  }
0x4c3: {  	s1 =	rddreg [dreg:$0x1];
	p0 =	sne.s32 s2, $0x0  }
0x4c4: {  	s3 =	rddreg [dreg:$0x2];
	[bflag:$0x3] =	sbarrier.arrive $0xFFFF;
	s2 =	simm.s32 @!p0 $0x1C05  }
0x4c5: {  	[timem:s3], [sflag:s2] =	dma.local @!p0 [hbm:s0], s1  }
0x4c6: {  	s0 =	simm.s32 @!p0 $0x5  }
0x4c7: {  	_ =	swait.ge @!p0 [sflag:s0], s1  }
0x4c8: {  	s1 =	ssub.s32 @!p0 $0x0, s1;
	[sflag:s0] =	ssyncset.done @!p0 $0x0  }
0x4c9: {  	[sflag:s0] =	ssyncadd.s32 @!p0 s1  }
0x4ca: {  	[bflag:$0x3] =	sbarrier.arrive $0xFFFF  }
0x4cb: {  	_ =	shalt  }

</sc_bundles>
